<compile_context>
chip_gen: v7x
topology: tpu7x:2x2x1
jax: 0.10.2.dev20260603
libtpu: 0.0.44.dev20260713+nightly
codegen_flags: <defaults>
</compile_context>

<pallas_src>
import functools

import jax
import jax.numpy as jnp
from jax import lax
from jax.experimental import pallas as pl
from jax.experimental.pallas import tpu as pltpu
from jax.experimental.pallas import tpu_sc as plsc

B, N, D = 16, 4096, 256
K = 500
KP = 512
NV = N // 16


def _sc_body(sc_hbm, msk_hbm, posf_hbm, featf_hbm,
             feat_out, pos_out, probs_out,
             scv, mskv, keyv, ckv, ck2, cvv, cv2, histv, h32v, binv,
             posv, pov, prv, gidv, gid2v, rowsv, shared, sem):
    c = lax.axis_index("c")
    s = lax.axis_index("s")
    iot = lax.iota(jnp.int32, 16)
    zi = jnp.zeros((16,), jnp.int32)

    @pl.when(s < 8)
    def _sort():
        b = c * 8 + s
        pltpu.sync_copy(sc_hbm.at[b], scv)
        pltpu.sync_copy(msk_hbm.at[b], mskv)

        def zh(j, _):
            histv[pl.ds(j * 16, 16)] = zi
            return 0
        lax.fori_loop(0, 16, zh, 0)

        def hist_step(i, _):
            for u in range(4):
                sf = scv[pl.ds((i * 4 + u) * 16, 16)]
                mm = mskv[pl.ds((i * 4 + u) * 16, 16)] != 0
                sf = jnp.where(mm, sf, -jnp.inf)
                bits = plsc.bitcast(sf, jnp.int32)
                k = jnp.where(bits < 0, ~bits, bits | jnp.int32(-2147483648))
                keyv[pl.ds((i * 4 + u) * 16, 16)] = k
                di = (k >> 24) & 255
                cnt, lastm = plsc.scan_count(di)
                plsc.addupdate_scatter(histv, [di], cnt, mask=lastm)
            return 0
        lax.fori_loop(0, NV // 4, hist_step, 0)

        def thr_step(j, carry):
            acc, t, cc, found = carry
            vi = 15 - j
            h = histv[pl.ds(vi * 16, 16)]
            hr = lax.rev(h, (0,))
            cs = plsc.cumsum(hr)
            gs = acc + cs
            m = gs >= K
            anyv = jnp.max(jnp.where(m, 1, 0))
            l0 = jnp.max(plsc.all_reduce_ffs(m))
            cand_c = jnp.max(jnp.where(iot == l0, gs, 0))
            cand_t = vi * 16 + 15 - l0
            take = (found == 0) & (anyv == 1)
            t = jnp.where(take, cand_t, t)
            cc = jnp.where(take, cand_c, cc)
            found = jnp.where(anyv == 1, 1, found)
            acc = acc + jnp.max(cs)
            return acc, t, cc, found
        _, t, cc, _ = lax.fori_loop(
            0, 16, thr_step,
            (jnp.int32(0), jnp.int32(0), jnp.int32(0), jnp.int32(0)))

        threshx = (t << 24) ^ jnp.int32(-2147483648)

        def comp_step(i, o):
            for u in range(4):
                k = keyv[pl.ds((i * 4 + u) * 16, 16)]
                m = (k ^ jnp.int32(-2147483648)) >= threshx
                mi = jnp.where(m, 1, 0)
                inc = plsc.cumsum(mi)
                addr = o + inc - 1
                plsc.store_scatter(ckv, [addr], k, mask=m)
                plsc.store_scatter(cvv, [addr], (i * 4 + u) * 16 + iot, mask=m)
                o = o + jnp.sum(mi)
            return o
        csz = lax.fori_loop(0, NV // 4, comp_step, jnp.int32(0))

        nv64 = ((csz + 63) // 64) * 64
        for j in range(4):
            addrs = csz + j * 16 + iot
            padm = addrs < nv64
            plsc.store_scatter(ckv, [addrs], zi, mask=padm)
            plsc.store_scatter(cvv, [addrs], zi, mask=padm)
        nv = nv64 // 16

        bufs = [(ckv, cvv), (ck2, cv2)]
        for p in range(7):
            shift = 5 * p
            srck, srcv = bufs[p % 2]
            dstk, dstv = bufs[(p + 1) % 2]
            h32v[pl.ds(0, 16)] = zi
            h32v[pl.ds(16, 16)] = zi

            def ph1(i, _, srck=srck, shift=shift):
                for u in range(4):
                    k = srck[pl.ds((i * 4 + u) * 16, 16)]
                    dc = 31 - ((k >> shift) & 31)
                    cnt, lastm = plsc.scan_count(dc)
                    plsc.addupdate_scatter(h32v, [dc], cnt, mask=lastm)
                return 0
            lax.fori_loop(0, nv // 4, ph1, 0)

            h0 = h32v[pl.ds(0, 16)]
            h1 = h32v[pl.ds(16, 16)]
            c0 = plsc.cumsum(h0)
            c1 = plsc.cumsum(h1)
            binv[pl.ds(0, 16)] = c0 - h0
            binv[pl.ds(16, 16)] = c1 - h1 + jnp.max(c0)

            def ph2(i, _, srck=srck, srcv=srcv, dstk=dstk, dstv=dstv,
                    shift=shift):
                for u in range(2):
                    k = srck[pl.ds((i * 2 + u) * 16, 16)]
                    v = srcv[pl.ds((i * 2 + u) * 16, 16)]
                    dc = 31 - ((k >> shift) & 31)
                    cnt, lastm = plsc.scan_count(dc)
                    base = plsc.load_gather(binv, [dc])
                    addr = base + cnt - 1
                    plsc.store_scatter(dstk, [addr], k)
                    plsc.store_scatter(dstv, [addr], v)
                    plsc.addupdate_scatter(binv, [dc], cnt, mask=lastm)
                return 0
            lax.fori_loop(0, nv // 2, ph2, 0)

        def gid_step(i, _):
            idx = cv2[pl.ds(i * 16, 16)]
            gidv[pl.ds(i * 16, 16)] = idx + b * N
            return 0
        lax.fori_loop(0, KP // 16, gid_step, 0)
        pltpu.sync_copy(gidv, shared.at[s])

    plsc.subcore_barrier()

    @pl.when(s < 8)
    def _emit():
        b = c * 8 + s
        pltpu.sync_copy(posf_hbm.at[b], posv)

        def out_step(i, _):
            for uu in range(2):
                j = i * 2 + uu
                u = ck2[pl.ds(j * 16, 16)]
                bits = jnp.where(u < 0, u ^ jnp.int32(-2147483648), ~u)
                sc = plsc.bitcast(bits, jnp.float32)
                prv[pl.ds(j * 16, 16)] = 1.0 / (1.0 + jnp.exp(-sc))
                idx = cv2[pl.ds(j * 16, 16)]
                av = 2 * (j * 16 + iot)
                plsc.store_scatter(pov, [av], plsc.load_gather(posv, [2 * idx]))
                plsc.store_scatter(pov, [av + 1],
                                   plsc.load_gather(posv, [2 * idx + 1]))
            return 0
        lax.fori_loop(0, KP // 32, out_step, 0)
        pltpu.sync_copy(prv, probs_out.at[b])
        pltpu.sync_copy(pov, pos_out.at[b])
        pltpu.async_copy(featf_hbm.at[gidv.at[pl.ds(0, 128)]],
                         rowsv.at[pl.ds(0, 128)], sem).wait()
        pltpu.async_copy(featf_hbm.at[gidv.at[pl.ds(128, 128)]],
                         rowsv.at[pl.ds(128, 128)], sem).wait()
        pltpu.sync_copy(rowsv, feat_out.at[b, pl.ds(0, 256)])

    @pl.when(s >= 8)
    def _gather2():
        b = c * 8 + (s - 8)
        pltpu.sync_copy(shared.at[s - 8], gid2v)
        pltpu.async_copy(featf_hbm.at[gid2v.at[pl.ds(256, 128)]],
                         rowsv.at[pl.ds(0, 128)], sem).wait()
        pltpu.async_copy(featf_hbm.at[gid2v.at[pl.ds(384, 128)]],
                         rowsv.at[pl.ds(128, 128)], sem).wait()
        pltpu.sync_copy(rowsv.at[pl.ds(0, 248)],
                        feat_out.at[b, pl.ds(256, 248)])


def _sc_select(scores, mask_i32, posf, featf):
    mesh = plsc.VectorSubcoreMesh(core_axis_name="c", subcore_axis_name="s")
    f = pl.kernel(
        _sc_body,
        out_type=(
            jax.ShapeDtypeStruct((B, 504, D), jnp.float32),
            jax.ShapeDtypeStruct((B, 2 * KP), jnp.float32),
            jax.ShapeDtypeStruct((B, KP), jnp.float32),
        ),
        mesh=mesh,
        scratch_types=[
            pltpu.VMEM((N,), jnp.float32),
            pltpu.VMEM((N,), jnp.int32),
            pltpu.VMEM((N,), jnp.int32),
            pltpu.VMEM((N + 64,), jnp.int32),
            pltpu.VMEM((N + 64,), jnp.int32),
            pltpu.VMEM((N + 64,), jnp.int32),
            pltpu.VMEM((N + 64,), jnp.int32),
            pltpu.VMEM((256,), jnp.int32),
            pltpu.VMEM((32,), jnp.int32),
            pltpu.VMEM((32,), jnp.int32),
            pltpu.VMEM((2 * N,), jnp.float32),
            pltpu.VMEM((2 * KP,), jnp.float32),
            pltpu.VMEM((KP,), jnp.float32),
            pltpu.VMEM((KP,), jnp.int32),
            pltpu.VMEM((KP,), jnp.int32),
            pltpu.VMEM((256, D), jnp.float32),
            pltpu.VMEM_SHARED((8, KP), jnp.int32),
            pltpu.SemaphoreType.DMA,
        ],
        compiler_params=pltpu.CompilerParams(needs_layout_passes=False),
    )
    return f(scores, mask_i32, posf, featf)


@jax.jit
def kernel(features, positions, mask, W, b):
    assert features.shape == (B, N, D)
    scores = (features @ W.T + b)[..., 0]
    featf = features.reshape(B * N, D)
    posf = positions.reshape(B, 2 * N)
    feat_out, pos_out, probs_out = _sc_select(scores, mask.astype(jnp.int32),
                                              posf, featf)
    pos = pos_out.reshape(B, KP, 2)[:, :K, :]
    return pos, feat_out[:, :K, :], probs_out[:, :K]

# --- scband reference (transcript-rebuilt; emitter-appended) ---
"""Pipeline reference for scband-event-sampler-58944131170644 (READ-ONLY COPY).

The authoritative reference and input builder live on the scoring server;
editing this copy changes nothing except your own understanding.
"""

import jax, jax.numpy as jnp
import numpy as np

NUM_SAMPLES = 500

def setup_inputs(seed: int = 0) -> dict:
    key = jax.random.key(seed)
    k1, k2, k3, k4 = jax.random.split(key, 4)
    B, N, D = 16, 4096, 256
    features = jax.random.normal(k1, (B, N, D), dtype=jnp.float32)
    positions = jax.random.uniform(k2, (B, N, 2), dtype=jnp.float32)
    mask = jnp.ones((B, N), dtype=jnp.bool_)
    # Linear(d_model, 1) params
    W = jax.random.normal(k3, (1, D), dtype=jnp.float32) * (1.0 / np.sqrt(D))
    b = jax.random.normal(k4, (1,), dtype=jnp.float32) * 0.01
    return {"features": features, "positions": positions, "mask": mask, "W": W, "b": b}

def reference(features, positions, mask, W, b):
    B, N, D = features.shape
    scores = (features @ W.T + b)[..., 0]  # [B, N]
    scores = jnp.where(mask, scores, -jnp.inf)
    k = min(NUM_SAMPLES, mask.shape[1])
    if k == 0:
        return (jnp.zeros((B, 1, 2), dtype=features.dtype),
                jnp.zeros((B, 1, D), dtype=features.dtype),
                jnp.zeros((B, 1), dtype=features.dtype))
    topk_scores, topk_indices = jax.lax.top_k(scores, k)  # [B, k]
    sampled_positions = jnp.take_along_axis(positions, topk_indices[:, :, None], axis=1)  # [B, k, 2]
    sampled_features = jnp.take_along_axis(features, topk_indices[:, :, None], axis=1)    # [B, k, D]
    return (sampled_positions, sampled_features, jax.nn.sigmoid(topk_scores))

if __name__ == "__main__":
    import jax
    _d = setup_inputs()
    print(jax.jit(kernel)(*tuple(_d.values())))

</pallas_src>

<mosaic_0001>
#map = affine_map<(d0, d1) -> (0, 0)>
#map1 = affine_map<(d0, d1) -> (0, 0, 0)>
module attributes {stable_mosaic.version = 14 : i64} {
  func.func @_sc_body(%arg0: i32, %arg1: i32, %arg2: memref<16x4096xf32, #tpu.memory_space<hbm>>, %arg3: memref<16x4096xi32, #tpu.memory_space<hbm>>, %arg4: memref<16x8192xf32, #tpu.memory_space<hbm>>, %arg5: memref<65536x256xf32, #tpu.memory_space<hbm>>, %arg6: memref<16x504x256xf32, #tpu.memory_space<hbm>>, %arg7: memref<16x1024xf32, #tpu.memory_space<hbm>>, %arg8: memref<16x512xf32, #tpu.memory_space<hbm>>, %arg9: memref<4096xf32, #tpu.memory_space<vmem>>, %arg10: memref<4096xi32, #tpu.memory_space<vmem>>, %arg11: memref<4096xi32, #tpu.memory_space<vmem>>, %arg12: memref<4160xi32, #tpu.memory_space<vmem>>, %arg13: memref<4160xi32, #tpu.memory_space<vmem>>, %arg14: memref<4160xi32, #tpu.memory_space<vmem>>, %arg15: memref<4160xi32, #tpu.memory_space<vmem>>, %arg16: memref<256xi32, #tpu.memory_space<vmem>>, %arg17: memref<32xi32, #tpu.memory_space<vmem>>, %arg18: memref<32xi32, #tpu.memory_space<vmem>>, %arg19: memref<8192xf32, #tpu.memory_space<vmem>>, %arg20: memref<1024xf32, #tpu.memory_space<vmem>>, %arg21: memref<512xf32, #tpu.memory_space<vmem>>, %arg22: memref<512xi32, #tpu.memory_space<vmem>>, %arg23: memref<512xi32, #tpu.memory_space<vmem>>, %arg24: memref<256x256xf32, #tpu.memory_space<vmem>>, %arg25: memref<8x512xi32, #tpu.memory_space<vmem_shared>>, %arg26: memref<!tpu.dma_semaphore, #tpu.memory_space<semaphore_mem>>) attributes {dimension_semantics = [#tpu.dimension_semantics<core_parallel>, #tpu.dimension_semantics<subcore_parallel>], iteration_bounds = array<i64: 2, 16>, scalar_prefetch = 0 : i64, scratch_operands = 18 : i64, tpu.core_type = #tpu.core_type<sc_vector_subcore>, window_params = [{transform_indices = #map}, {transform_indices = #map}, {transform_indices = #map}, {transform_indices = #map}, {transform_indices = #map1}, {transform_indices = #map}, {transform_indices = #map}]} {
    %iota3A = tpu.iota {dimensions = array<i32: 0>} : vector<16xi32>
    %broadcast_in_dim3A = arith.constant 0 : i32
    %broadcast_in_dim3A_0 = vector.broadcast %broadcast_in_dim3A : i32 to vector<16xi32>
    %lt3A = arith.constant 8 : i32
    %lt3A_1 = arith.cmpi slt, %arg1, %lt3A : i32
    %convert_element_type3A = arith.extui %lt3A_1 : i1 to i32
    %cond3A = arith.constant 0 : i32
    %cond3A_2 = arith.cmpi ne, %convert_element_type3A, %cond3A : i32
    scf.if %cond3A_2 {
      %mul3A = arith.constant 8 : i32
      %mul3A_12 = arith.muli %arg0, %mul3A : i32
      %add3A = arith.addi %mul3A_12, %arg1 : i32
      "tpu.region"() ({
        %run_scoped3A = tpu.sem_alloc : memref<!tpu.dma_semaphore, #tpu.memory_space<semaphore_mem>>
        %dma_start3A = arith.constant 0 : i32
        %dma_start3A_829 = tpu.memref_slice %arg2[%add3A, %dma_start3A] : memref<16x4096xf32, #tpu.memory_space<hbm>> -> memref<1x4096xf32, #tpu.memory_space<hbm>>
        %dma_start3A_830 = tpu.memref_squeeze %dma_start3A_829 : memref<1x4096xf32, #tpu.memory_space<hbm>> -> memref<4096xf32, #tpu.memory_space<hbm>>
        %dma_start3A_831 = arith.constant 0 : i32
        %dma_start3A_832 = tpu.memref_slice %arg2[%add3A, %dma_start3A_831] : memref<16x4096xf32, #tpu.memory_space<hbm>> -> memref<1x4096xf32, #tpu.memory_space<hbm>>
        %dma_start3A_833 = tpu.memref_squeeze %dma_start3A_832 : memref<1x4096xf32, #tpu.memory_space<hbm>> -> memref<4096xf32, #tpu.memory_space<hbm>>
        tpu.enqueue_dma source(%dma_start3A_833 : memref<4096xf32, #tpu.memory_space<hbm>>) target(%arg9 : memref<4096xf32, #tpu.memory_space<vmem>>) target_semaphore(%run_scoped3A : memref<!tpu.dma_semaphore, #tpu.memory_space<semaphore_mem>>)
        %dma_wait3A = arith.constant 0 : i32
        %dma_wait3A_834 = tpu.memref_slice %arg2[%add3A, %dma_wait3A] : memref<16x4096xf32, #tpu.memory_space<hbm>> -> memref<1x4096xf32, #tpu.memory_space<hbm>>
        %dma_wait3A_835 = tpu.memref_squeeze %dma_wait3A_834 : memref<1x4096xf32, #tpu.memory_space<hbm>> -> memref<4096xf32, #tpu.memory_space<hbm>>
        %dma_wait3A_836 = arith.constant 0 : i32
        %dma_wait3A_837 = tpu.memref_slice %arg2[%add3A, %dma_wait3A_836] : memref<16x4096xf32, #tpu.memory_space<hbm>> -> memref<1x4096xf32, #tpu.memory_space<hbm>>
        %dma_wait3A_838 = tpu.memref_squeeze %dma_wait3A_837 : memref<1x4096xf32, #tpu.memory_space<hbm>> -> memref<4096xf32, #tpu.memory_space<hbm>>
        tpu.wait_dma2 semaphore(%run_scoped3A : memref<!tpu.dma_semaphore, #tpu.memory_space<semaphore_mem>>) src(%dma_wait3A_838 : memref<4096xf32, #tpu.memory_space<hbm>>) dst(%arg9 : memref<4096xf32, #tpu.memory_space<vmem>>)
        tpu.yield
      }) : () -> ()
      "tpu.region"() ({
        %run_scoped3A = tpu.sem_alloc : memref<!tpu.dma_semaphore, #tpu.memory_space<semaphore_mem>>
        %dma_start3A = arith.constant 0 : i32
        %dma_start3A_829 = tpu.memref_slice %arg3[%add3A, %dma_start3A] : memref<16x4096xi32, #tpu.memory_space<hbm>> -> memref<1x4096xi32, #tpu.memory_space<hbm>>
        %dma_start3A_830 = tpu.memref_squeeze %dma_start3A_829 : memref<1x4096xi32, #tpu.memory_space<hbm>> -> memref<4096xi32, #tpu.memory_space<hbm>>
        %dma_start3A_831 = arith.constant 0 : i32
        %dma_start3A_832 = tpu.memref_slice %arg3[%add3A, %dma_start3A_831] : memref<16x4096xi32, #tpu.memory_space<hbm>> -> memref<1x4096xi32, #tpu.memory_space<hbm>>
        %dma_start3A_833 = tpu.memref_squeeze %dma_start3A_832 : memref<1x4096xi32, #tpu.memory_space<hbm>> -> memref<4096xi32, #tpu.memory_space<hbm>>
        tpu.enqueue_dma source(%dma_start3A_833 : memref<4096xi32, #tpu.memory_space<hbm>>) target(%arg10 : memref<4096xi32, #tpu.memory_space<vmem>>) target_semaphore(%run_scoped3A : memref<!tpu.dma_semaphore, #tpu.memory_space<semaphore_mem>>)
        %dma_wait3A = arith.constant 0 : i32
        %dma_wait3A_834 = tpu.memref_slice %arg3[%add3A, %dma_wait3A] : memref<16x4096xi32, #tpu.memory_space<hbm>> -> memref<1x4096xi32, #tpu.memory_space<hbm>>
        %dma_wait3A_835 = tpu.memref_squeeze %dma_wait3A_834 : memref<1x4096xi32, #tpu.memory_space<hbm>> -> memref<4096xi32, #tpu.memory_space<hbm>>
        %dma_wait3A_836 = arith.constant 0 : i32
        %dma_wait3A_837 = tpu.memref_slice %arg3[%add3A, %dma_wait3A_836] : memref<16x4096xi32, #tpu.memory_space<hbm>> -> memref<1x4096xi32, #tpu.memory_space<hbm>>
        %dma_wait3A_838 = tpu.memref_squeeze %dma_wait3A_837 : memref<1x4096xi32, #tpu.memory_space<hbm>> -> memref<4096xi32, #tpu.memory_space<hbm>>
        tpu.wait_dma2 semaphore(%run_scoped3A : memref<!tpu.dma_semaphore, #tpu.memory_space<semaphore_mem>>) src(%dma_wait3A_838 : memref<4096xi32, #tpu.memory_space<hbm>>) dst(%arg10 : memref<4096xi32, #tpu.memory_space<vmem>>)
        tpu.yield
      }) : () -> ()
      %scan3A = arith.constant 0 : i32
      %scan3A_13 = arith.constant 0 : i32
      %scan3A_14 = arith.constant 16 : i32
      %scan3A_15 = arith.addi %scan3A_13, %scan3A_14 : i32
      %scan3A_16 = arith.constant 1 : i32
      %scan3A_17 = scf.for %scan3A_829 = %scan3A_13 to %scan3A_15 step %scan3A_16 iter_args(%scan3A_830 = %scan3A) -> (i32)  : i32 {
        %mul3A_831 = arith.constant 16 : i32
        %mul3A_832 = arith.muli %scan3A_829, %mul3A_831 : i32
        %swap3A_833 = arith.index_cast %mul3A_832 : i32 to index
        %swap3A_834 = tpu.vector_load %arg16[%swap3A_833] {strides = array<i32>} : memref<256xi32, #tpu.memory_space<vmem>>, vector<16xi32>,
        tpu.vector_store %arg16[%swap3A_833], %broadcast_in_dim3A_0 {strides = array<i32>} : memref<256xi32, #tpu.memory_space<vmem>>, vector<16xi32>,
        %scan3A_835 = arith.constant 0 : i32
        scf.yield %scan3A_835 : i32
      }
      %scan3A_18 = arith.constant 16 : i32
      %scan3A_19 = arith.constant 0 : i32
      %scan3A_20 = arith.constant 0 : i32
      %scan3A_21 = arith.constant 64 : i32
      %scan3A_22 = arith.addi %scan3A_20, %scan3A_21 : i32
      %scan3A_23 = arith.constant 1 : i32
      %scan3A_24 = scf.for %scan3A_829 = %scan3A_20 to %scan3A_22 step %scan3A_23 iter_args(%scan3A_830 = %scan3A_19) -> (i32)  : i32 {
        %mul3A_831 = arith.constant 4 : i32
        %mul3A_832 = arith.muli %scan3A_829, %mul3A_831 : i32
        %add3A_833 = arith.constant 0 : i32
        %add3A_834 = arith.addi %mul3A_832, %add3A_833 : i32
        %mul3A_835 = arith.constant 16 : i32
        %mul3A_836 = arith.muli %add3A_834, %mul3A_835 : i32
        %get3A_837 = arith.index_cast %mul3A_836 : i32 to index
        %get3A_838 = tpu.vector_load %arg9[%get3A_837] {strides = array<i32>} : memref<4096xf32, #tpu.memory_space<vmem>>, vector<16xf32>,
        %mul3A_839 = arith.constant 4 : i32
        %mul3A_840 = arith.muli %scan3A_829, %mul3A_839 : i32
        %add3A_841 = arith.constant 0 : i32
        %add3A_842 = arith.addi %mul3A_840, %add3A_841 : i32
        %mul3A_843 = arith.constant 16 : i32
        %mul3A_844 = arith.muli %add3A_842, %mul3A_843 : i32
        %get3A_845 = arith.index_cast %mul3A_844 : i32 to index
        %get3A_846 = tpu.vector_load %arg10[%get3A_845] {strides = array<i32>} : memref<4096xi32, #tpu.memory_space<vmem>>, vector<16xi32>,
        %ne3A_847 = arith.constant 0 : i32
        %ne3A_848 = vector.broadcast %ne3A_847 : i32 to vector<16xi32>
        %ne3A_849 = arith.cmpi ne, %get3A_846, %ne3A_848 : vector<16xi32>
        %jit3A_850 = arith.constant 0xFF800000 : f32
        %broadcast_in_dim3A_851 = vector.broadcast %jit3A_850 : f32 to vector<16xf32>
        %select_n3A_852 = arith.select %ne3A_849, %get3A_838, %broadcast_in_dim3A_851 : vector<16xi1>, vector<16xf32>
        %bitcast3A = vector.bitcast %select_n3A_852 : vector<16xf32> to vector<16xi32>
        %lt3A_853 = arith.constant 0 : i32
        %lt3A_854 = vector.broadcast %lt3A_853 : i32 to vector<16xi32>
        %lt3A_855 = arith.cmpi slt, %bitcast3A, %lt3A_854 : vector<16xi32>
        %not3A = arith.constant dense<-1> : vector<16xi32>
        %not3A_856 = arith.xori %bitcast3A, %not3A : vector<16xi32>
        %or3A = arith.constant -2147483648 : i32
        %or3A_857 = vector.broadcast %or3A : i32 to vector<16xi32>
        %or3A_858 = arith.ori %bitcast3A, %or3A_857 : vector<16xi32>
        %select_n3A_859 = arith.select %lt3A_855, %not3A_856, %or3A_858 : vector<16xi1>, vector<16xi32>
        %mul3A_860 = arith.constant 4 : i32
        %mul3A_861 = arith.muli %scan3A_829, %mul3A_860 : i32
        %add3A_862 = arith.constant 0 : i32
        %add3A_863 = arith.addi %mul3A_861, %add3A_862 : i32
        %mul3A_864 = arith.constant 16 : i32
        %mul3A_865 = arith.muli %add3A_863, %mul3A_864 : i32
        %swap3A_866 = arith.index_cast %mul3A_865 : i32 to index
        %swap3A_867 = tpu.vector_load %arg11[%swap3A_866] {strides = array<i32>} : memref<4096xi32, #tpu.memory_space<vmem>>, vector<16xi32>,
        tpu.vector_store %arg11[%swap3A_866], %select_n3A_859 {strides = array<i32>} : memref<4096xi32, #tpu.memory_space<vmem>>, vector<16xi32>,
        %shift_right_arithmetic3A = arith.constant 24 : i32
        %shift_right_arithmetic3A_868 = vector.broadcast %shift_right_arithmetic3A : i32 to vector<16xi32>
        %shift_right_arithmetic3A_869 = arith.shrsi %select_n3A_859, %shift_right_arithmetic3A_868 : vector<16xi32>
        %and3A_870 = arith.constant 255 : i32
        %and3A_871 = vector.broadcast %and3A_870 : i32 to vector<16xi32>
        %and3A_872 = arith.andi %shift_right_arithmetic3A_869, %and3A_871 : vector<16xi32>
        %broadcast_in_dim3A_873 = arith.constant true
        %broadcast_in_dim3A_874 = vector.broadcast %broadcast_in_dim3A_873 : i1 to vector<16xi1>
        %unique3A, %unique3A_875 = tpu.scan_count mask(%broadcast_in_dim3A_874 : vector<16xi1>) value(%and3A_872 : vector<16xi32>) : vector<16xi1>, vector<16xi32>
        tpu.vector_store_idx %arg16[%and3A_872], %unique3A_875 masked %unique3A {add = true} : memref<256xi32, #tpu.memory_space<vmem>>[vector<16xi32>], vector<16xi32>, vector<16xi1>
        %mul3A_876 = arith.constant 4 : i32
        %mul3A_877 = arith.muli %scan3A_829, %mul3A_876 : i32
        %add3A_878 = arith.constant 1 : i32
        %add3A_879 = arith.addi %mul3A_877, %add3A_878 : i32
        %mul3A_880 = arith.constant 16 : i32
        %mul3A_881 = arith.muli %add3A_879, %mul3A_880 : i32
        %get3A_882 = arith.index_cast %mul3A_881 : i32 to index
        %get3A_883 = tpu.vector_load %arg9[%get3A_882] {strides = array<i32>} : memref<4096xf32, #tpu.memory_space<vmem>>, vector<16xf32>,
        %mul3A_884 = arith.constant 4 : i32
        %mul3A_885 = arith.muli %scan3A_829, %mul3A_884 : i32
        %add3A_886 = arith.constant 1 : i32
        %add3A_887 = arith.addi %mul3A_885, %add3A_886 : i32
        %mul3A_888 = arith.constant 16 : i32
        %mul3A_889 = arith.muli %add3A_887, %mul3A_888 : i32
        %get3A_890 = arith.index_cast %mul3A_889 : i32 to index
        %get3A_891 = tpu.vector_load %arg10[%get3A_890] {strides = array<i32>} : memref<4096xi32, #tpu.memory_space<vmem>>, vector<16xi32>,
        %ne3A_892 = arith.constant 0 : i32
        %ne3A_893 = vector.broadcast %ne3A_892 : i32 to vector<16xi32>
        %ne3A_894 = arith.cmpi ne, %get3A_891, %ne3A_893 : vector<16xi32>
        %jit3A_895 = arith.constant 0xFF800000 : f32
        %broadcast_in_dim3A_896 = vector.broadcast %jit3A_895 : f32 to vector<16xf32>
        %select_n3A_897 = arith.select %ne3A_894, %get3A_883, %broadcast_in_dim3A_896 : vector<16xi1>, vector<16xf32>
        %bitcast3A_898 = vector.bitcast %select_n3A_897 : vector<16xf32> to vector<16xi32>
        %lt3A_899 = arith.constant 0 : i32
        %lt3A_900 = vector.broadcast %lt3A_899 : i32 to vector<16xi32>
        %lt3A_901 = arith.cmpi slt, %bitcast3A_898, %lt3A_900 : vector<16xi32>
        %not3A_902 = arith.constant dense<-1> : vector<16xi32>
        %not3A_903 = arith.xori %bitcast3A_898, %not3A_902 : vector<16xi32>
        %or3A_904 = arith.constant -2147483648 : i32
        %or3A_905 = vector.broadcast %or3A_904 : i32 to vector<16xi32>
        %or3A_906 = arith.ori %bitcast3A_898, %or3A_905 : vector<16xi32>
        %select_n3A_907 = arith.select %lt3A_901, %not3A_903, %or3A_906 : vector<16xi1>, vector<16xi32>
        %mul3A_908 = arith.constant 4 : i32
        %mul3A_909 = arith.muli %scan3A_829, %mul3A_908 : i32
        %add3A_910 = arith.constant 1 : i32
        %add3A_911 = arith.addi %mul3A_909, %add3A_910 : i32
        %mul3A_912 = arith.constant 16 : i32
        %mul3A_913 = arith.muli %add3A_911, %mul3A_912 : i32
        %swap3A_914 = arith.index_cast %mul3A_913 : i32 to index
        %swap3A_915 = tpu.vector_load %arg11[%swap3A_914] {strides = array<i32>} : memref<4096xi32, #tpu.memory_space<vmem>>, vector<16xi32>,
        tpu.vector_store %arg11[%swap3A_914], %select_n3A_907 {strides = array<i32>} : memref<4096xi32, #tpu.memory_space<vmem>>, vector<16xi32>,
        %shift_right_arithmetic3A_916 = arith.constant 24 : i32
        %shift_right_arithmetic3A_917 = vector.broadcast %shift_right_arithmetic3A_916 : i32 to vector<16xi32>
        %shift_right_arithmetic3A_918 = arith.shrsi %select_n3A_907, %shift_right_arithmetic3A_917 : vector<16xi32>
        %and3A_919 = arith.constant 255 : i32
        %and3A_920 = vector.broadcast %and3A_919 : i32 to vector<16xi32>
        %and3A_921 = arith.andi %shift_right_arithmetic3A_918, %and3A_920 : vector<16xi32>
        %broadcast_in_dim3A_922 = arith.constant true
        %broadcast_in_dim3A_923 = vector.broadcast %broadcast_in_dim3A_922 : i1 to vector<16xi1>
        %unique3A_924, %unique3A_925 = tpu.scan_count mask(%broadcast_in_dim3A_923 : vector<16xi1>) value(%and3A_921 : vector<16xi32>) : vector<16xi1>, vector<16xi32>
        tpu.vector_store_idx %arg16[%and3A_921], %unique3A_925 masked %unique3A_924 {add = true} : memref<256xi32, #tpu.memory_space<vmem>>[vector<16xi32>], vector<16xi32>, vector<16xi1>
        %mul3A_926 = arith.constant 4 : i32
        %mul3A_927 = arith.muli %scan3A_829, %mul3A_926 : i32
        %add3A_928 = arith.constant 2 : i32
        %add3A_929 = arith.addi %mul3A_927, %add3A_928 : i32
        %mul3A_930 = arith.constant 16 : i32
        %mul3A_931 = arith.muli %add3A_929, %mul3A_930 : i32
        %get3A_932 = arith.index_cast %mul3A_931 : i32 to index
        %get3A_933 = tpu.vector_load %arg9[%get3A_932] {strides = array<i32>} : memref<4096xf32, #tpu.memory_space<vmem>>, vector<16xf32>,
        %mul3A_934 = arith.constant 4 : i32
        %mul3A_935 = arith.muli %scan3A_829, %mul3A_934 : i32
        %add3A_936 = arith.constant 2 : i32
        %add3A_937 = arith.addi %mul3A_935, %add3A_936 : i32
        %mul3A_938 = arith.constant 16 : i32
        %mul3A_939 = arith.muli %add3A_937, %mul3A_938 : i32
        %get3A_940 = arith.index_cast %mul3A_939 : i32 to index
        %get3A_941 = tpu.vector_load %arg10[%get3A_940] {strides = array<i32>} : memref<4096xi32, #tpu.memory_space<vmem>>, vector<16xi32>,
        %ne3A_942 = arith.constant 0 : i32
        %ne3A_943 = vector.broadcast %ne3A_942 : i32 to vector<16xi32>
        %ne3A_944 = arith.cmpi ne, %get3A_941, %ne3A_943 : vector<16xi32>
        %jit3A_945 = arith.constant 0xFF800000 : f32
        %broadcast_in_dim3A_946 = vector.broadcast %jit3A_945 : f32 to vector<16xf32>
        %select_n3A_947 = arith.select %ne3A_944, %get3A_933, %broadcast_in_dim3A_946 : vector<16xi1>, vector<16xf32>
        %bitcast3A_948 = vector.bitcast %select_n3A_947 : vector<16xf32> to vector<16xi32>
        %lt3A_949 = arith.constant 0 : i32
        %lt3A_950 = vector.broadcast %lt3A_949 : i32 to vector<16xi32>
        %lt3A_951 = arith.cmpi slt, %bitcast3A_948, %lt3A_950 : vector<16xi32>
        %not3A_952 = arith.constant dense<-1> : vector<16xi32>
        %not3A_953 = arith.xori %bitcast3A_948, %not3A_952 : vector<16xi32>
        %or3A_954 = arith.constant -2147483648 : i32
        %or3A_955 = vector.broadcast %or3A_954 : i32 to vector<16xi32>
        %or3A_956 = arith.ori %bitcast3A_948, %or3A_955 : vector<16xi32>
        %select_n3A_957 = arith.select %lt3A_951, %not3A_953, %or3A_956 : vector<16xi1>, vector<16xi32>
        %mul3A_958 = arith.constant 4 : i32
        %mul3A_959 = arith.muli %scan3A_829, %mul3A_958 : i32
        %add3A_960 = arith.constant 2 : i32
        %add3A_961 = arith.addi %mul3A_959, %add3A_960 : i32
        %mul3A_962 = arith.constant 16 : i32
        %mul3A_963 = arith.muli %add3A_961, %mul3A_962 : i32
        %swap3A_964 = arith.index_cast %mul3A_963 : i32 to index
        %swap3A_965 = tpu.vector_load %arg11[%swap3A_964] {strides = array<i32>} : memref<4096xi32, #tpu.memory_space<vmem>>, vector<16xi32>,
        tpu.vector_store %arg11[%swap3A_964], %select_n3A_957 {strides = array<i32>} : memref<4096xi32, #tpu.memory_space<vmem>>, vector<16xi32>,
        %shift_right_arithmetic3A_966 = arith.constant 24 : i32
        %shift_right_arithmetic3A_967 = vector.broadcast %shift_right_arithmetic3A_966 : i32 to vector<16xi32>
        %shift_right_arithmetic3A_968 = arith.shrsi %select_n3A_957, %shift_right_arithmetic3A_967 : vector<16xi32>
        %and3A_969 = arith.constant 255 : i32
        %and3A_970 = vector.broadcast %and3A_969 : i32 to vector<16xi32>
        %and3A_971 = arith.andi %shift_right_arithmetic3A_968, %and3A_970 : vector<16xi32>
        %broadcast_in_dim3A_972 = arith.constant true
        %broadcast_in_dim3A_973 = vector.broadcast %broadcast_in_dim3A_972 : i1 to vector<16xi1>
        %unique3A_974, %unique3A_975 = tpu.scan_count mask(%broadcast_in_dim3A_973 : vector<16xi1>) value(%and3A_971 : vector<16xi32>) : vector<16xi1>, vector<16xi32>
        tpu.vector_store_idx %arg16[%and3A_971], %unique3A_975 masked %unique3A_974 {add = true} : memref<256xi32, #tpu.memory_space<vmem>>[vector<16xi32>], vector<16xi32>, vector<16xi1>
        %mul3A_976 = arith.constant 4 : i32
        %mul3A_977 = arith.muli %scan3A_829, %mul3A_976 : i32
        %add3A_978 = arith.constant 3 : i32
        %add3A_979 = arith.addi %mul3A_977, %add3A_978 : i32
        %mul3A_980 = arith.constant 16 : i32
        %mul3A_981 = arith.muli %add3A_979, %mul3A_980 : i32
        %get3A_982 = arith.index_cast %mul3A_981 : i32 to index
        %get3A_983 = tpu.vector_load %arg9[%get3A_982] {strides = array<i32>} : memref<4096xf32, #tpu.memory_space<vmem>>, vector<16xf32>,
        %mul3A_984 = arith.constant 4 : i32
        %mul3A_985 = arith.muli %scan3A_829, %mul3A_984 : i32
        %add3A_986 = arith.constant 3 : i32
        %add3A_987 = arith.addi %mul3A_985, %add3A_986 : i32
        %mul3A_988 = arith.constant 16 : i32
        %mul3A_989 = arith.muli %add3A_987, %mul3A_988 : i32
        %get3A_990 = arith.index_cast %mul3A_989 : i32 to index
        %get3A_991 = tpu.vector_load %arg10[%get3A_990] {strides = array<i32>} : memref<4096xi32, #tpu.memory_space<vmem>>, vector<16xi32>,
        %ne3A_992 = arith.constant 0 : i32
        %ne3A_993 = vector.broadcast %ne3A_992 : i32 to vector<16xi32>
        %ne3A_994 = arith.cmpi ne, %get3A_991, %ne3A_993 : vector<16xi32>
        %jit3A_995 = arith.constant 0xFF800000 : f32
        %broadcast_in_dim3A_996 = vector.broadcast %jit3A_995 : f32 to vector<16xf32>
        %select_n3A_997 = arith.select %ne3A_994, %get3A_983, %broadcast_in_dim3A_996 : vector<16xi1>, vector<16xf32>
        %bitcast3A_998 = vector.bitcast %select_n3A_997 : vector<16xf32> to vector<16xi32>
        %lt3A_999 = arith.constant 0 : i32
        %lt3A_1000 = vector.broadcast %lt3A_999 : i32 to vector<16xi32>
        %lt3A_1001 = arith.cmpi slt, %bitcast3A_998, %lt3A_1000 : vector<16xi32>
        %not3A_1002 = arith.constant dense<-1> : vector<16xi32>
        %not3A_1003 = arith.xori %bitcast3A_998, %not3A_1002 : vector<16xi32>
        %or3A_1004 = arith.constant -2147483648 : i32
        %or3A_1005 = vector.broadcast %or3A_1004 : i32 to vector<16xi32>
        %or3A_1006 = arith.ori %bitcast3A_998, %or3A_1005 : vector<16xi32>
        %select_n3A_1007 = arith.select %lt3A_1001, %not3A_1003, %or3A_1006 : vector<16xi1>, vector<16xi32>
        %mul3A_1008 = arith.constant 4 : i32
        %mul3A_1009 = arith.muli %scan3A_829, %mul3A_1008 : i32
        %add3A_1010 = arith.constant 3 : i32
        %add3A_1011 = arith.addi %mul3A_1009, %add3A_1010 : i32
        %mul3A_1012 = arith.constant 16 : i32
        %mul3A_1013 = arith.muli %add3A_1011, %mul3A_1012 : i32
        %swap3A_1014 = arith.index_cast %mul3A_1013 : i32 to index
        %swap3A_1015 = tpu.vector_load %arg11[%swap3A_1014] {strides = array<i32>} : memref<4096xi32, #tpu.memory_space<vmem>>, vector<16xi32>,
        tpu.vector_store %arg11[%swap3A_1014], %select_n3A_1007 {strides = array<i32>} : memref<4096xi32, #tpu.memory_space<vmem>>, vector<16xi32>,
        %shift_right_arithmetic3A_1016 = arith.constant 24 : i32
        %shift_right_arithmetic3A_1017 = vector.broadcast %shift_right_arithmetic3A_1016 : i32 to vector<16xi32>
        %shift_right_arithmetic3A_1018 = arith.shrsi %select_n3A_1007, %shift_right_arithmetic3A_1017 : vector<16xi32>
        %and3A_1019 = arith.constant 255 : i32
        %and3A_1020 = vector.broadcast %and3A_1019 : i32 to vector<16xi32>
        %and3A_1021 = arith.andi %shift_right_arithmetic3A_1018, %and3A_1020 : vector<16xi32>
        %broadcast_in_dim3A_1022 = arith.constant true
        %broadcast_in_dim3A_1023 = vector.broadcast %broadcast_in_dim3A_1022 : i1 to vector<16xi1>
        %unique3A_1024, %unique3A_1025 = tpu.scan_count mask(%broadcast_in_dim3A_1023 : vector<16xi1>) value(%and3A_1021 : vector<16xi32>) : vector<16xi1>, vector<16xi32>
        tpu.vector_store_idx %arg16[%and3A_1021], %unique3A_1025 masked %unique3A_1024 {add = true} : memref<256xi32, #tpu.memory_space<vmem>>[vector<16xi32>], vector<16xi32>, vector<16xi1>
        %scan3A_1026 = arith.constant 0 : i32
        scf.yield %scan3A_1026 : i32
      }
      %scan3A_25 = arith.constant 64 : i32
      %scan3A_26 = arith.constant 0 : i32
      %scan3A_27 = arith.constant 0 : i32
      %scan3A_28 = arith.constant 0 : i32
      %scan3A_29 = arith.constant 0 : i32
      %scan3A_30 = arith.constant 0 : i32
      %scan3A_31 = arith.constant 16 : i32
      %scan3A_32 = arith.addi %scan3A_30, %scan3A_31 : i32
      %scan3A_33 = arith.constant 1 : i32
      %scan3A_34:4 = scf.for %scan3A_829 = %scan3A_30 to %scan3A_32 step %scan3A_33 iter_args(%scan3A_830 = %scan3A_26, %scan3A_831 = %scan3A_27, %scan3A_832 = %scan3A_28, %scan3A_833 = %scan3A_29) -> (i32, i32, i32, i32)  : i32 {
        %sub3A_834 = arith.constant 15 : i32
        %sub3A_835 = arith.subi %sub3A_834, %scan3A_829 : i32
        %mul3A_836 = arith.constant 16 : i32
        %mul3A_837 = arith.muli %sub3A_835, %mul3A_836 : i32
        %get3A_838 = arith.index_cast %mul3A_837 : i32 to index
        %get3A_839 = tpu.vector_load %arg16[%get3A_838] {strides = array<i32>} : memref<256xi32, #tpu.memory_space<vmem>>, vector<16xi32>,
        %rev3A = arith.constant 15 : i32
        %rev3A_840 = vector.broadcast %rev3A : i32 to vector<16xi32>
        %rev3A_841 = tpu.iota {dimensions = array<i32: 0>} : vector<16xi32>
        %rev3A_842 = arith.subi %rev3A_840, %rev3A_841 : vector<16xi32>
        %rev3A_843 = tpu.dynamic_gather %get3A_839[%rev3A_842] in [0] : vector<16xi32>, vector<16xi32> -> vector<16xi32>
        %broadcast_in_dim3A_844 = arith.constant true
        %broadcast_in_dim3A_845 = vector.broadcast %broadcast_in_dim3A_844 : i1 to vector<16xi1>
        %masked_cumsum3A_846 = tpu.scan <sum>, %rev3A_843 masked %broadcast_in_dim3A_845 : vector<16xi32>, vector<16xi1> -> vector<16xi32>
        %add3A_847 = vector.broadcast %scan3A_830 : i32 to vector<16xi32>
        %add3A_848 = arith.addi %add3A_847, %masked_cumsum3A_846 : vector<16xi32>
        %ge3A_849 = arith.constant 500 : i32
        %ge3A_850 = vector.broadcast %ge3A_849 : i32 to vector<16xi32>
        %ge3A_851 = arith.cmpi sge, %add3A_848, %ge3A_850 : vector<16xi32>
        %jit3A_852 = arith.constant 1 : i32
        %jit3A_853 = arith.constant 0 : i32
        %broadcast_in_dim3A_854 = vector.broadcast %jit3A_852 : i32 to vector<16xi32>
        %broadcast_in_dim3A_855 = vector.broadcast %jit3A_853 : i32 to vector<16xi32>
        %select_n3A_856 = arith.select %ge3A_851, %broadcast_in_dim3A_854, %broadcast_in_dim3A_855 : vector<16xi1>, vector<16xi32>
        %reduce_max3A_857 = arith.constant true
        %reduce_max3A_858 = vector.broadcast %reduce_max3A_857 : i1 to vector<16xi1>
        %reduce_max3A_859 = arith.constant -2147483648 : i32
        %reduce_max3A_860 = vector.broadcast %reduce_max3A_859 : i32 to vector<16xi32>
        %reduce_max3A_861 = arith.xori %select_n3A_856, %reduce_max3A_860 : vector<16xi32>
        %reduce_max3A_862 = tpu.scan <max>, %reduce_max3A_861 masked %reduce_max3A_858 : vector<16xi32>, vector<16xi1> -> vector<16xi32>
        %reduce_max3A_863 = arith.xori %reduce_max3A_862, %reduce_max3A_860 : vector<16xi32>
        %reduce_max3A_864 = vector.extract %reduce_max3A_863[15] : i32 from vector<16xi32>
        %all_reduce_ffs3A = tpu.all_reduce %ge3A_851 {dim = 0 : i64, kind = #tpu.reduction_kind<find_first_set>} : vector<16xi1> -> vector<16xi32>
        %reduce_max3A_865 = arith.constant true
        %reduce_max3A_866 = vector.broadcast %reduce_max3A_865 : i1 to vector<16xi1>
        %reduce_max3A_867 = arith.constant -2147483648 : i32
        %reduce_max3A_868 = vector.broadcast %reduce_max3A_867 : i32 to vector<16xi32>
        %reduce_max3A_869 = arith.xori %all_reduce_ffs3A, %reduce_max3A_868 : vector<16xi32>
        %reduce_max3A_870 = tpu.scan <max>, %reduce_max3A_869 masked %reduce_max3A_866 : vector<16xi32>, vector<16xi1> -> vector<16xi32>
        %reduce_max3A_871 = arith.xori %reduce_max3A_870, %reduce_max3A_868 : vector<16xi32>
        %reduce_max3A_872 = vector.extract %reduce_max3A_871[15] : i32 from vector<16xi32>
        %eq3A = vector.broadcast %reduce_max3A_872 : i32 to vector<16xi32>
        %eq3A_873 = arith.cmpi eq, %iota3A, %eq3A : vector<16xi32>
        %jit3A_874 = arith.constant 0 : i32
        %broadcast_in_dim3A_875 = vector.broadcast %jit3A_874 : i32 to vector<16xi32>
        %select_n3A_876 = arith.select %eq3A_873, %add3A_848, %broadcast_in_dim3A_875 : vector<16xi1>, vector<16xi32>
        %reduce_max3A_877 = arith.constant true
        %reduce_max3A_878 = vector.broadcast %reduce_max3A_877 : i1 to vector<16xi1>
        %reduce_max3A_879 = arith.constant -2147483648 : i32
        %reduce_max3A_880 = vector.broadcast %reduce_max3A_879 : i32 to vector<16xi32>
        %reduce_max3A_881 = arith.xori %select_n3A_876, %reduce_max3A_880 : vector<16xi32>
        %reduce_max3A_882 = tpu.scan <max>, %reduce_max3A_881 masked %reduce_max3A_878 : vector<16xi32>, vector<16xi1> -> vector<16xi32>
        %reduce_max3A_883 = arith.xori %reduce_max3A_882, %reduce_max3A_880 : vector<16xi32>
        %reduce_max3A_884 = vector.extract %reduce_max3A_883[15] : i32 from vector<16xi32>
        %mul3A_885 = arith.constant 16 : i32
        %mul3A_886 = arith.muli %sub3A_835, %mul3A_885 : i32
        %add3A_887 = arith.constant 15 : i32
        %add3A_888 = arith.addi %mul3A_886, %add3A_887 : i32
        %sub3A_889 = arith.subi %add3A_888, %reduce_max3A_872 : i32
        %eq3A_890 = arith.constant 0 : i32
        %eq3A_891 = arith.cmpi eq, %scan3A_833, %eq3A_890 : i32
        %eq3A_892 = arith.constant 1 : i32
        %eq3A_893 = arith.cmpi eq, %reduce_max3A_864, %eq3A_892 : i32
        %and3A_894 = arith.andi %eq3A_891, %eq3A_893 : i1
        %select_n3A_895 = arith.select %and3A_894, %sub3A_889, %scan3A_831 : i32
        %select_n3A_896 = arith.select %and3A_894, %reduce_max3A_884, %scan3A_832 : i32
        %eq3A_897 = arith.constant 1 : i32
        %eq3A_898 = arith.cmpi eq, %reduce_max3A_864, %eq3A_897 : i32
        %jit3A_899 = arith.constant 1 : i32
        %select_n3A_900 = arith.select %eq3A_898, %jit3A_899, %scan3A_833 : i32
        %reduce_max3A_901 = arith.constant true
        %reduce_max3A_902 = vector.broadcast %reduce_max3A_901 : i1 to vector<16xi1>
        %reduce_max3A_903 = arith.constant -2147483648 : i32
        %reduce_max3A_904 = vector.broadcast %reduce_max3A_903 : i32 to vector<16xi32>
        %reduce_max3A_905 = arith.xori %masked_cumsum3A_846, %reduce_max3A_904 : vector<16xi32>
        %reduce_max3A_906 = tpu.scan <max>, %reduce_max3A_905 masked %reduce_max3A_902 : vector<16xi32>, vector<16xi1> -> vector<16xi32>
        %reduce_max3A_907 = arith.xori %reduce_max3A_906, %reduce_max3A_904 : vector<16xi32>
        %reduce_max3A_908 = vector.extract %reduce_max3A_907[15] : i32 from vector<16xi32>
        %add3A_909 = arith.addi %scan3A_830, %reduce_max3A_908 : i32
        scf.yield %add3A_909, %select_n3A_895, %select_n3A_896, %select_n3A_900 : i32, i32, i32, i32
      }
      %scan3A_35 = arith.constant 16 : i32
      %shift_left3A = arith.constant 24 : i32
      %shift_left3A_36 = arith.shli %scan3A_34#1, %shift_left3A : i32
      %xor3A = arith.constant -2147483648 : i32
      %xor3A_37 = arith.xori %shift_left3A_36, %xor3A : i32
      %scan3A_38 = arith.constant 0 : i32
      %scan3A_39 = arith.constant 0 : i32
      %scan3A_40 = arith.constant 64 : i32
      %scan3A_41 = arith.addi %scan3A_39, %scan3A_40 : i32
      %scan3A_42 = arith.constant 1 : i32
      %scan3A_43 = scf.for %scan3A_829 = %scan3A_39 to %scan3A_41 step %scan3A_42 iter_args(%scan3A_830 = %scan3A_38) -> (i32)  : i32 {
        %mul3A_831 = arith.constant 4 : i32
        %mul3A_832 = arith.muli %scan3A_829, %mul3A_831 : i32
        %add3A_833 = arith.constant 0 : i32
        %add3A_834 = arith.addi %mul3A_832, %add3A_833 : i32
        %mul3A_835 = arith.constant 16 : i32
        %mul3A_836 = arith.muli %add3A_834, %mul3A_835 : i32
        %get3A_837 = arith.index_cast %mul3A_836 : i32 to index
        %get3A_838 = tpu.vector_load %arg11[%get3A_837] {strides = array<i32>} : memref<4096xi32, #tpu.memory_space<vmem>>, vector<16xi32>,
        %xor3A_839 = arith.constant -2147483648 : i32
        %xor3A_840 = vector.broadcast %xor3A_839 : i32 to vector<16xi32>
        %xor3A_841 = arith.xori %get3A_838, %xor3A_840 : vector<16xi32>
        %ge3A_842 = vector.broadcast %xor3A_37 : i32 to vector<16xi32>
        %ge3A_843 = arith.cmpi sge, %xor3A_841, %ge3A_842 : vector<16xi32>
        %jit3A_844 = arith.constant 1 : i32
        %jit3A_845 = arith.constant 0 : i32
        %broadcast_in_dim3A_846 = vector.broadcast %jit3A_844 : i32 to vector<16xi32>
        %broadcast_in_dim3A_847 = vector.broadcast %jit3A_845 : i32 to vector<16xi32>
        %select_n3A_848 = arith.select %ge3A_843, %broadcast_in_dim3A_846, %broadcast_in_dim3A_847 : vector<16xi1>, vector<16xi32>
        %broadcast_in_dim3A_849 = arith.constant true
        %broadcast_in_dim3A_850 = vector.broadcast %broadcast_in_dim3A_849 : i1 to vector<16xi1>
        %masked_cumsum3A_851 = tpu.scan <sum>, %select_n3A_848 masked %broadcast_in_dim3A_850 : vector<16xi32>, vector<16xi1> -> vector<16xi32>
        %add3A_852 = vector.broadcast %scan3A_830 : i32 to vector<16xi32>
        %add3A_853 = arith.addi %add3A_852, %masked_cumsum3A_851 : vector<16xi32>
        %sub3A_854 = arith.constant 1 : i32
        %sub3A_855 = vector.broadcast %sub3A_854 : i32 to vector<16xi32>
        %sub3A_856 = arith.subi %add3A_853, %sub3A_855 : vector<16xi32>
        tpu.vector_store_idx %arg12[%sub3A_856], %get3A_838 masked %ge3A_843 : memref<4160xi32, #tpu.memory_space<vmem>>[vector<16xi32>], vector<16xi32>, vector<16xi1>
        %mul3A_857 = arith.constant 4 : i32
        %mul3A_858 = arith.muli %scan3A_829, %mul3A_857 : i32
        %add3A_859 = arith.constant 0 : i32
        %add3A_860 = arith.addi %mul3A_858, %add3A_859 : i32
        %mul3A_861 = arith.constant 16 : i32
        %mul3A_862 = arith.muli %add3A_860, %mul3A_861 : i32
        %add3A_863 = vector.broadcast %mul3A_862 : i32 to vector<16xi32>
        %add3A_864 = arith.addi %add3A_863, %iota3A : vector<16xi32>
        tpu.vector_store_idx %arg14[%sub3A_856], %add3A_864 masked %ge3A_843 : memref<4160xi32, #tpu.memory_space<vmem>>[vector<16xi32>], vector<16xi32>, vector<16xi1>
        %reduce_sum3A = arith.constant true
        %reduce_sum3A_865 = vector.broadcast %reduce_sum3A : i1 to vector<16xi1>
        %reduce_sum3A_866 = tpu.scan <sum>, %select_n3A_848 masked %reduce_sum3A_865 : vector<16xi32>, vector<16xi1> -> vector<16xi32>
        %reduce_sum3A_867 = vector.extract %reduce_sum3A_866[15] : i32 from vector<16xi32>
        %add3A_868 = arith.addi %scan3A_830, %reduce_sum3A_867 : i32
        %mul3A_869 = arith.constant 4 : i32
        %mul3A_870 = arith.muli %scan3A_829, %mul3A_869 : i32
        %add3A_871 = arith.constant 1 : i32
        %add3A_872 = arith.addi %mul3A_870, %add3A_871 : i32
        %mul3A_873 = arith.constant 16 : i32
        %mul3A_874 = arith.muli %add3A_872, %mul3A_873 : i32
        %get3A_875 = arith.index_cast %mul3A_874 : i32 to index
        %get3A_876 = tpu.vector_load %arg11[%get3A_875] {strides = array<i32>} : memref<4096xi32, #tpu.memory_space<vmem>>, vector<16xi32>,
        %xor3A_877 = arith.constant -2147483648 : i32
        %xor3A_878 = vector.broadcast %xor3A_877 : i32 to vector<16xi32>
        %xor3A_879 = arith.xori %get3A_876, %xor3A_878 : vector<16xi32>
        %ge3A_880 = vector.broadcast %xor3A_37 : i32 to vector<16xi32>
        %ge3A_881 = arith.cmpi sge, %xor3A_879, %ge3A_880 : vector<16xi32>
        %jit3A_882 = arith.constant 1 : i32
        %jit3A_883 = arith.constant 0 : i32
        %broadcast_in_dim3A_884 = vector.broadcast %jit3A_882 : i32 to vector<16xi32>
        %broadcast_in_dim3A_885 = vector.broadcast %jit3A_883 : i32 to vector<16xi32>
        %select_n3A_886 = arith.select %ge3A_881, %broadcast_in_dim3A_884, %broadcast_in_dim3A_885 : vector<16xi1>, vector<16xi32>
        %broadcast_in_dim3A_887 = arith.constant true
        %broadcast_in_dim3A_888 = vector.broadcast %broadcast_in_dim3A_887 : i1 to vector<16xi1>
        %masked_cumsum3A_889 = tpu.scan <sum>, %select_n3A_886 masked %broadcast_in_dim3A_888 : vector<16xi32>, vector<16xi1> -> vector<16xi32>
        %add3A_890 = vector.broadcast %add3A_868 : i32 to vector<16xi32>
        %add3A_891 = arith.addi %add3A_890, %masked_cumsum3A_889 : vector<16xi32>
        %sub3A_892 = arith.constant 1 : i32
        %sub3A_893 = vector.broadcast %sub3A_892 : i32 to vector<16xi32>
        %sub3A_894 = arith.subi %add3A_891, %sub3A_893 : vector<16xi32>
        tpu.vector_store_idx %arg12[%sub3A_894], %get3A_876 masked %ge3A_881 : memref<4160xi32, #tpu.memory_space<vmem>>[vector<16xi32>], vector<16xi32>, vector<16xi1>
        %mul3A_895 = arith.constant 4 : i32
        %mul3A_896 = arith.muli %scan3A_829, %mul3A_895 : i32
        %add3A_897 = arith.constant 1 : i32
        %add3A_898 = arith.addi %mul3A_896, %add3A_897 : i32
        %mul3A_899 = arith.constant 16 : i32
        %mul3A_900 = arith.muli %add3A_898, %mul3A_899 : i32
        %add3A_901 = vector.broadcast %mul3A_900 : i32 to vector<16xi32>
        %add3A_902 = arith.addi %add3A_901, %iota3A : vector<16xi32>
        tpu.vector_store_idx %arg14[%sub3A_894], %add3A_902 masked %ge3A_881 : memref<4160xi32, #tpu.memory_space<vmem>>[vector<16xi32>], vector<16xi32>, vector<16xi1>
        %reduce_sum3A_903 = arith.constant true
        %reduce_sum3A_904 = vector.broadcast %reduce_sum3A_903 : i1 to vector<16xi1>
        %reduce_sum3A_905 = tpu.scan <sum>, %select_n3A_886 masked %reduce_sum3A_904 : vector<16xi32>, vector<16xi1> -> vector<16xi32>
        %reduce_sum3A_906 = vector.extract %reduce_sum3A_905[15] : i32 from vector<16xi32>
        %add3A_907 = arith.addi %add3A_868, %reduce_sum3A_906 : i32
        %mul3A_908 = arith.constant 4 : i32
        %mul3A_909 = arith.muli %scan3A_829, %mul3A_908 : i32
        %add3A_910 = arith.constant 2 : i32
        %add3A_911 = arith.addi %mul3A_909, %add3A_910 : i32
        %mul3A_912 = arith.constant 16 : i32
        %mul3A_913 = arith.muli %add3A_911, %mul3A_912 : i32
        %get3A_914 = arith.index_cast %mul3A_913 : i32 to index
        %get3A_915 = tpu.vector_load %arg11[%get3A_914] {strides = array<i32>} : memref<4096xi32, #tpu.memory_space<vmem>>, vector<16xi32>,
        %xor3A_916 = arith.constant -2147483648 : i32
        %xor3A_917 = vector.broadcast %xor3A_916 : i32 to vector<16xi32>
        %xor3A_918 = arith.xori %get3A_915, %xor3A_917 : vector<16xi32>
        %ge3A_919 = vector.broadcast %xor3A_37 : i32 to vector<16xi32>
        %ge3A_920 = arith.cmpi sge, %xor3A_918, %ge3A_919 : vector<16xi32>
        %jit3A_921 = arith.constant 1 : i32
        %jit3A_922 = arith.constant 0 : i32
        %broadcast_in_dim3A_923 = vector.broadcast %jit3A_921 : i32 to vector<16xi32>
        %broadcast_in_dim3A_924 = vector.broadcast %jit3A_922 : i32 to vector<16xi32>
        %select_n3A_925 = arith.select %ge3A_920, %broadcast_in_dim3A_923, %broadcast_in_dim3A_924 : vector<16xi1>, vector<16xi32>
        %broadcast_in_dim3A_926 = arith.constant true
        %broadcast_in_dim3A_927 = vector.broadcast %broadcast_in_dim3A_926 : i1 to vector<16xi1>
        %masked_cumsum3A_928 = tpu.scan <sum>, %select_n3A_925 masked %broadcast_in_dim3A_927 : vector<16xi32>, vector<16xi1> -> vector<16xi32>
        %add3A_929 = vector.broadcast %add3A_907 : i32 to vector<16xi32>
        %add3A_930 = arith.addi %add3A_929, %masked_cumsum3A_928 : vector<16xi32>
        %sub3A_931 = arith.constant 1 : i32
        %sub3A_932 = vector.broadcast %sub3A_931 : i32 to vector<16xi32>
        %sub3A_933 = arith.subi %add3A_930, %sub3A_932 : vector<16xi32>
        tpu.vector_store_idx %arg12[%sub3A_933], %get3A_915 masked %ge3A_920 : memref<4160xi32, #tpu.memory_space<vmem>>[vector<16xi32>], vector<16xi32>, vector<16xi1>
        %mul3A_934 = arith.constant 4 : i32
        %mul3A_935 = arith.muli %scan3A_829, %mul3A_934 : i32
        %add3A_936 = arith.constant 2 : i32
        %add3A_937 = arith.addi %mul3A_935, %add3A_936 : i32
        %mul3A_938 = arith.constant 16 : i32
        %mul3A_939 = arith.muli %add3A_937, %mul3A_938 : i32
        %add3A_940 = vector.broadcast %mul3A_939 : i32 to vector<16xi32>
        %add3A_941 = arith.addi %add3A_940, %iota3A : vector<16xi32>
        tpu.vector_store_idx %arg14[%sub3A_933], %add3A_941 masked %ge3A_920 : memref<4160xi32, #tpu.memory_space<vmem>>[vector<16xi32>], vector<16xi32>, vector<16xi1>
        %reduce_sum3A_942 = arith.constant true
        %reduce_sum3A_943 = vector.broadcast %reduce_sum3A_942 : i1 to vector<16xi1>
        %reduce_sum3A_944 = tpu.scan <sum>, %select_n3A_925 masked %reduce_sum3A_943 : vector<16xi32>, vector<16xi1> -> vector<16xi32>
        %reduce_sum3A_945 = vector.extract %reduce_sum3A_944[15] : i32 from vector<16xi32>
        %add3A_946 = arith.addi %add3A_907, %reduce_sum3A_945 : i32
        %mul3A_947 = arith.constant 4 : i32
        %mul3A_948 = arith.muli %scan3A_829, %mul3A_947 : i32
        %add3A_949 = arith.constant 3 : i32
        %add3A_950 = arith.addi %mul3A_948, %add3A_949 : i32
        %mul3A_951 = arith.constant 16 : i32
        %mul3A_952 = arith.muli %add3A_950, %mul3A_951 : i32
        %get3A_953 = arith.index_cast %mul3A_952 : i32 to index
        %get3A_954 = tpu.vector_load %arg11[%get3A_953] {strides = array<i32>} : memref<4096xi32, #tpu.memory_space<vmem>>, vector<16xi32>,
        %xor3A_955 = arith.constant -2147483648 : i32
        %xor3A_956 = vector.broadcast %xor3A_955 : i32 to vector<16xi32>
        %xor3A_957 = arith.xori %get3A_954, %xor3A_956 : vector<16xi32>
        %ge3A_958 = vector.broadcast %xor3A_37 : i32 to vector<16xi32>
        %ge3A_959 = arith.cmpi sge, %xor3A_957, %ge3A_958 : vector<16xi32>
        %jit3A_960 = arith.constant 1 : i32
        %jit3A_961 = arith.constant 0 : i32
        %broadcast_in_dim3A_962 = vector.broadcast %jit3A_960 : i32 to vector<16xi32>
        %broadcast_in_dim3A_963 = vector.broadcast %jit3A_961 : i32 to vector<16xi32>
        %select_n3A_964 = arith.select %ge3A_959, %broadcast_in_dim3A_962, %broadcast_in_dim3A_963 : vector<16xi1>, vector<16xi32>
        %broadcast_in_dim3A_965 = arith.constant true
        %broadcast_in_dim3A_966 = vector.broadcast %broadcast_in_dim3A_965 : i1 to vector<16xi1>
        %masked_cumsum3A_967 = tpu.scan <sum>, %select_n3A_964 masked %broadcast_in_dim3A_966 : vector<16xi32>, vector<16xi1> -> vector<16xi32>
        %add3A_968 = vector.broadcast %add3A_946 : i32 to vector<16xi32>
        %add3A_969 = arith.addi %add3A_968, %masked_cumsum3A_967 : vector<16xi32>
        %sub3A_970 = arith.constant 1 : i32
        %sub3A_971 = vector.broadcast %sub3A_970 : i32 to vector<16xi32>
        %sub3A_972 = arith.subi %add3A_969, %sub3A_971 : vector<16xi32>
        tpu.vector_store_idx %arg12[%sub3A_972], %get3A_954 masked %ge3A_959 : memref<4160xi32, #tpu.memory_space<vmem>>[vector<16xi32>], vector<16xi32>, vector<16xi1>
        %mul3A_973 = arith.constant 4 : i32
        %mul3A_974 = arith.muli %scan3A_829, %mul3A_973 : i32
        %add3A_975 = arith.constant 3 : i32
        %add3A_976 = arith.addi %mul3A_974, %add3A_975 : i32
        %mul3A_977 = arith.constant 16 : i32
        %mul3A_978 = arith.muli %add3A_976, %mul3A_977 : i32
        %add3A_979 = vector.broadcast %mul3A_978 : i32 to vector<16xi32>
        %add3A_980 = arith.addi %add3A_979, %iota3A : vector<16xi32>
        tpu.vector_store_idx %arg14[%sub3A_972], %add3A_980 masked %ge3A_959 : memref<4160xi32, #tpu.memory_space<vmem>>[vector<16xi32>], vector<16xi32>, vector<16xi1>
        %reduce_sum3A_981 = arith.constant true
        %reduce_sum3A_982 = vector.broadcast %reduce_sum3A_981 : i1 to vector<16xi1>
        %reduce_sum3A_983 = tpu.scan <sum>, %select_n3A_964 masked %reduce_sum3A_982 : vector<16xi32>, vector<16xi1> -> vector<16xi32>
        %reduce_sum3A_984 = vector.extract %reduce_sum3A_983[15] : i32 from vector<16xi32>
        %add3A_985 = arith.addi %add3A_946, %reduce_sum3A_984 : i32
        scf.yield %add3A_985 : i32
      }
      %scan3A_44 = arith.constant 64 : i32
      %add3A_45 = arith.constant 63 : i32
      %add3A_46 = arith.addi %scan3A_43, %add3A_45 : i32
      %jit3A = arith.constant 64 : i32
      %div3A = arith.divsi %add3A_46, %jit3A : i32
      %sign3A = arith.constant 0 : i32
      %sign3A_47 = arith.cmpi sgt, %add3A_46, %sign3A : i32
      %sign3A_48 = arith.extui %sign3A_47 : i1 to i32
      %sign3A_49 = arith.constant 0 : i32
      %sign3A_50 = arith.cmpi slt, %add3A_46, %sign3A_49 : i32
      %sign3A_51 = arith.extui %sign3A_50 : i1 to i32
      %sign3A_52 = arith.subi %sign3A_48, %sign3A_51 : i32
      %sign3A_53 = arith.constant 0 : i32
      %sign3A_54 = arith.cmpi sgt, %jit3A, %sign3A_53 : i32
      %sign3A_55 = arith.extui %sign3A_54 : i1 to i32
      %sign3A_56 = arith.constant 0 : i32
      %sign3A_57 = arith.cmpi slt, %jit3A, %sign3A_56 : i32
      %sign3A_58 = arith.extui %sign3A_57 : i1 to i32
      %sign3A_59 = arith.subi %sign3A_55, %sign3A_58 : i32
      %ne3A = arith.cmpi ne, %sign3A_52, %sign3A_59 : i32
      %rem3A = arith.remsi %add3A_46, %jit3A : i32
      %ne3A_60 = arith.constant 0 : i32
      %ne3A_61 = arith.cmpi ne, %rem3A, %ne3A_60 : i32
      %and3A = arith.andi %ne3A, %ne3A_61 : i1
      %sub3A = arith.constant 1 : i32
      %sub3A_62 = arith.subi %div3A, %sub3A : i32
      %select_n3A = arith.select %and3A, %sub3A_62, %div3A : i32
      %mul3A_63 = arith.constant 64 : i32
      %mul3A_64 = arith.muli %select_n3A, %mul3A_63 : i32
      %add3A_65 = arith.constant 0 : i32
      %add3A_66 = arith.addi %scan3A_43, %add3A_65 : i32
      %add3A_67 = vector.broadcast %add3A_66 : i32 to vector<16xi32>
      %add3A_68 = arith.addi %add3A_67, %iota3A : vector<16xi32>
      %lt3A_69 = vector.broadcast %mul3A_64 : i32 to vector<16xi32>
      %lt3A_70 = arith.cmpi slt, %add3A_68, %lt3A_69 : vector<16xi32>
      tpu.vector_store_idx %arg12[%add3A_68], %broadcast_in_dim3A_0 masked %lt3A_70 : memref<4160xi32, #tpu.memory_space<vmem>>[vector<16xi32>], vector<16xi32>, vector<16xi1>
      tpu.vector_store_idx %arg14[%add3A_68], %broadcast_in_dim3A_0 masked %lt3A_70 : memref<4160xi32, #tpu.memory_space<vmem>>[vector<16xi32>], vector<16xi32>, vector<16xi1>
      %add3A_71 = arith.constant 16 : i32
      %add3A_72 = arith.addi %scan3A_43, %add3A_71 : i32
      %add3A_73 = vector.broadcast %add3A_72 : i32 to vector<16xi32>
      %add3A_74 = arith.addi %add3A_73, %iota3A : vector<16xi32>
      %lt3A_75 = vector.broadcast %mul3A_64 : i32 to vector<16xi32>
      %lt3A_76 = arith.cmpi slt, %add3A_74, %lt3A_75 : vector<16xi32>
      tpu.vector_store_idx %arg12[%add3A_74], %broadcast_in_dim3A_0 masked %lt3A_76 : memref<4160xi32, #tpu.memory_space<vmem>>[vector<16xi32>], vector<16xi32>, vector<16xi1>
      tpu.vector_store_idx %arg14[%add3A_74], %broadcast_in_dim3A_0 masked %lt3A_76 : memref<4160xi32, #tpu.memory_space<vmem>>[vector<16xi32>], vector<16xi32>, vector<16xi1>
      %add3A_77 = arith.constant 32 : i32
      %add3A_78 = arith.addi %scan3A_43, %add3A_77 : i32
      %add3A_79 = vector.broadcast %add3A_78 : i32 to vector<16xi32>
      %add3A_80 = arith.addi %add3A_79, %iota3A : vector<16xi32>
      %lt3A_81 = vector.broadcast %mul3A_64 : i32 to vector<16xi32>
      %lt3A_82 = arith.cmpi slt, %add3A_80, %lt3A_81 : vector<16xi32>
      tpu.vector_store_idx %arg12[%add3A_80], %broadcast_in_dim3A_0 masked %lt3A_82 : memref<4160xi32, #tpu.memory_space<vmem>>[vector<16xi32>], vector<16xi32>, vector<16xi1>
      tpu.vector_store_idx %arg14[%add3A_80], %broadcast_in_dim3A_0 masked %lt3A_82 : memref<4160xi32, #tpu.memory_space<vmem>>[vector<16xi32>], vector<16xi32>, vector<16xi1>
      %add3A_83 = arith.constant 48 : i32
      %add3A_84 = arith.addi %scan3A_43, %add3A_83 : i32
      %add3A_85 = vector.broadcast %add3A_84 : i32 to vector<16xi32>
      %add3A_86 = arith.addi %add3A_85, %iota3A : vector<16xi32>
      %lt3A_87 = vector.broadcast %mul3A_64 : i32 to vector<16xi32>
      %lt3A_88 = arith.cmpi slt, %add3A_86, %lt3A_87 : vector<16xi32>
      tpu.vector_store_idx %arg12[%add3A_86], %broadcast_in_dim3A_0 masked %lt3A_88 : memref<4160xi32, #tpu.memory_space<vmem>>[vector<16xi32>], vector<16xi32>, vector<16xi1>
      tpu.vector_store_idx %arg14[%add3A_86], %broadcast_in_dim3A_0 masked %lt3A_88 : memref<4160xi32, #tpu.memory_space<vmem>>[vector<16xi32>], vector<16xi32>, vector<16xi1>
      %jit3A_89 = arith.constant 16 : i32
      %div3A_90 = arith.divsi %mul3A_64, %jit3A_89 : i32
      %sign3A_91 = arith.constant 0 : i32
      %sign3A_92 = arith.cmpi sgt, %mul3A_64, %sign3A_91 : i32
      %sign3A_93 = arith.extui %sign3A_92 : i1 to i32
      %sign3A_94 = arith.constant 0 : i32
      %sign3A_95 = arith.cmpi slt, %mul3A_64, %sign3A_94 : i32
      %sign3A_96 = arith.extui %sign3A_95 : i1 to i32
      %sign3A_97 = arith.subi %sign3A_93, %sign3A_96 : i32
      %sign3A_98 = arith.constant 0 : i32
      %sign3A_99 = arith.cmpi sgt, %jit3A_89, %sign3A_98 : i32
      %sign3A_100 = arith.extui %sign3A_99 : i1 to i32
      %sign3A_101 = arith.constant 0 : i32
      %sign3A_102 = arith.cmpi slt, %jit3A_89, %sign3A_101 : i32
      %sign3A_103 = arith.extui %sign3A_102 : i1 to i32
      %sign3A_104 = arith.subi %sign3A_100, %sign3A_103 : i32
      %ne3A_105 = arith.cmpi ne, %sign3A_97, %sign3A_104 : i32
      %rem3A_106 = arith.remsi %mul3A_64, %jit3A_89 : i32
      %ne3A_107 = arith.constant 0 : i32
      %ne3A_108 = arith.cmpi ne, %rem3A_106, %ne3A_107 : i32
      %and3A_109 = arith.andi %ne3A_105, %ne3A_108 : i1
      %sub3A_110 = arith.constant 1 : i32
      %sub3A_111 = arith.subi %div3A_90, %sub3A_110 : i32
      %select_n3A_112 = arith.select %and3A_109, %sub3A_111, %div3A_90 : i32
      %swap3A = arith.constant 0 : index
      %swap3A_113 = tpu.vector_load %arg17[%swap3A] {strides = array<i32>} : memref<32xi32, #tpu.memory_space<vmem>>, vector<16xi32>,
      tpu.vector_store %arg17[%swap3A], %broadcast_in_dim3A_0 {strides = array<i32>} : memref<32xi32, #tpu.memory_space<vmem>>, vector<16xi32>,
      %swap3A_114 = arith.constant 16 : index
      %swap3A_115 = tpu.vector_load %arg17[%swap3A_114] {strides = array<i32>} : memref<32xi32, #tpu.memory_space<vmem>>, vector<16xi32>,
      tpu.vector_store %arg17[%swap3A_114], %broadcast_in_dim3A_0 {strides = array<i32>} : memref<32xi32, #tpu.memory_space<vmem>>, vector<16xi32>,
      %jit3A_116 = arith.constant 4 : i32
      %div3A_117 = arith.divsi %select_n3A_112, %jit3A_116 : i32
      %sign3A_118 = arith.constant 0 : i32
      %sign3A_119 = arith.cmpi sgt, %select_n3A_112, %sign3A_118 : i32
      %sign3A_120 = arith.extui %sign3A_119 : i1 to i32
      %sign3A_121 = arith.constant 0 : i32
      %sign3A_122 = arith.cmpi slt, %select_n3A_112, %sign3A_121 : i32
      %sign3A_123 = arith.extui %sign3A_122 : i1 to i32
      %sign3A_124 = arith.subi %sign3A_120, %sign3A_123 : i32
      %sign3A_125 = arith.constant 0 : i32
      %sign3A_126 = arith.cmpi sgt, %jit3A_116, %sign3A_125 : i32
      %sign3A_127 = arith.extui %sign3A_126 : i1 to i32
      %sign3A_128 = arith.constant 0 : i32
      %sign3A_129 = arith.cmpi slt, %jit3A_116, %sign3A_128 : i32
      %sign3A_130 = arith.extui %sign3A_129 : i1 to i32
      %sign3A_131 = arith.subi %sign3A_127, %sign3A_130 : i32
      %ne3A_132 = arith.cmpi ne, %sign3A_124, %sign3A_131 : i32
      %rem3A_133 = arith.remsi %select_n3A_112, %jit3A_116 : i32
      %ne3A_134 = arith.constant 0 : i32
      %ne3A_135 = arith.cmpi ne, %rem3A_133, %ne3A_134 : i32
      %and3A_136 = arith.andi %ne3A_132, %ne3A_135 : i1
      %sub3A_137 = arith.constant 1 : i32
      %sub3A_138 = arith.subi %div3A_117, %sub3A_137 : i32
      %select_n3A_139 = arith.select %and3A_136, %sub3A_138, %div3A_117 : i32
      %while3A = arith.constant 0 : i32
      %while3A_140 = arith.constant 0 : i32
      %while3A_141 = arith.subi %select_n3A_139, %while3A : i32
      %while3A_142 = arith.addi %while3A, %while3A_141 : i32
      %while3A_143 = arith.constant 1 : i32
      %while3A_144 = arith.divsi %while3A_141, %while3A_143 : i32
      %while3A_145 = arith.muli %while3A_144, %while3A_143 : i32
      %while3A_146 = arith.addi %while3A, %while3A_145 : i32
      %while3A_147 = arith.constant 1 : i32
      %while3A_148 = scf.for %while3A_829 = %while3A to %while3A_146 step %while3A_147 iter_args(%while3A_830 = %while3A_140) -> (i32)  : i32 {
        %mul3A_831 = arith.constant 4 : i32
        %mul3A_832 = arith.muli %while3A_829, %mul3A_831 : i32
        %add3A_833 = arith.constant 0 : i32
        %add3A_834 = arith.addi %mul3A_832, %add3A_833 : i32
        %mul3A_835 = arith.constant 16 : i32
        %mul3A_836 = arith.muli %add3A_834, %mul3A_835 : i32
        %get3A_837 = arith.index_cast %mul3A_836 : i32 to index
        %get3A_838 = tpu.vector_load %arg12[%get3A_837] {strides = array<i32>} : memref<4160xi32, #tpu.memory_space<vmem>>, vector<16xi32>,
        %shift_right_arithmetic3A = arith.constant 0 : i32
        %shift_right_arithmetic3A_839 = vector.broadcast %shift_right_arithmetic3A : i32 to vector<16xi32>
        %shift_right_arithmetic3A_840 = arith.shrsi %get3A_838, %shift_right_arithmetic3A_839 : vector<16xi32>
        %and3A_841 = arith.constant 31 : i32
        %and3A_842 = vector.broadcast %and3A_841 : i32 to vector<16xi32>
        %and3A_843 = arith.andi %shift_right_arithmetic3A_840, %and3A_842 : vector<16xi32>
        %sub3A_844 = arith.constant 31 : i32
        %sub3A_845 = vector.broadcast %sub3A_844 : i32 to vector<16xi32>
        %sub3A_846 = arith.subi %sub3A_845, %and3A_843 : vector<16xi32>
        %broadcast_in_dim3A_847 = arith.constant true
        %broadcast_in_dim3A_848 = vector.broadcast %broadcast_in_dim3A_847 : i1 to vector<16xi1>
        %unique3A, %unique3A_849 = tpu.scan_count mask(%broadcast_in_dim3A_848 : vector<16xi1>) value(%sub3A_846 : vector<16xi32>) : vector<16xi1>, vector<16xi32>
        tpu.vector_store_idx %arg17[%sub3A_846], %unique3A_849 masked %unique3A {add = true} : memref<32xi32, #tpu.memory_space<vmem>>[vector<16xi32>], vector<16xi32>, vector<16xi1>
        %mul3A_850 = arith.constant 4 : i32
        %mul3A_851 = arith.muli %while3A_829, %mul3A_850 : i32
        %add3A_852 = arith.constant 1 : i32
        %add3A_853 = arith.addi %mul3A_851, %add3A_852 : i32
        %mul3A_854 = arith.constant 16 : i32
        %mul3A_855 = arith.muli %add3A_853, %mul3A_854 : i32
        %get3A_856 = arith.index_cast %mul3A_855 : i32 to index
        %get3A_857 = tpu.vector_load %arg12[%get3A_856] {strides = array<i32>} : memref<4160xi32, #tpu.memory_space<vmem>>, vector<16xi32>,
        %shift_right_arithmetic3A_858 = arith.constant 0 : i32
        %shift_right_arithmetic3A_859 = vector.broadcast %shift_right_arithmetic3A_858 : i32 to vector<16xi32>
        %shift_right_arithmetic3A_860 = arith.shrsi %get3A_857, %shift_right_arithmetic3A_859 : vector<16xi32>
        %and3A_861 = arith.constant 31 : i32
        %and3A_862 = vector.broadcast %and3A_861 : i32 to vector<16xi32>
        %and3A_863 = arith.andi %shift_right_arithmetic3A_860, %and3A_862 : vector<16xi32>
        %sub3A_864 = arith.constant 31 : i32
        %sub3A_865 = vector.broadcast %sub3A_864 : i32 to vector<16xi32>
        %sub3A_866 = arith.subi %sub3A_865, %and3A_863 : vector<16xi32>
        %broadcast_in_dim3A_867 = arith.constant true
        %broadcast_in_dim3A_868 = vector.broadcast %broadcast_in_dim3A_867 : i1 to vector<16xi1>
        %unique3A_869, %unique3A_870 = tpu.scan_count mask(%broadcast_in_dim3A_868 : vector<16xi1>) value(%sub3A_866 : vector<16xi32>) : vector<16xi1>, vector<16xi32>
        tpu.vector_store_idx %arg17[%sub3A_866], %unique3A_870 masked %unique3A_869 {add = true} : memref<32xi32, #tpu.memory_space<vmem>>[vector<16xi32>], vector<16xi32>, vector<16xi1>
        %mul3A_871 = arith.constant 4 : i32
        %mul3A_872 = arith.muli %while3A_829, %mul3A_871 : i32
        %add3A_873 = arith.constant 2 : i32
        %add3A_874 = arith.addi %mul3A_872, %add3A_873 : i32
        %mul3A_875 = arith.constant 16 : i32
        %mul3A_876 = arith.muli %add3A_874, %mul3A_875 : i32
        %get3A_877 = arith.index_cast %mul3A_876 : i32 to index
        %get3A_878 = tpu.vector_load %arg12[%get3A_877] {strides = array<i32>} : memref<4160xi32, #tpu.memory_space<vmem>>, vector<16xi32>,
        %shift_right_arithmetic3A_879 = arith.constant 0 : i32
        %shift_right_arithmetic3A_880 = vector.broadcast %shift_right_arithmetic3A_879 : i32 to vector<16xi32>
        %shift_right_arithmetic3A_881 = arith.shrsi %get3A_878, %shift_right_arithmetic3A_880 : vector<16xi32>
        %and3A_882 = arith.constant 31 : i32
        %and3A_883 = vector.broadcast %and3A_882 : i32 to vector<16xi32>
        %and3A_884 = arith.andi %shift_right_arithmetic3A_881, %and3A_883 : vector<16xi32>
        %sub3A_885 = arith.constant 31 : i32
        %sub3A_886 = vector.broadcast %sub3A_885 : i32 to vector<16xi32>
        %sub3A_887 = arith.subi %sub3A_886, %and3A_884 : vector<16xi32>
        %broadcast_in_dim3A_888 = arith.constant true
        %broadcast_in_dim3A_889 = vector.broadcast %broadcast_in_dim3A_888 : i1 to vector<16xi1>
        %unique3A_890, %unique3A_891 = tpu.scan_count mask(%broadcast_in_dim3A_889 : vector<16xi1>) value(%sub3A_887 : vector<16xi32>) : vector<16xi1>, vector<16xi32>
        tpu.vector_store_idx %arg17[%sub3A_887], %unique3A_891 masked %unique3A_890 {add = true} : memref<32xi32, #tpu.memory_space<vmem>>[vector<16xi32>], vector<16xi32>, vector<16xi1>
        %mul3A_892 = arith.constant 4 : i32
        %mul3A_893 = arith.muli %while3A_829, %mul3A_892 : i32
        %add3A_894 = arith.constant 3 : i32
        %add3A_895 = arith.addi %mul3A_893, %add3A_894 : i32
        %mul3A_896 = arith.constant 16 : i32
        %mul3A_897 = arith.muli %add3A_895, %mul3A_896 : i32
        %get3A_898 = arith.index_cast %mul3A_897 : i32 to index
        %get3A_899 = tpu.vector_load %arg12[%get3A_898] {strides = array<i32>} : memref<4160xi32, #tpu.memory_space<vmem>>, vector<16xi32>,
        %shift_right_arithmetic3A_900 = arith.constant 0 : i32
        %shift_right_arithmetic3A_901 = vector.broadcast %shift_right_arithmetic3A_900 : i32 to vector<16xi32>
        %shift_right_arithmetic3A_902 = arith.shrsi %get3A_899, %shift_right_arithmetic3A_901 : vector<16xi32>
        %and3A_903 = arith.constant 31 : i32
        %and3A_904 = vector.broadcast %and3A_903 : i32 to vector<16xi32>
        %and3A_905 = arith.andi %shift_right_arithmetic3A_902, %and3A_904 : vector<16xi32>
        %sub3A_906 = arith.constant 31 : i32
        %sub3A_907 = vector.broadcast %sub3A_906 : i32 to vector<16xi32>
        %sub3A_908 = arith.subi %sub3A_907, %and3A_905 : vector<16xi32>
        %broadcast_in_dim3A_909 = arith.constant true
        %broadcast_in_dim3A_910 = vector.broadcast %broadcast_in_dim3A_909 : i1 to vector<16xi1>
        %unique3A_911, %unique3A_912 = tpu.scan_count mask(%broadcast_in_dim3A_910 : vector<16xi1>) value(%sub3A_908 : vector<16xi32>) : vector<16xi1>, vector<16xi32>
        tpu.vector_store_idx %arg17[%sub3A_908], %unique3A_912 masked %unique3A_911 {add = true} : memref<32xi32, #tpu.memory_space<vmem>>[vector<16xi32>], vector<16xi32>, vector<16xi1>
        %while3A_913 = arith.constant 0 : i32
        scf.yield %while3A_913 : i32
      }
      %while3A_149 = arith.constant 1 : i32
      %while3A_150 = scf.for %while3A_829 = %while3A_146 to %while3A_142 step %while3A_149 iter_args(%while3A_830 = %while3A_148) -> (i32)  : i32 {
        %mul3A_831 = arith.constant 4 : i32
        %mul3A_832 = arith.muli %while3A_829, %mul3A_831 : i32
        %add3A_833 = arith.constant 0 : i32
        %add3A_834 = arith.addi %mul3A_832, %add3A_833 : i32
        %mul3A_835 = arith.constant 16 : i32
        %mul3A_836 = arith.muli %add3A_834, %mul3A_835 : i32
        %get3A_837 = arith.index_cast %mul3A_836 : i32 to index
        %get3A_838 = tpu.vector_load %arg12[%get3A_837] {strides = array<i32>} : memref<4160xi32, #tpu.memory_space<vmem>>, vector<16xi32>,
        %shift_right_arithmetic3A = arith.constant 0 : i32
        %shift_right_arithmetic3A_839 = vector.broadcast %shift_right_arithmetic3A : i32 to vector<16xi32>
        %shift_right_arithmetic3A_840 = arith.shrsi %get3A_838, %shift_right_arithmetic3A_839 : vector<16xi32>
        %and3A_841 = arith.constant 31 : i32
        %and3A_842 = vector.broadcast %and3A_841 : i32 to vector<16xi32>
        %and3A_843 = arith.andi %shift_right_arithmetic3A_840, %and3A_842 : vector<16xi32>
        %sub3A_844 = arith.constant 31 : i32
        %sub3A_845 = vector.broadcast %sub3A_844 : i32 to vector<16xi32>
        %sub3A_846 = arith.subi %sub3A_845, %and3A_843 : vector<16xi32>
        %broadcast_in_dim3A_847 = arith.constant true
        %broadcast_in_dim3A_848 = vector.broadcast %broadcast_in_dim3A_847 : i1 to vector<16xi1>
        %unique3A, %unique3A_849 = tpu.scan_count mask(%broadcast_in_dim3A_848 : vector<16xi1>) value(%sub3A_846 : vector<16xi32>) : vector<16xi1>, vector<16xi32>
        tpu.vector_store_idx %arg17[%sub3A_846], %unique3A_849 masked %unique3A {add = true} : memref<32xi32, #tpu.memory_space<vmem>>[vector<16xi32>], vector<16xi32>, vector<16xi1>
        %mul3A_850 = arith.constant 4 : i32
        %mul3A_851 = arith.muli %while3A_829, %mul3A_850 : i32
        %add3A_852 = arith.constant 1 : i32
        %add3A_853 = arith.addi %mul3A_851, %add3A_852 : i32
        %mul3A_854 = arith.constant 16 : i32
        %mul3A_855 = arith.muli %add3A_853, %mul3A_854 : i32
        %get3A_856 = arith.index_cast %mul3A_855 : i32 to index
        %get3A_857 = tpu.vector_load %arg12[%get3A_856] {strides = array<i32>} : memref<4160xi32, #tpu.memory_space<vmem>>, vector<16xi32>,
        %shift_right_arithmetic3A_858 = arith.constant 0 : i32
        %shift_right_arithmetic3A_859 = vector.broadcast %shift_right_arithmetic3A_858 : i32 to vector<16xi32>
        %shift_right_arithmetic3A_860 = arith.shrsi %get3A_857, %shift_right_arithmetic3A_859 : vector<16xi32>
        %and3A_861 = arith.constant 31 : i32
        %and3A_862 = vector.broadcast %and3A_861 : i32 to vector<16xi32>
        %and3A_863 = arith.andi %shift_right_arithmetic3A_860, %and3A_862 : vector<16xi32>
        %sub3A_864 = arith.constant 31 : i32
        %sub3A_865 = vector.broadcast %sub3A_864 : i32 to vector<16xi32>
        %sub3A_866 = arith.subi %sub3A_865, %and3A_863 : vector<16xi32>
        %broadcast_in_dim3A_867 = arith.constant true
        %broadcast_in_dim3A_868 = vector.broadcast %broadcast_in_dim3A_867 : i1 to vector<16xi1>
        %unique3A_869, %unique3A_870 = tpu.scan_count mask(%broadcast_in_dim3A_868 : vector<16xi1>) value(%sub3A_866 : vector<16xi32>) : vector<16xi1>, vector<16xi32>
        tpu.vector_store_idx %arg17[%sub3A_866], %unique3A_870 masked %unique3A_869 {add = true} : memref<32xi32, #tpu.memory_space<vmem>>[vector<16xi32>], vector<16xi32>, vector<16xi1>
        %mul3A_871 = arith.constant 4 : i32
        %mul3A_872 = arith.muli %while3A_829, %mul3A_871 : i32
        %add3A_873 = arith.constant 2 : i32
        %add3A_874 = arith.addi %mul3A_872, %add3A_873 : i32
        %mul3A_875 = arith.constant 16 : i32
        %mul3A_876 = arith.muli %add3A_874, %mul3A_875 : i32
        %get3A_877 = arith.index_cast %mul3A_876 : i32 to index
        %get3A_878 = tpu.vector_load %arg12[%get3A_877] {strides = array<i32>} : memref<4160xi32, #tpu.memory_space<vmem>>, vector<16xi32>,
        %shift_right_arithmetic3A_879 = arith.constant 0 : i32
        %shift_right_arithmetic3A_880 = vector.broadcast %shift_right_arithmetic3A_879 : i32 to vector<16xi32>
        %shift_right_arithmetic3A_881 = arith.shrsi %get3A_878, %shift_right_arithmetic3A_880 : vector<16xi32>
        %and3A_882 = arith.constant 31 : i32
        %and3A_883 = vector.broadcast %and3A_882 : i32 to vector<16xi32>
        %and3A_884 = arith.andi %shift_right_arithmetic3A_881, %and3A_883 : vector<16xi32>
        %sub3A_885 = arith.constant 31 : i32
        %sub3A_886 = vector.broadcast %sub3A_885 : i32 to vector<16xi32>
        %sub3A_887 = arith.subi %sub3A_886, %and3A_884 : vector<16xi32>
        %broadcast_in_dim3A_888 = arith.constant true
        %broadcast_in_dim3A_889 = vector.broadcast %broadcast_in_dim3A_888 : i1 to vector<16xi1>
        %unique3A_890, %unique3A_891 = tpu.scan_count mask(%broadcast_in_dim3A_889 : vector<16xi1>) value(%sub3A_887 : vector<16xi32>) : vector<16xi1>, vector<16xi32>
        tpu.vector_store_idx %arg17[%sub3A_887], %unique3A_891 masked %unique3A_890 {add = true} : memref<32xi32, #tpu.memory_space<vmem>>[vector<16xi32>], vector<16xi32>, vector<16xi1>
        %mul3A_892 = arith.constant 4 : i32
        %mul3A_893 = arith.muli %while3A_829, %mul3A_892 : i32
        %add3A_894 = arith.constant 3 : i32
        %add3A_895 = arith.addi %mul3A_893, %add3A_894 : i32
        %mul3A_896 = arith.constant 16 : i32
        %mul3A_897 = arith.muli %add3A_895, %mul3A_896 : i32
        %get3A_898 = arith.index_cast %mul3A_897 : i32 to index
        %get3A_899 = tpu.vector_load %arg12[%get3A_898] {strides = array<i32>} : memref<4160xi32, #tpu.memory_space<vmem>>, vector<16xi32>,
        %shift_right_arithmetic3A_900 = arith.constant 0 : i32
        %shift_right_arithmetic3A_901 = vector.broadcast %shift_right_arithmetic3A_900 : i32 to vector<16xi32>
        %shift_right_arithmetic3A_902 = arith.shrsi %get3A_899, %shift_right_arithmetic3A_901 : vector<16xi32>
        %and3A_903 = arith.constant 31 : i32
        %and3A_904 = vector.broadcast %and3A_903 : i32 to vector<16xi32>
        %and3A_905 = arith.andi %shift_right_arithmetic3A_902, %and3A_904 : vector<16xi32>
        %sub3A_906 = arith.constant 31 : i32
        %sub3A_907 = vector.broadcast %sub3A_906 : i32 to vector<16xi32>
        %sub3A_908 = arith.subi %sub3A_907, %and3A_905 : vector<16xi32>
        %broadcast_in_dim3A_909 = arith.constant true
        %broadcast_in_dim3A_910 = vector.broadcast %broadcast_in_dim3A_909 : i1 to vector<16xi1>
        %unique3A_911, %unique3A_912 = tpu.scan_count mask(%broadcast_in_dim3A_910 : vector<16xi1>) value(%sub3A_908 : vector<16xi32>) : vector<16xi1>, vector<16xi32>
        tpu.vector_store_idx %arg17[%sub3A_908], %unique3A_912 masked %unique3A_911 {add = true} : memref<32xi32, #tpu.memory_space<vmem>>[vector<16xi32>], vector<16xi32>, vector<16xi1>
        %while3A_913 = arith.constant 0 : i32
        scf.yield %while3A_913 : i32
      }
      %get3A = arith.constant 0 : index
      %get3A_151 = tpu.vector_load %arg17[%get3A] {strides = array<i32>} : memref<32xi32, #tpu.memory_space<vmem>>, vector<16xi32>,
      %get3A_152 = arith.constant 16 : index
      %get3A_153 = tpu.vector_load %arg17[%get3A_152] {strides = array<i32>} : memref<32xi32, #tpu.memory_space<vmem>>, vector<16xi32>,
      %broadcast_in_dim3A_154 = arith.constant true
      %broadcast_in_dim3A_155 = vector.broadcast %broadcast_in_dim3A_154 : i1 to vector<16xi1>
      %masked_cumsum3A = tpu.scan <sum>, %get3A_151 masked %broadcast_in_dim3A_155 : vector<16xi32>, vector<16xi1> -> vector<16xi32>
      %broadcast_in_dim3A_156 = arith.constant true
      %broadcast_in_dim3A_157 = vector.broadcast %broadcast_in_dim3A_156 : i1 to vector<16xi1>
      %masked_cumsum3A_158 = tpu.scan <sum>, %get3A_153 masked %broadcast_in_dim3A_157 : vector<16xi32>, vector<16xi1> -> vector<16xi32>
      %sub3A_159 = arith.subi %masked_cumsum3A, %get3A_151 : vector<16xi32>
      %swap3A_160 = arith.constant 0 : index
      %swap3A_161 = tpu.vector_load %arg18[%swap3A_160] {strides = array<i32>} : memref<32xi32, #tpu.memory_space<vmem>>, vector<16xi32>,
      tpu.vector_store %arg18[%swap3A_160], %sub3A_159 {strides = array<i32>} : memref<32xi32, #tpu.memory_space<vmem>>, vector<16xi32>,
      %sub3A_162 = arith.subi %masked_cumsum3A_158, %get3A_153 : vector<16xi32>
      %reduce_max3A = arith.constant true
      %reduce_max3A_163 = vector.broadcast %reduce_max3A : i1 to vector<16xi1>
      %reduce_max3A_164 = arith.constant -2147483648 : i32
      %reduce_max3A_165 = vector.broadcast %reduce_max3A_164 : i32 to vector<16xi32>
      %reduce_max3A_166 = arith.xori %masked_cumsum3A, %reduce_max3A_165 : vector<16xi32>
      %reduce_max3A_167 = tpu.scan <max>, %reduce_max3A_166 masked %reduce_max3A_163 : vector<16xi32>, vector<16xi1> -> vector<16xi32>
      %reduce_max3A_168 = arith.xori %reduce_max3A_167, %reduce_max3A_165 : vector<16xi32>
      %reduce_max3A_169 = vector.extract %reduce_max3A_168[15] : i32 from vector<16xi32>
      %add3A_170 = vector.broadcast %reduce_max3A_169 : i32 to vector<16xi32>
      %add3A_171 = arith.addi %sub3A_162, %add3A_170 : vector<16xi32>
      %swap3A_172 = arith.constant 16 : index
      %swap3A_173 = tpu.vector_load %arg18[%swap3A_172] {strides = array<i32>} : memref<32xi32, #tpu.memory_space<vmem>>, vector<16xi32>,
      tpu.vector_store %arg18[%swap3A_172], %add3A_171 {strides = array<i32>} : memref<32xi32, #tpu.memory_space<vmem>>, vector<16xi32>,
      %jit3A_174 = arith.constant 2 : i32
      %div3A_175 = arith.divsi %select_n3A_112, %jit3A_174 : i32
      %sign3A_176 = arith.constant 0 : i32
      %sign3A_177 = arith.cmpi sgt, %select_n3A_112, %sign3A_176 : i32
      %sign3A_178 = arith.extui %sign3A_177 : i1 to i32
      %sign3A_179 = arith.constant 0 : i32
      %sign3A_180 = arith.cmpi slt, %select_n3A_112, %sign3A_179 : i32
      %sign3A_181 = arith.extui %sign3A_180 : i1 to i32
      %sign3A_182 = arith.subi %sign3A_178, %sign3A_181 : i32
      %sign3A_183 = arith.constant 0 : i32
      %sign3A_184 = arith.cmpi sgt, %jit3A_174, %sign3A_183 : i32
      %sign3A_185 = arith.extui %sign3A_184 : i1 to i32
      %sign3A_186 = arith.constant 0 : i32
      %sign3A_187 = arith.cmpi slt, %jit3A_174, %sign3A_186 : i32
      %sign3A_188 = arith.extui %sign3A_187 : i1 to i32
      %sign3A_189 = arith.subi %sign3A_185, %sign3A_188 : i32
      %ne3A_190 = arith.cmpi ne, %sign3A_182, %sign3A_189 : i32
      %rem3A_191 = arith.remsi %select_n3A_112, %jit3A_174 : i32
      %ne3A_192 = arith.constant 0 : i32
      %ne3A_193 = arith.cmpi ne, %rem3A_191, %ne3A_192 : i32
      %and3A_194 = arith.andi %ne3A_190, %ne3A_193 : i1
      %sub3A_195 = arith.constant 1 : i32
      %sub3A_196 = arith.subi %div3A_175, %sub3A_195 : i32
      %select_n3A_197 = arith.select %and3A_194, %sub3A_196, %div3A_175 : i32
      %while3A_198 = arith.constant 0 : i32
      %while3A_199 = arith.constant 0 : i32
      %while3A_200 = arith.subi %select_n3A_197, %while3A_198 : i32
      %while3A_201 = arith.addi %while3A_198, %while3A_200 : i32
      %while3A_202 = arith.constant 1 : i32
      %while3A_203 = arith.divsi %while3A_200, %while3A_202 : i32
      %while3A_204 = arith.muli %while3A_203, %while3A_202 : i32
      %while3A_205 = arith.addi %while3A_198, %while3A_204 : i32
      %while3A_206 = arith.constant 1 : i32
      %while3A_207 = scf.for %while3A_829 = %while3A_198 to %while3A_205 step %while3A_206 iter_args(%while3A_830 = %while3A_199) -> (i32)  : i32 {
        %mul3A_831 = arith.constant 2 : i32
        %mul3A_832 = arith.muli %while3A_829, %mul3A_831 : i32
        %add3A_833 = arith.constant 0 : i32
        %add3A_834 = arith.addi %mul3A_832, %add3A_833 : i32
        %mul3A_835 = arith.constant 16 : i32
        %mul3A_836 = arith.muli %add3A_834, %mul3A_835 : i32
        %get3A_837 = arith.index_cast %mul3A_836 : i32 to index
        %get3A_838 = tpu.vector_load %arg12[%get3A_837] {strides = array<i32>} : memref<4160xi32, #tpu.memory_space<vmem>>, vector<16xi32>,
        %mul3A_839 = arith.constant 2 : i32
        %mul3A_840 = arith.muli %while3A_829, %mul3A_839 : i32
        %add3A_841 = arith.constant 0 : i32
        %add3A_842 = arith.addi %mul3A_840, %add3A_841 : i32
        %mul3A_843 = arith.constant 16 : i32
        %mul3A_844 = arith.muli %add3A_842, %mul3A_843 : i32
        %get3A_845 = arith.index_cast %mul3A_844 : i32 to index
        %get3A_846 = tpu.vector_load %arg14[%get3A_845] {strides = array<i32>} : memref<4160xi32, #tpu.memory_space<vmem>>, vector<16xi32>,
        %shift_right_arithmetic3A = arith.constant 0 : i32
        %shift_right_arithmetic3A_847 = vector.broadcast %shift_right_arithmetic3A : i32 to vector<16xi32>
        %shift_right_arithmetic3A_848 = arith.shrsi %get3A_838, %shift_right_arithmetic3A_847 : vector<16xi32>
        %and3A_849 = arith.constant 31 : i32
        %and3A_850 = vector.broadcast %and3A_849 : i32 to vector<16xi32>
        %and3A_851 = arith.andi %shift_right_arithmetic3A_848, %and3A_850 : vector<16xi32>
        %sub3A_852 = arith.constant 31 : i32
        %sub3A_853 = vector.broadcast %sub3A_852 : i32 to vector<16xi32>
        %sub3A_854 = arith.subi %sub3A_853, %and3A_851 : vector<16xi32>
        %broadcast_in_dim3A_855 = arith.constant true
        %broadcast_in_dim3A_856 = vector.broadcast %broadcast_in_dim3A_855 : i1 to vector<16xi1>
        %unique3A, %unique3A_857 = tpu.scan_count mask(%broadcast_in_dim3A_856 : vector<16xi1>) value(%sub3A_854 : vector<16xi32>) : vector<16xi1>, vector<16xi32>
        %gather3A = tpu.vector_load_idx %arg18[%sub3A_854] : memref<32xi32, #tpu.memory_space<vmem>>[vector<16xi32>], vector<16xi32>,
        %add3A_858 = arith.addi %gather3A, %unique3A_857 : vector<16xi32>
        %sub3A_859 = arith.constant 1 : i32
        %sub3A_860 = vector.broadcast %sub3A_859 : i32 to vector<16xi32>
        %sub3A_861 = arith.subi %add3A_858, %sub3A_860 : vector<16xi32>
        tpu.vector_store_idx %arg13[%sub3A_861], %get3A_838 : memref<4160xi32, #tpu.memory_space<vmem>>[vector<16xi32>], vector<16xi32>,
        tpu.vector_store_idx %arg15[%sub3A_861], %get3A_846 : memref<4160xi32, #tpu.memory_space<vmem>>[vector<16xi32>], vector<16xi32>,
        tpu.vector_store_idx %arg18[%sub3A_854], %unique3A_857 masked %unique3A {add = true} : memref<32xi32, #tpu.memory_space<vmem>>[vector<16xi32>], vector<16xi32>, vector<16xi1>
        %mul3A_862 = arith.constant 2 : i32
        %mul3A_863 = arith.muli %while3A_829, %mul3A_862 : i32
        %add3A_864 = arith.constant 1 : i32
        %add3A_865 = arith.addi %mul3A_863, %add3A_864 : i32
        %mul3A_866 = arith.constant 16 : i32
        %mul3A_867 = arith.muli %add3A_865, %mul3A_866 : i32
        %get3A_868 = arith.index_cast %mul3A_867 : i32 to index
        %get3A_869 = tpu.vector_load %arg12[%get3A_868] {strides = array<i32>} : memref<4160xi32, #tpu.memory_space<vmem>>, vector<16xi32>,
        %mul3A_870 = arith.constant 2 : i32
        %mul3A_871 = arith.muli %while3A_829, %mul3A_870 : i32
        %add3A_872 = arith.constant 1 : i32
        %add3A_873 = arith.addi %mul3A_871, %add3A_872 : i32
        %mul3A_874 = arith.constant 16 : i32
        %mul3A_875 = arith.muli %add3A_873, %mul3A_874 : i32
        %get3A_876 = arith.index_cast %mul3A_875 : i32 to index
        %get3A_877 = tpu.vector_load %arg14[%get3A_876] {strides = array<i32>} : memref<4160xi32, #tpu.memory_space<vmem>>, vector<16xi32>,
        %shift_right_arithmetic3A_878 = arith.constant 0 : i32
        %shift_right_arithmetic3A_879 = vector.broadcast %shift_right_arithmetic3A_878 : i32 to vector<16xi32>
        %shift_right_arithmetic3A_880 = arith.shrsi %get3A_869, %shift_right_arithmetic3A_879 : vector<16xi32>
        %and3A_881 = arith.constant 31 : i32
        %and3A_882 = vector.broadcast %and3A_881 : i32 to vector<16xi32>
        %and3A_883 = arith.andi %shift_right_arithmetic3A_880, %and3A_882 : vector<16xi32>
        %sub3A_884 = arith.constant 31 : i32
        %sub3A_885 = vector.broadcast %sub3A_884 : i32 to vector<16xi32>
        %sub3A_886 = arith.subi %sub3A_885, %and3A_883 : vector<16xi32>
        %broadcast_in_dim3A_887 = arith.constant true
        %broadcast_in_dim3A_888 = vector.broadcast %broadcast_in_dim3A_887 : i1 to vector<16xi1>
        %unique3A_889, %unique3A_890 = tpu.scan_count mask(%broadcast_in_dim3A_888 : vector<16xi1>) value(%sub3A_886 : vector<16xi32>) : vector<16xi1>, vector<16xi32>
        %gather3A_891 = tpu.vector_load_idx %arg18[%sub3A_886] : memref<32xi32, #tpu.memory_space<vmem>>[vector<16xi32>], vector<16xi32>,
        %add3A_892 = arith.addi %gather3A_891, %unique3A_890 : vector<16xi32>
        %sub3A_893 = arith.constant 1 : i32
        %sub3A_894 = vector.broadcast %sub3A_893 : i32 to vector<16xi32>
        %sub3A_895 = arith.subi %add3A_892, %sub3A_894 : vector<16xi32>
        tpu.vector_store_idx %arg13[%sub3A_895], %get3A_869 : memref<4160xi32, #tpu.memory_space<vmem>>[vector<16xi32>], vector<16xi32>,
        tpu.vector_store_idx %arg15[%sub3A_895], %get3A_877 : memref<4160xi32, #tpu.memory_space<vmem>>[vector<16xi32>], vector<16xi32>,
        tpu.vector_store_idx %arg18[%sub3A_886], %unique3A_890 masked %unique3A_889 {add = true} : memref<32xi32, #tpu.memory_space<vmem>>[vector<16xi32>], vector<16xi32>, vector<16xi1>
        %while3A_896 = arith.constant 0 : i32
        scf.yield %while3A_896 : i32
      }
      %while3A_208 = arith.constant 1 : i32
      %while3A_209 = scf.for %while3A_829 = %while3A_205 to %while3A_201 step %while3A_208 iter_args(%while3A_830 = %while3A_207) -> (i32)  : i32 {
        %mul3A_831 = arith.constant 2 : i32
        %mul3A_832 = arith.muli %while3A_829, %mul3A_831 : i32
        %add3A_833 = arith.constant 0 : i32
        %add3A_834 = arith.addi %mul3A_832, %add3A_833 : i32
        %mul3A_835 = arith.constant 16 : i32
        %mul3A_836 = arith.muli %add3A_834, %mul3A_835 : i32
        %get3A_837 = arith.index_cast %mul3A_836 : i32 to index
        %get3A_838 = tpu.vector_load %arg12[%get3A_837] {strides = array<i32>} : memref<4160xi32, #tpu.memory_space<vmem>>, vector<16xi32>,
        %mul3A_839 = arith.constant 2 : i32
        %mul3A_840 = arith.muli %while3A_829, %mul3A_839 : i32
        %add3A_841 = arith.constant 0 : i32
        %add3A_842 = arith.addi %mul3A_840, %add3A_841 : i32
        %mul3A_843 = arith.constant 16 : i32
        %mul3A_844 = arith.muli %add3A_842, %mul3A_843 : i32
        %get3A_845 = arith.index_cast %mul3A_844 : i32 to index
        %get3A_846 = tpu.vector_load %arg14[%get3A_845] {strides = array<i32>} : memref<4160xi32, #tpu.memory_space<vmem>>, vector<16xi32>,
        %shift_right_arithmetic3A = arith.constant 0 : i32
        %shift_right_arithmetic3A_847 = vector.broadcast %shift_right_arithmetic3A : i32 to vector<16xi32>
        %shift_right_arithmetic3A_848 = arith.shrsi %get3A_838, %shift_right_arithmetic3A_847 : vector<16xi32>
        %and3A_849 = arith.constant 31 : i32
        %and3A_850 = vector.broadcast %and3A_849 : i32 to vector<16xi32>
        %and3A_851 = arith.andi %shift_right_arithmetic3A_848, %and3A_850 : vector<16xi32>
        %sub3A_852 = arith.constant 31 : i32
        %sub3A_853 = vector.broadcast %sub3A_852 : i32 to vector<16xi32>
        %sub3A_854 = arith.subi %sub3A_853, %and3A_851 : vector<16xi32>
        %broadcast_in_dim3A_855 = arith.constant true
        %broadcast_in_dim3A_856 = vector.broadcast %broadcast_in_dim3A_855 : i1 to vector<16xi1>
        %unique3A, %unique3A_857 = tpu.scan_count mask(%broadcast_in_dim3A_856 : vector<16xi1>) value(%sub3A_854 : vector<16xi32>) : vector<16xi1>, vector<16xi32>
        %gather3A = tpu.vector_load_idx %arg18[%sub3A_854] : memref<32xi32, #tpu.memory_space<vmem>>[vector<16xi32>], vector<16xi32>,
        %add3A_858 = arith.addi %gather3A, %unique3A_857 : vector<16xi32>
        %sub3A_859 = arith.constant 1 : i32
        %sub3A_860 = vector.broadcast %sub3A_859 : i32 to vector<16xi32>
        %sub3A_861 = arith.subi %add3A_858, %sub3A_860 : vector<16xi32>
        tpu.vector_store_idx %arg13[%sub3A_861], %get3A_838 : memref<4160xi32, #tpu.memory_space<vmem>>[vector<16xi32>], vector<16xi32>,
        tpu.vector_store_idx %arg15[%sub3A_861], %get3A_846 : memref<4160xi32, #tpu.memory_space<vmem>>[vector<16xi32>], vector<16xi32>,
        tpu.vector_store_idx %arg18[%sub3A_854], %unique3A_857 masked %unique3A {add = true} : memref<32xi32, #tpu.memory_space<vmem>>[vector<16xi32>], vector<16xi32>, vector<16xi1>
        %mul3A_862 = arith.constant 2 : i32
        %mul3A_863 = arith.muli %while3A_829, %mul3A_862 : i32
        %add3A_864 = arith.constant 1 : i32
        %add3A_865 = arith.addi %mul3A_863, %add3A_864 : i32
        %mul3A_866 = arith.constant 16 : i32
        %mul3A_867 = arith.muli %add3A_865, %mul3A_866 : i32
        %get3A_868 = arith.index_cast %mul3A_867 : i32 to index
        %get3A_869 = tpu.vector_load %arg12[%get3A_868] {strides = array<i32>} : memref<4160xi32, #tpu.memory_space<vmem>>, vector<16xi32>,
        %mul3A_870 = arith.constant 2 : i32
        %mul3A_871 = arith.muli %while3A_829, %mul3A_870 : i32
        %add3A_872 = arith.constant 1 : i32
        %add3A_873 = arith.addi %mul3A_871, %add3A_872 : i32
        %mul3A_874 = arith.constant 16 : i32
        %mul3A_875 = arith.muli %add3A_873, %mul3A_874 : i32
        %get3A_876 = arith.index_cast %mul3A_875 : i32 to index
        %get3A_877 = tpu.vector_load %arg14[%get3A_876] {strides = array<i32>} : memref<4160xi32, #tpu.memory_space<vmem>>, vector<16xi32>,
        %shift_right_arithmetic3A_878 = arith.constant 0 : i32
        %shift_right_arithmetic3A_879 = vector.broadcast %shift_right_arithmetic3A_878 : i32 to vector<16xi32>
        %shift_right_arithmetic3A_880 = arith.shrsi %get3A_869, %shift_right_arithmetic3A_879 : vector<16xi32>
        %and3A_881 = arith.constant 31 : i32
        %and3A_882 = vector.broadcast %and3A_881 : i32 to vector<16xi32>
        %and3A_883 = arith.andi %shift_right_arithmetic3A_880, %and3A_882 : vector<16xi32>
        %sub3A_884 = arith.constant 31 : i32
        %sub3A_885 = vector.broadcast %sub3A_884 : i32 to vector<16xi32>
        %sub3A_886 = arith.subi %sub3A_885, %and3A_883 : vector<16xi32>
        %broadcast_in_dim3A_887 = arith.constant true
        %broadcast_in_dim3A_888 = vector.broadcast %broadcast_in_dim3A_887 : i1 to vector<16xi1>
        %unique3A_889, %unique3A_890 = tpu.scan_count mask(%broadcast_in_dim3A_888 : vector<16xi1>) value(%sub3A_886 : vector<16xi32>) : vector<16xi1>, vector<16xi32>
        %gather3A_891 = tpu.vector_load_idx %arg18[%sub3A_886] : memref<32xi32, #tpu.memory_space<vmem>>[vector<16xi32>], vector<16xi32>,
        %add3A_892 = arith.addi %gather3A_891, %unique3A_890 : vector<16xi32>
        %sub3A_893 = arith.constant 1 : i32
        %sub3A_894 = vector.broadcast %sub3A_893 : i32 to vector<16xi32>
        %sub3A_895 = arith.subi %add3A_892, %sub3A_894 : vector<16xi32>
        tpu.vector_store_idx %arg13[%sub3A_895], %get3A_869 : memref<4160xi32, #tpu.memory_space<vmem>>[vector<16xi32>], vector<16xi32>,
        tpu.vector_store_idx %arg15[%sub3A_895], %get3A_877 : memref<4160xi32, #tpu.memory_space<vmem>>[vector<16xi32>], vector<16xi32>,
        tpu.vector_store_idx %arg18[%sub3A_886], %unique3A_890 masked %unique3A_889 {add = true} : memref<32xi32, #tpu.memory_space<vmem>>[vector<16xi32>], vector<16xi32>, vector<16xi1>
        %while3A_896 = arith.constant 0 : i32
        scf.yield %while3A_896 : i32
      }
      %swap3A_210 = arith.constant 0 : index
      %swap3A_211 = tpu.vector_load %arg17[%swap3A_210] {strides = array<i32>} : memref<32xi32, #tpu.memory_space<vmem>>, vector<16xi32>,
      tpu.vector_store %arg17[%swap3A_210], %broadcast_in_dim3A_0 {strides = array<i32>} : memref<32xi32, #tpu.memory_space<vmem>>, vector<16xi32>,
      %swap3A_212 = arith.constant 16 : index
      %swap3A_213 = tpu.vector_load %arg17[%swap3A_212] {strides = array<i32>} : memref<32xi32, #tpu.memory_space<vmem>>, vector<16xi32>,
      tpu.vector_store %arg17[%swap3A_212], %broadcast_in_dim3A_0 {strides = array<i32>} : memref<32xi32, #tpu.memory_space<vmem>>, vector<16xi32>,
      %jit3A_214 = arith.constant 4 : i32
      %div3A_215 = arith.divsi %select_n3A_112, %jit3A_214 : i32
      %sign3A_216 = arith.constant 0 : i32
      %sign3A_217 = arith.cmpi sgt, %select_n3A_112, %sign3A_216 : i32
      %sign3A_218 = arith.extui %sign3A_217 : i1 to i32
      %sign3A_219 = arith.constant 0 : i32
      %sign3A_220 = arith.cmpi slt, %select_n3A_112, %sign3A_219 : i32
      %sign3A_221 = arith.extui %sign3A_220 : i1 to i32
      %sign3A_222 = arith.subi %sign3A_218, %sign3A_221 : i32
      %sign3A_223 = arith.constant 0 : i32
      %sign3A_224 = arith.cmpi sgt, %jit3A_214, %sign3A_223 : i32
      %sign3A_225 = arith.extui %sign3A_224 : i1 to i32
      %sign3A_226 = arith.constant 0 : i32
      %sign3A_227 = arith.cmpi slt, %jit3A_214, %sign3A_226 : i32
      %sign3A_228 = arith.extui %sign3A_227 : i1 to i32
      %sign3A_229 = arith.subi %sign3A_225, %sign3A_228 : i32
      %ne3A_230 = arith.cmpi ne, %sign3A_222, %sign3A_229 : i32
      %rem3A_231 = arith.remsi %select_n3A_112, %jit3A_214 : i32
      %ne3A_232 = arith.constant 0 : i32
      %ne3A_233 = arith.cmpi ne, %rem3A_231, %ne3A_232 : i32
      %and3A_234 = arith.andi %ne3A_230, %ne3A_233 : i1
      %sub3A_235 = arith.constant 1 : i32
      %sub3A_236 = arith.subi %div3A_215, %sub3A_235 : i32
      %select_n3A_237 = arith.select %and3A_234, %sub3A_236, %div3A_215 : i32
      %while3A_238 = arith.constant 0 : i32
      %while3A_239 = arith.constant 0 : i32
      %while3A_240 = arith.subi %select_n3A_237, %while3A_238 : i32
      %while3A_241 = arith.addi %while3A_238, %while3A_240 : i32
      %while3A_242 = arith.constant 1 : i32
      %while3A_243 = arith.divsi %while3A_240, %while3A_242 : i32
      %while3A_244 = arith.muli %while3A_243, %while3A_242 : i32
      %while3A_245 = arith.addi %while3A_238, %while3A_244 : i32
      %while3A_246 = arith.constant 1 : i32
      %while3A_247 = scf.for %while3A_829 = %while3A_238 to %while3A_245 step %while3A_246 iter_args(%while3A_830 = %while3A_239) -> (i32)  : i32 {
        %mul3A_831 = arith.constant 4 : i32
        %mul3A_832 = arith.muli %while3A_829, %mul3A_831 : i32
        %add3A_833 = arith.constant 0 : i32
        %add3A_834 = arith.addi %mul3A_832, %add3A_833 : i32
        %mul3A_835 = arith.constant 16 : i32
        %mul3A_836 = arith.muli %add3A_834, %mul3A_835 : i32
        %get3A_837 = arith.index_cast %mul3A_836 : i32 to index
        %get3A_838 = tpu.vector_load %arg13[%get3A_837] {strides = array<i32>} : memref<4160xi32, #tpu.memory_space<vmem>>, vector<16xi32>,
        %shift_right_arithmetic3A = arith.constant 5 : i32
        %shift_right_arithmetic3A_839 = vector.broadcast %shift_right_arithmetic3A : i32 to vector<16xi32>
        %shift_right_arithmetic3A_840 = arith.shrsi %get3A_838, %shift_right_arithmetic3A_839 : vector<16xi32>
        %and3A_841 = arith.constant 31 : i32
        %and3A_842 = vector.broadcast %and3A_841 : i32 to vector<16xi32>
        %and3A_843 = arith.andi %shift_right_arithmetic3A_840, %and3A_842 : vector<16xi32>
        %sub3A_844 = arith.constant 31 : i32
        %sub3A_845 = vector.broadcast %sub3A_844 : i32 to vector<16xi32>
        %sub3A_846 = arith.subi %sub3A_845, %and3A_843 : vector<16xi32>
        %broadcast_in_dim3A_847 = arith.constant true
        %broadcast_in_dim3A_848 = vector.broadcast %broadcast_in_dim3A_847 : i1 to vector<16xi1>
        %unique3A, %unique3A_849 = tpu.scan_count mask(%broadcast_in_dim3A_848 : vector<16xi1>) value(%sub3A_846 : vector<16xi32>) : vector<16xi1>, vector<16xi32>
        tpu.vector_store_idx %arg17[%sub3A_846], %unique3A_849 masked %unique3A {add = true} : memref<32xi32, #tpu.memory_space<vmem>>[vector<16xi32>], vector<16xi32>, vector<16xi1>
        %mul3A_850 = arith.constant 4 : i32
        %mul3A_851 = arith.muli %while3A_829, %mul3A_850 : i32
        %add3A_852 = arith.constant 1 : i32
        %add3A_853 = arith.addi %mul3A_851, %add3A_852 : i32
        %mul3A_854 = arith.constant 16 : i32
        %mul3A_855 = arith.muli %add3A_853, %mul3A_854 : i32
        %get3A_856 = arith.index_cast %mul3A_855 : i32 to index
        %get3A_857 = tpu.vector_load %arg13[%get3A_856] {strides = array<i32>} : memref<4160xi32, #tpu.memory_space<vmem>>, vector<16xi32>,
        %shift_right_arithmetic3A_858 = arith.constant 5 : i32
        %shift_right_arithmetic3A_859 = vector.broadcast %shift_right_arithmetic3A_858 : i32 to vector<16xi32>
        %shift_right_arithmetic3A_860 = arith.shrsi %get3A_857, %shift_right_arithmetic3A_859 : vector<16xi32>
        %and3A_861 = arith.constant 31 : i32
        %and3A_862 = vector.broadcast %and3A_861 : i32 to vector<16xi32>
        %and3A_863 = arith.andi %shift_right_arithmetic3A_860, %and3A_862 : vector<16xi32>
        %sub3A_864 = arith.constant 31 : i32
        %sub3A_865 = vector.broadcast %sub3A_864 : i32 to vector<16xi32>
        %sub3A_866 = arith.subi %sub3A_865, %and3A_863 : vector<16xi32>
        %broadcast_in_dim3A_867 = arith.constant true
        %broadcast_in_dim3A_868 = vector.broadcast %broadcast_in_dim3A_867 : i1 to vector<16xi1>
        %unique3A_869, %unique3A_870 = tpu.scan_count mask(%broadcast_in_dim3A_868 : vector<16xi1>) value(%sub3A_866 : vector<16xi32>) : vector<16xi1>, vector<16xi32>
        tpu.vector_store_idx %arg17[%sub3A_866], %unique3A_870 masked %unique3A_869 {add = true} : memref<32xi32, #tpu.memory_space<vmem>>[vector<16xi32>], vector<16xi32>, vector<16xi1>
        %mul3A_871 = arith.constant 4 : i32
        %mul3A_872 = arith.muli %while3A_829, %mul3A_871 : i32
        %add3A_873 = arith.constant 2 : i32
        %add3A_874 = arith.addi %mul3A_872, %add3A_873 : i32
        %mul3A_875 = arith.constant 16 : i32
        %mul3A_876 = arith.muli %add3A_874, %mul3A_875 : i32
        %get3A_877 = arith.index_cast %mul3A_876 : i32 to index
        %get3A_878 = tpu.vector_load %arg13[%get3A_877] {strides = array<i32>} : memref<4160xi32, #tpu.memory_space<vmem>>, vector<16xi32>,
        %shift_right_arithmetic3A_879 = arith.constant 5 : i32
        %shift_right_arithmetic3A_880 = vector.broadcast %shift_right_arithmetic3A_879 : i32 to vector<16xi32>
        %shift_right_arithmetic3A_881 = arith.shrsi %get3A_878, %shift_right_arithmetic3A_880 : vector<16xi32>
        %and3A_882 = arith.constant 31 : i32
        %and3A_883 = vector.broadcast %and3A_882 : i32 to vector<16xi32>
        %and3A_884 = arith.andi %shift_right_arithmetic3A_881, %and3A_883 : vector<16xi32>
        %sub3A_885 = arith.constant 31 : i32
        %sub3A_886 = vector.broadcast %sub3A_885 : i32 to vector<16xi32>
        %sub3A_887 = arith.subi %sub3A_886, %and3A_884 : vector<16xi32>
        %broadcast_in_dim3A_888 = arith.constant true
        %broadcast_in_dim3A_889 = vector.broadcast %broadcast_in_dim3A_888 : i1 to vector<16xi1>
        %unique3A_890, %unique3A_891 = tpu.scan_count mask(%broadcast_in_dim3A_889 : vector<16xi1>) value(%sub3A_887 : vector<16xi32>) : vector<16xi1>, vector<16xi32>
        tpu.vector_store_idx %arg17[%sub3A_887], %unique3A_891 masked %unique3A_890 {add = true} : memref<32xi32, #tpu.memory_space<vmem>>[vector<16xi32>], vector<16xi32>, vector<16xi1>
        %mul3A_892 = arith.constant 4 : i32
        %mul3A_893 = arith.muli %while3A_829, %mul3A_892 : i32
        %add3A_894 = arith.constant 3 : i32
        %add3A_895 = arith.addi %mul3A_893, %add3A_894 : i32
        %mul3A_896 = arith.constant 16 : i32
        %mul3A_897 = arith.muli %add3A_895, %mul3A_896 : i32
        %get3A_898 = arith.index_cast %mul3A_897 : i32 to index
        %get3A_899 = tpu.vector_load %arg13[%get3A_898] {strides = array<i32>} : memref<4160xi32, #tpu.memory_space<vmem>>, vector<16xi32>,
        %shift_right_arithmetic3A_900 = arith.constant 5 : i32
        %shift_right_arithmetic3A_901 = vector.broadcast %shift_right_arithmetic3A_900 : i32 to vector<16xi32>
        %shift_right_arithmetic3A_902 = arith.shrsi %get3A_899, %shift_right_arithmetic3A_901 : vector<16xi32>
        %and3A_903 = arith.constant 31 : i32
        %and3A_904 = vector.broadcast %and3A_903 : i32 to vector<16xi32>
        %and3A_905 = arith.andi %shift_right_arithmetic3A_902, %and3A_904 : vector<16xi32>
        %sub3A_906 = arith.constant 31 : i32
        %sub3A_907 = vector.broadcast %sub3A_906 : i32 to vector<16xi32>
        %sub3A_908 = arith.subi %sub3A_907, %and3A_905 : vector<16xi32>
        %broadcast_in_dim3A_909 = arith.constant true
        %broadcast_in_dim3A_910 = vector.broadcast %broadcast_in_dim3A_909 : i1 to vector<16xi1>
        %unique3A_911, %unique3A_912 = tpu.scan_count mask(%broadcast_in_dim3A_910 : vector<16xi1>) value(%sub3A_908 : vector<16xi32>) : vector<16xi1>, vector<16xi32>
        tpu.vector_store_idx %arg17[%sub3A_908], %unique3A_912 masked %unique3A_911 {add = true} : memref<32xi32, #tpu.memory_space<vmem>>[vector<16xi32>], vector<16xi32>, vector<16xi1>
        %while3A_913 = arith.constant 0 : i32
        scf.yield %while3A_913 : i32
      }
      %while3A_248 = arith.constant 1 : i32
      %while3A_249 = scf.for %while3A_829 = %while3A_245 to %while3A_241 step %while3A_248 iter_args(%while3A_830 = %while3A_247) -> (i32)  : i32 {
        %mul3A_831 = arith.constant 4 : i32
        %mul3A_832 = arith.muli %while3A_829, %mul3A_831 : i32
        %add3A_833 = arith.constant 0 : i32
        %add3A_834 = arith.addi %mul3A_832, %add3A_833 : i32
        %mul3A_835 = arith.constant 16 : i32
        %mul3A_836 = arith.muli %add3A_834, %mul3A_835 : i32
        %get3A_837 = arith.index_cast %mul3A_836 : i32 to index
        %get3A_838 = tpu.vector_load %arg13[%get3A_837] {strides = array<i32>} : memref<4160xi32, #tpu.memory_space<vmem>>, vector<16xi32>,
        %shift_right_arithmetic3A = arith.constant 5 : i32
        %shift_right_arithmetic3A_839 = vector.broadcast %shift_right_arithmetic3A : i32 to vector<16xi32>
        %shift_right_arithmetic3A_840 = arith.shrsi %get3A_838, %shift_right_arithmetic3A_839 : vector<16xi32>
        %and3A_841 = arith.constant 31 : i32
        %and3A_842 = vector.broadcast %and3A_841 : i32 to vector<16xi32>
        %and3A_843 = arith.andi %shift_right_arithmetic3A_840, %and3A_842 : vector<16xi32>
        %sub3A_844 = arith.constant 31 : i32
        %sub3A_845 = vector.broadcast %sub3A_844 : i32 to vector<16xi32>
        %sub3A_846 = arith.subi %sub3A_845, %and3A_843 : vector<16xi32>
        %broadcast_in_dim3A_847 = arith.constant true
        %broadcast_in_dim3A_848 = vector.broadcast %broadcast_in_dim3A_847 : i1 to vector<16xi1>
        %unique3A, %unique3A_849 = tpu.scan_count mask(%broadcast_in_dim3A_848 : vector<16xi1>) value(%sub3A_846 : vector<16xi32>) : vector<16xi1>, vector<16xi32>
        tpu.vector_store_idx %arg17[%sub3A_846], %unique3A_849 masked %unique3A {add = true} : memref<32xi32, #tpu.memory_space<vmem>>[vector<16xi32>], vector<16xi32>, vector<16xi1>
        %mul3A_850 = arith.constant 4 : i32
        %mul3A_851 = arith.muli %while3A_829, %mul3A_850 : i32
        %add3A_852 = arith.constant 1 : i32
        %add3A_853 = arith.addi %mul3A_851, %add3A_852 : i32
        %mul3A_854 = arith.constant 16 : i32
        %mul3A_855 = arith.muli %add3A_853, %mul3A_854 : i32
        %get3A_856 = arith.index_cast %mul3A_855 : i32 to index
        %get3A_857 = tpu.vector_load %arg13[%get3A_856] {strides = array<i32>} : memref<4160xi32, #tpu.memory_space<vmem>>, vector<16xi32>,
        %shift_right_arithmetic3A_858 = arith.constant 5 : i32
        %shift_right_arithmetic3A_859 = vector.broadcast %shift_right_arithmetic3A_858 : i32 to vector<16xi32>
        %shift_right_arithmetic3A_860 = arith.shrsi %get3A_857, %shift_right_arithmetic3A_859 : vector<16xi32>
        %and3A_861 = arith.constant 31 : i32
        %and3A_862 = vector.broadcast %and3A_861 : i32 to vector<16xi32>
        %and3A_863 = arith.andi %shift_right_arithmetic3A_860, %and3A_862 : vector<16xi32>
        %sub3A_864 = arith.constant 31 : i32
        %sub3A_865 = vector.broadcast %sub3A_864 : i32 to vector<16xi32>
        %sub3A_866 = arith.subi %sub3A_865, %and3A_863 : vector<16xi32>
        %broadcast_in_dim3A_867 = arith.constant true
        %broadcast_in_dim3A_868 = vector.broadcast %broadcast_in_dim3A_867 : i1 to vector<16xi1>
        %unique3A_869, %unique3A_870 = tpu.scan_count mask(%broadcast_in_dim3A_868 : vector<16xi1>) value(%sub3A_866 : vector<16xi32>) : vector<16xi1>, vector<16xi32>
        tpu.vector_store_idx %arg17[%sub3A_866], %unique3A_870 masked %unique3A_869 {add = true} : memref<32xi32, #tpu.memory_space<vmem>>[vector<16xi32>], vector<16xi32>, vector<16xi1>
        %mul3A_871 = arith.constant 4 : i32
        %mul3A_872 = arith.muli %while3A_829, %mul3A_871 : i32
        %add3A_873 = arith.constant 2 : i32
        %add3A_874 = arith.addi %mul3A_872, %add3A_873 : i32
        %mul3A_875 = arith.constant 16 : i32
        %mul3A_876 = arith.muli %add3A_874, %mul3A_875 : i32
        %get3A_877 = arith.index_cast %mul3A_876 : i32 to index
        %get3A_878 = tpu.vector_load %arg13[%get3A_877] {strides = array<i32>} : memref<4160xi32, #tpu.memory_space<vmem>>, vector<16xi32>,
        %shift_right_arithmetic3A_879 = arith.constant 5 : i32
        %shift_right_arithmetic3A_880 = vector.broadcast %shift_right_arithmetic3A_879 : i32 to vector<16xi32>
        %shift_right_arithmetic3A_881 = arith.shrsi %get3A_878, %shift_right_arithmetic3A_880 : vector<16xi32>
        %and3A_882 = arith.constant 31 : i32
        %and3A_883 = vector.broadcast %and3A_882 : i32 to vector<16xi32>
        %and3A_884 = arith.andi %shift_right_arithmetic3A_881, %and3A_883 : vector<16xi32>
        %sub3A_885 = arith.constant 31 : i32
        %sub3A_886 = vector.broadcast %sub3A_885 : i32 to vector<16xi32>
        %sub3A_887 = arith.subi %sub3A_886, %and3A_884 : vector<16xi32>
        %broadcast_in_dim3A_888 = arith.constant true
        %broadcast_in_dim3A_889 = vector.broadcast %broadcast_in_dim3A_888 : i1 to vector<16xi1>
        %unique3A_890, %unique3A_891 = tpu.scan_count mask(%broadcast_in_dim3A_889 : vector<16xi1>) value(%sub3A_887 : vector<16xi32>) : vector<16xi1>, vector<16xi32>
        tpu.vector_store_idx %arg17[%sub3A_887], %unique3A_891 masked %unique3A_890 {add = true} : memref<32xi32, #tpu.memory_space<vmem>>[vector<16xi32>], vector<16xi32>, vector<16xi1>
        %mul3A_892 = arith.constant 4 : i32
        %mul3A_893 = arith.muli %while3A_829, %mul3A_892 : i32
        %add3A_894 = arith.constant 3 : i32
        %add3A_895 = arith.addi %mul3A_893, %add3A_894 : i32
        %mul3A_896 = arith.constant 16 : i32
        %mul3A_897 = arith.muli %add3A_895, %mul3A_896 : i32
        %get3A_898 = arith.index_cast %mul3A_897 : i32 to index
        %get3A_899 = tpu.vector_load %arg13[%get3A_898] {strides = array<i32>} : memref<4160xi32, #tpu.memory_space<vmem>>, vector<16xi32>,
        %shift_right_arithmetic3A_900 = arith.constant 5 : i32
        %shift_right_arithmetic3A_901 = vector.broadcast %shift_right_arithmetic3A_900 : i32 to vector<16xi32>
        %shift_right_arithmetic3A_902 = arith.shrsi %get3A_899, %shift_right_arithmetic3A_901 : vector<16xi32>
        %and3A_903 = arith.constant 31 : i32
        %and3A_904 = vector.broadcast %and3A_903 : i32 to vector<16xi32>
        %and3A_905 = arith.andi %shift_right_arithmetic3A_902, %and3A_904 : vector<16xi32>
        %sub3A_906 = arith.constant 31 : i32
        %sub3A_907 = vector.broadcast %sub3A_906 : i32 to vector<16xi32>
        %sub3A_908 = arith.subi %sub3A_907, %and3A_905 : vector<16xi32>
        %broadcast_in_dim3A_909 = arith.constant true
        %broadcast_in_dim3A_910 = vector.broadcast %broadcast_in_dim3A_909 : i1 to vector<16xi1>
        %unique3A_911, %unique3A_912 = tpu.scan_count mask(%broadcast_in_dim3A_910 : vector<16xi1>) value(%sub3A_908 : vector<16xi32>) : vector<16xi1>, vector<16xi32>
        tpu.vector_store_idx %arg17[%sub3A_908], %unique3A_912 masked %unique3A_911 {add = true} : memref<32xi32, #tpu.memory_space<vmem>>[vector<16xi32>], vector<16xi32>, vector<16xi1>
        %while3A_913 = arith.constant 0 : i32
        scf.yield %while3A_913 : i32
      }
      %get3A_250 = arith.constant 0 : index
      %get3A_251 = tpu.vector_load %arg17[%get3A_250] {strides = array<i32>} : memref<32xi32, #tpu.memory_space<vmem>>, vector<16xi32>,
      %get3A_252 = arith.constant 16 : index
      %get3A_253 = tpu.vector_load %arg17[%get3A_252] {strides = array<i32>} : memref<32xi32, #tpu.memory_space<vmem>>, vector<16xi32>,
      %broadcast_in_dim3A_254 = arith.constant true
      %broadcast_in_dim3A_255 = vector.broadcast %broadcast_in_dim3A_254 : i1 to vector<16xi1>
      %masked_cumsum3A_256 = tpu.scan <sum>, %get3A_251 masked %broadcast_in_dim3A_255 : vector<16xi32>, vector<16xi1> -> vector<16xi32>
      %broadcast_in_dim3A_257 = arith.constant true
      %broadcast_in_dim3A_258 = vector.broadcast %broadcast_in_dim3A_257 : i1 to vector<16xi1>
      %masked_cumsum3A_259 = tpu.scan <sum>, %get3A_253 masked %broadcast_in_dim3A_258 : vector<16xi32>, vector<16xi1> -> vector<16xi32>
      %sub3A_260 = arith.subi %masked_cumsum3A_256, %get3A_251 : vector<16xi32>
      %swap3A_261 = arith.constant 0 : index
      %swap3A_262 = tpu.vector_load %arg18[%swap3A_261] {strides = array<i32>} : memref<32xi32, #tpu.memory_space<vmem>>, vector<16xi32>,
      tpu.vector_store %arg18[%swap3A_261], %sub3A_260 {strides = array<i32>} : memref<32xi32, #tpu.memory_space<vmem>>, vector<16xi32>,
      %sub3A_263 = arith.subi %masked_cumsum3A_259, %get3A_253 : vector<16xi32>
      %reduce_max3A_264 = arith.constant true
      %reduce_max3A_265 = vector.broadcast %reduce_max3A_264 : i1 to vector<16xi1>
      %reduce_max3A_266 = arith.constant -2147483648 : i32
      %reduce_max3A_267 = vector.broadcast %reduce_max3A_266 : i32 to vector<16xi32>
      %reduce_max3A_268 = arith.xori %masked_cumsum3A_256, %reduce_max3A_267 : vector<16xi32>
      %reduce_max3A_269 = tpu.scan <max>, %reduce_max3A_268 masked %reduce_max3A_265 : vector<16xi32>, vector<16xi1> -> vector<16xi32>
      %reduce_max3A_270 = arith.xori %reduce_max3A_269, %reduce_max3A_267 : vector<16xi32>
      %reduce_max3A_271 = vector.extract %reduce_max3A_270[15] : i32 from vector<16xi32>
      %add3A_272 = vector.broadcast %reduce_max3A_271 : i32 to vector<16xi32>
      %add3A_273 = arith.addi %sub3A_263, %add3A_272 : vector<16xi32>
      %swap3A_274 = arith.constant 16 : index
      %swap3A_275 = tpu.vector_load %arg18[%swap3A_274] {strides = array<i32>} : memref<32xi32, #tpu.memory_space<vmem>>, vector<16xi32>,
      tpu.vector_store %arg18[%swap3A_274], %add3A_273 {strides = array<i32>} : memref<32xi32, #tpu.memory_space<vmem>>, vector<16xi32>,
      %jit3A_276 = arith.constant 2 : i32
      %div3A_277 = arith.divsi %select_n3A_112, %jit3A_276 : i32
      %sign3A_278 = arith.constant 0 : i32
      %sign3A_279 = arith.cmpi sgt, %select_n3A_112, %sign3A_278 : i32
      %sign3A_280 = arith.extui %sign3A_279 : i1 to i32
      %sign3A_281 = arith.constant 0 : i32
      %sign3A_282 = arith.cmpi slt, %select_n3A_112, %sign3A_281 : i32
      %sign3A_283 = arith.extui %sign3A_282 : i1 to i32
      %sign3A_284 = arith.subi %sign3A_280, %sign3A_283 : i32
      %sign3A_285 = arith.constant 0 : i32
      %sign3A_286 = arith.cmpi sgt, %jit3A_276, %sign3A_285 : i32
      %sign3A_287 = arith.extui %sign3A_286 : i1 to i32
      %sign3A_288 = arith.constant 0 : i32
      %sign3A_289 = arith.cmpi slt, %jit3A_276, %sign3A_288 : i32
      %sign3A_290 = arith.extui %sign3A_289 : i1 to i32
      %sign3A_291 = arith.subi %sign3A_287, %sign3A_290 : i32
      %ne3A_292 = arith.cmpi ne, %sign3A_284, %sign3A_291 : i32
      %rem3A_293 = arith.remsi %select_n3A_112, %jit3A_276 : i32
      %ne3A_294 = arith.constant 0 : i32
      %ne3A_295 = arith.cmpi ne, %rem3A_293, %ne3A_294 : i32
      %and3A_296 = arith.andi %ne3A_292, %ne3A_295 : i1
      %sub3A_297 = arith.constant 1 : i32
      %sub3A_298 = arith.subi %div3A_277, %sub3A_297 : i32
      %select_n3A_299 = arith.select %and3A_296, %sub3A_298, %div3A_277 : i32
      %while3A_300 = arith.constant 0 : i32
      %while3A_301 = arith.constant 0 : i32
      %while3A_302 = arith.subi %select_n3A_299, %while3A_300 : i32
      %while3A_303 = arith.addi %while3A_300, %while3A_302 : i32
      %while3A_304 = arith.constant 1 : i32
      %while3A_305 = arith.divsi %while3A_302, %while3A_304 : i32
      %while3A_306 = arith.muli %while3A_305, %while3A_304 : i32
      %while3A_307 = arith.addi %while3A_300, %while3A_306 : i32
      %while3A_308 = arith.constant 1 : i32
      %while3A_309 = scf.for %while3A_829 = %while3A_300 to %while3A_307 step %while3A_308 iter_args(%while3A_830 = %while3A_301) -> (i32)  : i32 {
        %mul3A_831 = arith.constant 2 : i32
        %mul3A_832 = arith.muli %while3A_829, %mul3A_831 : i32
        %add3A_833 = arith.constant 0 : i32
        %add3A_834 = arith.addi %mul3A_832, %add3A_833 : i32
        %mul3A_835 = arith.constant 16 : i32
        %mul3A_836 = arith.muli %add3A_834, %mul3A_835 : i32
        %get3A_837 = arith.index_cast %mul3A_836 : i32 to index
        %get3A_838 = tpu.vector_load %arg13[%get3A_837] {strides = array<i32>} : memref<4160xi32, #tpu.memory_space<vmem>>, vector<16xi32>,
        %mul3A_839 = arith.constant 2 : i32
        %mul3A_840 = arith.muli %while3A_829, %mul3A_839 : i32
        %add3A_841 = arith.constant 0 : i32
        %add3A_842 = arith.addi %mul3A_840, %add3A_841 : i32
        %mul3A_843 = arith.constant 16 : i32
        %mul3A_844 = arith.muli %add3A_842, %mul3A_843 : i32
        %get3A_845 = arith.index_cast %mul3A_844 : i32 to index
        %get3A_846 = tpu.vector_load %arg15[%get3A_845] {strides = array<i32>} : memref<4160xi32, #tpu.memory_space<vmem>>, vector<16xi32>,
        %shift_right_arithmetic3A = arith.constant 5 : i32
        %shift_right_arithmetic3A_847 = vector.broadcast %shift_right_arithmetic3A : i32 to vector<16xi32>
        %shift_right_arithmetic3A_848 = arith.shrsi %get3A_838, %shift_right_arithmetic3A_847 : vector<16xi32>
        %and3A_849 = arith.constant 31 : i32
        %and3A_850 = vector.broadcast %and3A_849 : i32 to vector<16xi32>
        %and3A_851 = arith.andi %shift_right_arithmetic3A_848, %and3A_850 : vector<16xi32>
        %sub3A_852 = arith.constant 31 : i32
        %sub3A_853 = vector.broadcast %sub3A_852 : i32 to vector<16xi32>
        %sub3A_854 = arith.subi %sub3A_853, %and3A_851 : vector<16xi32>
        %broadcast_in_dim3A_855 = arith.constant true
        %broadcast_in_dim3A_856 = vector.broadcast %broadcast_in_dim3A_855 : i1 to vector<16xi1>
        %unique3A, %unique3A_857 = tpu.scan_count mask(%broadcast_in_dim3A_856 : vector<16xi1>) value(%sub3A_854 : vector<16xi32>) : vector<16xi1>, vector<16xi32>
        %gather3A = tpu.vector_load_idx %arg18[%sub3A_854] : memref<32xi32, #tpu.memory_space<vmem>>[vector<16xi32>], vector<16xi32>,
        %add3A_858 = arith.addi %gather3A, %unique3A_857 : vector<16xi32>
        %sub3A_859 = arith.constant 1 : i32
        %sub3A_860 = vector.broadcast %sub3A_859 : i32 to vector<16xi32>
        %sub3A_861 = arith.subi %add3A_858, %sub3A_860 : vector<16xi32>
        tpu.vector_store_idx %arg12[%sub3A_861], %get3A_838 : memref<4160xi32, #tpu.memory_space<vmem>>[vector<16xi32>], vector<16xi32>,
        tpu.vector_store_idx %arg14[%sub3A_861], %get3A_846 : memref<4160xi32, #tpu.memory_space<vmem>>[vector<16xi32>], vector<16xi32>,
        tpu.vector_store_idx %arg18[%sub3A_854], %unique3A_857 masked %unique3A {add = true} : memref<32xi32, #tpu.memory_space<vmem>>[vector<16xi32>], vector<16xi32>, vector<16xi1>
        %mul3A_862 = arith.constant 2 : i32
        %mul3A_863 = arith.muli %while3A_829, %mul3A_862 : i32
        %add3A_864 = arith.constant 1 : i32
        %add3A_865 = arith.addi %mul3A_863, %add3A_864 : i32
        %mul3A_866 = arith.constant 16 : i32
        %mul3A_867 = arith.muli %add3A_865, %mul3A_866 : i32
        %get3A_868 = arith.index_cast %mul3A_867 : i32 to index
        %get3A_869 = tpu.vector_load %arg13[%get3A_868] {strides = array<i32>} : memref<4160xi32, #tpu.memory_space<vmem>>, vector<16xi32>,
        %mul3A_870 = arith.constant 2 : i32
        %mul3A_871 = arith.muli %while3A_829, %mul3A_870 : i32
        %add3A_872 = arith.constant 1 : i32
        %add3A_873 = arith.addi %mul3A_871, %add3A_872 : i32
        %mul3A_874 = arith.constant 16 : i32
        %mul3A_875 = arith.muli %add3A_873, %mul3A_874 : i32
        %get3A_876 = arith.index_cast %mul3A_875 : i32 to index
        %get3A_877 = tpu.vector_load %arg15[%get3A_876] {strides = array<i32>} : memref<4160xi32, #tpu.memory_space<vmem>>, vector<16xi32>,
        %shift_right_arithmetic3A_878 = arith.constant 5 : i32
        %shift_right_arithmetic3A_879 = vector.broadcast %shift_right_arithmetic3A_878 : i32 to vector<16xi32>
        %shift_right_arithmetic3A_880 = arith.shrsi %get3A_869, %shift_right_arithmetic3A_879 : vector<16xi32>
        %and3A_881 = arith.constant 31 : i32
        %and3A_882 = vector.broadcast %and3A_881 : i32 to vector<16xi32>
        %and3A_883 = arith.andi %shift_right_arithmetic3A_880, %and3A_882 : vector<16xi32>
        %sub3A_884 = arith.constant 31 : i32
        %sub3A_885 = vector.broadcast %sub3A_884 : i32 to vector<16xi32>
        %sub3A_886 = arith.subi %sub3A_885, %and3A_883 : vector<16xi32>
        %broadcast_in_dim3A_887 = arith.constant true
        %broadcast_in_dim3A_888 = vector.broadcast %broadcast_in_dim3A_887 : i1 to vector<16xi1>
        %unique3A_889, %unique3A_890 = tpu.scan_count mask(%broadcast_in_dim3A_888 : vector<16xi1>) value(%sub3A_886 : vector<16xi32>) : vector<16xi1>, vector<16xi32>
        %gather3A_891 = tpu.vector_load_idx %arg18[%sub3A_886] : memref<32xi32, #tpu.memory_space<vmem>>[vector<16xi32>], vector<16xi32>,
        %add3A_892 = arith.addi %gather3A_891, %unique3A_890 : vector<16xi32>
        %sub3A_893 = arith.constant 1 : i32
        %sub3A_894 = vector.broadcast %sub3A_893 : i32 to vector<16xi32>
        %sub3A_895 = arith.subi %add3A_892, %sub3A_894 : vector<16xi32>
        tpu.vector_store_idx %arg12[%sub3A_895], %get3A_869 : memref<4160xi32, #tpu.memory_space<vmem>>[vector<16xi32>], vector<16xi32>,
        tpu.vector_store_idx %arg14[%sub3A_895], %get3A_877 : memref<4160xi32, #tpu.memory_space<vmem>>[vector<16xi32>], vector<16xi32>,
        tpu.vector_store_idx %arg18[%sub3A_886], %unique3A_890 masked %unique3A_889 {add = true} : memref<32xi32, #tpu.memory_space<vmem>>[vector<16xi32>], vector<16xi32>, vector<16xi1>
        %while3A_896 = arith.constant 0 : i32
        scf.yield %while3A_896 : i32
      }
      %while3A_310 = arith.constant 1 : i32
      %while3A_311 = scf.for %while3A_829 = %while3A_307 to %while3A_303 step %while3A_310 iter_args(%while3A_830 = %while3A_309) -> (i32)  : i32 {
        %mul3A_831 = arith.constant 2 : i32
        %mul3A_832 = arith.muli %while3A_829, %mul3A_831 : i32
        %add3A_833 = arith.constant 0 : i32
        %add3A_834 = arith.addi %mul3A_832, %add3A_833 : i32
        %mul3A_835 = arith.constant 16 : i32
        %mul3A_836 = arith.muli %add3A_834, %mul3A_835 : i32
        %get3A_837 = arith.index_cast %mul3A_836 : i32 to index
        %get3A_838 = tpu.vector_load %arg13[%get3A_837] {strides = array<i32>} : memref<4160xi32, #tpu.memory_space<vmem>>, vector<16xi32>,
        %mul3A_839 = arith.constant 2 : i32
        %mul3A_840 = arith.muli %while3A_829, %mul3A_839 : i32
        %add3A_841 = arith.constant 0 : i32
        %add3A_842 = arith.addi %mul3A_840, %add3A_841 : i32
        %mul3A_843 = arith.constant 16 : i32
        %mul3A_844 = arith.muli %add3A_842, %mul3A_843 : i32
        %get3A_845 = arith.index_cast %mul3A_844 : i32 to index
        %get3A_846 = tpu.vector_load %arg15[%get3A_845] {strides = array<i32>} : memref<4160xi32, #tpu.memory_space<vmem>>, vector<16xi32>,
        %shift_right_arithmetic3A = arith.constant 5 : i32
        %shift_right_arithmetic3A_847 = vector.broadcast %shift_right_arithmetic3A : i32 to vector<16xi32>
        %shift_right_arithmetic3A_848 = arith.shrsi %get3A_838, %shift_right_arithmetic3A_847 : vector<16xi32>
        %and3A_849 = arith.constant 31 : i32
        %and3A_850 = vector.broadcast %and3A_849 : i32 to vector<16xi32>
        %and3A_851 = arith.andi %shift_right_arithmetic3A_848, %and3A_850 : vector<16xi32>
        %sub3A_852 = arith.constant 31 : i32
        %sub3A_853 = vector.broadcast %sub3A_852 : i32 to vector<16xi32>
        %sub3A_854 = arith.subi %sub3A_853, %and3A_851 : vector<16xi32>
        %broadcast_in_dim3A_855 = arith.constant true
        %broadcast_in_dim3A_856 = vector.broadcast %broadcast_in_dim3A_855 : i1 to vector<16xi1>
        %unique3A, %unique3A_857 = tpu.scan_count mask(%broadcast_in_dim3A_856 : vector<16xi1>) value(%sub3A_854 : vector<16xi32>) : vector<16xi1>, vector<16xi32>
        %gather3A = tpu.vector_load_idx %arg18[%sub3A_854] : memref<32xi32, #tpu.memory_space<vmem>>[vector<16xi32>], vector<16xi32>,
        %add3A_858 = arith.addi %gather3A, %unique3A_857 : vector<16xi32>
        %sub3A_859 = arith.constant 1 : i32
        %sub3A_860 = vector.broadcast %sub3A_859 : i32 to vector<16xi32>
        %sub3A_861 = arith.subi %add3A_858, %sub3A_860 : vector<16xi32>
        tpu.vector_store_idx %arg12[%sub3A_861], %get3A_838 : memref<4160xi32, #tpu.memory_space<vmem>>[vector<16xi32>], vector<16xi32>,
        tpu.vector_store_idx %arg14[%sub3A_861], %get3A_846 : memref<4160xi32, #tpu.memory_space<vmem>>[vector<16xi32>], vector<16xi32>,
        tpu.vector_store_idx %arg18[%sub3A_854], %unique3A_857 masked %unique3A {add = true} : memref<32xi32, #tpu.memory_space<vmem>>[vector<16xi32>], vector<16xi32>, vector<16xi1>
        %mul3A_862 = arith.constant 2 : i32
        %mul3A_863 = arith.muli %while3A_829, %mul3A_862 : i32
        %add3A_864 = arith.constant 1 : i32
        %add3A_865 = arith.addi %mul3A_863, %add3A_864 : i32
        %mul3A_866 = arith.constant 16 : i32
        %mul3A_867 = arith.muli %add3A_865, %mul3A_866 : i32
        %get3A_868 = arith.index_cast %mul3A_867 : i32 to index
        %get3A_869 = tpu.vector_load %arg13[%get3A_868] {strides = array<i32>} : memref<4160xi32, #tpu.memory_space<vmem>>, vector<16xi32>,
        %mul3A_870 = arith.constant 2 : i32
        %mul3A_871 = arith.muli %while3A_829, %mul3A_870 : i32
        %add3A_872 = arith.constant 1 : i32
        %add3A_873 = arith.addi %mul3A_871, %add3A_872 : i32
        %mul3A_874 = arith.constant 16 : i32
        %mul3A_875 = arith.muli %add3A_873, %mul3A_874 : i32
        %get3A_876 = arith.index_cast %mul3A_875 : i32 to index
        %get3A_877 = tpu.vector_load %arg15[%get3A_876] {strides = array<i32>} : memref<4160xi32, #tpu.memory_space<vmem>>, vector<16xi32>,
        %shift_right_arithmetic3A_878 = arith.constant 5 : i32
        %shift_right_arithmetic3A_879 = vector.broadcast %shift_right_arithmetic3A_878 : i32 to vector<16xi32>
        %shift_right_arithmetic3A_880 = arith.shrsi %get3A_869, %shift_right_arithmetic3A_879 : vector<16xi32>
        %and3A_881 = arith.constant 31 : i32
        %and3A_882 = vector.broadcast %and3A_881 : i32 to vector<16xi32>
        %and3A_883 = arith.andi %shift_right_arithmetic3A_880, %and3A_882 : vector<16xi32>
        %sub3A_884 = arith.constant 31 : i32
        %sub3A_885 = vector.broadcast %sub3A_884 : i32 to vector<16xi32>
        %sub3A_886 = arith.subi %sub3A_885, %and3A_883 : vector<16xi32>
        %broadcast_in_dim3A_887 = arith.constant true
        %broadcast_in_dim3A_888 = vector.broadcast %broadcast_in_dim3A_887 : i1 to vector<16xi1>
        %unique3A_889, %unique3A_890 = tpu.scan_count mask(%broadcast_in_dim3A_888 : vector<16xi1>) value(%sub3A_886 : vector<16xi32>) : vector<16xi1>, vector<16xi32>
        %gather3A_891 = tpu.vector_load_idx %arg18[%sub3A_886] : memref<32xi32, #tpu.memory_space<vmem>>[vector<16xi32>], vector<16xi32>,
        %add3A_892 = arith.addi %gather3A_891, %unique3A_890 : vector<16xi32>
        %sub3A_893 = arith.constant 1 : i32
        %sub3A_894 = vector.broadcast %sub3A_893 : i32 to vector<16xi32>
        %sub3A_895 = arith.subi %add3A_892, %sub3A_894 : vector<16xi32>
        tpu.vector_store_idx %arg12[%sub3A_895], %get3A_869 : memref<4160xi32, #tpu.memory_space<vmem>>[vector<16xi32>], vector<16xi32>,
        tpu.vector_store_idx %arg14[%sub3A_895], %get3A_877 : memref<4160xi32, #tpu.memory_space<vmem>>[vector<16xi32>], vector<16xi32>,
        tpu.vector_store_idx %arg18[%sub3A_886], %unique3A_890 masked %unique3A_889 {add = true} : memref<32xi32, #tpu.memory_space<vmem>>[vector<16xi32>], vector<16xi32>, vector<16xi1>
        %while3A_896 = arith.constant 0 : i32
        scf.yield %while3A_896 : i32
      }
      %swap3A_312 = arith.constant 0 : index
      %swap3A_313 = tpu.vector_load %arg17[%swap3A_312] {strides = array<i32>} : memref<32xi32, #tpu.memory_space<vmem>>, vector<16xi32>,
      tpu.vector_store %arg17[%swap3A_312], %broadcast_in_dim3A_0 {strides = array<i32>} : memref<32xi32, #tpu.memory_space<vmem>>, vector<16xi32>,
      %swap3A_314 = arith.constant 16 : index
      %swap3A_315 = tpu.vector_load %arg17[%swap3A_314] {strides = array<i32>} : memref<32xi32, #tpu.memory_space<vmem>>, vector<16xi32>,
      tpu.vector_store %arg17[%swap3A_314], %broadcast_in_dim3A_0 {strides = array<i32>} : memref<32xi32, #tpu.memory_space<vmem>>, vector<16xi32>,
      %jit3A_316 = arith.constant 4 : i32
      %div3A_317 = arith.divsi %select_n3A_112, %jit3A_316 : i32
      %sign3A_318 = arith.constant 0 : i32
      %sign3A_319 = arith.cmpi sgt, %select_n3A_112, %sign3A_318 : i32
      %sign3A_320 = arith.extui %sign3A_319 : i1 to i32
      %sign3A_321 = arith.constant 0 : i32
      %sign3A_322 = arith.cmpi slt, %select_n3A_112, %sign3A_321 : i32
      %sign3A_323 = arith.extui %sign3A_322 : i1 to i32
      %sign3A_324 = arith.subi %sign3A_320, %sign3A_323 : i32
      %sign3A_325 = arith.constant 0 : i32
      %sign3A_326 = arith.cmpi sgt, %jit3A_316, %sign3A_325 : i32
      %sign3A_327 = arith.extui %sign3A_326 : i1 to i32
      %sign3A_328 = arith.constant 0 : i32
      %sign3A_329 = arith.cmpi slt, %jit3A_316, %sign3A_328 : i32
      %sign3A_330 = arith.extui %sign3A_329 : i1 to i32
      %sign3A_331 = arith.subi %sign3A_327, %sign3A_330 : i32
      %ne3A_332 = arith.cmpi ne, %sign3A_324, %sign3A_331 : i32
      %rem3A_333 = arith.remsi %select_n3A_112, %jit3A_316 : i32
      %ne3A_334 = arith.constant 0 : i32
      %ne3A_335 = arith.cmpi ne, %rem3A_333, %ne3A_334 : i32
      %and3A_336 = arith.andi %ne3A_332, %ne3A_335 : i1
      %sub3A_337 = arith.constant 1 : i32
      %sub3A_338 = arith.subi %div3A_317, %sub3A_337 : i32
      %select_n3A_339 = arith.select %and3A_336, %sub3A_338, %div3A_317 : i32
      %while3A_340 = arith.constant 0 : i32
      %while3A_341 = arith.constant 0 : i32
      %while3A_342 = arith.subi %select_n3A_339, %while3A_340 : i32
      %while3A_343 = arith.addi %while3A_340, %while3A_342 : i32
      %while3A_344 = arith.constant 1 : i32
      %while3A_345 = arith.divsi %while3A_342, %while3A_344 : i32
      %while3A_346 = arith.muli %while3A_345, %while3A_344 : i32
      %while3A_347 = arith.addi %while3A_340, %while3A_346 : i32
      %while3A_348 = arith.constant 1 : i32
      %while3A_349 = scf.for %while3A_829 = %while3A_340 to %while3A_347 step %while3A_348 iter_args(%while3A_830 = %while3A_341) -> (i32)  : i32 {
        %mul3A_831 = arith.constant 4 : i32
        %mul3A_832 = arith.muli %while3A_829, %mul3A_831 : i32
        %add3A_833 = arith.constant 0 : i32
        %add3A_834 = arith.addi %mul3A_832, %add3A_833 : i32
        %mul3A_835 = arith.constant 16 : i32
        %mul3A_836 = arith.muli %add3A_834, %mul3A_835 : i32
        %get3A_837 = arith.index_cast %mul3A_836 : i32 to index
        %get3A_838 = tpu.vector_load %arg12[%get3A_837] {strides = array<i32>} : memref<4160xi32, #tpu.memory_space<vmem>>, vector<16xi32>,
        %shift_right_arithmetic3A = arith.constant 10 : i32
        %shift_right_arithmetic3A_839 = vector.broadcast %shift_right_arithmetic3A : i32 to vector<16xi32>
        %shift_right_arithmetic3A_840 = arith.shrsi %get3A_838, %shift_right_arithmetic3A_839 : vector<16xi32>
        %and3A_841 = arith.constant 31 : i32
        %and3A_842 = vector.broadcast %and3A_841 : i32 to vector<16xi32>
        %and3A_843 = arith.andi %shift_right_arithmetic3A_840, %and3A_842 : vector<16xi32>
        %sub3A_844 = arith.constant 31 : i32
        %sub3A_845 = vector.broadcast %sub3A_844 : i32 to vector<16xi32>
        %sub3A_846 = arith.subi %sub3A_845, %and3A_843 : vector<16xi32>
        %broadcast_in_dim3A_847 = arith.constant true
        %broadcast_in_dim3A_848 = vector.broadcast %broadcast_in_dim3A_847 : i1 to vector<16xi1>
        %unique3A, %unique3A_849 = tpu.scan_count mask(%broadcast_in_dim3A_848 : vector<16xi1>) value(%sub3A_846 : vector<16xi32>) : vector<16xi1>, vector<16xi32>
        tpu.vector_store_idx %arg17[%sub3A_846], %unique3A_849 masked %unique3A {add = true} : memref<32xi32, #tpu.memory_space<vmem>>[vector<16xi32>], vector<16xi32>, vector<16xi1>
        %mul3A_850 = arith.constant 4 : i32
        %mul3A_851 = arith.muli %while3A_829, %mul3A_850 : i32
        %add3A_852 = arith.constant 1 : i32
        %add3A_853 = arith.addi %mul3A_851, %add3A_852 : i32
        %mul3A_854 = arith.constant 16 : i32
        %mul3A_855 = arith.muli %add3A_853, %mul3A_854 : i32
        %get3A_856 = arith.index_cast %mul3A_855 : i32 to index
        %get3A_857 = tpu.vector_load %arg12[%get3A_856] {strides = array<i32>} : memref<4160xi32, #tpu.memory_space<vmem>>, vector<16xi32>,
        %shift_right_arithmetic3A_858 = arith.constant 10 : i32
        %shift_right_arithmetic3A_859 = vector.broadcast %shift_right_arithmetic3A_858 : i32 to vector<16xi32>
        %shift_right_arithmetic3A_860 = arith.shrsi %get3A_857, %shift_right_arithmetic3A_859 : vector<16xi32>
        %and3A_861 = arith.constant 31 : i32
        %and3A_862 = vector.broadcast %and3A_861 : i32 to vector<16xi32>
        %and3A_863 = arith.andi %shift_right_arithmetic3A_860, %and3A_862 : vector<16xi32>
        %sub3A_864 = arith.constant 31 : i32
        %sub3A_865 = vector.broadcast %sub3A_864 : i32 to vector<16xi32>
        %sub3A_866 = arith.subi %sub3A_865, %and3A_863 : vector<16xi32>
        %broadcast_in_dim3A_867 = arith.constant true
        %broadcast_in_dim3A_868 = vector.broadcast %broadcast_in_dim3A_867 : i1 to vector<16xi1>
        %unique3A_869, %unique3A_870 = tpu.scan_count mask(%broadcast_in_dim3A_868 : vector<16xi1>) value(%sub3A_866 : vector<16xi32>) : vector<16xi1>, vector<16xi32>
        tpu.vector_store_idx %arg17[%sub3A_866], %unique3A_870 masked %unique3A_869 {add = true} : memref<32xi32, #tpu.memory_space<vmem>>[vector<16xi32>], vector<16xi32>, vector<16xi1>
        %mul3A_871 = arith.constant 4 : i32
        %mul3A_872 = arith.muli %while3A_829, %mul3A_871 : i32
        %add3A_873 = arith.constant 2 : i32
        %add3A_874 = arith.addi %mul3A_872, %add3A_873 : i32
        %mul3A_875 = arith.constant 16 : i32
        %mul3A_876 = arith.muli %add3A_874, %mul3A_875 : i32
        %get3A_877 = arith.index_cast %mul3A_876 : i32 to index
        %get3A_878 = tpu.vector_load %arg12[%get3A_877] {strides = array<i32>} : memref<4160xi32, #tpu.memory_space<vmem>>, vector<16xi32>,
        %shift_right_arithmetic3A_879 = arith.constant 10 : i32
        %shift_right_arithmetic3A_880 = vector.broadcast %shift_right_arithmetic3A_879 : i32 to vector<16xi32>
        %shift_right_arithmetic3A_881 = arith.shrsi %get3A_878, %shift_right_arithmetic3A_880 : vector<16xi32>
        %and3A_882 = arith.constant 31 : i32
        %and3A_883 = vector.broadcast %and3A_882 : i32 to vector<16xi32>
        %and3A_884 = arith.andi %shift_right_arithmetic3A_881, %and3A_883 : vector<16xi32>
        %sub3A_885 = arith.constant 31 : i32
        %sub3A_886 = vector.broadcast %sub3A_885 : i32 to vector<16xi32>
        %sub3A_887 = arith.subi %sub3A_886, %and3A_884 : vector<16xi32>
        %broadcast_in_dim3A_888 = arith.constant true
        %broadcast_in_dim3A_889 = vector.broadcast %broadcast_in_dim3A_888 : i1 to vector<16xi1>
        %unique3A_890, %unique3A_891 = tpu.scan_count mask(%broadcast_in_dim3A_889 : vector<16xi1>) value(%sub3A_887 : vector<16xi32>) : vector<16xi1>, vector<16xi32>
        tpu.vector_store_idx %arg17[%sub3A_887], %unique3A_891 masked %unique3A_890 {add = true} : memref<32xi32, #tpu.memory_space<vmem>>[vector<16xi32>], vector<16xi32>, vector<16xi1>
        %mul3A_892 = arith.constant 4 : i32
        %mul3A_893 = arith.muli %while3A_829, %mul3A_892 : i32
        %add3A_894 = arith.constant 3 : i32
        %add3A_895 = arith.addi %mul3A_893, %add3A_894 : i32
        %mul3A_896 = arith.constant 16 : i32
        %mul3A_897 = arith.muli %add3A_895, %mul3A_896 : i32
        %get3A_898 = arith.index_cast %mul3A_897 : i32 to index
        %get3A_899 = tpu.vector_load %arg12[%get3A_898] {strides = array<i32>} : memref<4160xi32, #tpu.memory_space<vmem>>, vector<16xi32>,
        %shift_right_arithmetic3A_900 = arith.constant 10 : i32
        %shift_right_arithmetic3A_901 = vector.broadcast %shift_right_arithmetic3A_900 : i32 to vector<16xi32>
        %shift_right_arithmetic3A_902 = arith.shrsi %get3A_899, %shift_right_arithmetic3A_901 : vector<16xi32>
        %and3A_903 = arith.constant 31 : i32
        %and3A_904 = vector.broadcast %and3A_903 : i32 to vector<16xi32>
        %and3A_905 = arith.andi %shift_right_arithmetic3A_902, %and3A_904 : vector<16xi32>
        %sub3A_906 = arith.constant 31 : i32
        %sub3A_907 = vector.broadcast %sub3A_906 : i32 to vector<16xi32>
        %sub3A_908 = arith.subi %sub3A_907, %and3A_905 : vector<16xi32>
        %broadcast_in_dim3A_909 = arith.constant true
        %broadcast_in_dim3A_910 = vector.broadcast %broadcast_in_dim3A_909 : i1 to vector<16xi1>
        %unique3A_911, %unique3A_912 = tpu.scan_count mask(%broadcast_in_dim3A_910 : vector<16xi1>) value(%sub3A_908 : vector<16xi32>) : vector<16xi1>, vector<16xi32>
        tpu.vector_store_idx %arg17[%sub3A_908], %unique3A_912 masked %unique3A_911 {add = true} : memref<32xi32, #tpu.memory_space<vmem>>[vector<16xi32>], vector<16xi32>, vector<16xi1>
        %while3A_913 = arith.constant 0 : i32
        scf.yield %while3A_913 : i32
      }
      %while3A_350 = arith.constant 1 : i32
      %while3A_351 = scf.for %while3A_829 = %while3A_347 to %while3A_343 step %while3A_350 iter_args(%while3A_830 = %while3A_349) -> (i32)  : i32 {
        %mul3A_831 = arith.constant 4 : i32
        %mul3A_832 = arith.muli %while3A_829, %mul3A_831 : i32
        %add3A_833 = arith.constant 0 : i32
        %add3A_834 = arith.addi %mul3A_832, %add3A_833 : i32
        %mul3A_835 = arith.constant 16 : i32
        %mul3A_836 = arith.muli %add3A_834, %mul3A_835 : i32
        %get3A_837 = arith.index_cast %mul3A_836 : i32 to index
        %get3A_838 = tpu.vector_load %arg12[%get3A_837] {strides = array<i32>} : memref<4160xi32, #tpu.memory_space<vmem>>, vector<16xi32>,
        %shift_right_arithmetic3A = arith.constant 10 : i32
        %shift_right_arithmetic3A_839 = vector.broadcast %shift_right_arithmetic3A : i32 to vector<16xi32>
        %shift_right_arithmetic3A_840 = arith.shrsi %get3A_838, %shift_right_arithmetic3A_839 : vector<16xi32>
        %and3A_841 = arith.constant 31 : i32
        %and3A_842 = vector.broadcast %and3A_841 : i32 to vector<16xi32>
        %and3A_843 = arith.andi %shift_right_arithmetic3A_840, %and3A_842 : vector<16xi32>
        %sub3A_844 = arith.constant 31 : i32
        %sub3A_845 = vector.broadcast %sub3A_844 : i32 to vector<16xi32>
        %sub3A_846 = arith.subi %sub3A_845, %and3A_843 : vector<16xi32>
        %broadcast_in_dim3A_847 = arith.constant true
        %broadcast_in_dim3A_848 = vector.broadcast %broadcast_in_dim3A_847 : i1 to vector<16xi1>
        %unique3A, %unique3A_849 = tpu.scan_count mask(%broadcast_in_dim3A_848 : vector<16xi1>) value(%sub3A_846 : vector<16xi32>) : vector<16xi1>, vector<16xi32>
        tpu.vector_store_idx %arg17[%sub3A_846], %unique3A_849 masked %unique3A {add = true} : memref<32xi32, #tpu.memory_space<vmem>>[vector<16xi32>], vector<16xi32>, vector<16xi1>
        %mul3A_850 = arith.constant 4 : i32
        %mul3A_851 = arith.muli %while3A_829, %mul3A_850 : i32
        %add3A_852 = arith.constant 1 : i32
        %add3A_853 = arith.addi %mul3A_851, %add3A_852 : i32
        %mul3A_854 = arith.constant 16 : i32
        %mul3A_855 = arith.muli %add3A_853, %mul3A_854 : i32
        %get3A_856 = arith.index_cast %mul3A_855 : i32 to index
        %get3A_857 = tpu.vector_load %arg12[%get3A_856] {strides = array<i32>} : memref<4160xi32, #tpu.memory_space<vmem>>, vector<16xi32>,
        %shift_right_arithmetic3A_858 = arith.constant 10 : i32
        %shift_right_arithmetic3A_859 = vector.broadcast %shift_right_arithmetic3A_858 : i32 to vector<16xi32>
        %shift_right_arithmetic3A_860 = arith.shrsi %get3A_857, %shift_right_arithmetic3A_859 : vector<16xi32>
        %and3A_861 = arith.constant 31 : i32
        %and3A_862 = vector.broadcast %and3A_861 : i32 to vector<16xi32>
        %and3A_863 = arith.andi %shift_right_arithmetic3A_860, %and3A_862 : vector<16xi32>
        %sub3A_864 = arith.constant 31 : i32
        %sub3A_865 = vector.broadcast %sub3A_864 : i32 to vector<16xi32>
        %sub3A_866 = arith.subi %sub3A_865, %and3A_863 : vector<16xi32>
        %broadcast_in_dim3A_867 = arith.constant true
        %broadcast_in_dim3A_868 = vector.broadcast %broadcast_in_dim3A_867 : i1 to vector<16xi1>
        %unique3A_869, %unique3A_870 = tpu.scan_count mask(%broadcast_in_dim3A_868 : vector<16xi1>) value(%sub3A_866 : vector<16xi32>) : vector<16xi1>, vector<16xi32>
        tpu.vector_store_idx %arg17[%sub3A_866], %unique3A_870 masked %unique3A_869 {add = true} : memref<32xi32, #tpu.memory_space<vmem>>[vector<16xi32>], vector<16xi32>, vector<16xi1>
        %mul3A_871 = arith.constant 4 : i32
        %mul3A_872 = arith.muli %while3A_829, %mul3A_871 : i32
        %add3A_873 = arith.constant 2 : i32
        %add3A_874 = arith.addi %mul3A_872, %add3A_873 : i32
        %mul3A_875 = arith.constant 16 : i32
        %mul3A_876 = arith.muli %add3A_874, %mul3A_875 : i32
        %get3A_877 = arith.index_cast %mul3A_876 : i32 to index
        %get3A_878 = tpu.vector_load %arg12[%get3A_877] {strides = array<i32>} : memref<4160xi32, #tpu.memory_space<vmem>>, vector<16xi32>,
        %shift_right_arithmetic3A_879 = arith.constant 10 : i32
        %shift_right_arithmetic3A_880 = vector.broadcast %shift_right_arithmetic3A_879 : i32 to vector<16xi32>
        %shift_right_arithmetic3A_881 = arith.shrsi %get3A_878, %shift_right_arithmetic3A_880 : vector<16xi32>
        %and3A_882 = arith.constant 31 : i32
        %and3A_883 = vector.broadcast %and3A_882 : i32 to vector<16xi32>
        %and3A_884 = arith.andi %shift_right_arithmetic3A_881, %and3A_883 : vector<16xi32>
        %sub3A_885 = arith.constant 31 : i32
        %sub3A_886 = vector.broadcast %sub3A_885 : i32 to vector<16xi32>
        %sub3A_887 = arith.subi %sub3A_886, %and3A_884 : vector<16xi32>
        %broadcast_in_dim3A_888 = arith.constant true
        %broadcast_in_dim3A_889 = vector.broadcast %broadcast_in_dim3A_888 : i1 to vector<16xi1>
        %unique3A_890, %unique3A_891 = tpu.scan_count mask(%broadcast_in_dim3A_889 : vector<16xi1>) value(%sub3A_887 : vector<16xi32>) : vector<16xi1>, vector<16xi32>
        tpu.vector_store_idx %arg17[%sub3A_887], %unique3A_891 masked %unique3A_890 {add = true} : memref<32xi32, #tpu.memory_space<vmem>>[vector<16xi32>], vector<16xi32>, vector<16xi1>
        %mul3A_892 = arith.constant 4 : i32
        %mul3A_893 = arith.muli %while3A_829, %mul3A_892 : i32
        %add3A_894 = arith.constant 3 : i32
        %add3A_895 = arith.addi %mul3A_893, %add3A_894 : i32
        %mul3A_896 = arith.constant 16 : i32
        %mul3A_897 = arith.muli %add3A_895, %mul3A_896 : i32
        %get3A_898 = arith.index_cast %mul3A_897 : i32 to index
        %get3A_899 = tpu.vector_load %arg12[%get3A_898] {strides = array<i32>} : memref<4160xi32, #tpu.memory_space<vmem>>, vector<16xi32>,
        %shift_right_arithmetic3A_900 = arith.constant 10 : i32
        %shift_right_arithmetic3A_901 = vector.broadcast %shift_right_arithmetic3A_900 : i32 to vector<16xi32>
        %shift_right_arithmetic3A_902 = arith.shrsi %get3A_899, %shift_right_arithmetic3A_901 : vector<16xi32>
        %and3A_903 = arith.constant 31 : i32
        %and3A_904 = vector.broadcast %and3A_903 : i32 to vector<16xi32>
        %and3A_905 = arith.andi %shift_right_arithmetic3A_902, %and3A_904 : vector<16xi32>
        %sub3A_906 = arith.constant 31 : i32
        %sub3A_907 = vector.broadcast %sub3A_906 : i32 to vector<16xi32>
        %sub3A_908 = arith.subi %sub3A_907, %and3A_905 : vector<16xi32>
        %broadcast_in_dim3A_909 = arith.constant true
        %broadcast_in_dim3A_910 = vector.broadcast %broadcast_in_dim3A_909 : i1 to vector<16xi1>
        %unique3A_911, %unique3A_912 = tpu.scan_count mask(%broadcast_in_dim3A_910 : vector<16xi1>) value(%sub3A_908 : vector<16xi32>) : vector<16xi1>, vector<16xi32>
        tpu.vector_store_idx %arg17[%sub3A_908], %unique3A_912 masked %unique3A_911 {add = true} : memref<32xi32, #tpu.memory_space<vmem>>[vector<16xi32>], vector<16xi32>, vector<16xi1>
        %while3A_913 = arith.constant 0 : i32
        scf.yield %while3A_913 : i32
      }
      %get3A_352 = arith.constant 0 : index
      %get3A_353 = tpu.vector_load %arg17[%get3A_352] {strides = array<i32>} : memref<32xi32, #tpu.memory_space<vmem>>, vector<16xi32>,
      %get3A_354 = arith.constant 16 : index
      %get3A_355 = tpu.vector_load %arg17[%get3A_354] {strides = array<i32>} : memref<32xi32, #tpu.memory_space<vmem>>, vector<16xi32>,
      %broadcast_in_dim3A_356 = arith.constant true
      %broadcast_in_dim3A_357 = vector.broadcast %broadcast_in_dim3A_356 : i1 to vector<16xi1>
      %masked_cumsum3A_358 = tpu.scan <sum>, %get3A_353 masked %broadcast_in_dim3A_357 : vector<16xi32>, vector<16xi1> -> vector<16xi32>
      %broadcast_in_dim3A_359 = arith.constant true
      %broadcast_in_dim3A_360 = vector.broadcast %broadcast_in_dim3A_359 : i1 to vector<16xi1>
      %masked_cumsum3A_361 = tpu.scan <sum>, %get3A_355 masked %broadcast_in_dim3A_360 : vector<16xi32>, vector<16xi1> -> vector<16xi32>
      %sub3A_362 = arith.subi %masked_cumsum3A_358, %get3A_353 : vector<16xi32>
      %swap3A_363 = arith.constant 0 : index
      %swap3A_364 = tpu.vector_load %arg18[%swap3A_363] {strides = array<i32>} : memref<32xi32, #tpu.memory_space<vmem>>, vector<16xi32>,
      tpu.vector_store %arg18[%swap3A_363], %sub3A_362 {strides = array<i32>} : memref<32xi32, #tpu.memory_space<vmem>>, vector<16xi32>,
      %sub3A_365 = arith.subi %masked_cumsum3A_361, %get3A_355 : vector<16xi32>
      %reduce_max3A_366 = arith.constant true
      %reduce_max3A_367 = vector.broadcast %reduce_max3A_366 : i1 to vector<16xi1>
      %reduce_max3A_368 = arith.constant -2147483648 : i32
      %reduce_max3A_369 = vector.broadcast %reduce_max3A_368 : i32 to vector<16xi32>
      %reduce_max3A_370 = arith.xori %masked_cumsum3A_358, %reduce_max3A_369 : vector<16xi32>
      %reduce_max3A_371 = tpu.scan <max>, %reduce_max3A_370 masked %reduce_max3A_367 : vector<16xi32>, vector<16xi1> -> vector<16xi32>
      %reduce_max3A_372 = arith.xori %reduce_max3A_371, %reduce_max3A_369 : vector<16xi32>
      %reduce_max3A_373 = vector.extract %reduce_max3A_372[15] : i32 from vector<16xi32>
      %add3A_374 = vector.broadcast %reduce_max3A_373 : i32 to vector<16xi32>
      %add3A_375 = arith.addi %sub3A_365, %add3A_374 : vector<16xi32>
      %swap3A_376 = arith.constant 16 : index
      %swap3A_377 = tpu.vector_load %arg18[%swap3A_376] {strides = array<i32>} : memref<32xi32, #tpu.memory_space<vmem>>, vector<16xi32>,
      tpu.vector_store %arg18[%swap3A_376], %add3A_375 {strides = array<i32>} : memref<32xi32, #tpu.memory_space<vmem>>, vector<16xi32>,
      %jit3A_378 = arith.constant 2 : i32
      %div3A_379 = arith.divsi %select_n3A_112, %jit3A_378 : i32
      %sign3A_380 = arith.constant 0 : i32
      %sign3A_381 = arith.cmpi sgt, %select_n3A_112, %sign3A_380 : i32
      %sign3A_382 = arith.extui %sign3A_381 : i1 to i32
      %sign3A_383 = arith.constant 0 : i32
      %sign3A_384 = arith.cmpi slt, %select_n3A_112, %sign3A_383 : i32
      %sign3A_385 = arith.extui %sign3A_384 : i1 to i32
      %sign3A_386 = arith.subi %sign3A_382, %sign3A_385 : i32
      %sign3A_387 = arith.constant 0 : i32
      %sign3A_388 = arith.cmpi sgt, %jit3A_378, %sign3A_387 : i32
      %sign3A_389 = arith.extui %sign3A_388 : i1 to i32
      %sign3A_390 = arith.constant 0 : i32
      %sign3A_391 = arith.cmpi slt, %jit3A_378, %sign3A_390 : i32
      %sign3A_392 = arith.extui %sign3A_391 : i1 to i32
      %sign3A_393 = arith.subi %sign3A_389, %sign3A_392 : i32
      %ne3A_394 = arith.cmpi ne, %sign3A_386, %sign3A_393 : i32
      %rem3A_395 = arith.remsi %select_n3A_112, %jit3A_378 : i32
      %ne3A_396 = arith.constant 0 : i32
      %ne3A_397 = arith.cmpi ne, %rem3A_395, %ne3A_396 : i32
      %and3A_398 = arith.andi %ne3A_394, %ne3A_397 : i1
      %sub3A_399 = arith.constant 1 : i32
      %sub3A_400 = arith.subi %div3A_379, %sub3A_399 : i32
      %select_n3A_401 = arith.select %and3A_398, %sub3A_400, %div3A_379 : i32
      %while3A_402 = arith.constant 0 : i32
      %while3A_403 = arith.constant 0 : i32
      %while3A_404 = arith.subi %select_n3A_401, %while3A_402 : i32
      %while3A_405 = arith.addi %while3A_402, %while3A_404 : i32
      %while3A_406 = arith.constant 1 : i32
      %while3A_407 = arith.divsi %while3A_404, %while3A_406 : i32
      %while3A_408 = arith.muli %while3A_407, %while3A_406 : i32
      %while3A_409 = arith.addi %while3A_402, %while3A_408 : i32
      %while3A_410 = arith.constant 1 : i32
      %while3A_411 = scf.for %while3A_829 = %while3A_402 to %while3A_409 step %while3A_410 iter_args(%while3A_830 = %while3A_403) -> (i32)  : i32 {
        %mul3A_831 = arith.constant 2 : i32
        %mul3A_832 = arith.muli %while3A_829, %mul3A_831 : i32
        %add3A_833 = arith.constant 0 : i32
        %add3A_834 = arith.addi %mul3A_832, %add3A_833 : i32
        %mul3A_835 = arith.constant 16 : i32
        %mul3A_836 = arith.muli %add3A_834, %mul3A_835 : i32
        %get3A_837 = arith.index_cast %mul3A_836 : i32 to index
        %get3A_838 = tpu.vector_load %arg12[%get3A_837] {strides = array<i32>} : memref<4160xi32, #tpu.memory_space<vmem>>, vector<16xi32>,
        %mul3A_839 = arith.constant 2 : i32
        %mul3A_840 = arith.muli %while3A_829, %mul3A_839 : i32
        %add3A_841 = arith.constant 0 : i32
        %add3A_842 = arith.addi %mul3A_840, %add3A_841 : i32
        %mul3A_843 = arith.constant 16 : i32
        %mul3A_844 = arith.muli %add3A_842, %mul3A_843 : i32
        %get3A_845 = arith.index_cast %mul3A_844 : i32 to index
        %get3A_846 = tpu.vector_load %arg14[%get3A_845] {strides = array<i32>} : memref<4160xi32, #tpu.memory_space<vmem>>, vector<16xi32>,
        %shift_right_arithmetic3A = arith.constant 10 : i32
        %shift_right_arithmetic3A_847 = vector.broadcast %shift_right_arithmetic3A : i32 to vector<16xi32>
        %shift_right_arithmetic3A_848 = arith.shrsi %get3A_838, %shift_right_arithmetic3A_847 : vector<16xi32>
        %and3A_849 = arith.constant 31 : i32
        %and3A_850 = vector.broadcast %and3A_849 : i32 to vector<16xi32>
        %and3A_851 = arith.andi %shift_right_arithmetic3A_848, %and3A_850 : vector<16xi32>
        %sub3A_852 = arith.constant 31 : i32
        %sub3A_853 = vector.broadcast %sub3A_852 : i32 to vector<16xi32>
        %sub3A_854 = arith.subi %sub3A_853, %and3A_851 : vector<16xi32>
        %broadcast_in_dim3A_855 = arith.constant true
        %broadcast_in_dim3A_856 = vector.broadcast %broadcast_in_dim3A_855 : i1 to vector<16xi1>
        %unique3A, %unique3A_857 = tpu.scan_count mask(%broadcast_in_dim3A_856 : vector<16xi1>) value(%sub3A_854 : vector<16xi32>) : vector<16xi1>, vector<16xi32>
        %gather3A = tpu.vector_load_idx %arg18[%sub3A_854] : memref<32xi32, #tpu.memory_space<vmem>>[vector<16xi32>], vector<16xi32>,
        %add3A_858 = arith.addi %gather3A, %unique3A_857 : vector<16xi32>
        %sub3A_859 = arith.constant 1 : i32
        %sub3A_860 = vector.broadcast %sub3A_859 : i32 to vector<16xi32>
        %sub3A_861 = arith.subi %add3A_858, %sub3A_860 : vector<16xi32>
        tpu.vector_store_idx %arg13[%sub3A_861], %get3A_838 : memref<4160xi32, #tpu.memory_space<vmem>>[vector<16xi32>], vector<16xi32>,
        tpu.vector_store_idx %arg15[%sub3A_861], %get3A_846 : memref<4160xi32, #tpu.memory_space<vmem>>[vector<16xi32>], vector<16xi32>,
        tpu.vector_store_idx %arg18[%sub3A_854], %unique3A_857 masked %unique3A {add = true} : memref<32xi32, #tpu.memory_space<vmem>>[vector<16xi32>], vector<16xi32>, vector<16xi1>
        %mul3A_862 = arith.constant 2 : i32
        %mul3A_863 = arith.muli %while3A_829, %mul3A_862 : i32
        %add3A_864 = arith.constant 1 : i32
        %add3A_865 = arith.addi %mul3A_863, %add3A_864 : i32
        %mul3A_866 = arith.constant 16 : i32
        %mul3A_867 = arith.muli %add3A_865, %mul3A_866 : i32
        %get3A_868 = arith.index_cast %mul3A_867 : i32 to index
        %get3A_869 = tpu.vector_load %arg12[%get3A_868] {strides = array<i32>} : memref<4160xi32, #tpu.memory_space<vmem>>, vector<16xi32>,
        %mul3A_870 = arith.constant 2 : i32
        %mul3A_871 = arith.muli %while3A_829, %mul3A_870 : i32
        %add3A_872 = arith.constant 1 : i32
        %add3A_873 = arith.addi %mul3A_871, %add3A_872 : i32
        %mul3A_874 = arith.constant 16 : i32
        %mul3A_875 = arith.muli %add3A_873, %mul3A_874 : i32
        %get3A_876 = arith.index_cast %mul3A_875 : i32 to index
        %get3A_877 = tpu.vector_load %arg14[%get3A_876] {strides = array<i32>} : memref<4160xi32, #tpu.memory_space<vmem>>, vector<16xi32>,
        %shift_right_arithmetic3A_878 = arith.constant 10 : i32
        %shift_right_arithmetic3A_879 = vector.broadcast %shift_right_arithmetic3A_878 : i32 to vector<16xi32>
        %shift_right_arithmetic3A_880 = arith.shrsi %get3A_869, %shift_right_arithmetic3A_879 : vector<16xi32>
        %and3A_881 = arith.constant 31 : i32
        %and3A_882 = vector.broadcast %and3A_881 : i32 to vector<16xi32>
        %and3A_883 = arith.andi %shift_right_arithmetic3A_880, %and3A_882 : vector<16xi32>
        %sub3A_884 = arith.constant 31 : i32
        %sub3A_885 = vector.broadcast %sub3A_884 : i32 to vector<16xi32>
        %sub3A_886 = arith.subi %sub3A_885, %and3A_883 : vector<16xi32>
        %broadcast_in_dim3A_887 = arith.constant true
        %broadcast_in_dim3A_888 = vector.broadcast %broadcast_in_dim3A_887 : i1 to vector<16xi1>
        %unique3A_889, %unique3A_890 = tpu.scan_count mask(%broadcast_in_dim3A_888 : vector<16xi1>) value(%sub3A_886 : vector<16xi32>) : vector<16xi1>, vector<16xi32>
        %gather3A_891 = tpu.vector_load_idx %arg18[%sub3A_886] : memref<32xi32, #tpu.memory_space<vmem>>[vector<16xi32>], vector<16xi32>,
        %add3A_892 = arith.addi %gather3A_891, %unique3A_890 : vector<16xi32>
        %sub3A_893 = arith.constant 1 : i32
        %sub3A_894 = vector.broadcast %sub3A_893 : i32 to vector<16xi32>
        %sub3A_895 = arith.subi %add3A_892, %sub3A_894 : vector<16xi32>
        tpu.vector_store_idx %arg13[%sub3A_895], %get3A_869 : memref<4160xi32, #tpu.memory_space<vmem>>[vector<16xi32>], vector<16xi32>,
        tpu.vector_store_idx %arg15[%sub3A_895], %get3A_877 : memref<4160xi32, #tpu.memory_space<vmem>>[vector<16xi32>], vector<16xi32>,
        tpu.vector_store_idx %arg18[%sub3A_886], %unique3A_890 masked %unique3A_889 {add = true} : memref<32xi32, #tpu.memory_space<vmem>>[vector<16xi32>], vector<16xi32>, vector<16xi1>
        %while3A_896 = arith.constant 0 : i32
        scf.yield %while3A_896 : i32
      }
      %while3A_412 = arith.constant 1 : i32
      %while3A_413 = scf.for %while3A_829 = %while3A_409 to %while3A_405 step %while3A_412 iter_args(%while3A_830 = %while3A_411) -> (i32)  : i32 {
        %mul3A_831 = arith.constant 2 : i32
        %mul3A_832 = arith.muli %while3A_829, %mul3A_831 : i32
        %add3A_833 = arith.constant 0 : i32
        %add3A_834 = arith.addi %mul3A_832, %add3A_833 : i32
        %mul3A_835 = arith.constant 16 : i32
        %mul3A_836 = arith.muli %add3A_834, %mul3A_835 : i32
        %get3A_837 = arith.index_cast %mul3A_836 : i32 to index
        %get3A_838 = tpu.vector_load %arg12[%get3A_837] {strides = array<i32>} : memref<4160xi32, #tpu.memory_space<vmem>>, vector<16xi32>,
        %mul3A_839 = arith.constant 2 : i32
        %mul3A_840 = arith.muli %while3A_829, %mul3A_839 : i32
        %add3A_841 = arith.constant 0 : i32
        %add3A_842 = arith.addi %mul3A_840, %add3A_841 : i32
        %mul3A_843 = arith.constant 16 : i32
        %mul3A_844 = arith.muli %add3A_842, %mul3A_843 : i32
        %get3A_845 = arith.index_cast %mul3A_844 : i32 to index
        %get3A_846 = tpu.vector_load %arg14[%get3A_845] {strides = array<i32>} : memref<4160xi32, #tpu.memory_space<vmem>>, vector<16xi32>,
        %shift_right_arithmetic3A = arith.constant 10 : i32
        %shift_right_arithmetic3A_847 = vector.broadcast %shift_right_arithmetic3A : i32 to vector<16xi32>
        %shift_right_arithmetic3A_848 = arith.shrsi %get3A_838, %shift_right_arithmetic3A_847 : vector<16xi32>
        %and3A_849 = arith.constant 31 : i32
        %and3A_850 = vector.broadcast %and3A_849 : i32 to vector<16xi32>
        %and3A_851 = arith.andi %shift_right_arithmetic3A_848, %and3A_850 : vector<16xi32>
        %sub3A_852 = arith.constant 31 : i32
        %sub3A_853 = vector.broadcast %sub3A_852 : i32 to vector<16xi32>
        %sub3A_854 = arith.subi %sub3A_853, %and3A_851 : vector<16xi32>
        %broadcast_in_dim3A_855 = arith.constant true
        %broadcast_in_dim3A_856 = vector.broadcast %broadcast_in_dim3A_855 : i1 to vector<16xi1>
        %unique3A, %unique3A_857 = tpu.scan_count mask(%broadcast_in_dim3A_856 : vector<16xi1>) value(%sub3A_854 : vector<16xi32>) : vector<16xi1>, vector<16xi32>
        %gather3A = tpu.vector_load_idx %arg18[%sub3A_854] : memref<32xi32, #tpu.memory_space<vmem>>[vector<16xi32>], vector<16xi32>,
        %add3A_858 = arith.addi %gather3A, %unique3A_857 : vector<16xi32>
        %sub3A_859 = arith.constant 1 : i32
        %sub3A_860 = vector.broadcast %sub3A_859 : i32 to vector<16xi32>
        %sub3A_861 = arith.subi %add3A_858, %sub3A_860 : vector<16xi32>
        tpu.vector_store_idx %arg13[%sub3A_861], %get3A_838 : memref<4160xi32, #tpu.memory_space<vmem>>[vector<16xi32>], vector<16xi32>,
        tpu.vector_store_idx %arg15[%sub3A_861], %get3A_846 : memref<4160xi32, #tpu.memory_space<vmem>>[vector<16xi32>], vector<16xi32>,
        tpu.vector_store_idx %arg18[%sub3A_854], %unique3A_857 masked %unique3A {add = true} : memref<32xi32, #tpu.memory_space<vmem>>[vector<16xi32>], vector<16xi32>, vector<16xi1>
        %mul3A_862 = arith.constant 2 : i32
        %mul3A_863 = arith.muli %while3A_829, %mul3A_862 : i32
        %add3A_864 = arith.constant 1 : i32
        %add3A_865 = arith.addi %mul3A_863, %add3A_864 : i32
        %mul3A_866 = arith.constant 16 : i32
        %mul3A_867 = arith.muli %add3A_865, %mul3A_866 : i32
        %get3A_868 = arith.index_cast %mul3A_867 : i32 to index
        %get3A_869 = tpu.vector_load %arg12[%get3A_868] {strides = array<i32>} : memref<4160xi32, #tpu.memory_space<vmem>>, vector<16xi32>,
        %mul3A_870 = arith.constant 2 : i32
        %mul3A_871 = arith.muli %while3A_829, %mul3A_870 : i32
        %add3A_872 = arith.constant 1 : i32
        %add3A_873 = arith.addi %mul3A_871, %add3A_872 : i32
        %mul3A_874 = arith.constant 16 : i32
        %mul3A_875 = arith.muli %add3A_873, %mul3A_874 : i32
        %get3A_876 = arith.index_cast %mul3A_875 : i32 to index
        %get3A_877 = tpu.vector_load %arg14[%get3A_876] {strides = array<i32>} : memref<4160xi32, #tpu.memory_space<vmem>>, vector<16xi32>,
        %shift_right_arithmetic3A_878 = arith.constant 10 : i32
        %shift_right_arithmetic3A_879 = vector.broadcast %shift_right_arithmetic3A_878 : i32 to vector<16xi32>
        %shift_right_arithmetic3A_880 = arith.shrsi %get3A_869, %shift_right_arithmetic3A_879 : vector<16xi32>
        %and3A_881 = arith.constant 31 : i32
        %and3A_882 = vector.broadcast %and3A_881 : i32 to vector<16xi32>
        %and3A_883 = arith.andi %shift_right_arithmetic3A_880, %and3A_882 : vector<16xi32>
        %sub3A_884 = arith.constant 31 : i32
        %sub3A_885 = vector.broadcast %sub3A_884 : i32 to vector<16xi32>
        %sub3A_886 = arith.subi %sub3A_885, %and3A_883 : vector<16xi32>
        %broadcast_in_dim3A_887 = arith.constant true
        %broadcast_in_dim3A_888 = vector.broadcast %broadcast_in_dim3A_887 : i1 to vector<16xi1>
        %unique3A_889, %unique3A_890 = tpu.scan_count mask(%broadcast_in_dim3A_888 : vector<16xi1>) value(%sub3A_886 : vector<16xi32>) : vector<16xi1>, vector<16xi32>
        %gather3A_891 = tpu.vector_load_idx %arg18[%sub3A_886] : memref<32xi32, #tpu.memory_space<vmem>>[vector<16xi32>], vector<16xi32>,
        %add3A_892 = arith.addi %gather3A_891, %unique3A_890 : vector<16xi32>
        %sub3A_893 = arith.constant 1 : i32
        %sub3A_894 = vector.broadcast %sub3A_893 : i32 to vector<16xi32>
        %sub3A_895 = arith.subi %add3A_892, %sub3A_894 : vector<16xi32>
        tpu.vector_store_idx %arg13[%sub3A_895], %get3A_869 : memref<4160xi32, #tpu.memory_space<vmem>>[vector<16xi32>], vector<16xi32>,
        tpu.vector_store_idx %arg15[%sub3A_895], %get3A_877 : memref<4160xi32, #tpu.memory_space<vmem>>[vector<16xi32>], vector<16xi32>,
        tpu.vector_store_idx %arg18[%sub3A_886], %unique3A_890 masked %unique3A_889 {add = true} : memref<32xi32, #tpu.memory_space<vmem>>[vector<16xi32>], vector<16xi32>, vector<16xi1>
        %while3A_896 = arith.constant 0 : i32
        scf.yield %while3A_896 : i32
      }
      %swap3A_414 = arith.constant 0 : index
      %swap3A_415 = tpu.vector_load %arg17[%swap3A_414] {strides = array<i32>} : memref<32xi32, #tpu.memory_space<vmem>>, vector<16xi32>,
      tpu.vector_store %arg17[%swap3A_414], %broadcast_in_dim3A_0 {strides = array<i32>} : memref<32xi32, #tpu.memory_space<vmem>>, vector<16xi32>,
      %swap3A_416 = arith.constant 16 : index
      %swap3A_417 = tpu.vector_load %arg17[%swap3A_416] {strides = array<i32>} : memref<32xi32, #tpu.memory_space<vmem>>, vector<16xi32>,
      tpu.vector_store %arg17[%swap3A_416], %broadcast_in_dim3A_0 {strides = array<i32>} : memref<32xi32, #tpu.memory_space<vmem>>, vector<16xi32>,
      %jit3A_418 = arith.constant 4 : i32
      %div3A_419 = arith.divsi %select_n3A_112, %jit3A_418 : i32
      %sign3A_420 = arith.constant 0 : i32
      %sign3A_421 = arith.cmpi sgt, %select_n3A_112, %sign3A_420 : i32
      %sign3A_422 = arith.extui %sign3A_421 : i1 to i32
      %sign3A_423 = arith.constant 0 : i32
      %sign3A_424 = arith.cmpi slt, %select_n3A_112, %sign3A_423 : i32
      %sign3A_425 = arith.extui %sign3A_424 : i1 to i32
      %sign3A_426 = arith.subi %sign3A_422, %sign3A_425 : i32
      %sign3A_427 = arith.constant 0 : i32
      %sign3A_428 = arith.cmpi sgt, %jit3A_418, %sign3A_427 : i32
      %sign3A_429 = arith.extui %sign3A_428 : i1 to i32
      %sign3A_430 = arith.constant 0 : i32
      %sign3A_431 = arith.cmpi slt, %jit3A_418, %sign3A_430 : i32
      %sign3A_432 = arith.extui %sign3A_431 : i1 to i32
      %sign3A_433 = arith.subi %sign3A_429, %sign3A_432 : i32
      %ne3A_434 = arith.cmpi ne, %sign3A_426, %sign3A_433 : i32
      %rem3A_435 = arith.remsi %select_n3A_112, %jit3A_418 : i32
      %ne3A_436 = arith.constant 0 : i32
      %ne3A_437 = arith.cmpi ne, %rem3A_435, %ne3A_436 : i32
      %and3A_438 = arith.andi %ne3A_434, %ne3A_437 : i1
      %sub3A_439 = arith.constant 1 : i32
      %sub3A_440 = arith.subi %div3A_419, %sub3A_439 : i32
      %select_n3A_441 = arith.select %and3A_438, %sub3A_440, %div3A_419 : i32
      %while3A_442 = arith.constant 0 : i32
      %while3A_443 = arith.constant 0 : i32
      %while3A_444 = arith.subi %select_n3A_441, %while3A_442 : i32
      %while3A_445 = arith.addi %while3A_442, %while3A_444 : i32
      %while3A_446 = arith.constant 1 : i32
      %while3A_447 = arith.divsi %while3A_444, %while3A_446 : i32
      %while3A_448 = arith.muli %while3A_447, %while3A_446 : i32
      %while3A_449 = arith.addi %while3A_442, %while3A_448 : i32
      %while3A_450 = arith.constant 1 : i32
      %while3A_451 = scf.for %while3A_829 = %while3A_442 to %while3A_449 step %while3A_450 iter_args(%while3A_830 = %while3A_443) -> (i32)  : i32 {
        %mul3A_831 = arith.constant 4 : i32
        %mul3A_832 = arith.muli %while3A_829, %mul3A_831 : i32
        %add3A_833 = arith.constant 0 : i32
        %add3A_834 = arith.addi %mul3A_832, %add3A_833 : i32
        %mul3A_835 = arith.constant 16 : i32
        %mul3A_836 = arith.muli %add3A_834, %mul3A_835 : i32
        %get3A_837 = arith.index_cast %mul3A_836 : i32 to index
        %get3A_838 = tpu.vector_load %arg13[%get3A_837] {strides = array<i32>} : memref<4160xi32, #tpu.memory_space<vmem>>, vector<16xi32>,
        %shift_right_arithmetic3A = arith.constant 15 : i32
        %shift_right_arithmetic3A_839 = vector.broadcast %shift_right_arithmetic3A : i32 to vector<16xi32>
        %shift_right_arithmetic3A_840 = arith.shrsi %get3A_838, %shift_right_arithmetic3A_839 : vector<16xi32>
        %and3A_841 = arith.constant 31 : i32
        %and3A_842 = vector.broadcast %and3A_841 : i32 to vector<16xi32>
        %and3A_843 = arith.andi %shift_right_arithmetic3A_840, %and3A_842 : vector<16xi32>
        %sub3A_844 = arith.constant 31 : i32
        %sub3A_845 = vector.broadcast %sub3A_844 : i32 to vector<16xi32>
        %sub3A_846 = arith.subi %sub3A_845, %and3A_843 : vector<16xi32>
        %broadcast_in_dim3A_847 = arith.constant true
        %broadcast_in_dim3A_848 = vector.broadcast %broadcast_in_dim3A_847 : i1 to vector<16xi1>
        %unique3A, %unique3A_849 = tpu.scan_count mask(%broadcast_in_dim3A_848 : vector<16xi1>) value(%sub3A_846 : vector<16xi32>) : vector<16xi1>, vector<16xi32>
        tpu.vector_store_idx %arg17[%sub3A_846], %unique3A_849 masked %unique3A {add = true} : memref<32xi32, #tpu.memory_space<vmem>>[vector<16xi32>], vector<16xi32>, vector<16xi1>
        %mul3A_850 = arith.constant 4 : i32
        %mul3A_851 = arith.muli %while3A_829, %mul3A_850 : i32
        %add3A_852 = arith.constant 1 : i32
        %add3A_853 = arith.addi %mul3A_851, %add3A_852 : i32
        %mul3A_854 = arith.constant 16 : i32
        %mul3A_855 = arith.muli %add3A_853, %mul3A_854 : i32
        %get3A_856 = arith.index_cast %mul3A_855 : i32 to index
        %get3A_857 = tpu.vector_load %arg13[%get3A_856] {strides = array<i32>} : memref<4160xi32, #tpu.memory_space<vmem>>, vector<16xi32>,
        %shift_right_arithmetic3A_858 = arith.constant 15 : i32
        %shift_right_arithmetic3A_859 = vector.broadcast %shift_right_arithmetic3A_858 : i32 to vector<16xi32>
        %shift_right_arithmetic3A_860 = arith.shrsi %get3A_857, %shift_right_arithmetic3A_859 : vector<16xi32>
        %and3A_861 = arith.constant 31 : i32
        %and3A_862 = vector.broadcast %and3A_861 : i32 to vector<16xi32>
        %and3A_863 = arith.andi %shift_right_arithmetic3A_860, %and3A_862 : vector<16xi32>
        %sub3A_864 = arith.constant 31 : i32
        %sub3A_865 = vector.broadcast %sub3A_864 : i32 to vector<16xi32>
        %sub3A_866 = arith.subi %sub3A_865, %and3A_863 : vector<16xi32>
        %broadcast_in_dim3A_867 = arith.constant true
        %broadcast_in_dim3A_868 = vector.broadcast %broadcast_in_dim3A_867 : i1 to vector<16xi1>
        %unique3A_869, %unique3A_870 = tpu.scan_count mask(%broadcast_in_dim3A_868 : vector<16xi1>) value(%sub3A_866 : vector<16xi32>) : vector<16xi1>, vector<16xi32>
        tpu.vector_store_idx %arg17[%sub3A_866], %unique3A_870 masked %unique3A_869 {add = true} : memref<32xi32, #tpu.memory_space<vmem>>[vector<16xi32>], vector<16xi32>, vector<16xi1>
        %mul3A_871 = arith.constant 4 : i32
        %mul3A_872 = arith.muli %while3A_829, %mul3A_871 : i32
        %add3A_873 = arith.constant 2 : i32
        %add3A_874 = arith.addi %mul3A_872, %add3A_873 : i32
        %mul3A_875 = arith.constant 16 : i32
        %mul3A_876 = arith.muli %add3A_874, %mul3A_875 : i32
        %get3A_877 = arith.index_cast %mul3A_876 : i32 to index
        %get3A_878 = tpu.vector_load %arg13[%get3A_877] {strides = array<i32>} : memref<4160xi32, #tpu.memory_space<vmem>>, vector<16xi32>,
        %shift_right_arithmetic3A_879 = arith.constant 15 : i32
        %shift_right_arithmetic3A_880 = vector.broadcast %shift_right_arithmetic3A_879 : i32 to vector<16xi32>
        %shift_right_arithmetic3A_881 = arith.shrsi %get3A_878, %shift_right_arithmetic3A_880 : vector<16xi32>
        %and3A_882 = arith.constant 31 : i32
        %and3A_883 = vector.broadcast %and3A_882 : i32 to vector<16xi32>
        %and3A_884 = arith.andi %shift_right_arithmetic3A_881, %and3A_883 : vector<16xi32>
        %sub3A_885 = arith.constant 31 : i32
        %sub3A_886 = vector.broadcast %sub3A_885 : i32 to vector<16xi32>
        %sub3A_887 = arith.subi %sub3A_886, %and3A_884 : vector<16xi32>
        %broadcast_in_dim3A_888 = arith.constant true
        %broadcast_in_dim3A_889 = vector.broadcast %broadcast_in_dim3A_888 : i1 to vector<16xi1>
        %unique3A_890, %unique3A_891 = tpu.scan_count mask(%broadcast_in_dim3A_889 : vector<16xi1>) value(%sub3A_887 : vector<16xi32>) : vector<16xi1>, vector<16xi32>
        tpu.vector_store_idx %arg17[%sub3A_887], %unique3A_891 masked %unique3A_890 {add = true} : memref<32xi32, #tpu.memory_space<vmem>>[vector<16xi32>], vector<16xi32>, vector<16xi1>
        %mul3A_892 = arith.constant 4 : i32
        %mul3A_893 = arith.muli %while3A_829, %mul3A_892 : i32
        %add3A_894 = arith.constant 3 : i32
        %add3A_895 = arith.addi %mul3A_893, %add3A_894 : i32
        %mul3A_896 = arith.constant 16 : i32
        %mul3A_897 = arith.muli %add3A_895, %mul3A_896 : i32
        %get3A_898 = arith.index_cast %mul3A_897 : i32 to index
        %get3A_899 = tpu.vector_load %arg13[%get3A_898] {strides = array<i32>} : memref<4160xi32, #tpu.memory_space<vmem>>, vector<16xi32>,
        %shift_right_arithmetic3A_900 = arith.constant 15 : i32
        %shift_right_arithmetic3A_901 = vector.broadcast %shift_right_arithmetic3A_900 : i32 to vector<16xi32>
        %shift_right_arithmetic3A_902 = arith.shrsi %get3A_899, %shift_right_arithmetic3A_901 : vector<16xi32>
        %and3A_903 = arith.constant 31 : i32
        %and3A_904 = vector.broadcast %and3A_903 : i32 to vector<16xi32>
        %and3A_905 = arith.andi %shift_right_arithmetic3A_902, %and3A_904 : vector<16xi32>
        %sub3A_906 = arith.constant 31 : i32
        %sub3A_907 = vector.broadcast %sub3A_906 : i32 to vector<16xi32>
        %sub3A_908 = arith.subi %sub3A_907, %and3A_905 : vector<16xi32>
        %broadcast_in_dim3A_909 = arith.constant true
        %broadcast_in_dim3A_910 = vector.broadcast %broadcast_in_dim3A_909 : i1 to vector<16xi1>
        %unique3A_911, %unique3A_912 = tpu.scan_count mask(%broadcast_in_dim3A_910 : vector<16xi1>) value(%sub3A_908 : vector<16xi32>) : vector<16xi1>, vector<16xi32>
        tpu.vector_store_idx %arg17[%sub3A_908], %unique3A_912 masked %unique3A_911 {add = true} : memref<32xi32, #tpu.memory_space<vmem>>[vector<16xi32>], vector<16xi32>, vector<16xi1>
        %while3A_913 = arith.constant 0 : i32
        scf.yield %while3A_913 : i32
      }
      %while3A_452 = arith.constant 1 : i32
      %while3A_453 = scf.for %while3A_829 = %while3A_449 to %while3A_445 step %while3A_452 iter_args(%while3A_830 = %while3A_451) -> (i32)  : i32 {
        %mul3A_831 = arith.constant 4 : i32
        %mul3A_832 = arith.muli %while3A_829, %mul3A_831 : i32
        %add3A_833 = arith.constant 0 : i32
        %add3A_834 = arith.addi %mul3A_832, %add3A_833 : i32
        %mul3A_835 = arith.constant 16 : i32
        %mul3A_836 = arith.muli %add3A_834, %mul3A_835 : i32
        %get3A_837 = arith.index_cast %mul3A_836 : i32 to index
        %get3A_838 = tpu.vector_load %arg13[%get3A_837] {strides = array<i32>} : memref<4160xi32, #tpu.memory_space<vmem>>, vector<16xi32>,
        %shift_right_arithmetic3A = arith.constant 15 : i32
        %shift_right_arithmetic3A_839 = vector.broadcast %shift_right_arithmetic3A : i32 to vector<16xi32>
        %shift_right_arithmetic3A_840 = arith.shrsi %get3A_838, %shift_right_arithmetic3A_839 : vector<16xi32>
        %and3A_841 = arith.constant 31 : i32
        %and3A_842 = vector.broadcast %and3A_841 : i32 to vector<16xi32>
        %and3A_843 = arith.andi %shift_right_arithmetic3A_840, %and3A_842 : vector<16xi32>
        %sub3A_844 = arith.constant 31 : i32
        %sub3A_845 = vector.broadcast %sub3A_844 : i32 to vector<16xi32>
        %sub3A_846 = arith.subi %sub3A_845, %and3A_843 : vector<16xi32>
        %broadcast_in_dim3A_847 = arith.constant true
        %broadcast_in_dim3A_848 = vector.broadcast %broadcast_in_dim3A_847 : i1 to vector<16xi1>
        %unique3A, %unique3A_849 = tpu.scan_count mask(%broadcast_in_dim3A_848 : vector<16xi1>) value(%sub3A_846 : vector<16xi32>) : vector<16xi1>, vector<16xi32>
        tpu.vector_store_idx %arg17[%sub3A_846], %unique3A_849 masked %unique3A {add = true} : memref<32xi32, #tpu.memory_space<vmem>>[vector<16xi32>], vector<16xi32>, vector<16xi1>
        %mul3A_850 = arith.constant 4 : i32
        %mul3A_851 = arith.muli %while3A_829, %mul3A_850 : i32
        %add3A_852 = arith.constant 1 : i32
        %add3A_853 = arith.addi %mul3A_851, %add3A_852 : i32
        %mul3A_854 = arith.constant 16 : i32
        %mul3A_855 = arith.muli %add3A_853, %mul3A_854 : i32
        %get3A_856 = arith.index_cast %mul3A_855 : i32 to index
        %get3A_857 = tpu.vector_load %arg13[%get3A_856] {strides = array<i32>} : memref<4160xi32, #tpu.memory_space<vmem>>, vector<16xi32>,
        %shift_right_arithmetic3A_858 = arith.constant 15 : i32
        %shift_right_arithmetic3A_859 = vector.broadcast %shift_right_arithmetic3A_858 : i32 to vector<16xi32>
        %shift_right_arithmetic3A_860 = arith.shrsi %get3A_857, %shift_right_arithmetic3A_859 : vector<16xi32>
        %and3A_861 = arith.constant 31 : i32
        %and3A_862 = vector.broadcast %and3A_861 : i32 to vector<16xi32>
        %and3A_863 = arith.andi %shift_right_arithmetic3A_860, %and3A_862 : vector<16xi32>
        %sub3A_864 = arith.constant 31 : i32
        %sub3A_865 = vector.broadcast %sub3A_864 : i32 to vector<16xi32>
        %sub3A_866 = arith.subi %sub3A_865, %and3A_863 : vector<16xi32>
        %broadcast_in_dim3A_867 = arith.constant true
        %broadcast_in_dim3A_868 = vector.broadcast %broadcast_in_dim3A_867 : i1 to vector<16xi1>
        %unique3A_869, %unique3A_870 = tpu.scan_count mask(%broadcast_in_dim3A_868 : vector<16xi1>) value(%sub3A_866 : vector<16xi32>) : vector<16xi1>, vector<16xi32>
        tpu.vector_store_idx %arg17[%sub3A_866], %unique3A_870 masked %unique3A_869 {add = true} : memref<32xi32, #tpu.memory_space<vmem>>[vector<16xi32>], vector<16xi32>, vector<16xi1>
        %mul3A_871 = arith.constant 4 : i32
        %mul3A_872 = arith.muli %while3A_829, %mul3A_871 : i32
        %add3A_873 = arith.constant 2 : i32
        %add3A_874 = arith.addi %mul3A_872, %add3A_873 : i32
        %mul3A_875 = arith.constant 16 : i32
        %mul3A_876 = arith.muli %add3A_874, %mul3A_875 : i32
        %get3A_877 = arith.index_cast %mul3A_876 : i32 to index
        %get3A_878 = tpu.vector_load %arg13[%get3A_877] {strides = array<i32>} : memref<4160xi32, #tpu.memory_space<vmem>>, vector<16xi32>,
        %shift_right_arithmetic3A_879 = arith.constant 15 : i32
        %shift_right_arithmetic3A_880 = vector.broadcast %shift_right_arithmetic3A_879 : i32 to vector<16xi32>
        %shift_right_arithmetic3A_881 = arith.shrsi %get3A_878, %shift_right_arithmetic3A_880 : vector<16xi32>
        %and3A_882 = arith.constant 31 : i32
        %and3A_883 = vector.broadcast %and3A_882 : i32 to vector<16xi32>
        %and3A_884 = arith.andi %shift_right_arithmetic3A_881, %and3A_883 : vector<16xi32>
        %sub3A_885 = arith.constant 31 : i32
        %sub3A_886 = vector.broadcast %sub3A_885 : i32 to vector<16xi32>
        %sub3A_887 = arith.subi %sub3A_886, %and3A_884 : vector<16xi32>
        %broadcast_in_dim3A_888 = arith.constant true
        %broadcast_in_dim3A_889 = vector.broadcast %broadcast_in_dim3A_888 : i1 to vector<16xi1>
        %unique3A_890, %unique3A_891 = tpu.scan_count mask(%broadcast_in_dim3A_889 : vector<16xi1>) value(%sub3A_887 : vector<16xi32>) : vector<16xi1>, vector<16xi32>
        tpu.vector_store_idx %arg17[%sub3A_887], %unique3A_891 masked %unique3A_890 {add = true} : memref<32xi32, #tpu.memory_space<vmem>>[vector<16xi32>], vector<16xi32>, vector<16xi1>
        %mul3A_892 = arith.constant 4 : i32
        %mul3A_893 = arith.muli %while3A_829, %mul3A_892 : i32
        %add3A_894 = arith.constant 3 : i32
        %add3A_895 = arith.addi %mul3A_893, %add3A_894 : i32
        %mul3A_896 = arith.constant 16 : i32
        %mul3A_897 = arith.muli %add3A_895, %mul3A_896 : i32
        %get3A_898 = arith.index_cast %mul3A_897 : i32 to index
        %get3A_899 = tpu.vector_load %arg13[%get3A_898] {strides = array<i32>} : memref<4160xi32, #tpu.memory_space<vmem>>, vector<16xi32>,
        %shift_right_arithmetic3A_900 = arith.constant 15 : i32
        %shift_right_arithmetic3A_901 = vector.broadcast %shift_right_arithmetic3A_900 : i32 to vector<16xi32>
        %shift_right_arithmetic3A_902 = arith.shrsi %get3A_899, %shift_right_arithmetic3A_901 : vector<16xi32>
        %and3A_903 = arith.constant 31 : i32
        %and3A_904 = vector.broadcast %and3A_903 : i32 to vector<16xi32>
        %and3A_905 = arith.andi %shift_right_arithmetic3A_902, %and3A_904 : vector<16xi32>
        %sub3A_906 = arith.constant 31 : i32
        %sub3A_907 = vector.broadcast %sub3A_906 : i32 to vector<16xi32>
        %sub3A_908 = arith.subi %sub3A_907, %and3A_905 : vector<16xi32>
        %broadcast_in_dim3A_909 = arith.constant true
        %broadcast_in_dim3A_910 = vector.broadcast %broadcast_in_dim3A_909 : i1 to vector<16xi1>
        %unique3A_911, %unique3A_912 = tpu.scan_count mask(%broadcast_in_dim3A_910 : vector<16xi1>) value(%sub3A_908 : vector<16xi32>) : vector<16xi1>, vector<16xi32>
        tpu.vector_store_idx %arg17[%sub3A_908], %unique3A_912 masked %unique3A_911 {add = true} : memref<32xi32, #tpu.memory_space<vmem>>[vector<16xi32>], vector<16xi32>, vector<16xi1>
        %while3A_913 = arith.constant 0 : i32
        scf.yield %while3A_913 : i32
      }
      %get3A_454 = arith.constant 0 : index
      %get3A_455 = tpu.vector_load %arg17[%get3A_454] {strides = array<i32>} : memref<32xi32, #tpu.memory_space<vmem>>, vector<16xi32>,
      %get3A_456 = arith.constant 16 : index
      %get3A_457 = tpu.vector_load %arg17[%get3A_456] {strides = array<i32>} : memref<32xi32, #tpu.memory_space<vmem>>, vector<16xi32>,
      %broadcast_in_dim3A_458 = arith.constant true
      %broadcast_in_dim3A_459 = vector.broadcast %broadcast_in_dim3A_458 : i1 to vector<16xi1>
      %masked_cumsum3A_460 = tpu.scan <sum>, %get3A_455 masked %broadcast_in_dim3A_459 : vector<16xi32>, vector<16xi1> -> vector<16xi32>
      %broadcast_in_dim3A_461 = arith.constant true
      %broadcast_in_dim3A_462 = vector.broadcast %broadcast_in_dim3A_461 : i1 to vector<16xi1>
      %masked_cumsum3A_463 = tpu.scan <sum>, %get3A_457 masked %broadcast_in_dim3A_462 : vector<16xi32>, vector<16xi1> -> vector<16xi32>
      %sub3A_464 = arith.subi %masked_cumsum3A_460, %get3A_455 : vector<16xi32>
      %swap3A_465 = arith.constant 0 : index
      %swap3A_466 = tpu.vector_load %arg18[%swap3A_465] {strides = array<i32>} : memref<32xi32, #tpu.memory_space<vmem>>, vector<16xi32>,
      tpu.vector_store %arg18[%swap3A_465], %sub3A_464 {strides = array<i32>} : memref<32xi32, #tpu.memory_space<vmem>>, vector<16xi32>,
      %sub3A_467 = arith.subi %masked_cumsum3A_463, %get3A_457 : vector<16xi32>
      %reduce_max3A_468 = arith.constant true
      %reduce_max3A_469 = vector.broadcast %reduce_max3A_468 : i1 to vector<16xi1>
      %reduce_max3A_470 = arith.constant -2147483648 : i32
      %reduce_max3A_471 = vector.broadcast %reduce_max3A_470 : i32 to vector<16xi32>
      %reduce_max3A_472 = arith.xori %masked_cumsum3A_460, %reduce_max3A_471 : vector<16xi32>
      %reduce_max3A_473 = tpu.scan <max>, %reduce_max3A_472 masked %reduce_max3A_469 : vector<16xi32>, vector<16xi1> -> vector<16xi32>
      %reduce_max3A_474 = arith.xori %reduce_max3A_473, %reduce_max3A_471 : vector<16xi32>
      %reduce_max3A_475 = vector.extract %reduce_max3A_474[15] : i32 from vector<16xi32>
      %add3A_476 = vector.broadcast %reduce_max3A_475 : i32 to vector<16xi32>
      %add3A_477 = arith.addi %sub3A_467, %add3A_476 : vector<16xi32>
      %swap3A_478 = arith.constant 16 : index
      %swap3A_479 = tpu.vector_load %arg18[%swap3A_478] {strides = array<i32>} : memref<32xi32, #tpu.memory_space<vmem>>, vector<16xi32>,
      tpu.vector_store %arg18[%swap3A_478], %add3A_477 {strides = array<i32>} : memref<32xi32, #tpu.memory_space<vmem>>, vector<16xi32>,
      %jit3A_480 = arith.constant 2 : i32
      %div3A_481 = arith.divsi %select_n3A_112, %jit3A_480 : i32
      %sign3A_482 = arith.constant 0 : i32
      %sign3A_483 = arith.cmpi sgt, %select_n3A_112, %sign3A_482 : i32
      %sign3A_484 = arith.extui %sign3A_483 : i1 to i32
      %sign3A_485 = arith.constant 0 : i32
      %sign3A_486 = arith.cmpi slt, %select_n3A_112, %sign3A_485 : i32
      %sign3A_487 = arith.extui %sign3A_486 : i1 to i32
      %sign3A_488 = arith.subi %sign3A_484, %sign3A_487 : i32
      %sign3A_489 = arith.constant 0 : i32
      %sign3A_490 = arith.cmpi sgt, %jit3A_480, %sign3A_489 : i32
      %sign3A_491 = arith.extui %sign3A_490 : i1 to i32
      %sign3A_492 = arith.constant 0 : i32
      %sign3A_493 = arith.cmpi slt, %jit3A_480, %sign3A_492 : i32
      %sign3A_494 = arith.extui %sign3A_493 : i1 to i32
      %sign3A_495 = arith.subi %sign3A_491, %sign3A_494 : i32
      %ne3A_496 = arith.cmpi ne, %sign3A_488, %sign3A_495 : i32
      %rem3A_497 = arith.remsi %select_n3A_112, %jit3A_480 : i32
      %ne3A_498 = arith.constant 0 : i32
      %ne3A_499 = arith.cmpi ne, %rem3A_497, %ne3A_498 : i32
      %and3A_500 = arith.andi %ne3A_496, %ne3A_499 : i1
      %sub3A_501 = arith.constant 1 : i32
      %sub3A_502 = arith.subi %div3A_481, %sub3A_501 : i32
      %select_n3A_503 = arith.select %and3A_500, %sub3A_502, %div3A_481 : i32
      %while3A_504 = arith.constant 0 : i32
      %while3A_505 = arith.constant 0 : i32
      %while3A_506 = arith.subi %select_n3A_503, %while3A_504 : i32
      %while3A_507 = arith.addi %while3A_504, %while3A_506 : i32
      %while3A_508 = arith.constant 1 : i32
      %while3A_509 = arith.divsi %while3A_506, %while3A_508 : i32
      %while3A_510 = arith.muli %while3A_509, %while3A_508 : i32
      %while3A_511 = arith.addi %while3A_504, %while3A_510 : i32
      %while3A_512 = arith.constant 1 : i32
      %while3A_513 = scf.for %while3A_829 = %while3A_504 to %while3A_511 step %while3A_512 iter_args(%while3A_830 = %while3A_505) -> (i32)  : i32 {
        %mul3A_831 = arith.constant 2 : i32
        %mul3A_832 = arith.muli %while3A_829, %mul3A_831 : i32
        %add3A_833 = arith.constant 0 : i32
        %add3A_834 = arith.addi %mul3A_832, %add3A_833 : i32
        %mul3A_835 = arith.constant 16 : i32
        %mul3A_836 = arith.muli %add3A_834, %mul3A_835 : i32
        %get3A_837 = arith.index_cast %mul3A_836 : i32 to index
        %get3A_838 = tpu.vector_load %arg13[%get3A_837] {strides = array<i32>} : memref<4160xi32, #tpu.memory_space<vmem>>, vector<16xi32>,
        %mul3A_839 = arith.constant 2 : i32
        %mul3A_840 = arith.muli %while3A_829, %mul3A_839 : i32
        %add3A_841 = arith.constant 0 : i32
        %add3A_842 = arith.addi %mul3A_840, %add3A_841 : i32
        %mul3A_843 = arith.constant 16 : i32
        %mul3A_844 = arith.muli %add3A_842, %mul3A_843 : i32
        %get3A_845 = arith.index_cast %mul3A_844 : i32 to index
        %get3A_846 = tpu.vector_load %arg15[%get3A_845] {strides = array<i32>} : memref<4160xi32, #tpu.memory_space<vmem>>, vector<16xi32>,
        %shift_right_arithmetic3A = arith.constant 15 : i32
        %shift_right_arithmetic3A_847 = vector.broadcast %shift_right_arithmetic3A : i32 to vector<16xi32>
        %shift_right_arithmetic3A_848 = arith.shrsi %get3A_838, %shift_right_arithmetic3A_847 : vector<16xi32>
        %and3A_849 = arith.constant 31 : i32
        %and3A_850 = vector.broadcast %and3A_849 : i32 to vector<16xi32>
        %and3A_851 = arith.andi %shift_right_arithmetic3A_848, %and3A_850 : vector<16xi32>
        %sub3A_852 = arith.constant 31 : i32
        %sub3A_853 = vector.broadcast %sub3A_852 : i32 to vector<16xi32>
        %sub3A_854 = arith.subi %sub3A_853, %and3A_851 : vector<16xi32>
        %broadcast_in_dim3A_855 = arith.constant true
        %broadcast_in_dim3A_856 = vector.broadcast %broadcast_in_dim3A_855 : i1 to vector<16xi1>
        %unique3A, %unique3A_857 = tpu.scan_count mask(%broadcast_in_dim3A_856 : vector<16xi1>) value(%sub3A_854 : vector<16xi32>) : vector<16xi1>, vector<16xi32>
        %gather3A = tpu.vector_load_idx %arg18[%sub3A_854] : memref<32xi32, #tpu.memory_space<vmem>>[vector<16xi32>], vector<16xi32>,
        %add3A_858 = arith.addi %gather3A, %unique3A_857 : vector<16xi32>
        %sub3A_859 = arith.constant 1 : i32
        %sub3A_860 = vector.broadcast %sub3A_859 : i32 to vector<16xi32>
        %sub3A_861 = arith.subi %add3A_858, %sub3A_860 : vector<16xi32>
        tpu.vector_store_idx %arg12[%sub3A_861], %get3A_838 : memref<4160xi32, #tpu.memory_space<vmem>>[vector<16xi32>], vector<16xi32>,
        tpu.vector_store_idx %arg14[%sub3A_861], %get3A_846 : memref<4160xi32, #tpu.memory_space<vmem>>[vector<16xi32>], vector<16xi32>,
        tpu.vector_store_idx %arg18[%sub3A_854], %unique3A_857 masked %unique3A {add = true} : memref<32xi32, #tpu.memory_space<vmem>>[vector<16xi32>], vector<16xi32>, vector<16xi1>
        %mul3A_862 = arith.constant 2 : i32
        %mul3A_863 = arith.muli %while3A_829, %mul3A_862 : i32
        %add3A_864 = arith.constant 1 : i32
        %add3A_865 = arith.addi %mul3A_863, %add3A_864 : i32
        %mul3A_866 = arith.constant 16 : i32
        %mul3A_867 = arith.muli %add3A_865, %mul3A_866 : i32
        %get3A_868 = arith.index_cast %mul3A_867 : i32 to index
        %get3A_869 = tpu.vector_load %arg13[%get3A_868] {strides = array<i32>} : memref<4160xi32, #tpu.memory_space<vmem>>, vector<16xi32>,
        %mul3A_870 = arith.constant 2 : i32
        %mul3A_871 = arith.muli %while3A_829, %mul3A_870 : i32
        %add3A_872 = arith.constant 1 : i32
        %add3A_873 = arith.addi %mul3A_871, %add3A_872 : i32
        %mul3A_874 = arith.constant 16 : i32
        %mul3A_875 = arith.muli %add3A_873, %mul3A_874 : i32
        %get3A_876 = arith.index_cast %mul3A_875 : i32 to index
        %get3A_877 = tpu.vector_load %arg15[%get3A_876] {strides = array<i32>} : memref<4160xi32, #tpu.memory_space<vmem>>, vector<16xi32>,
        %shift_right_arithmetic3A_878 = arith.constant 15 : i32
        %shift_right_arithmetic3A_879 = vector.broadcast %shift_right_arithmetic3A_878 : i32 to vector<16xi32>
        %shift_right_arithmetic3A_880 = arith.shrsi %get3A_869, %shift_right_arithmetic3A_879 : vector<16xi32>
        %and3A_881 = arith.constant 31 : i32
        %and3A_882 = vector.broadcast %and3A_881 : i32 to vector<16xi32>
        %and3A_883 = arith.andi %shift_right_arithmetic3A_880, %and3A_882 : vector<16xi32>
        %sub3A_884 = arith.constant 31 : i32
        %sub3A_885 = vector.broadcast %sub3A_884 : i32 to vector<16xi32>
        %sub3A_886 = arith.subi %sub3A_885, %and3A_883 : vector<16xi32>
        %broadcast_in_dim3A_887 = arith.constant true
        %broadcast_in_dim3A_888 = vector.broadcast %broadcast_in_dim3A_887 : i1 to vector<16xi1>
        %unique3A_889, %unique3A_890 = tpu.scan_count mask(%broadcast_in_dim3A_888 : vector<16xi1>) value(%sub3A_886 : vector<16xi32>) : vector<16xi1>, vector<16xi32>
        %gather3A_891 = tpu.vector_load_idx %arg18[%sub3A_886] : memref<32xi32, #tpu.memory_space<vmem>>[vector<16xi32>], vector<16xi32>,
        %add3A_892 = arith.addi %gather3A_891, %unique3A_890 : vector<16xi32>
        %sub3A_893 = arith.constant 1 : i32
        %sub3A_894 = vector.broadcast %sub3A_893 : i32 to vector<16xi32>
        %sub3A_895 = arith.subi %add3A_892, %sub3A_894 : vector<16xi32>
        tpu.vector_store_idx %arg12[%sub3A_895], %get3A_869 : memref<4160xi32, #tpu.memory_space<vmem>>[vector<16xi32>], vector<16xi32>,
        tpu.vector_store_idx %arg14[%sub3A_895], %get3A_877 : memref<4160xi32, #tpu.memory_space<vmem>>[vector<16xi32>], vector<16xi32>,
        tpu.vector_store_idx %arg18[%sub3A_886], %unique3A_890 masked %unique3A_889 {add = true} : memref<32xi32, #tpu.memory_space<vmem>>[vector<16xi32>], vector<16xi32>, vector<16xi1>
        %while3A_896 = arith.constant 0 : i32
        scf.yield %while3A_896 : i32
      }
      %while3A_514 = arith.constant 1 : i32
      %while3A_515 = scf.for %while3A_829 = %while3A_511 to %while3A_507 step %while3A_514 iter_args(%while3A_830 = %while3A_513) -> (i32)  : i32 {
        %mul3A_831 = arith.constant 2 : i32
        %mul3A_832 = arith.muli %while3A_829, %mul3A_831 : i32
        %add3A_833 = arith.constant 0 : i32
        %add3A_834 = arith.addi %mul3A_832, %add3A_833 : i32
        %mul3A_835 = arith.constant 16 : i32
        %mul3A_836 = arith.muli %add3A_834, %mul3A_835 : i32
        %get3A_837 = arith.index_cast %mul3A_836 : i32 to index
        %get3A_838 = tpu.vector_load %arg13[%get3A_837] {strides = array<i32>} : memref<4160xi32, #tpu.memory_space<vmem>>, vector<16xi32>,
        %mul3A_839 = arith.constant 2 : i32
        %mul3A_840 = arith.muli %while3A_829, %mul3A_839 : i32
        %add3A_841 = arith.constant 0 : i32
        %add3A_842 = arith.addi %mul3A_840, %add3A_841 : i32
        %mul3A_843 = arith.constant 16 : i32
        %mul3A_844 = arith.muli %add3A_842, %mul3A_843 : i32
        %get3A_845 = arith.index_cast %mul3A_844 : i32 to index
        %get3A_846 = tpu.vector_load %arg15[%get3A_845] {strides = array<i32>} : memref<4160xi32, #tpu.memory_space<vmem>>, vector<16xi32>,
        %shift_right_arithmetic3A = arith.constant 15 : i32
        %shift_right_arithmetic3A_847 = vector.broadcast %shift_right_arithmetic3A : i32 to vector<16xi32>
        %shift_right_arithmetic3A_848 = arith.shrsi %get3A_838, %shift_right_arithmetic3A_847 : vector<16xi32>
        %and3A_849 = arith.constant 31 : i32
        %and3A_850 = vector.broadcast %and3A_849 : i32 to vector<16xi32>
        %and3A_851 = arith.andi %shift_right_arithmetic3A_848, %and3A_850 : vector<16xi32>
        %sub3A_852 = arith.constant 31 : i32
        %sub3A_853 = vector.broadcast %sub3A_852 : i32 to vector<16xi32>
        %sub3A_854 = arith.subi %sub3A_853, %and3A_851 : vector<16xi32>
        %broadcast_in_dim3A_855 = arith.constant true
        %broadcast_in_dim3A_856 = vector.broadcast %broadcast_in_dim3A_855 : i1 to vector<16xi1>
        %unique3A, %unique3A_857 = tpu.scan_count mask(%broadcast_in_dim3A_856 : vector<16xi1>) value(%sub3A_854 : vector<16xi32>) : vector<16xi1>, vector<16xi32>
        %gather3A = tpu.vector_load_idx %arg18[%sub3A_854] : memref<32xi32, #tpu.memory_space<vmem>>[vector<16xi32>], vector<16xi32>,
        %add3A_858 = arith.addi %gather3A, %unique3A_857 : vector<16xi32>
        %sub3A_859 = arith.constant 1 : i32
        %sub3A_860 = vector.broadcast %sub3A_859 : i32 to vector<16xi32>
        %sub3A_861 = arith.subi %add3A_858, %sub3A_860 : vector<16xi32>
        tpu.vector_store_idx %arg12[%sub3A_861], %get3A_838 : memref<4160xi32, #tpu.memory_space<vmem>>[vector<16xi32>], vector<16xi32>,
        tpu.vector_store_idx %arg14[%sub3A_861], %get3A_846 : memref<4160xi32, #tpu.memory_space<vmem>>[vector<16xi32>], vector<16xi32>,
        tpu.vector_store_idx %arg18[%sub3A_854], %unique3A_857 masked %unique3A {add = true} : memref<32xi32, #tpu.memory_space<vmem>>[vector<16xi32>], vector<16xi32>, vector<16xi1>
        %mul3A_862 = arith.constant 2 : i32
        %mul3A_863 = arith.muli %while3A_829, %mul3A_862 : i32
        %add3A_864 = arith.constant 1 : i32
        %add3A_865 = arith.addi %mul3A_863, %add3A_864 : i32
        %mul3A_866 = arith.constant 16 : i32
        %mul3A_867 = arith.muli %add3A_865, %mul3A_866 : i32
        %get3A_868 = arith.index_cast %mul3A_867 : i32 to index
        %get3A_869 = tpu.vector_load %arg13[%get3A_868] {strides = array<i32>} : memref<4160xi32, #tpu.memory_space<vmem>>, vector<16xi32>,
        %mul3A_870 = arith.constant 2 : i32
        %mul3A_871 = arith.muli %while3A_829, %mul3A_870 : i32
        %add3A_872 = arith.constant 1 : i32
        %add3A_873 = arith.addi %mul3A_871, %add3A_872 : i32
        %mul3A_874 = arith.constant 16 : i32
        %mul3A_875 = arith.muli %add3A_873, %mul3A_874 : i32
        %get3A_876 = arith.index_cast %mul3A_875 : i32 to index
        %get3A_877 = tpu.vector_load %arg15[%get3A_876] {strides = array<i32>} : memref<4160xi32, #tpu.memory_space<vmem>>, vector<16xi32>,
        %shift_right_arithmetic3A_878 = arith.constant 15 : i32
        %shift_right_arithmetic3A_879 = vector.broadcast %shift_right_arithmetic3A_878 : i32 to vector<16xi32>
        %shift_right_arithmetic3A_880 = arith.shrsi %get3A_869, %shift_right_arithmetic3A_879 : vector<16xi32>
        %and3A_881 = arith.constant 31 : i32
        %and3A_882 = vector.broadcast %and3A_881 : i32 to vector<16xi32>
        %and3A_883 = arith.andi %shift_right_arithmetic3A_880, %and3A_882 : vector<16xi32>
        %sub3A_884 = arith.constant 31 : i32
        %sub3A_885 = vector.broadcast %sub3A_884 : i32 to vector<16xi32>
        %sub3A_886 = arith.subi %sub3A_885, %and3A_883 : vector<16xi32>
        %broadcast_in_dim3A_887 = arith.constant true
        %broadcast_in_dim3A_888 = vector.broadcast %broadcast_in_dim3A_887 : i1 to vector<16xi1>
        %unique3A_889, %unique3A_890 = tpu.scan_count mask(%broadcast_in_dim3A_888 : vector<16xi1>) value(%sub3A_886 : vector<16xi32>) : vector<16xi1>, vector<16xi32>
        %gather3A_891 = tpu.vector_load_idx %arg18[%sub3A_886] : memref<32xi32, #tpu.memory_space<vmem>>[vector<16xi32>], vector<16xi32>,
        %add3A_892 = arith.addi %gather3A_891, %unique3A_890 : vector<16xi32>
        %sub3A_893 = arith.constant 1 : i32
        %sub3A_894 = vector.broadcast %sub3A_893 : i32 to vector<16xi32>
        %sub3A_895 = arith.subi %add3A_892, %sub3A_894 : vector<16xi32>
        tpu.vector_store_idx %arg12[%sub3A_895], %get3A_869 : memref<4160xi32, #tpu.memory_space<vmem>>[vector<16xi32>], vector<16xi32>,
        tpu.vector_store_idx %arg14[%sub3A_895], %get3A_877 : memref<4160xi32, #tpu.memory_space<vmem>>[vector<16xi32>], vector<16xi32>,
        tpu.vector_store_idx %arg18[%sub3A_886], %unique3A_890 masked %unique3A_889 {add = true} : memref<32xi32, #tpu.memory_space<vmem>>[vector<16xi32>], vector<16xi32>, vector<16xi1>
        %while3A_896 = arith.constant 0 : i32
        scf.yield %while3A_896 : i32
      }
      %swap3A_516 = arith.constant 0 : index
      %swap3A_517 = tpu.vector_load %arg17[%swap3A_516] {strides = array<i32>} : memref<32xi32, #tpu.memory_space<vmem>>, vector<16xi32>,
      tpu.vector_store %arg17[%swap3A_516], %broadcast_in_dim3A_0 {strides = array<i32>} : memref<32xi32, #tpu.memory_space<vmem>>, vector<16xi32>,
      %swap3A_518 = arith.constant 16 : index
      %swap3A_519 = tpu.vector_load %arg17[%swap3A_518] {strides = array<i32>} : memref<32xi32, #tpu.memory_space<vmem>>, vector<16xi32>,
      tpu.vector_store %arg17[%swap3A_518], %broadcast_in_dim3A_0 {strides = array<i32>} : memref<32xi32, #tpu.memory_space<vmem>>, vector<16xi32>,
      %jit3A_520 = arith.constant 4 : i32
      %div3A_521 = arith.divsi %select_n3A_112, %jit3A_520 : i32
      %sign3A_522 = arith.constant 0 : i32
      %sign3A_523 = arith.cmpi sgt, %select_n3A_112, %sign3A_522 : i32
      %sign3A_524 = arith.extui %sign3A_523 : i1 to i32
      %sign3A_525 = arith.constant 0 : i32
      %sign3A_526 = arith.cmpi slt, %select_n3A_112, %sign3A_525 : i32
      %sign3A_527 = arith.extui %sign3A_526 : i1 to i32
      %sign3A_528 = arith.subi %sign3A_524, %sign3A_527 : i32
      %sign3A_529 = arith.constant 0 : i32
      %sign3A_530 = arith.cmpi sgt, %jit3A_520, %sign3A_529 : i32
      %sign3A_531 = arith.extui %sign3A_530 : i1 to i32
      %sign3A_532 = arith.constant 0 : i32
      %sign3A_533 = arith.cmpi slt, %jit3A_520, %sign3A_532 : i32
      %sign3A_534 = arith.extui %sign3A_533 : i1 to i32
      %sign3A_535 = arith.subi %sign3A_531, %sign3A_534 : i32
      %ne3A_536 = arith.cmpi ne, %sign3A_528, %sign3A_535 : i32
      %rem3A_537 = arith.remsi %select_n3A_112, %jit3A_520 : i32
      %ne3A_538 = arith.constant 0 : i32
      %ne3A_539 = arith.cmpi ne, %rem3A_537, %ne3A_538 : i32
      %and3A_540 = arith.andi %ne3A_536, %ne3A_539 : i1
      %sub3A_541 = arith.constant 1 : i32
      %sub3A_542 = arith.subi %div3A_521, %sub3A_541 : i32
      %select_n3A_543 = arith.select %and3A_540, %sub3A_542, %div3A_521 : i32
      %while3A_544 = arith.constant 0 : i32
      %while3A_545 = arith.constant 0 : i32
      %while3A_546 = arith.subi %select_n3A_543, %while3A_544 : i32
      %while3A_547 = arith.addi %while3A_544, %while3A_546 : i32
      %while3A_548 = arith.constant 1 : i32
      %while3A_549 = arith.divsi %while3A_546, %while3A_548 : i32
      %while3A_550 = arith.muli %while3A_549, %while3A_548 : i32
      %while3A_551 = arith.addi %while3A_544, %while3A_550 : i32
      %while3A_552 = arith.constant 1 : i32
      %while3A_553 = scf.for %while3A_829 = %while3A_544 to %while3A_551 step %while3A_552 iter_args(%while3A_830 = %while3A_545) -> (i32)  : i32 {
        %mul3A_831 = arith.constant 4 : i32
        %mul3A_832 = arith.muli %while3A_829, %mul3A_831 : i32
        %add3A_833 = arith.constant 0 : i32
        %add3A_834 = arith.addi %mul3A_832, %add3A_833 : i32
        %mul3A_835 = arith.constant 16 : i32
        %mul3A_836 = arith.muli %add3A_834, %mul3A_835 : i32
        %get3A_837 = arith.index_cast %mul3A_836 : i32 to index
        %get3A_838 = tpu.vector_load %arg12[%get3A_837] {strides = array<i32>} : memref<4160xi32, #tpu.memory_space<vmem>>, vector<16xi32>,
        %shift_right_arithmetic3A = arith.constant 20 : i32
        %shift_right_arithmetic3A_839 = vector.broadcast %shift_right_arithmetic3A : i32 to vector<16xi32>
        %shift_right_arithmetic3A_840 = arith.shrsi %get3A_838, %shift_right_arithmetic3A_839 : vector<16xi32>
        %and3A_841 = arith.constant 31 : i32
        %and3A_842 = vector.broadcast %and3A_841 : i32 to vector<16xi32>
        %and3A_843 = arith.andi %shift_right_arithmetic3A_840, %and3A_842 : vector<16xi32>
        %sub3A_844 = arith.constant 31 : i32
        %sub3A_845 = vector.broadcast %sub3A_844 : i32 to vector<16xi32>
        %sub3A_846 = arith.subi %sub3A_845, %and3A_843 : vector<16xi32>
        %broadcast_in_dim3A_847 = arith.constant true
        %broadcast_in_dim3A_848 = vector.broadcast %broadcast_in_dim3A_847 : i1 to vector<16xi1>
        %unique3A, %unique3A_849 = tpu.scan_count mask(%broadcast_in_dim3A_848 : vector<16xi1>) value(%sub3A_846 : vector<16xi32>) : vector<16xi1>, vector<16xi32>
        tpu.vector_store_idx %arg17[%sub3A_846], %unique3A_849 masked %unique3A {add = true} : memref<32xi32, #tpu.memory_space<vmem>>[vector<16xi32>], vector<16xi32>, vector<16xi1>
        %mul3A_850 = arith.constant 4 : i32
        %mul3A_851 = arith.muli %while3A_829, %mul3A_850 : i32
        %add3A_852 = arith.constant 1 : i32
        %add3A_853 = arith.addi %mul3A_851, %add3A_852 : i32
        %mul3A_854 = arith.constant 16 : i32
        %mul3A_855 = arith.muli %add3A_853, %mul3A_854 : i32
        %get3A_856 = arith.index_cast %mul3A_855 : i32 to index
        %get3A_857 = tpu.vector_load %arg12[%get3A_856] {strides = array<i32>} : memref<4160xi32, #tpu.memory_space<vmem>>, vector<16xi32>,
        %shift_right_arithmetic3A_858 = arith.constant 20 : i32
        %shift_right_arithmetic3A_859 = vector.broadcast %shift_right_arithmetic3A_858 : i32 to vector<16xi32>
        %shift_right_arithmetic3A_860 = arith.shrsi %get3A_857, %shift_right_arithmetic3A_859 : vector<16xi32>
        %and3A_861 = arith.constant 31 : i32
        %and3A_862 = vector.broadcast %and3A_861 : i32 to vector<16xi32>
        %and3A_863 = arith.andi %shift_right_arithmetic3A_860, %and3A_862 : vector<16xi32>
        %sub3A_864 = arith.constant 31 : i32
        %sub3A_865 = vector.broadcast %sub3A_864 : i32 to vector<16xi32>
        %sub3A_866 = arith.subi %sub3A_865, %and3A_863 : vector<16xi32>
        %broadcast_in_dim3A_867 = arith.constant true
        %broadcast_in_dim3A_868 = vector.broadcast %broadcast_in_dim3A_867 : i1 to vector<16xi1>
        %unique3A_869, %unique3A_870 = tpu.scan_count mask(%broadcast_in_dim3A_868 : vector<16xi1>) value(%sub3A_866 : vector<16xi32>) : vector<16xi1>, vector<16xi32>
        tpu.vector_store_idx %arg17[%sub3A_866], %unique3A_870 masked %unique3A_869 {add = true} : memref<32xi32, #tpu.memory_space<vmem>>[vector<16xi32>], vector<16xi32>, vector<16xi1>
        %mul3A_871 = arith.constant 4 : i32
        %mul3A_872 = arith.muli %while3A_829, %mul3A_871 : i32
        %add3A_873 = arith.constant 2 : i32
        %add3A_874 = arith.addi %mul3A_872, %add3A_873 : i32
        %mul3A_875 = arith.constant 16 : i32
        %mul3A_876 = arith.muli %add3A_874, %mul3A_875 : i32
        %get3A_877 = arith.index_cast %mul3A_876 : i32 to index
        %get3A_878 = tpu.vector_load %arg12[%get3A_877] {strides = array<i32>} : memref<4160xi32, #tpu.memory_space<vmem>>, vector<16xi32>,
        %shift_right_arithmetic3A_879 = arith.constant 20 : i32
        %shift_right_arithmetic3A_880 = vector.broadcast %shift_right_arithmetic3A_879 : i32 to vector<16xi32>
        %shift_right_arithmetic3A_881 = arith.shrsi %get3A_878, %shift_right_arithmetic3A_880 : vector<16xi32>
        %and3A_882 = arith.constant 31 : i32
        %and3A_883 = vector.broadcast %and3A_882 : i32 to vector<16xi32>
        %and3A_884 = arith.andi %shift_right_arithmetic3A_881, %and3A_883 : vector<16xi32>
        %sub3A_885 = arith.constant 31 : i32
        %sub3A_886 = vector.broadcast %sub3A_885 : i32 to vector<16xi32>
        %sub3A_887 = arith.subi %sub3A_886, %and3A_884 : vector<16xi32>
        %broadcast_in_dim3A_888 = arith.constant true
        %broadcast_in_dim3A_889 = vector.broadcast %broadcast_in_dim3A_888 : i1 to vector<16xi1>
        %unique3A_890, %unique3A_891 = tpu.scan_count mask(%broadcast_in_dim3A_889 : vector<16xi1>) value(%sub3A_887 : vector<16xi32>) : vector<16xi1>, vector<16xi32>
        tpu.vector_store_idx %arg17[%sub3A_887], %unique3A_891 masked %unique3A_890 {add = true} : memref<32xi32, #tpu.memory_space<vmem>>[vector<16xi32>], vector<16xi32>, vector<16xi1>
        %mul3A_892 = arith.constant 4 : i32
        %mul3A_893 = arith.muli %while3A_829, %mul3A_892 : i32
        %add3A_894 = arith.constant 3 : i32
        %add3A_895 = arith.addi %mul3A_893, %add3A_894 : i32
        %mul3A_896 = arith.constant 16 : i32
        %mul3A_897 = arith.muli %add3A_895, %mul3A_896 : i32
        %get3A_898 = arith.index_cast %mul3A_897 : i32 to index
        %get3A_899 = tpu.vector_load %arg12[%get3A_898] {strides = array<i32>} : memref<4160xi32, #tpu.memory_space<vmem>>, vector<16xi32>,
        %shift_right_arithmetic3A_900 = arith.constant 20 : i32
        %shift_right_arithmetic3A_901 = vector.broadcast %shift_right_arithmetic3A_900 : i32 to vector<16xi32>
        %shift_right_arithmetic3A_902 = arith.shrsi %get3A_899, %shift_right_arithmetic3A_901 : vector<16xi32>
        %and3A_903 = arith.constant 31 : i32
        %and3A_904 = vector.broadcast %and3A_903 : i32 to vector<16xi32>
        %and3A_905 = arith.andi %shift_right_arithmetic3A_902, %and3A_904 : vector<16xi32>
        %sub3A_906 = arith.constant 31 : i32
        %sub3A_907 = vector.broadcast %sub3A_906 : i32 to vector<16xi32>
        %sub3A_908 = arith.subi %sub3A_907, %and3A_905 : vector<16xi32>
        %broadcast_in_dim3A_909 = arith.constant true
        %broadcast_in_dim3A_910 = vector.broadcast %broadcast_in_dim3A_909 : i1 to vector<16xi1>
        %unique3A_911, %unique3A_912 = tpu.scan_count mask(%broadcast_in_dim3A_910 : vector<16xi1>) value(%sub3A_908 : vector<16xi32>) : vector<16xi1>, vector<16xi32>
        tpu.vector_store_idx %arg17[%sub3A_908], %unique3A_912 masked %unique3A_911 {add = true} : memref<32xi32, #tpu.memory_space<vmem>>[vector<16xi32>], vector<16xi32>, vector<16xi1>
        %while3A_913 = arith.constant 0 : i32
        scf.yield %while3A_913 : i32
      }
      %while3A_554 = arith.constant 1 : i32
      %while3A_555 = scf.for %while3A_829 = %while3A_551 to %while3A_547 step %while3A_554 iter_args(%while3A_830 = %while3A_553) -> (i32)  : i32 {
        %mul3A_831 = arith.constant 4 : i32
        %mul3A_832 = arith.muli %while3A_829, %mul3A_831 : i32
        %add3A_833 = arith.constant 0 : i32
        %add3A_834 = arith.addi %mul3A_832, %add3A_833 : i32
        %mul3A_835 = arith.constant 16 : i32
        %mul3A_836 = arith.muli %add3A_834, %mul3A_835 : i32
        %get3A_837 = arith.index_cast %mul3A_836 : i32 to index
        %get3A_838 = tpu.vector_load %arg12[%get3A_837] {strides = array<i32>} : memref<4160xi32, #tpu.memory_space<vmem>>, vector<16xi32>,
        %shift_right_arithmetic3A = arith.constant 20 : i32
        %shift_right_arithmetic3A_839 = vector.broadcast %shift_right_arithmetic3A : i32 to vector<16xi32>
        %shift_right_arithmetic3A_840 = arith.shrsi %get3A_838, %shift_right_arithmetic3A_839 : vector<16xi32>
        %and3A_841 = arith.constant 31 : i32
        %and3A_842 = vector.broadcast %and3A_841 : i32 to vector<16xi32>
        %and3A_843 = arith.andi %shift_right_arithmetic3A_840, %and3A_842 : vector<16xi32>
        %sub3A_844 = arith.constant 31 : i32
        %sub3A_845 = vector.broadcast %sub3A_844 : i32 to vector<16xi32>
        %sub3A_846 = arith.subi %sub3A_845, %and3A_843 : vector<16xi32>
        %broadcast_in_dim3A_847 = arith.constant true
        %broadcast_in_dim3A_848 = vector.broadcast %broadcast_in_dim3A_847 : i1 to vector<16xi1>
        %unique3A, %unique3A_849 = tpu.scan_count mask(%broadcast_in_dim3A_848 : vector<16xi1>) value(%sub3A_846 : vector<16xi32>) : vector<16xi1>, vector<16xi32>
        tpu.vector_store_idx %arg17[%sub3A_846], %unique3A_849 masked %unique3A {add = true} : memref<32xi32, #tpu.memory_space<vmem>>[vector<16xi32>], vector<16xi32>, vector<16xi1>
        %mul3A_850 = arith.constant 4 : i32
        %mul3A_851 = arith.muli %while3A_829, %mul3A_850 : i32
        %add3A_852 = arith.constant 1 : i32
        %add3A_853 = arith.addi %mul3A_851, %add3A_852 : i32
        %mul3A_854 = arith.constant 16 : i32
        %mul3A_855 = arith.muli %add3A_853, %mul3A_854 : i32
        %get3A_856 = arith.index_cast %mul3A_855 : i32 to index
        %get3A_857 = tpu.vector_load %arg12[%get3A_856] {strides = array<i32>} : memref<4160xi32, #tpu.memory_space<vmem>>, vector<16xi32>,
        %shift_right_arithmetic3A_858 = arith.constant 20 : i32
        %shift_right_arithmetic3A_859 = vector.broadcast %shift_right_arithmetic3A_858 : i32 to vector<16xi32>
        %shift_right_arithmetic3A_860 = arith.shrsi %get3A_857, %shift_right_arithmetic3A_859 : vector<16xi32>
        %and3A_861 = arith.constant 31 : i32
        %and3A_862 = vector.broadcast %and3A_861 : i32 to vector<16xi32>
        %and3A_863 = arith.andi %shift_right_arithmetic3A_860, %and3A_862 : vector<16xi32>
        %sub3A_864 = arith.constant 31 : i32
        %sub3A_865 = vector.broadcast %sub3A_864 : i32 to vector<16xi32>
        %sub3A_866 = arith.subi %sub3A_865, %and3A_863 : vector<16xi32>
        %broadcast_in_dim3A_867 = arith.constant true
        %broadcast_in_dim3A_868 = vector.broadcast %broadcast_in_dim3A_867 : i1 to vector<16xi1>
        %unique3A_869, %unique3A_870 = tpu.scan_count mask(%broadcast_in_dim3A_868 : vector<16xi1>) value(%sub3A_866 : vector<16xi32>) : vector<16xi1>, vector<16xi32>
        tpu.vector_store_idx %arg17[%sub3A_866], %unique3A_870 masked %unique3A_869 {add = true} : memref<32xi32, #tpu.memory_space<vmem>>[vector<16xi32>], vector<16xi32>, vector<16xi1>
        %mul3A_871 = arith.constant 4 : i32
        %mul3A_872 = arith.muli %while3A_829, %mul3A_871 : i32
        %add3A_873 = arith.constant 2 : i32
        %add3A_874 = arith.addi %mul3A_872, %add3A_873 : i32
        %mul3A_875 = arith.constant 16 : i32
        %mul3A_876 = arith.muli %add3A_874, %mul3A_875 : i32
        %get3A_877 = arith.index_cast %mul3A_876 : i32 to index
        %get3A_878 = tpu.vector_load %arg12[%get3A_877] {strides = array<i32>} : memref<4160xi32, #tpu.memory_space<vmem>>, vector<16xi32>,
        %shift_right_arithmetic3A_879 = arith.constant 20 : i32
        %shift_right_arithmetic3A_880 = vector.broadcast %shift_right_arithmetic3A_879 : i32 to vector<16xi32>
        %shift_right_arithmetic3A_881 = arith.shrsi %get3A_878, %shift_right_arithmetic3A_880 : vector<16xi32>
        %and3A_882 = arith.constant 31 : i32
        %and3A_883 = vector.broadcast %and3A_882 : i32 to vector<16xi32>
        %and3A_884 = arith.andi %shift_right_arithmetic3A_881, %and3A_883 : vector<16xi32>
        %sub3A_885 = arith.constant 31 : i32
        %sub3A_886 = vector.broadcast %sub3A_885 : i32 to vector<16xi32>
        %sub3A_887 = arith.subi %sub3A_886, %and3A_884 : vector<16xi32>
        %broadcast_in_dim3A_888 = arith.constant true
        %broadcast_in_dim3A_889 = vector.broadcast %broadcast_in_dim3A_888 : i1 to vector<16xi1>
        %unique3A_890, %unique3A_891 = tpu.scan_count mask(%broadcast_in_dim3A_889 : vector<16xi1>) value(%sub3A_887 : vector<16xi32>) : vector<16xi1>, vector<16xi32>
        tpu.vector_store_idx %arg17[%sub3A_887], %unique3A_891 masked %unique3A_890 {add = true} : memref<32xi32, #tpu.memory_space<vmem>>[vector<16xi32>], vector<16xi32>, vector<16xi1>
        %mul3A_892 = arith.constant 4 : i32
        %mul3A_893 = arith.muli %while3A_829, %mul3A_892 : i32
        %add3A_894 = arith.constant 3 : i32
        %add3A_895 = arith.addi %mul3A_893, %add3A_894 : i32
        %mul3A_896 = arith.constant 16 : i32
        %mul3A_897 = arith.muli %add3A_895, %mul3A_896 : i32
        %get3A_898 = arith.index_cast %mul3A_897 : i32 to index
        %get3A_899 = tpu.vector_load %arg12[%get3A_898] {strides = array<i32>} : memref<4160xi32, #tpu.memory_space<vmem>>, vector<16xi32>,
        %shift_right_arithmetic3A_900 = arith.constant 20 : i32
        %shift_right_arithmetic3A_901 = vector.broadcast %shift_right_arithmetic3A_900 : i32 to vector<16xi32>
        %shift_right_arithmetic3A_902 = arith.shrsi %get3A_899, %shift_right_arithmetic3A_901 : vector<16xi32>
        %and3A_903 = arith.constant 31 : i32
        %and3A_904 = vector.broadcast %and3A_903 : i32 to vector<16xi32>
        %and3A_905 = arith.andi %shift_right_arithmetic3A_902, %and3A_904 : vector<16xi32>
        %sub3A_906 = arith.constant 31 : i32
        %sub3A_907 = vector.broadcast %sub3A_906 : i32 to vector<16xi32>
        %sub3A_908 = arith.subi %sub3A_907, %and3A_905 : vector<16xi32>
        %broadcast_in_dim3A_909 = arith.constant true
        %broadcast_in_dim3A_910 = vector.broadcast %broadcast_in_dim3A_909 : i1 to vector<16xi1>
        %unique3A_911, %unique3A_912 = tpu.scan_count mask(%broadcast_in_dim3A_910 : vector<16xi1>) value(%sub3A_908 : vector<16xi32>) : vector<16xi1>, vector<16xi32>
        tpu.vector_store_idx %arg17[%sub3A_908], %unique3A_912 masked %unique3A_911 {add = true} : memref<32xi32, #tpu.memory_space<vmem>>[vector<16xi32>], vector<16xi32>, vector<16xi1>
        %while3A_913 = arith.constant 0 : i32
        scf.yield %while3A_913 : i32
      }
      %get3A_556 = arith.constant 0 : index
      %get3A_557 = tpu.vector_load %arg17[%get3A_556] {strides = array<i32>} : memref<32xi32, #tpu.memory_space<vmem>>, vector<16xi32>,
      %get3A_558 = arith.constant 16 : index
      %get3A_559 = tpu.vector_load %arg17[%get3A_558] {strides = array<i32>} : memref<32xi32, #tpu.memory_space<vmem>>, vector<16xi32>,
      %broadcast_in_dim3A_560 = arith.constant true
      %broadcast_in_dim3A_561 = vector.broadcast %broadcast_in_dim3A_560 : i1 to vector<16xi1>
      %masked_cumsum3A_562 = tpu.scan <sum>, %get3A_557 masked %broadcast_in_dim3A_561 : vector<16xi32>, vector<16xi1> -> vector<16xi32>
      %broadcast_in_dim3A_563 = arith.constant true
      %broadcast_in_dim3A_564 = vector.broadcast %broadcast_in_dim3A_563 : i1 to vector<16xi1>
      %masked_cumsum3A_565 = tpu.scan <sum>, %get3A_559 masked %broadcast_in_dim3A_564 : vector<16xi32>, vector<16xi1> -> vector<16xi32>
      %sub3A_566 = arith.subi %masked_cumsum3A_562, %get3A_557 : vector<16xi32>
      %swap3A_567 = arith.constant 0 : index
      %swap3A_568 = tpu.vector_load %arg18[%swap3A_567] {strides = array<i32>} : memref<32xi32, #tpu.memory_space<vmem>>, vector<16xi32>,
      tpu.vector_store %arg18[%swap3A_567], %sub3A_566 {strides = array<i32>} : memref<32xi32, #tpu.memory_space<vmem>>, vector<16xi32>,
      %sub3A_569 = arith.subi %masked_cumsum3A_565, %get3A_559 : vector<16xi32>
      %reduce_max3A_570 = arith.constant true
      %reduce_max3A_571 = vector.broadcast %reduce_max3A_570 : i1 to vector<16xi1>
      %reduce_max3A_572 = arith.constant -2147483648 : i32
      %reduce_max3A_573 = vector.broadcast %reduce_max3A_572 : i32 to vector<16xi32>
      %reduce_max3A_574 = arith.xori %masked_cumsum3A_562, %reduce_max3A_573 : vector<16xi32>
      %reduce_max3A_575 = tpu.scan <max>, %reduce_max3A_574 masked %reduce_max3A_571 : vector<16xi32>, vector<16xi1> -> vector<16xi32>
      %reduce_max3A_576 = arith.xori %reduce_max3A_575, %reduce_max3A_573 : vector<16xi32>
      %reduce_max3A_577 = vector.extract %reduce_max3A_576[15] : i32 from vector<16xi32>
      %add3A_578 = vector.broadcast %reduce_max3A_577 : i32 to vector<16xi32>
      %add3A_579 = arith.addi %sub3A_569, %add3A_578 : vector<16xi32>
      %swap3A_580 = arith.constant 16 : index
      %swap3A_581 = tpu.vector_load %arg18[%swap3A_580] {strides = array<i32>} : memref<32xi32, #tpu.memory_space<vmem>>, vector<16xi32>,
      tpu.vector_store %arg18[%swap3A_580], %add3A_579 {strides = array<i32>} : memref<32xi32, #tpu.memory_space<vmem>>, vector<16xi32>,
      %jit3A_582 = arith.constant 2 : i32
      %div3A_583 = arith.divsi %select_n3A_112, %jit3A_582 : i32
      %sign3A_584 = arith.constant 0 : i32
      %sign3A_585 = arith.cmpi sgt, %select_n3A_112, %sign3A_584 : i32
      %sign3A_586 = arith.extui %sign3A_585 : i1 to i32
      %sign3A_587 = arith.constant 0 : i32
      %sign3A_588 = arith.cmpi slt, %select_n3A_112, %sign3A_587 : i32
      %sign3A_589 = arith.extui %sign3A_588 : i1 to i32
      %sign3A_590 = arith.subi %sign3A_586, %sign3A_589 : i32
      %sign3A_591 = arith.constant 0 : i32
      %sign3A_592 = arith.cmpi sgt, %jit3A_582, %sign3A_591 : i32
      %sign3A_593 = arith.extui %sign3A_592 : i1 to i32
      %sign3A_594 = arith.constant 0 : i32
      %sign3A_595 = arith.cmpi slt, %jit3A_582, %sign3A_594 : i32
      %sign3A_596 = arith.extui %sign3A_595 : i1 to i32
      %sign3A_597 = arith.subi %sign3A_593, %sign3A_596 : i32
      %ne3A_598 = arith.cmpi ne, %sign3A_590, %sign3A_597 : i32
      %rem3A_599 = arith.remsi %select_n3A_112, %jit3A_582 : i32
      %ne3A_600 = arith.constant 0 : i32
      %ne3A_601 = arith.cmpi ne, %rem3A_599, %ne3A_600 : i32
      %and3A_602 = arith.andi %ne3A_598, %ne3A_601 : i1
      %sub3A_603 = arith.constant 1 : i32
      %sub3A_604 = arith.subi %div3A_583, %sub3A_603 : i32
      %select_n3A_605 = arith.select %and3A_602, %sub3A_604, %div3A_583 : i32
      %while3A_606 = arith.constant 0 : i32
      %while3A_607 = arith.constant 0 : i32
      %while3A_608 = arith.subi %select_n3A_605, %while3A_606 : i32
      %while3A_609 = arith.addi %while3A_606, %while3A_608 : i32
      %while3A_610 = arith.constant 1 : i32
      %while3A_611 = arith.divsi %while3A_608, %while3A_610 : i32
      %while3A_612 = arith.muli %while3A_611, %while3A_610 : i32
      %while3A_613 = arith.addi %while3A_606, %while3A_612 : i32
      %while3A_614 = arith.constant 1 : i32
      %while3A_615 = scf.for %while3A_829 = %while3A_606 to %while3A_613 step %while3A_614 iter_args(%while3A_830 = %while3A_607) -> (i32)  : i32 {
        %mul3A_831 = arith.constant 2 : i32
        %mul3A_832 = arith.muli %while3A_829, %mul3A_831 : i32
        %add3A_833 = arith.constant 0 : i32
        %add3A_834 = arith.addi %mul3A_832, %add3A_833 : i32
        %mul3A_835 = arith.constant 16 : i32
        %mul3A_836 = arith.muli %add3A_834, %mul3A_835 : i32
        %get3A_837 = arith.index_cast %mul3A_836 : i32 to index
        %get3A_838 = tpu.vector_load %arg12[%get3A_837] {strides = array<i32>} : memref<4160xi32, #tpu.memory_space<vmem>>, vector<16xi32>,
        %mul3A_839 = arith.constant 2 : i32
        %mul3A_840 = arith.muli %while3A_829, %mul3A_839 : i32
        %add3A_841 = arith.constant 0 : i32
        %add3A_842 = arith.addi %mul3A_840, %add3A_841 : i32
        %mul3A_843 = arith.constant 16 : i32
        %mul3A_844 = arith.muli %add3A_842, %mul3A_843 : i32
        %get3A_845 = arith.index_cast %mul3A_844 : i32 to index
        %get3A_846 = tpu.vector_load %arg14[%get3A_845] {strides = array<i32>} : memref<4160xi32, #tpu.memory_space<vmem>>, vector<16xi32>,
        %shift_right_arithmetic3A = arith.constant 20 : i32
        %shift_right_arithmetic3A_847 = vector.broadcast %shift_right_arithmetic3A : i32 to vector<16xi32>
        %shift_right_arithmetic3A_848 = arith.shrsi %get3A_838, %shift_right_arithmetic3A_847 : vector<16xi32>
        %and3A_849 = arith.constant 31 : i32
        %and3A_850 = vector.broadcast %and3A_849 : i32 to vector<16xi32>
        %and3A_851 = arith.andi %shift_right_arithmetic3A_848, %and3A_850 : vector<16xi32>
        %sub3A_852 = arith.constant 31 : i32
        %sub3A_853 = vector.broadcast %sub3A_852 : i32 to vector<16xi32>
        %sub3A_854 = arith.subi %sub3A_853, %and3A_851 : vector<16xi32>
        %broadcast_in_dim3A_855 = arith.constant true
        %broadcast_in_dim3A_856 = vector.broadcast %broadcast_in_dim3A_855 : i1 to vector<16xi1>
        %unique3A, %unique3A_857 = tpu.scan_count mask(%broadcast_in_dim3A_856 : vector<16xi1>) value(%sub3A_854 : vector<16xi32>) : vector<16xi1>, vector<16xi32>
        %gather3A = tpu.vector_load_idx %arg18[%sub3A_854] : memref<32xi32, #tpu.memory_space<vmem>>[vector<16xi32>], vector<16xi32>,
        %add3A_858 = arith.addi %gather3A, %unique3A_857 : vector<16xi32>
        %sub3A_859 = arith.constant 1 : i32
        %sub3A_860 = vector.broadcast %sub3A_859 : i32 to vector<16xi32>
        %sub3A_861 = arith.subi %add3A_858, %sub3A_860 : vector<16xi32>
        tpu.vector_store_idx %arg13[%sub3A_861], %get3A_838 : memref<4160xi32, #tpu.memory_space<vmem>>[vector<16xi32>], vector<16xi32>,
        tpu.vector_store_idx %arg15[%sub3A_861], %get3A_846 : memref<4160xi32, #tpu.memory_space<vmem>>[vector<16xi32>], vector<16xi32>,
        tpu.vector_store_idx %arg18[%sub3A_854], %unique3A_857 masked %unique3A {add = true} : memref<32xi32, #tpu.memory_space<vmem>>[vector<16xi32>], vector<16xi32>, vector<16xi1>
        %mul3A_862 = arith.constant 2 : i32
        %mul3A_863 = arith.muli %while3A_829, %mul3A_862 : i32
        %add3A_864 = arith.constant 1 : i32
        %add3A_865 = arith.addi %mul3A_863, %add3A_864 : i32
        %mul3A_866 = arith.constant 16 : i32
        %mul3A_867 = arith.muli %add3A_865, %mul3A_866 : i32
        %get3A_868 = arith.index_cast %mul3A_867 : i32 to index
        %get3A_869 = tpu.vector_load %arg12[%get3A_868] {strides = array<i32>} : memref<4160xi32, #tpu.memory_space<vmem>>, vector<16xi32>,
        %mul3A_870 = arith.constant 2 : i32
        %mul3A_871 = arith.muli %while3A_829, %mul3A_870 : i32
        %add3A_872 = arith.constant 1 : i32
        %add3A_873 = arith.addi %mul3A_871, %add3A_872 : i32
        %mul3A_874 = arith.constant 16 : i32
        %mul3A_875 = arith.muli %add3A_873, %mul3A_874 : i32
        %get3A_876 = arith.index_cast %mul3A_875 : i32 to index
        %get3A_877 = tpu.vector_load %arg14[%get3A_876] {strides = array<i32>} : memref<4160xi32, #tpu.memory_space<vmem>>, vector<16xi32>,
        %shift_right_arithmetic3A_878 = arith.constant 20 : i32
        %shift_right_arithmetic3A_879 = vector.broadcast %shift_right_arithmetic3A_878 : i32 to vector<16xi32>
        %shift_right_arithmetic3A_880 = arith.shrsi %get3A_869, %shift_right_arithmetic3A_879 : vector<16xi32>
        %and3A_881 = arith.constant 31 : i32
        %and3A_882 = vector.broadcast %and3A_881 : i32 to vector<16xi32>
        %and3A_883 = arith.andi %shift_right_arithmetic3A_880, %and3A_882 : vector<16xi32>
        %sub3A_884 = arith.constant 31 : i32
        %sub3A_885 = vector.broadcast %sub3A_884 : i32 to vector<16xi32>
        %sub3A_886 = arith.subi %sub3A_885, %and3A_883 : vector<16xi32>
        %broadcast_in_dim3A_887 = arith.constant true
        %broadcast_in_dim3A_888 = vector.broadcast %broadcast_in_dim3A_887 : i1 to vector<16xi1>
        %unique3A_889, %unique3A_890 = tpu.scan_count mask(%broadcast_in_dim3A_888 : vector<16xi1>) value(%sub3A_886 : vector<16xi32>) : vector<16xi1>, vector<16xi32>
        %gather3A_891 = tpu.vector_load_idx %arg18[%sub3A_886] : memref<32xi32, #tpu.memory_space<vmem>>[vector<16xi32>], vector<16xi32>,
        %add3A_892 = arith.addi %gather3A_891, %unique3A_890 : vector<16xi32>
        %sub3A_893 = arith.constant 1 : i32
        %sub3A_894 = vector.broadcast %sub3A_893 : i32 to vector<16xi32>
        %sub3A_895 = arith.subi %add3A_892, %sub3A_894 : vector<16xi32>
        tpu.vector_store_idx %arg13[%sub3A_895], %get3A_869 : memref<4160xi32, #tpu.memory_space<vmem>>[vector<16xi32>], vector<16xi32>,
        tpu.vector_store_idx %arg15[%sub3A_895], %get3A_877 : memref<4160xi32, #tpu.memory_space<vmem>>[vector<16xi32>], vector<16xi32>,
        tpu.vector_store_idx %arg18[%sub3A_886], %unique3A_890 masked %unique3A_889 {add = true} : memref<32xi32, #tpu.memory_space<vmem>>[vector<16xi32>], vector<16xi32>, vector<16xi1>
        %while3A_896 = arith.constant 0 : i32
        scf.yield %while3A_896 : i32
      }
      %while3A_616 = arith.constant 1 : i32
      %while3A_617 = scf.for %while3A_829 = %while3A_613 to %while3A_609 step %while3A_616 iter_args(%while3A_830 = %while3A_615) -> (i32)  : i32 {
        %mul3A_831 = arith.constant 2 : i32
        %mul3A_832 = arith.muli %while3A_829, %mul3A_831 : i32
        %add3A_833 = arith.constant 0 : i32
        %add3A_834 = arith.addi %mul3A_832, %add3A_833 : i32
        %mul3A_835 = arith.constant 16 : i32
        %mul3A_836 = arith.muli %add3A_834, %mul3A_835 : i32
        %get3A_837 = arith.index_cast %mul3A_836 : i32 to index
        %get3A_838 = tpu.vector_load %arg12[%get3A_837] {strides = array<i32>} : memref<4160xi32, #tpu.memory_space<vmem>>, vector<16xi32>,
        %mul3A_839 = arith.constant 2 : i32
        %mul3A_840 = arith.muli %while3A_829, %mul3A_839 : i32
        %add3A_841 = arith.constant 0 : i32
        %add3A_842 = arith.addi %mul3A_840, %add3A_841 : i32
        %mul3A_843 = arith.constant 16 : i32
        %mul3A_844 = arith.muli %add3A_842, %mul3A_843 : i32
        %get3A_845 = arith.index_cast %mul3A_844 : i32 to index
        %get3A_846 = tpu.vector_load %arg14[%get3A_845] {strides = array<i32>} : memref<4160xi32, #tpu.memory_space<vmem>>, vector<16xi32>,
        %shift_right_arithmetic3A = arith.constant 20 : i32
        %shift_right_arithmetic3A_847 = vector.broadcast %shift_right_arithmetic3A : i32 to vector<16xi32>
        %shift_right_arithmetic3A_848 = arith.shrsi %get3A_838, %shift_right_arithmetic3A_847 : vector<16xi32>
        %and3A_849 = arith.constant 31 : i32
        %and3A_850 = vector.broadcast %and3A_849 : i32 to vector<16xi32>
        %and3A_851 = arith.andi %shift_right_arithmetic3A_848, %and3A_850 : vector<16xi32>
        %sub3A_852 = arith.constant 31 : i32
        %sub3A_853 = vector.broadcast %sub3A_852 : i32 to vector<16xi32>
        %sub3A_854 = arith.subi %sub3A_853, %and3A_851 : vector<16xi32>
        %broadcast_in_dim3A_855 = arith.constant true
        %broadcast_in_dim3A_856 = vector.broadcast %broadcast_in_dim3A_855 : i1 to vector<16xi1>
        %unique3A, %unique3A_857 = tpu.scan_count mask(%broadcast_in_dim3A_856 : vector<16xi1>) value(%sub3A_854 : vector<16xi32>) : vector<16xi1>, vector<16xi32>
        %gather3A = tpu.vector_load_idx %arg18[%sub3A_854] : memref<32xi32, #tpu.memory_space<vmem>>[vector<16xi32>], vector<16xi32>,
        %add3A_858 = arith.addi %gather3A, %unique3A_857 : vector<16xi32>
        %sub3A_859 = arith.constant 1 : i32
        %sub3A_860 = vector.broadcast %sub3A_859 : i32 to vector<16xi32>
        %sub3A_861 = arith.subi %add3A_858, %sub3A_860 : vector<16xi32>
        tpu.vector_store_idx %arg13[%sub3A_861], %get3A_838 : memref<4160xi32, #tpu.memory_space<vmem>>[vector<16xi32>], vector<16xi32>,
        tpu.vector_store_idx %arg15[%sub3A_861], %get3A_846 : memref<4160xi32, #tpu.memory_space<vmem>>[vector<16xi32>], vector<16xi32>,
        tpu.vector_store_idx %arg18[%sub3A_854], %unique3A_857 masked %unique3A {add = true} : memref<32xi32, #tpu.memory_space<vmem>>[vector<16xi32>], vector<16xi32>, vector<16xi1>
        %mul3A_862 = arith.constant 2 : i32
        %mul3A_863 = arith.muli %while3A_829, %mul3A_862 : i32
        %add3A_864 = arith.constant 1 : i32
        %add3A_865 = arith.addi %mul3A_863, %add3A_864 : i32
        %mul3A_866 = arith.constant 16 : i32
        %mul3A_867 = arith.muli %add3A_865, %mul3A_866 : i32
        %get3A_868 = arith.index_cast %mul3A_867 : i32 to index
        %get3A_869 = tpu.vector_load %arg12[%get3A_868] {strides = array<i32>} : memref<4160xi32, #tpu.memory_space<vmem>>, vector<16xi32>,
        %mul3A_870 = arith.constant 2 : i32
        %mul3A_871 = arith.muli %while3A_829, %mul3A_870 : i32
        %add3A_872 = arith.constant 1 : i32
        %add3A_873 = arith.addi %mul3A_871, %add3A_872 : i32
        %mul3A_874 = arith.constant 16 : i32
        %mul3A_875 = arith.muli %add3A_873, %mul3A_874 : i32
        %get3A_876 = arith.index_cast %mul3A_875 : i32 to index
        %get3A_877 = tpu.vector_load %arg14[%get3A_876] {strides = array<i32>} : memref<4160xi32, #tpu.memory_space<vmem>>, vector<16xi32>,
        %shift_right_arithmetic3A_878 = arith.constant 20 : i32
        %shift_right_arithmetic3A_879 = vector.broadcast %shift_right_arithmetic3A_878 : i32 to vector<16xi32>
        %shift_right_arithmetic3A_880 = arith.shrsi %get3A_869, %shift_right_arithmetic3A_879 : vector<16xi32>
        %and3A_881 = arith.constant 31 : i32
        %and3A_882 = vector.broadcast %and3A_881 : i32 to vector<16xi32>
        %and3A_883 = arith.andi %shift_right_arithmetic3A_880, %and3A_882 : vector<16xi32>
        %sub3A_884 = arith.constant 31 : i32
        %sub3A_885 = vector.broadcast %sub3A_884 : i32 to vector<16xi32>
        %sub3A_886 = arith.subi %sub3A_885, %and3A_883 : vector<16xi32>
        %broadcast_in_dim3A_887 = arith.constant true
        %broadcast_in_dim3A_888 = vector.broadcast %broadcast_in_dim3A_887 : i1 to vector<16xi1>
        %unique3A_889, %unique3A_890 = tpu.scan_count mask(%broadcast_in_dim3A_888 : vector<16xi1>) value(%sub3A_886 : vector<16xi32>) : vector<16xi1>, vector<16xi32>
        %gather3A_891 = tpu.vector_load_idx %arg18[%sub3A_886] : memref<32xi32, #tpu.memory_space<vmem>>[vector<16xi32>], vector<16xi32>,
        %add3A_892 = arith.addi %gather3A_891, %unique3A_890 : vector<16xi32>
        %sub3A_893 = arith.constant 1 : i32
        %sub3A_894 = vector.broadcast %sub3A_893 : i32 to vector<16xi32>
        %sub3A_895 = arith.subi %add3A_892, %sub3A_894 : vector<16xi32>
        tpu.vector_store_idx %arg13[%sub3A_895], %get3A_869 : memref<4160xi32, #tpu.memory_space<vmem>>[vector<16xi32>], vector<16xi32>,
        tpu.vector_store_idx %arg15[%sub3A_895], %get3A_877 : memref<4160xi32, #tpu.memory_space<vmem>>[vector<16xi32>], vector<16xi32>,
        tpu.vector_store_idx %arg18[%sub3A_886], %unique3A_890 masked %unique3A_889 {add = true} : memref<32xi32, #tpu.memory_space<vmem>>[vector<16xi32>], vector<16xi32>, vector<16xi1>
        %while3A_896 = arith.constant 0 : i32
        scf.yield %while3A_896 : i32
      }
      %swap3A_618 = arith.constant 0 : index
      %swap3A_619 = tpu.vector_load %arg17[%swap3A_618] {strides = array<i32>} : memref<32xi32, #tpu.memory_space<vmem>>, vector<16xi32>,
      tpu.vector_store %arg17[%swap3A_618], %broadcast_in_dim3A_0 {strides = array<i32>} : memref<32xi32, #tpu.memory_space<vmem>>, vector<16xi32>,
      %swap3A_620 = arith.constant 16 : index
      %swap3A_621 = tpu.vector_load %arg17[%swap3A_620] {strides = array<i32>} : memref<32xi32, #tpu.memory_space<vmem>>, vector<16xi32>,
      tpu.vector_store %arg17[%swap3A_620], %broadcast_in_dim3A_0 {strides = array<i32>} : memref<32xi32, #tpu.memory_space<vmem>>, vector<16xi32>,
      %jit3A_622 = arith.constant 4 : i32
      %div3A_623 = arith.divsi %select_n3A_112, %jit3A_622 : i32
      %sign3A_624 = arith.constant 0 : i32
      %sign3A_625 = arith.cmpi sgt, %select_n3A_112, %sign3A_624 : i32
      %sign3A_626 = arith.extui %sign3A_625 : i1 to i32
      %sign3A_627 = arith.constant 0 : i32
      %sign3A_628 = arith.cmpi slt, %select_n3A_112, %sign3A_627 : i32
      %sign3A_629 = arith.extui %sign3A_628 : i1 to i32
      %sign3A_630 = arith.subi %sign3A_626, %sign3A_629 : i32
      %sign3A_631 = arith.constant 0 : i32
      %sign3A_632 = arith.cmpi sgt, %jit3A_622, %sign3A_631 : i32
      %sign3A_633 = arith.extui %sign3A_632 : i1 to i32
      %sign3A_634 = arith.constant 0 : i32
      %sign3A_635 = arith.cmpi slt, %jit3A_622, %sign3A_634 : i32
      %sign3A_636 = arith.extui %sign3A_635 : i1 to i32
      %sign3A_637 = arith.subi %sign3A_633, %sign3A_636 : i32
      %ne3A_638 = arith.cmpi ne, %sign3A_630, %sign3A_637 : i32
      %rem3A_639 = arith.remsi %select_n3A_112, %jit3A_622 : i32
      %ne3A_640 = arith.constant 0 : i32
      %ne3A_641 = arith.cmpi ne, %rem3A_639, %ne3A_640 : i32
      %and3A_642 = arith.andi %ne3A_638, %ne3A_641 : i1
      %sub3A_643 = arith.constant 1 : i32
      %sub3A_644 = arith.subi %div3A_623, %sub3A_643 : i32
      %select_n3A_645 = arith.select %and3A_642, %sub3A_644, %div3A_623 : i32
      %while3A_646 = arith.constant 0 : i32
      %while3A_647 = arith.constant 0 : i32
      %while3A_648 = arith.subi %select_n3A_645, %while3A_646 : i32
      %while3A_649 = arith.addi %while3A_646, %while3A_648 : i32
      %while3A_650 = arith.constant 1 : i32
      %while3A_651 = arith.divsi %while3A_648, %while3A_650 : i32
      %while3A_652 = arith.muli %while3A_651, %while3A_650 : i32
      %while3A_653 = arith.addi %while3A_646, %while3A_652 : i32
      %while3A_654 = arith.constant 1 : i32
      %while3A_655 = scf.for %while3A_829 = %while3A_646 to %while3A_653 step %while3A_654 iter_args(%while3A_830 = %while3A_647) -> (i32)  : i32 {
        %mul3A_831 = arith.constant 4 : i32
        %mul3A_832 = arith.muli %while3A_829, %mul3A_831 : i32
        %add3A_833 = arith.constant 0 : i32
        %add3A_834 = arith.addi %mul3A_832, %add3A_833 : i32
        %mul3A_835 = arith.constant 16 : i32
        %mul3A_836 = arith.muli %add3A_834, %mul3A_835 : i32
        %get3A_837 = arith.index_cast %mul3A_836 : i32 to index
        %get3A_838 = tpu.vector_load %arg13[%get3A_837] {strides = array<i32>} : memref<4160xi32, #tpu.memory_space<vmem>>, vector<16xi32>,
        %shift_right_arithmetic3A = arith.constant 25 : i32
        %shift_right_arithmetic3A_839 = vector.broadcast %shift_right_arithmetic3A : i32 to vector<16xi32>
        %shift_right_arithmetic3A_840 = arith.shrsi %get3A_838, %shift_right_arithmetic3A_839 : vector<16xi32>
        %and3A_841 = arith.constant 31 : i32
        %and3A_842 = vector.broadcast %and3A_841 : i32 to vector<16xi32>
        %and3A_843 = arith.andi %shift_right_arithmetic3A_840, %and3A_842 : vector<16xi32>
        %sub3A_844 = arith.constant 31 : i32
        %sub3A_845 = vector.broadcast %sub3A_844 : i32 to vector<16xi32>
        %sub3A_846 = arith.subi %sub3A_845, %and3A_843 : vector<16xi32>
        %broadcast_in_dim3A_847 = arith.constant true
        %broadcast_in_dim3A_848 = vector.broadcast %broadcast_in_dim3A_847 : i1 to vector<16xi1>
        %unique3A, %unique3A_849 = tpu.scan_count mask(%broadcast_in_dim3A_848 : vector<16xi1>) value(%sub3A_846 : vector<16xi32>) : vector<16xi1>, vector<16xi32>
        tpu.vector_store_idx %arg17[%sub3A_846], %unique3A_849 masked %unique3A {add = true} : memref<32xi32, #tpu.memory_space<vmem>>[vector<16xi32>], vector<16xi32>, vector<16xi1>
        %mul3A_850 = arith.constant 4 : i32
        %mul3A_851 = arith.muli %while3A_829, %mul3A_850 : i32
        %add3A_852 = arith.constant 1 : i32
        %add3A_853 = arith.addi %mul3A_851, %add3A_852 : i32
        %mul3A_854 = arith.constant 16 : i32
        %mul3A_855 = arith.muli %add3A_853, %mul3A_854 : i32
        %get3A_856 = arith.index_cast %mul3A_855 : i32 to index
        %get3A_857 = tpu.vector_load %arg13[%get3A_856] {strides = array<i32>} : memref<4160xi32, #tpu.memory_space<vmem>>, vector<16xi32>,
        %shift_right_arithmetic3A_858 = arith.constant 25 : i32
        %shift_right_arithmetic3A_859 = vector.broadcast %shift_right_arithmetic3A_858 : i32 to vector<16xi32>
        %shift_right_arithmetic3A_860 = arith.shrsi %get3A_857, %shift_right_arithmetic3A_859 : vector<16xi32>
        %and3A_861 = arith.constant 31 : i32
        %and3A_862 = vector.broadcast %and3A_861 : i32 to vector<16xi32>
        %and3A_863 = arith.andi %shift_right_arithmetic3A_860, %and3A_862 : vector<16xi32>
        %sub3A_864 = arith.constant 31 : i32
        %sub3A_865 = vector.broadcast %sub3A_864 : i32 to vector<16xi32>
        %sub3A_866 = arith.subi %sub3A_865, %and3A_863 : vector<16xi32>
        %broadcast_in_dim3A_867 = arith.constant true
        %broadcast_in_dim3A_868 = vector.broadcast %broadcast_in_dim3A_867 : i1 to vector<16xi1>
        %unique3A_869, %unique3A_870 = tpu.scan_count mask(%broadcast_in_dim3A_868 : vector<16xi1>) value(%sub3A_866 : vector<16xi32>) : vector<16xi1>, vector<16xi32>
        tpu.vector_store_idx %arg17[%sub3A_866], %unique3A_870 masked %unique3A_869 {add = true} : memref<32xi32, #tpu.memory_space<vmem>>[vector<16xi32>], vector<16xi32>, vector<16xi1>
        %mul3A_871 = arith.constant 4 : i32
        %mul3A_872 = arith.muli %while3A_829, %mul3A_871 : i32
        %add3A_873 = arith.constant 2 : i32
        %add3A_874 = arith.addi %mul3A_872, %add3A_873 : i32
        %mul3A_875 = arith.constant 16 : i32
        %mul3A_876 = arith.muli %add3A_874, %mul3A_875 : i32
        %get3A_877 = arith.index_cast %mul3A_876 : i32 to index
        %get3A_878 = tpu.vector_load %arg13[%get3A_877] {strides = array<i32>} : memref<4160xi32, #tpu.memory_space<vmem>>, vector<16xi32>,
        %shift_right_arithmetic3A_879 = arith.constant 25 : i32
        %shift_right_arithmetic3A_880 = vector.broadcast %shift_right_arithmetic3A_879 : i32 to vector<16xi32>
        %shift_right_arithmetic3A_881 = arith.shrsi %get3A_878, %shift_right_arithmetic3A_880 : vector<16xi32>
        %and3A_882 = arith.constant 31 : i32
        %and3A_883 = vector.broadcast %and3A_882 : i32 to vector<16xi32>
        %and3A_884 = arith.andi %shift_right_arithmetic3A_881, %and3A_883 : vector<16xi32>
        %sub3A_885 = arith.constant 31 : i32
        %sub3A_886 = vector.broadcast %sub3A_885 : i32 to vector<16xi32>
        %sub3A_887 = arith.subi %sub3A_886, %and3A_884 : vector<16xi32>
        %broadcast_in_dim3A_888 = arith.constant true
        %broadcast_in_dim3A_889 = vector.broadcast %broadcast_in_dim3A_888 : i1 to vector<16xi1>
        %unique3A_890, %unique3A_891 = tpu.scan_count mask(%broadcast_in_dim3A_889 : vector<16xi1>) value(%sub3A_887 : vector<16xi32>) : vector<16xi1>, vector<16xi32>
        tpu.vector_store_idx %arg17[%sub3A_887], %unique3A_891 masked %unique3A_890 {add = true} : memref<32xi32, #tpu.memory_space<vmem>>[vector<16xi32>], vector<16xi32>, vector<16xi1>
        %mul3A_892 = arith.constant 4 : i32
        %mul3A_893 = arith.muli %while3A_829, %mul3A_892 : i32
        %add3A_894 = arith.constant 3 : i32
        %add3A_895 = arith.addi %mul3A_893, %add3A_894 : i32
        %mul3A_896 = arith.constant 16 : i32
        %mul3A_897 = arith.muli %add3A_895, %mul3A_896 : i32
        %get3A_898 = arith.index_cast %mul3A_897 : i32 to index
        %get3A_899 = tpu.vector_load %arg13[%get3A_898] {strides = array<i32>} : memref<4160xi32, #tpu.memory_space<vmem>>, vector<16xi32>,
        %shift_right_arithmetic3A_900 = arith.constant 25 : i32
        %shift_right_arithmetic3A_901 = vector.broadcast %shift_right_arithmetic3A_900 : i32 to vector<16xi32>
        %shift_right_arithmetic3A_902 = arith.shrsi %get3A_899, %shift_right_arithmetic3A_901 : vector<16xi32>
        %and3A_903 = arith.constant 31 : i32
        %and3A_904 = vector.broadcast %and3A_903 : i32 to vector<16xi32>
        %and3A_905 = arith.andi %shift_right_arithmetic3A_902, %and3A_904 : vector<16xi32>
        %sub3A_906 = arith.constant 31 : i32
        %sub3A_907 = vector.broadcast %sub3A_906 : i32 to vector<16xi32>
        %sub3A_908 = arith.subi %sub3A_907, %and3A_905 : vector<16xi32>
        %broadcast_in_dim3A_909 = arith.constant true
        %broadcast_in_dim3A_910 = vector.broadcast %broadcast_in_dim3A_909 : i1 to vector<16xi1>
        %unique3A_911, %unique3A_912 = tpu.scan_count mask(%broadcast_in_dim3A_910 : vector<16xi1>) value(%sub3A_908 : vector<16xi32>) : vector<16xi1>, vector<16xi32>
        tpu.vector_store_idx %arg17[%sub3A_908], %unique3A_912 masked %unique3A_911 {add = true} : memref<32xi32, #tpu.memory_space<vmem>>[vector<16xi32>], vector<16xi32>, vector<16xi1>
        %while3A_913 = arith.constant 0 : i32
        scf.yield %while3A_913 : i32
      }
      %while3A_656 = arith.constant 1 : i32
      %while3A_657 = scf.for %while3A_829 = %while3A_653 to %while3A_649 step %while3A_656 iter_args(%while3A_830 = %while3A_655) -> (i32)  : i32 {
        %mul3A_831 = arith.constant 4 : i32
        %mul3A_832 = arith.muli %while3A_829, %mul3A_831 : i32
        %add3A_833 = arith.constant 0 : i32
        %add3A_834 = arith.addi %mul3A_832, %add3A_833 : i32
        %mul3A_835 = arith.constant 16 : i32
        %mul3A_836 = arith.muli %add3A_834, %mul3A_835 : i32
        %get3A_837 = arith.index_cast %mul3A_836 : i32 to index
        %get3A_838 = tpu.vector_load %arg13[%get3A_837] {strides = array<i32>} : memref<4160xi32, #tpu.memory_space<vmem>>, vector<16xi32>,
        %shift_right_arithmetic3A = arith.constant 25 : i32
        %shift_right_arithmetic3A_839 = vector.broadcast %shift_right_arithmetic3A : i32 to vector<16xi32>
        %shift_right_arithmetic3A_840 = arith.shrsi %get3A_838, %shift_right_arithmetic3A_839 : vector<16xi32>
        %and3A_841 = arith.constant 31 : i32
        %and3A_842 = vector.broadcast %and3A_841 : i32 to vector<16xi32>
        %and3A_843 = arith.andi %shift_right_arithmetic3A_840, %and3A_842 : vector<16xi32>
        %sub3A_844 = arith.constant 31 : i32
        %sub3A_845 = vector.broadcast %sub3A_844 : i32 to vector<16xi32>
        %sub3A_846 = arith.subi %sub3A_845, %and3A_843 : vector<16xi32>
        %broadcast_in_dim3A_847 = arith.constant true
        %broadcast_in_dim3A_848 = vector.broadcast %broadcast_in_dim3A_847 : i1 to vector<16xi1>
        %unique3A, %unique3A_849 = tpu.scan_count mask(%broadcast_in_dim3A_848 : vector<16xi1>) value(%sub3A_846 : vector<16xi32>) : vector<16xi1>, vector<16xi32>
        tpu.vector_store_idx %arg17[%sub3A_846], %unique3A_849 masked %unique3A {add = true} : memref<32xi32, #tpu.memory_space<vmem>>[vector<16xi32>], vector<16xi32>, vector<16xi1>
        %mul3A_850 = arith.constant 4 : i32
        %mul3A_851 = arith.muli %while3A_829, %mul3A_850 : i32
        %add3A_852 = arith.constant 1 : i32
        %add3A_853 = arith.addi %mul3A_851, %add3A_852 : i32
        %mul3A_854 = arith.constant 16 : i32
        %mul3A_855 = arith.muli %add3A_853, %mul3A_854 : i32
        %get3A_856 = arith.index_cast %mul3A_855 : i32 to index
        %get3A_857 = tpu.vector_load %arg13[%get3A_856] {strides = array<i32>} : memref<4160xi32, #tpu.memory_space<vmem>>, vector<16xi32>,
        %shift_right_arithmetic3A_858 = arith.constant 25 : i32
        %shift_right_arithmetic3A_859 = vector.broadcast %shift_right_arithmetic3A_858 : i32 to vector<16xi32>
        %shift_right_arithmetic3A_860 = arith.shrsi %get3A_857, %shift_right_arithmetic3A_859 : vector<16xi32>
        %and3A_861 = arith.constant 31 : i32
        %and3A_862 = vector.broadcast %and3A_861 : i32 to vector<16xi32>
        %and3A_863 = arith.andi %shift_right_arithmetic3A_860, %and3A_862 : vector<16xi32>
        %sub3A_864 = arith.constant 31 : i32
        %sub3A_865 = vector.broadcast %sub3A_864 : i32 to vector<16xi32>
        %sub3A_866 = arith.subi %sub3A_865, %and3A_863 : vector<16xi32>
        %broadcast_in_dim3A_867 = arith.constant true
        %broadcast_in_dim3A_868 = vector.broadcast %broadcast_in_dim3A_867 : i1 to vector<16xi1>
        %unique3A_869, %unique3A_870 = tpu.scan_count mask(%broadcast_in_dim3A_868 : vector<16xi1>) value(%sub3A_866 : vector<16xi32>) : vector<16xi1>, vector<16xi32>
        tpu.vector_store_idx %arg17[%sub3A_866], %unique3A_870 masked %unique3A_869 {add = true} : memref<32xi32, #tpu.memory_space<vmem>>[vector<16xi32>], vector<16xi32>, vector<16xi1>
        %mul3A_871 = arith.constant 4 : i32
        %mul3A_872 = arith.muli %while3A_829, %mul3A_871 : i32
        %add3A_873 = arith.constant 2 : i32
        %add3A_874 = arith.addi %mul3A_872, %add3A_873 : i32
        %mul3A_875 = arith.constant 16 : i32
        %mul3A_876 = arith.muli %add3A_874, %mul3A_875 : i32
        %get3A_877 = arith.index_cast %mul3A_876 : i32 to index
        %get3A_878 = tpu.vector_load %arg13[%get3A_877] {strides = array<i32>} : memref<4160xi32, #tpu.memory_space<vmem>>, vector<16xi32>,
        %shift_right_arithmetic3A_879 = arith.constant 25 : i32
        %shift_right_arithmetic3A_880 = vector.broadcast %shift_right_arithmetic3A_879 : i32 to vector<16xi32>
        %shift_right_arithmetic3A_881 = arith.shrsi %get3A_878, %shift_right_arithmetic3A_880 : vector<16xi32>
        %and3A_882 = arith.constant 31 : i32
        %and3A_883 = vector.broadcast %and3A_882 : i32 to vector<16xi32>
        %and3A_884 = arith.andi %shift_right_arithmetic3A_881, %and3A_883 : vector<16xi32>
        %sub3A_885 = arith.constant 31 : i32
        %sub3A_886 = vector.broadcast %sub3A_885 : i32 to vector<16xi32>
        %sub3A_887 = arith.subi %sub3A_886, %and3A_884 : vector<16xi32>
        %broadcast_in_dim3A_888 = arith.constant true
        %broadcast_in_dim3A_889 = vector.broadcast %broadcast_in_dim3A_888 : i1 to vector<16xi1>
        %unique3A_890, %unique3A_891 = tpu.scan_count mask(%broadcast_in_dim3A_889 : vector<16xi1>) value(%sub3A_887 : vector<16xi32>) : vector<16xi1>, vector<16xi32>
        tpu.vector_store_idx %arg17[%sub3A_887], %unique3A_891 masked %unique3A_890 {add = true} : memref<32xi32, #tpu.memory_space<vmem>>[vector<16xi32>], vector<16xi32>, vector<16xi1>
        %mul3A_892 = arith.constant 4 : i32
        %mul3A_893 = arith.muli %while3A_829, %mul3A_892 : i32
        %add3A_894 = arith.constant 3 : i32
        %add3A_895 = arith.addi %mul3A_893, %add3A_894 : i32
        %mul3A_896 = arith.constant 16 : i32
        %mul3A_897 = arith.muli %add3A_895, %mul3A_896 : i32
        %get3A_898 = arith.index_cast %mul3A_897 : i32 to index
        %get3A_899 = tpu.vector_load %arg13[%get3A_898] {strides = array<i32>} : memref<4160xi32, #tpu.memory_space<vmem>>, vector<16xi32>,
        %shift_right_arithmetic3A_900 = arith.constant 25 : i32
        %shift_right_arithmetic3A_901 = vector.broadcast %shift_right_arithmetic3A_900 : i32 to vector<16xi32>
        %shift_right_arithmetic3A_902 = arith.shrsi %get3A_899, %shift_right_arithmetic3A_901 : vector<16xi32>
        %and3A_903 = arith.constant 31 : i32
        %and3A_904 = vector.broadcast %and3A_903 : i32 to vector<16xi32>
        %and3A_905 = arith.andi %shift_right_arithmetic3A_902, %and3A_904 : vector<16xi32>
        %sub3A_906 = arith.constant 31 : i32
        %sub3A_907 = vector.broadcast %sub3A_906 : i32 to vector<16xi32>
        %sub3A_908 = arith.subi %sub3A_907, %and3A_905 : vector<16xi32>
        %broadcast_in_dim3A_909 = arith.constant true
        %broadcast_in_dim3A_910 = vector.broadcast %broadcast_in_dim3A_909 : i1 to vector<16xi1>
        %unique3A_911, %unique3A_912 = tpu.scan_count mask(%broadcast_in_dim3A_910 : vector<16xi1>) value(%sub3A_908 : vector<16xi32>) : vector<16xi1>, vector<16xi32>
        tpu.vector_store_idx %arg17[%sub3A_908], %unique3A_912 masked %unique3A_911 {add = true} : memref<32xi32, #tpu.memory_space<vmem>>[vector<16xi32>], vector<16xi32>, vector<16xi1>
        %while3A_913 = arith.constant 0 : i32
        scf.yield %while3A_913 : i32
      }
      %get3A_658 = arith.constant 0 : index
      %get3A_659 = tpu.vector_load %arg17[%get3A_658] {strides = array<i32>} : memref<32xi32, #tpu.memory_space<vmem>>, vector<16xi32>,
      %get3A_660 = arith.constant 16 : index
      %get3A_661 = tpu.vector_load %arg17[%get3A_660] {strides = array<i32>} : memref<32xi32, #tpu.memory_space<vmem>>, vector<16xi32>,
      %broadcast_in_dim3A_662 = arith.constant true
      %broadcast_in_dim3A_663 = vector.broadcast %broadcast_in_dim3A_662 : i1 to vector<16xi1>
      %masked_cumsum3A_664 = tpu.scan <sum>, %get3A_659 masked %broadcast_in_dim3A_663 : vector<16xi32>, vector<16xi1> -> vector<16xi32>
      %broadcast_in_dim3A_665 = arith.constant true
      %broadcast_in_dim3A_666 = vector.broadcast %broadcast_in_dim3A_665 : i1 to vector<16xi1>
      %masked_cumsum3A_667 = tpu.scan <sum>, %get3A_661 masked %broadcast_in_dim3A_666 : vector<16xi32>, vector<16xi1> -> vector<16xi32>
      %sub3A_668 = arith.subi %masked_cumsum3A_664, %get3A_659 : vector<16xi32>
      %swap3A_669 = arith.constant 0 : index
      %swap3A_670 = tpu.vector_load %arg18[%swap3A_669] {strides = array<i32>} : memref<32xi32, #tpu.memory_space<vmem>>, vector<16xi32>,
      tpu.vector_store %arg18[%swap3A_669], %sub3A_668 {strides = array<i32>} : memref<32xi32, #tpu.memory_space<vmem>>, vector<16xi32>,
      %sub3A_671 = arith.subi %masked_cumsum3A_667, %get3A_661 : vector<16xi32>
      %reduce_max3A_672 = arith.constant true
      %reduce_max3A_673 = vector.broadcast %reduce_max3A_672 : i1 to vector<16xi1>
      %reduce_max3A_674 = arith.constant -2147483648 : i32
      %reduce_max3A_675 = vector.broadcast %reduce_max3A_674 : i32 to vector<16xi32>
      %reduce_max3A_676 = arith.xori %masked_cumsum3A_664, %reduce_max3A_675 : vector<16xi32>
      %reduce_max3A_677 = tpu.scan <max>, %reduce_max3A_676 masked %reduce_max3A_673 : vector<16xi32>, vector<16xi1> -> vector<16xi32>
      %reduce_max3A_678 = arith.xori %reduce_max3A_677, %reduce_max3A_675 : vector<16xi32>
      %reduce_max3A_679 = vector.extract %reduce_max3A_678[15] : i32 from vector<16xi32>
      %add3A_680 = vector.broadcast %reduce_max3A_679 : i32 to vector<16xi32>
      %add3A_681 = arith.addi %sub3A_671, %add3A_680 : vector<16xi32>
      %swap3A_682 = arith.constant 16 : index
      %swap3A_683 = tpu.vector_load %arg18[%swap3A_682] {strides = array<i32>} : memref<32xi32, #tpu.memory_space<vmem>>, vector<16xi32>,
      tpu.vector_store %arg18[%swap3A_682], %add3A_681 {strides = array<i32>} : memref<32xi32, #tpu.memory_space<vmem>>, vector<16xi32>,
      %jit3A_684 = arith.constant 2 : i32
      %div3A_685 = arith.divsi %select_n3A_112, %jit3A_684 : i32
      %sign3A_686 = arith.constant 0 : i32
      %sign3A_687 = arith.cmpi sgt, %select_n3A_112, %sign3A_686 : i32
      %sign3A_688 = arith.extui %sign3A_687 : i1 to i32
      %sign3A_689 = arith.constant 0 : i32
      %sign3A_690 = arith.cmpi slt, %select_n3A_112, %sign3A_689 : i32
      %sign3A_691 = arith.extui %sign3A_690 : i1 to i32
      %sign3A_692 = arith.subi %sign3A_688, %sign3A_691 : i32
      %sign3A_693 = arith.constant 0 : i32
      %sign3A_694 = arith.cmpi sgt, %jit3A_684, %sign3A_693 : i32
      %sign3A_695 = arith.extui %sign3A_694 : i1 to i32
      %sign3A_696 = arith.constant 0 : i32
      %sign3A_697 = arith.cmpi slt, %jit3A_684, %sign3A_696 : i32
      %sign3A_698 = arith.extui %sign3A_697 : i1 to i32
      %sign3A_699 = arith.subi %sign3A_695, %sign3A_698 : i32
      %ne3A_700 = arith.cmpi ne, %sign3A_692, %sign3A_699 : i32
      %rem3A_701 = arith.remsi %select_n3A_112, %jit3A_684 : i32
      %ne3A_702 = arith.constant 0 : i32
      %ne3A_703 = arith.cmpi ne, %rem3A_701, %ne3A_702 : i32
      %and3A_704 = arith.andi %ne3A_700, %ne3A_703 : i1
      %sub3A_705 = arith.constant 1 : i32
      %sub3A_706 = arith.subi %div3A_685, %sub3A_705 : i32
      %select_n3A_707 = arith.select %and3A_704, %sub3A_706, %div3A_685 : i32
      %while3A_708 = arith.constant 0 : i32
      %while3A_709 = arith.constant 0 : i32
      %while3A_710 = arith.subi %select_n3A_707, %while3A_708 : i32
      %while3A_711 = arith.addi %while3A_708, %while3A_710 : i32
      %while3A_712 = arith.constant 1 : i32
      %while3A_713 = arith.divsi %while3A_710, %while3A_712 : i32
      %while3A_714 = arith.muli %while3A_713, %while3A_712 : i32
      %while3A_715 = arith.addi %while3A_708, %while3A_714 : i32
      %while3A_716 = arith.constant 1 : i32
      %while3A_717 = scf.for %while3A_829 = %while3A_708 to %while3A_715 step %while3A_716 iter_args(%while3A_830 = %while3A_709) -> (i32)  : i32 {
        %mul3A_831 = arith.constant 2 : i32
        %mul3A_832 = arith.muli %while3A_829, %mul3A_831 : i32
        %add3A_833 = arith.constant 0 : i32
        %add3A_834 = arith.addi %mul3A_832, %add3A_833 : i32
        %mul3A_835 = arith.constant 16 : i32
        %mul3A_836 = arith.muli %add3A_834, %mul3A_835 : i32
        %get3A_837 = arith.index_cast %mul3A_836 : i32 to index
        %get3A_838 = tpu.vector_load %arg13[%get3A_837] {strides = array<i32>} : memref<4160xi32, #tpu.memory_space<vmem>>, vector<16xi32>,
        %mul3A_839 = arith.constant 2 : i32
        %mul3A_840 = arith.muli %while3A_829, %mul3A_839 : i32
        %add3A_841 = arith.constant 0 : i32
        %add3A_842 = arith.addi %mul3A_840, %add3A_841 : i32
        %mul3A_843 = arith.constant 16 : i32
        %mul3A_844 = arith.muli %add3A_842, %mul3A_843 : i32
        %get3A_845 = arith.index_cast %mul3A_844 : i32 to index
        %get3A_846 = tpu.vector_load %arg15[%get3A_845] {strides = array<i32>} : memref<4160xi32, #tpu.memory_space<vmem>>, vector<16xi32>,
        %shift_right_arithmetic3A = arith.constant 25 : i32
        %shift_right_arithmetic3A_847 = vector.broadcast %shift_right_arithmetic3A : i32 to vector<16xi32>
        %shift_right_arithmetic3A_848 = arith.shrsi %get3A_838, %shift_right_arithmetic3A_847 : vector<16xi32>
        %and3A_849 = arith.constant 31 : i32
        %and3A_850 = vector.broadcast %and3A_849 : i32 to vector<16xi32>
        %and3A_851 = arith.andi %shift_right_arithmetic3A_848, %and3A_850 : vector<16xi32>
        %sub3A_852 = arith.constant 31 : i32
        %sub3A_853 = vector.broadcast %sub3A_852 : i32 to vector<16xi32>
        %sub3A_854 = arith.subi %sub3A_853, %and3A_851 : vector<16xi32>
        %broadcast_in_dim3A_855 = arith.constant true
        %broadcast_in_dim3A_856 = vector.broadcast %broadcast_in_dim3A_855 : i1 to vector<16xi1>
        %unique3A, %unique3A_857 = tpu.scan_count mask(%broadcast_in_dim3A_856 : vector<16xi1>) value(%sub3A_854 : vector<16xi32>) : vector<16xi1>, vector<16xi32>
        %gather3A = tpu.vector_load_idx %arg18[%sub3A_854] : memref<32xi32, #tpu.memory_space<vmem>>[vector<16xi32>], vector<16xi32>,
        %add3A_858 = arith.addi %gather3A, %unique3A_857 : vector<16xi32>
        %sub3A_859 = arith.constant 1 : i32
        %sub3A_860 = vector.broadcast %sub3A_859 : i32 to vector<16xi32>
        %sub3A_861 = arith.subi %add3A_858, %sub3A_860 : vector<16xi32>
        tpu.vector_store_idx %arg12[%sub3A_861], %get3A_838 : memref<4160xi32, #tpu.memory_space<vmem>>[vector<16xi32>], vector<16xi32>,
        tpu.vector_store_idx %arg14[%sub3A_861], %get3A_846 : memref<4160xi32, #tpu.memory_space<vmem>>[vector<16xi32>], vector<16xi32>,
        tpu.vector_store_idx %arg18[%sub3A_854], %unique3A_857 masked %unique3A {add = true} : memref<32xi32, #tpu.memory_space<vmem>>[vector<16xi32>], vector<16xi32>, vector<16xi1>
        %mul3A_862 = arith.constant 2 : i32
        %mul3A_863 = arith.muli %while3A_829, %mul3A_862 : i32
        %add3A_864 = arith.constant 1 : i32
        %add3A_865 = arith.addi %mul3A_863, %add3A_864 : i32
        %mul3A_866 = arith.constant 16 : i32
        %mul3A_867 = arith.muli %add3A_865, %mul3A_866 : i32
        %get3A_868 = arith.index_cast %mul3A_867 : i32 to index
        %get3A_869 = tpu.vector_load %arg13[%get3A_868] {strides = array<i32>} : memref<4160xi32, #tpu.memory_space<vmem>>, vector<16xi32>,
        %mul3A_870 = arith.constant 2 : i32
        %mul3A_871 = arith.muli %while3A_829, %mul3A_870 : i32
        %add3A_872 = arith.constant 1 : i32
        %add3A_873 = arith.addi %mul3A_871, %add3A_872 : i32
        %mul3A_874 = arith.constant 16 : i32
        %mul3A_875 = arith.muli %add3A_873, %mul3A_874 : i32
        %get3A_876 = arith.index_cast %mul3A_875 : i32 to index
        %get3A_877 = tpu.vector_load %arg15[%get3A_876] {strides = array<i32>} : memref<4160xi32, #tpu.memory_space<vmem>>, vector<16xi32>,
        %shift_right_arithmetic3A_878 = arith.constant 25 : i32
        %shift_right_arithmetic3A_879 = vector.broadcast %shift_right_arithmetic3A_878 : i32 to vector<16xi32>
        %shift_right_arithmetic3A_880 = arith.shrsi %get3A_869, %shift_right_arithmetic3A_879 : vector<16xi32>
        %and3A_881 = arith.constant 31 : i32
        %and3A_882 = vector.broadcast %and3A_881 : i32 to vector<16xi32>
        %and3A_883 = arith.andi %shift_right_arithmetic3A_880, %and3A_882 : vector<16xi32>
        %sub3A_884 = arith.constant 31 : i32
        %sub3A_885 = vector.broadcast %sub3A_884 : i32 to vector<16xi32>
        %sub3A_886 = arith.subi %sub3A_885, %and3A_883 : vector<16xi32>
        %broadcast_in_dim3A_887 = arith.constant true
        %broadcast_in_dim3A_888 = vector.broadcast %broadcast_in_dim3A_887 : i1 to vector<16xi1>
        %unique3A_889, %unique3A_890 = tpu.scan_count mask(%broadcast_in_dim3A_888 : vector<16xi1>) value(%sub3A_886 : vector<16xi32>) : vector<16xi1>, vector<16xi32>
        %gather3A_891 = tpu.vector_load_idx %arg18[%sub3A_886] : memref<32xi32, #tpu.memory_space<vmem>>[vector<16xi32>], vector<16xi32>,
        %add3A_892 = arith.addi %gather3A_891, %unique3A_890 : vector<16xi32>
        %sub3A_893 = arith.constant 1 : i32
        %sub3A_894 = vector.broadcast %sub3A_893 : i32 to vector<16xi32>
        %sub3A_895 = arith.subi %add3A_892, %sub3A_894 : vector<16xi32>
        tpu.vector_store_idx %arg12[%sub3A_895], %get3A_869 : memref<4160xi32, #tpu.memory_space<vmem>>[vector<16xi32>], vector<16xi32>,
        tpu.vector_store_idx %arg14[%sub3A_895], %get3A_877 : memref<4160xi32, #tpu.memory_space<vmem>>[vector<16xi32>], vector<16xi32>,
        tpu.vector_store_idx %arg18[%sub3A_886], %unique3A_890 masked %unique3A_889 {add = true} : memref<32xi32, #tpu.memory_space<vmem>>[vector<16xi32>], vector<16xi32>, vector<16xi1>
        %while3A_896 = arith.constant 0 : i32
        scf.yield %while3A_896 : i32
      }
      %while3A_718 = arith.constant 1 : i32
      %while3A_719 = scf.for %while3A_829 = %while3A_715 to %while3A_711 step %while3A_718 iter_args(%while3A_830 = %while3A_717) -> (i32)  : i32 {
        %mul3A_831 = arith.constant 2 : i32
        %mul3A_832 = arith.muli %while3A_829, %mul3A_831 : i32
        %add3A_833 = arith.constant 0 : i32
        %add3A_834 = arith.addi %mul3A_832, %add3A_833 : i32
        %mul3A_835 = arith.constant 16 : i32
        %mul3A_836 = arith.muli %add3A_834, %mul3A_835 : i32
        %get3A_837 = arith.index_cast %mul3A_836 : i32 to index
        %get3A_838 = tpu.vector_load %arg13[%get3A_837] {strides = array<i32>} : memref<4160xi32, #tpu.memory_space<vmem>>, vector<16xi32>,
        %mul3A_839 = arith.constant 2 : i32
        %mul3A_840 = arith.muli %while3A_829, %mul3A_839 : i32
        %add3A_841 = arith.constant 0 : i32
        %add3A_842 = arith.addi %mul3A_840, %add3A_841 : i32
        %mul3A_843 = arith.constant 16 : i32
        %mul3A_844 = arith.muli %add3A_842, %mul3A_843 : i32
        %get3A_845 = arith.index_cast %mul3A_844 : i32 to index
        %get3A_846 = tpu.vector_load %arg15[%get3A_845] {strides = array<i32>} : memref<4160xi32, #tpu.memory_space<vmem>>, vector<16xi32>,
        %shift_right_arithmetic3A = arith.constant 25 : i32
        %shift_right_arithmetic3A_847 = vector.broadcast %shift_right_arithmetic3A : i32 to vector<16xi32>
        %shift_right_arithmetic3A_848 = arith.shrsi %get3A_838, %shift_right_arithmetic3A_847 : vector<16xi32>
        %and3A_849 = arith.constant 31 : i32
        %and3A_850 = vector.broadcast %and3A_849 : i32 to vector<16xi32>
        %and3A_851 = arith.andi %shift_right_arithmetic3A_848, %and3A_850 : vector<16xi32>
        %sub3A_852 = arith.constant 31 : i32
        %sub3A_853 = vector.broadcast %sub3A_852 : i32 to vector<16xi32>
        %sub3A_854 = arith.subi %sub3A_853, %and3A_851 : vector<16xi32>
        %broadcast_in_dim3A_855 = arith.constant true
        %broadcast_in_dim3A_856 = vector.broadcast %broadcast_in_dim3A_855 : i1 to vector<16xi1>
        %unique3A, %unique3A_857 = tpu.scan_count mask(%broadcast_in_dim3A_856 : vector<16xi1>) value(%sub3A_854 : vector<16xi32>) : vector<16xi1>, vector<16xi32>
        %gather3A = tpu.vector_load_idx %arg18[%sub3A_854] : memref<32xi32, #tpu.memory_space<vmem>>[vector<16xi32>], vector<16xi32>,
        %add3A_858 = arith.addi %gather3A, %unique3A_857 : vector<16xi32>
        %sub3A_859 = arith.constant 1 : i32
        %sub3A_860 = vector.broadcast %sub3A_859 : i32 to vector<16xi32>
        %sub3A_861 = arith.subi %add3A_858, %sub3A_860 : vector<16xi32>
        tpu.vector_store_idx %arg12[%sub3A_861], %get3A_838 : memref<4160xi32, #tpu.memory_space<vmem>>[vector<16xi32>], vector<16xi32>,
        tpu.vector_store_idx %arg14[%sub3A_861], %get3A_846 : memref<4160xi32, #tpu.memory_space<vmem>>[vector<16xi32>], vector<16xi32>,
        tpu.vector_store_idx %arg18[%sub3A_854], %unique3A_857 masked %unique3A {add = true} : memref<32xi32, #tpu.memory_space<vmem>>[vector<16xi32>], vector<16xi32>, vector<16xi1>
        %mul3A_862 = arith.constant 2 : i32
        %mul3A_863 = arith.muli %while3A_829, %mul3A_862 : i32
        %add3A_864 = arith.constant 1 : i32
        %add3A_865 = arith.addi %mul3A_863, %add3A_864 : i32
        %mul3A_866 = arith.constant 16 : i32
        %mul3A_867 = arith.muli %add3A_865, %mul3A_866 : i32
        %get3A_868 = arith.index_cast %mul3A_867 : i32 to index
        %get3A_869 = tpu.vector_load %arg13[%get3A_868] {strides = array<i32>} : memref<4160xi32, #tpu.memory_space<vmem>>, vector<16xi32>,
        %mul3A_870 = arith.constant 2 : i32
        %mul3A_871 = arith.muli %while3A_829, %mul3A_870 : i32
        %add3A_872 = arith.constant 1 : i32
        %add3A_873 = arith.addi %mul3A_871, %add3A_872 : i32
        %mul3A_874 = arith.constant 16 : i32
        %mul3A_875 = arith.muli %add3A_873, %mul3A_874 : i32
        %get3A_876 = arith.index_cast %mul3A_875 : i32 to index
        %get3A_877 = tpu.vector_load %arg15[%get3A_876] {strides = array<i32>} : memref<4160xi32, #tpu.memory_space<vmem>>, vector<16xi32>,
        %shift_right_arithmetic3A_878 = arith.constant 25 : i32
        %shift_right_arithmetic3A_879 = vector.broadcast %shift_right_arithmetic3A_878 : i32 to vector<16xi32>
        %shift_right_arithmetic3A_880 = arith.shrsi %get3A_869, %shift_right_arithmetic3A_879 : vector<16xi32>
        %and3A_881 = arith.constant 31 : i32
        %and3A_882 = vector.broadcast %and3A_881 : i32 to vector<16xi32>
        %and3A_883 = arith.andi %shift_right_arithmetic3A_880, %and3A_882 : vector<16xi32>
        %sub3A_884 = arith.constant 31 : i32
        %sub3A_885 = vector.broadcast %sub3A_884 : i32 to vector<16xi32>
        %sub3A_886 = arith.subi %sub3A_885, %and3A_883 : vector<16xi32>
        %broadcast_in_dim3A_887 = arith.constant true
        %broadcast_in_dim3A_888 = vector.broadcast %broadcast_in_dim3A_887 : i1 to vector<16xi1>
        %unique3A_889, %unique3A_890 = tpu.scan_count mask(%broadcast_in_dim3A_888 : vector<16xi1>) value(%sub3A_886 : vector<16xi32>) : vector<16xi1>, vector<16xi32>
        %gather3A_891 = tpu.vector_load_idx %arg18[%sub3A_886] : memref<32xi32, #tpu.memory_space<vmem>>[vector<16xi32>], vector<16xi32>,
        %add3A_892 = arith.addi %gather3A_891, %unique3A_890 : vector<16xi32>
        %sub3A_893 = arith.constant 1 : i32
        %sub3A_894 = vector.broadcast %sub3A_893 : i32 to vector<16xi32>
        %sub3A_895 = arith.subi %add3A_892, %sub3A_894 : vector<16xi32>
        tpu.vector_store_idx %arg12[%sub3A_895], %get3A_869 : memref<4160xi32, #tpu.memory_space<vmem>>[vector<16xi32>], vector<16xi32>,
        tpu.vector_store_idx %arg14[%sub3A_895], %get3A_877 : memref<4160xi32, #tpu.memory_space<vmem>>[vector<16xi32>], vector<16xi32>,
        tpu.vector_store_idx %arg18[%sub3A_886], %unique3A_890 masked %unique3A_889 {add = true} : memref<32xi32, #tpu.memory_space<vmem>>[vector<16xi32>], vector<16xi32>, vector<16xi1>
        %while3A_896 = arith.constant 0 : i32
        scf.yield %while3A_896 : i32
      }
      %swap3A_720 = arith.constant 0 : index
      %swap3A_721 = tpu.vector_load %arg17[%swap3A_720] {strides = array<i32>} : memref<32xi32, #tpu.memory_space<vmem>>, vector<16xi32>,
      tpu.vector_store %arg17[%swap3A_720], %broadcast_in_dim3A_0 {strides = array<i32>} : memref<32xi32, #tpu.memory_space<vmem>>, vector<16xi32>,
      %swap3A_722 = arith.constant 16 : index
      %swap3A_723 = tpu.vector_load %arg17[%swap3A_722] {strides = array<i32>} : memref<32xi32, #tpu.memory_space<vmem>>, vector<16xi32>,
      tpu.vector_store %arg17[%swap3A_722], %broadcast_in_dim3A_0 {strides = array<i32>} : memref<32xi32, #tpu.memory_space<vmem>>, vector<16xi32>,
      %jit3A_724 = arith.constant 4 : i32
      %div3A_725 = arith.divsi %select_n3A_112, %jit3A_724 : i32
      %sign3A_726 = arith.constant 0 : i32
      %sign3A_727 = arith.cmpi sgt, %select_n3A_112, %sign3A_726 : i32
      %sign3A_728 = arith.extui %sign3A_727 : i1 to i32
      %sign3A_729 = arith.constant 0 : i32
      %sign3A_730 = arith.cmpi slt, %select_n3A_112, %sign3A_729 : i32
      %sign3A_731 = arith.extui %sign3A_730 : i1 to i32
      %sign3A_732 = arith.subi %sign3A_728, %sign3A_731 : i32
      %sign3A_733 = arith.constant 0 : i32
      %sign3A_734 = arith.cmpi sgt, %jit3A_724, %sign3A_733 : i32
      %sign3A_735 = arith.extui %sign3A_734 : i1 to i32
      %sign3A_736 = arith.constant 0 : i32
      %sign3A_737 = arith.cmpi slt, %jit3A_724, %sign3A_736 : i32
      %sign3A_738 = arith.extui %sign3A_737 : i1 to i32
      %sign3A_739 = arith.subi %sign3A_735, %sign3A_738 : i32
      %ne3A_740 = arith.cmpi ne, %sign3A_732, %sign3A_739 : i32
      %rem3A_741 = arith.remsi %select_n3A_112, %jit3A_724 : i32
      %ne3A_742 = arith.constant 0 : i32
      %ne3A_743 = arith.cmpi ne, %rem3A_741, %ne3A_742 : i32
      %and3A_744 = arith.andi %ne3A_740, %ne3A_743 : i1
      %sub3A_745 = arith.constant 1 : i32
      %sub3A_746 = arith.subi %div3A_725, %sub3A_745 : i32
      %select_n3A_747 = arith.select %and3A_744, %sub3A_746, %div3A_725 : i32
      %while3A_748 = arith.constant 0 : i32
      %while3A_749 = arith.constant 0 : i32
      %while3A_750 = arith.subi %select_n3A_747, %while3A_748 : i32
      %while3A_751 = arith.addi %while3A_748, %while3A_750 : i32
      %while3A_752 = arith.constant 1 : i32
      %while3A_753 = arith.divsi %while3A_750, %while3A_752 : i32
      %while3A_754 = arith.muli %while3A_753, %while3A_752 : i32
      %while3A_755 = arith.addi %while3A_748, %while3A_754 : i32
      %while3A_756 = arith.constant 1 : i32
      %while3A_757 = scf.for %while3A_829 = %while3A_748 to %while3A_755 step %while3A_756 iter_args(%while3A_830 = %while3A_749) -> (i32)  : i32 {
        %mul3A_831 = arith.constant 4 : i32
        %mul3A_832 = arith.muli %while3A_829, %mul3A_831 : i32
        %add3A_833 = arith.constant 0 : i32
        %add3A_834 = arith.addi %mul3A_832, %add3A_833 : i32
        %mul3A_835 = arith.constant 16 : i32
        %mul3A_836 = arith.muli %add3A_834, %mul3A_835 : i32
        %get3A_837 = arith.index_cast %mul3A_836 : i32 to index
        %get3A_838 = tpu.vector_load %arg12[%get3A_837] {strides = array<i32>} : memref<4160xi32, #tpu.memory_space<vmem>>, vector<16xi32>,
        %shift_right_arithmetic3A = arith.constant 30 : i32
        %shift_right_arithmetic3A_839 = vector.broadcast %shift_right_arithmetic3A : i32 to vector<16xi32>
        %shift_right_arithmetic3A_840 = arith.shrsi %get3A_838, %shift_right_arithmetic3A_839 : vector<16xi32>
        %and3A_841 = arith.constant 31 : i32
        %and3A_842 = vector.broadcast %and3A_841 : i32 to vector<16xi32>
        %and3A_843 = arith.andi %shift_right_arithmetic3A_840, %and3A_842 : vector<16xi32>
        %sub3A_844 = arith.constant 31 : i32
        %sub3A_845 = vector.broadcast %sub3A_844 : i32 to vector<16xi32>
        %sub3A_846 = arith.subi %sub3A_845, %and3A_843 : vector<16xi32>
        %broadcast_in_dim3A_847 = arith.constant true
        %broadcast_in_dim3A_848 = vector.broadcast %broadcast_in_dim3A_847 : i1 to vector<16xi1>
        %unique3A, %unique3A_849 = tpu.scan_count mask(%broadcast_in_dim3A_848 : vector<16xi1>) value(%sub3A_846 : vector<16xi32>) : vector<16xi1>, vector<16xi32>
        tpu.vector_store_idx %arg17[%sub3A_846], %unique3A_849 masked %unique3A {add = true} : memref<32xi32, #tpu.memory_space<vmem>>[vector<16xi32>], vector<16xi32>, vector<16xi1>
        %mul3A_850 = arith.constant 4 : i32
        %mul3A_851 = arith.muli %while3A_829, %mul3A_850 : i32
        %add3A_852 = arith.constant 1 : i32
        %add3A_853 = arith.addi %mul3A_851, %add3A_852 : i32
        %mul3A_854 = arith.constant 16 : i32
        %mul3A_855 = arith.muli %add3A_853, %mul3A_854 : i32
        %get3A_856 = arith.index_cast %mul3A_855 : i32 to index
        %get3A_857 = tpu.vector_load %arg12[%get3A_856] {strides = array<i32>} : memref<4160xi32, #tpu.memory_space<vmem>>, vector<16xi32>,
        %shift_right_arithmetic3A_858 = arith.constant 30 : i32
        %shift_right_arithmetic3A_859 = vector.broadcast %shift_right_arithmetic3A_858 : i32 to vector<16xi32>
        %shift_right_arithmetic3A_860 = arith.shrsi %get3A_857, %shift_right_arithmetic3A_859 : vector<16xi32>
        %and3A_861 = arith.constant 31 : i32
        %and3A_862 = vector.broadcast %and3A_861 : i32 to vector<16xi32>
        %and3A_863 = arith.andi %shift_right_arithmetic3A_860, %and3A_862 : vector<16xi32>
        %sub3A_864 = arith.constant 31 : i32
        %sub3A_865 = vector.broadcast %sub3A_864 : i32 to vector<16xi32>
        %sub3A_866 = arith.subi %sub3A_865, %and3A_863 : vector<16xi32>
        %broadcast_in_dim3A_867 = arith.constant true
        %broadcast_in_dim3A_868 = vector.broadcast %broadcast_in_dim3A_867 : i1 to vector<16xi1>
        %unique3A_869, %unique3A_870 = tpu.scan_count mask(%broadcast_in_dim3A_868 : vector<16xi1>) value(%sub3A_866 : vector<16xi32>) : vector<16xi1>, vector<16xi32>
        tpu.vector_store_idx %arg17[%sub3A_866], %unique3A_870 masked %unique3A_869 {add = true} : memref<32xi32, #tpu.memory_space<vmem>>[vector<16xi32>], vector<16xi32>, vector<16xi1>
        %mul3A_871 = arith.constant 4 : i32
        %mul3A_872 = arith.muli %while3A_829, %mul3A_871 : i32
        %add3A_873 = arith.constant 2 : i32
        %add3A_874 = arith.addi %mul3A_872, %add3A_873 : i32
        %mul3A_875 = arith.constant 16 : i32
        %mul3A_876 = arith.muli %add3A_874, %mul3A_875 : i32
        %get3A_877 = arith.index_cast %mul3A_876 : i32 to index
        %get3A_878 = tpu.vector_load %arg12[%get3A_877] {strides = array<i32>} : memref<4160xi32, #tpu.memory_space<vmem>>, vector<16xi32>,
        %shift_right_arithmetic3A_879 = arith.constant 30 : i32
        %shift_right_arithmetic3A_880 = vector.broadcast %shift_right_arithmetic3A_879 : i32 to vector<16xi32>
        %shift_right_arithmetic3A_881 = arith.shrsi %get3A_878, %shift_right_arithmetic3A_880 : vector<16xi32>
        %and3A_882 = arith.constant 31 : i32
        %and3A_883 = vector.broadcast %and3A_882 : i32 to vector<16xi32>
        %and3A_884 = arith.andi %shift_right_arithmetic3A_881, %and3A_883 : vector<16xi32>
        %sub3A_885 = arith.constant 31 : i32
        %sub3A_886 = vector.broadcast %sub3A_885 : i32 to vector<16xi32>
        %sub3A_887 = arith.subi %sub3A_886, %and3A_884 : vector<16xi32>
        %broadcast_in_dim3A_888 = arith.constant true
        %broadcast_in_dim3A_889 = vector.broadcast %broadcast_in_dim3A_888 : i1 to vector<16xi1>
        %unique3A_890, %unique3A_891 = tpu.scan_count mask(%broadcast_in_dim3A_889 : vector<16xi1>) value(%sub3A_887 : vector<16xi32>) : vector<16xi1>, vector<16xi32>
        tpu.vector_store_idx %arg17[%sub3A_887], %unique3A_891 masked %unique3A_890 {add = true} : memref<32xi32, #tpu.memory_space<vmem>>[vector<16xi32>], vector<16xi32>, vector<16xi1>
        %mul3A_892 = arith.constant 4 : i32
        %mul3A_893 = arith.muli %while3A_829, %mul3A_892 : i32
        %add3A_894 = arith.constant 3 : i32
        %add3A_895 = arith.addi %mul3A_893, %add3A_894 : i32
        %mul3A_896 = arith.constant 16 : i32
        %mul3A_897 = arith.muli %add3A_895, %mul3A_896 : i32
        %get3A_898 = arith.index_cast %mul3A_897 : i32 to index
        %get3A_899 = tpu.vector_load %arg12[%get3A_898] {strides = array<i32>} : memref<4160xi32, #tpu.memory_space<vmem>>, vector<16xi32>,
        %shift_right_arithmetic3A_900 = arith.constant 30 : i32
        %shift_right_arithmetic3A_901 = vector.broadcast %shift_right_arithmetic3A_900 : i32 to vector<16xi32>
        %shift_right_arithmetic3A_902 = arith.shrsi %get3A_899, %shift_right_arithmetic3A_901 : vector<16xi32>
        %and3A_903 = arith.constant 31 : i32
        %and3A_904 = vector.broadcast %and3A_903 : i32 to vector<16xi32>
        %and3A_905 = arith.andi %shift_right_arithmetic3A_902, %and3A_904 : vector<16xi32>
        %sub3A_906 = arith.constant 31 : i32
        %sub3A_907 = vector.broadcast %sub3A_906 : i32 to vector<16xi32>
        %sub3A_908 = arith.subi %sub3A_907, %and3A_905 : vector<16xi32>
        %broadcast_in_dim3A_909 = arith.constant true
        %broadcast_in_dim3A_910 = vector.broadcast %broadcast_in_dim3A_909 : i1 to vector<16xi1>
        %unique3A_911, %unique3A_912 = tpu.scan_count mask(%broadcast_in_dim3A_910 : vector<16xi1>) value(%sub3A_908 : vector<16xi32>) : vector<16xi1>, vector<16xi32>
        tpu.vector_store_idx %arg17[%sub3A_908], %unique3A_912 masked %unique3A_911 {add = true} : memref<32xi32, #tpu.memory_space<vmem>>[vector<16xi32>], vector<16xi32>, vector<16xi1>
        %while3A_913 = arith.constant 0 : i32
        scf.yield %while3A_913 : i32
      }
      %while3A_758 = arith.constant 1 : i32
      %while3A_759 = scf.for %while3A_829 = %while3A_755 to %while3A_751 step %while3A_758 iter_args(%while3A_830 = %while3A_757) -> (i32)  : i32 {
        %mul3A_831 = arith.constant 4 : i32
        %mul3A_832 = arith.muli %while3A_829, %mul3A_831 : i32
        %add3A_833 = arith.constant 0 : i32
        %add3A_834 = arith.addi %mul3A_832, %add3A_833 : i32
        %mul3A_835 = arith.constant 16 : i32
        %mul3A_836 = arith.muli %add3A_834, %mul3A_835 : i32
        %get3A_837 = arith.index_cast %mul3A_836 : i32 to index
        %get3A_838 = tpu.vector_load %arg12[%get3A_837] {strides = array<i32>} : memref<4160xi32, #tpu.memory_space<vmem>>, vector<16xi32>,
        %shift_right_arithmetic3A = arith.constant 30 : i32
        %shift_right_arithmetic3A_839 = vector.broadcast %shift_right_arithmetic3A : i32 to vector<16xi32>
        %shift_right_arithmetic3A_840 = arith.shrsi %get3A_838, %shift_right_arithmetic3A_839 : vector<16xi32>
        %and3A_841 = arith.constant 31 : i32
        %and3A_842 = vector.broadcast %and3A_841 : i32 to vector<16xi32>
        %and3A_843 = arith.andi %shift_right_arithmetic3A_840, %and3A_842 : vector<16xi32>
        %sub3A_844 = arith.constant 31 : i32
        %sub3A_845 = vector.broadcast %sub3A_844 : i32 to vector<16xi32>
        %sub3A_846 = arith.subi %sub3A_845, %and3A_843 : vector<16xi32>
        %broadcast_in_dim3A_847 = arith.constant true
        %broadcast_in_dim3A_848 = vector.broadcast %broadcast_in_dim3A_847 : i1 to vector<16xi1>
        %unique3A, %unique3A_849 = tpu.scan_count mask(%broadcast_in_dim3A_848 : vector<16xi1>) value(%sub3A_846 : vector<16xi32>) : vector<16xi1>, vector<16xi32>
        tpu.vector_store_idx %arg17[%sub3A_846], %unique3A_849 masked %unique3A {add = true} : memref<32xi32, #tpu.memory_space<vmem>>[vector<16xi32>], vector<16xi32>, vector<16xi1>
        %mul3A_850 = arith.constant 4 : i32
        %mul3A_851 = arith.muli %while3A_829, %mul3A_850 : i32
        %add3A_852 = arith.constant 1 : i32
        %add3A_853 = arith.addi %mul3A_851, %add3A_852 : i32
        %mul3A_854 = arith.constant 16 : i32
        %mul3A_855 = arith.muli %add3A_853, %mul3A_854 : i32
        %get3A_856 = arith.index_cast %mul3A_855 : i32 to index
        %get3A_857 = tpu.vector_load %arg12[%get3A_856] {strides = array<i32>} : memref<4160xi32, #tpu.memory_space<vmem>>, vector<16xi32>,
        %shift_right_arithmetic3A_858 = arith.constant 30 : i32
        %shift_right_arithmetic3A_859 = vector.broadcast %shift_right_arithmetic3A_858 : i32 to vector<16xi32>
        %shift_right_arithmetic3A_860 = arith.shrsi %get3A_857, %shift_right_arithmetic3A_859 : vector<16xi32>
        %and3A_861 = arith.constant 31 : i32
        %and3A_862 = vector.broadcast %and3A_861 : i32 to vector<16xi32>
        %and3A_863 = arith.andi %shift_right_arithmetic3A_860, %and3A_862 : vector<16xi32>
        %sub3A_864 = arith.constant 31 : i32
        %sub3A_865 = vector.broadcast %sub3A_864 : i32 to vector<16xi32>
        %sub3A_866 = arith.subi %sub3A_865, %and3A_863 : vector<16xi32>
        %broadcast_in_dim3A_867 = arith.constant true
        %broadcast_in_dim3A_868 = vector.broadcast %broadcast_in_dim3A_867 : i1 to vector<16xi1>
        %unique3A_869, %unique3A_870 = tpu.scan_count mask(%broadcast_in_dim3A_868 : vector<16xi1>) value(%sub3A_866 : vector<16xi32>) : vector<16xi1>, vector<16xi32>
        tpu.vector_store_idx %arg17[%sub3A_866], %unique3A_870 masked %unique3A_869 {add = true} : memref<32xi32, #tpu.memory_space<vmem>>[vector<16xi32>], vector<16xi32>, vector<16xi1>
        %mul3A_871 = arith.constant 4 : i32
        %mul3A_872 = arith.muli %while3A_829, %mul3A_871 : i32
        %add3A_873 = arith.constant 2 : i32
        %add3A_874 = arith.addi %mul3A_872, %add3A_873 : i32
        %mul3A_875 = arith.constant 16 : i32
        %mul3A_876 = arith.muli %add3A_874, %mul3A_875 : i32
        %get3A_877 = arith.index_cast %mul3A_876 : i32 to index
        %get3A_878 = tpu.vector_load %arg12[%get3A_877] {strides = array<i32>} : memref<4160xi32, #tpu.memory_space<vmem>>, vector<16xi32>,
        %shift_right_arithmetic3A_879 = arith.constant 30 : i32
        %shift_right_arithmetic3A_880 = vector.broadcast %shift_right_arithmetic3A_879 : i32 to vector<16xi32>
        %shift_right_arithmetic3A_881 = arith.shrsi %get3A_878, %shift_right_arithmetic3A_880 : vector<16xi32>
        %and3A_882 = arith.constant 31 : i32
        %and3A_883 = vector.broadcast %and3A_882 : i32 to vector<16xi32>
        %and3A_884 = arith.andi %shift_right_arithmetic3A_881, %and3A_883 : vector<16xi32>
        %sub3A_885 = arith.constant 31 : i32
        %sub3A_886 = vector.broadcast %sub3A_885 : i32 to vector<16xi32>
        %sub3A_887 = arith.subi %sub3A_886, %and3A_884 : vector<16xi32>
        %broadcast_in_dim3A_888 = arith.constant true
        %broadcast_in_dim3A_889 = vector.broadcast %broadcast_in_dim3A_888 : i1 to vector<16xi1>
        %unique3A_890, %unique3A_891 = tpu.scan_count mask(%broadcast_in_dim3A_889 : vector<16xi1>) value(%sub3A_887 : vector<16xi32>) : vector<16xi1>, vector<16xi32>
        tpu.vector_store_idx %arg17[%sub3A_887], %unique3A_891 masked %unique3A_890 {add = true} : memref<32xi32, #tpu.memory_space<vmem>>[vector<16xi32>], vector<16xi32>, vector<16xi1>
        %mul3A_892 = arith.constant 4 : i32
        %mul3A_893 = arith.muli %while3A_829, %mul3A_892 : i32
        %add3A_894 = arith.constant 3 : i32
        %add3A_895 = arith.addi %mul3A_893, %add3A_894 : i32
        %mul3A_896 = arith.constant 16 : i32
        %mul3A_897 = arith.muli %add3A_895, %mul3A_896 : i32
        %get3A_898 = arith.index_cast %mul3A_897 : i32 to index
        %get3A_899 = tpu.vector_load %arg12[%get3A_898] {strides = array<i32>} : memref<4160xi32, #tpu.memory_space<vmem>>, vector<16xi32>,
        %shift_right_arithmetic3A_900 = arith.constant 30 : i32
        %shift_right_arithmetic3A_901 = vector.broadcast %shift_right_arithmetic3A_900 : i32 to vector<16xi32>
        %shift_right_arithmetic3A_902 = arith.shrsi %get3A_899, %shift_right_arithmetic3A_901 : vector<16xi32>
        %and3A_903 = arith.constant 31 : i32
        %and3A_904 = vector.broadcast %and3A_903 : i32 to vector<16xi32>
        %and3A_905 = arith.andi %shift_right_arithmetic3A_902, %and3A_904 : vector<16xi32>
        %sub3A_906 = arith.constant 31 : i32
        %sub3A_907 = vector.broadcast %sub3A_906 : i32 to vector<16xi32>
        %sub3A_908 = arith.subi %sub3A_907, %and3A_905 : vector<16xi32>
        %broadcast_in_dim3A_909 = arith.constant true
        %broadcast_in_dim3A_910 = vector.broadcast %broadcast_in_dim3A_909 : i1 to vector<16xi1>
        %unique3A_911, %unique3A_912 = tpu.scan_count mask(%broadcast_in_dim3A_910 : vector<16xi1>) value(%sub3A_908 : vector<16xi32>) : vector<16xi1>, vector<16xi32>
        tpu.vector_store_idx %arg17[%sub3A_908], %unique3A_912 masked %unique3A_911 {add = true} : memref<32xi32, #tpu.memory_space<vmem>>[vector<16xi32>], vector<16xi32>, vector<16xi1>
        %while3A_913 = arith.constant 0 : i32
        scf.yield %while3A_913 : i32
      }
      %get3A_760 = arith.constant 0 : index
      %get3A_761 = tpu.vector_load %arg17[%get3A_760] {strides = array<i32>} : memref<32xi32, #tpu.memory_space<vmem>>, vector<16xi32>,
      %get3A_762 = arith.constant 16 : index
      %get3A_763 = tpu.vector_load %arg17[%get3A_762] {strides = array<i32>} : memref<32xi32, #tpu.memory_space<vmem>>, vector<16xi32>,
      %broadcast_in_dim3A_764 = arith.constant true
      %broadcast_in_dim3A_765 = vector.broadcast %broadcast_in_dim3A_764 : i1 to vector<16xi1>
      %masked_cumsum3A_766 = tpu.scan <sum>, %get3A_761 masked %broadcast_in_dim3A_765 : vector<16xi32>, vector<16xi1> -> vector<16xi32>
      %broadcast_in_dim3A_767 = arith.constant true
      %broadcast_in_dim3A_768 = vector.broadcast %broadcast_in_dim3A_767 : i1 to vector<16xi1>
      %masked_cumsum3A_769 = tpu.scan <sum>, %get3A_763 masked %broadcast_in_dim3A_768 : vector<16xi32>, vector<16xi1> -> vector<16xi32>
      %sub3A_770 = arith.subi %masked_cumsum3A_766, %get3A_761 : vector<16xi32>
      %swap3A_771 = arith.constant 0 : index
      %swap3A_772 = tpu.vector_load %arg18[%swap3A_771] {strides = array<i32>} : memref<32xi32, #tpu.memory_space<vmem>>, vector<16xi32>,
      tpu.vector_store %arg18[%swap3A_771], %sub3A_770 {strides = array<i32>} : memref<32xi32, #tpu.memory_space<vmem>>, vector<16xi32>,
      %sub3A_773 = arith.subi %masked_cumsum3A_769, %get3A_763 : vector<16xi32>
      %reduce_max3A_774 = arith.constant true
      %reduce_max3A_775 = vector.broadcast %reduce_max3A_774 : i1 to vector<16xi1>
      %reduce_max3A_776 = arith.constant -2147483648 : i32
      %reduce_max3A_777 = vector.broadcast %reduce_max3A_776 : i32 to vector<16xi32>
      %reduce_max3A_778 = arith.xori %masked_cumsum3A_766, %reduce_max3A_777 : vector<16xi32>
      %reduce_max3A_779 = tpu.scan <max>, %reduce_max3A_778 masked %reduce_max3A_775 : vector<16xi32>, vector<16xi1> -> vector<16xi32>
      %reduce_max3A_780 = arith.xori %reduce_max3A_779, %reduce_max3A_777 : vector<16xi32>
      %reduce_max3A_781 = vector.extract %reduce_max3A_780[15] : i32 from vector<16xi32>
      %add3A_782 = vector.broadcast %reduce_max3A_781 : i32 to vector<16xi32>
      %add3A_783 = arith.addi %sub3A_773, %add3A_782 : vector<16xi32>
      %swap3A_784 = arith.constant 16 : index
      %swap3A_785 = tpu.vector_load %arg18[%swap3A_784] {strides = array<i32>} : memref<32xi32, #tpu.memory_space<vmem>>, vector<16xi32>,
      tpu.vector_store %arg18[%swap3A_784], %add3A_783 {strides = array<i32>} : memref<32xi32, #tpu.memory_space<vmem>>, vector<16xi32>,
      %jit3A_786 = arith.constant 2 : i32
      %div3A_787 = arith.divsi %select_n3A_112, %jit3A_786 : i32
      %sign3A_788 = arith.constant 0 : i32
      %sign3A_789 = arith.cmpi sgt, %select_n3A_112, %sign3A_788 : i32
      %sign3A_790 = arith.extui %sign3A_789 : i1 to i32
      %sign3A_791 = arith.constant 0 : i32
      %sign3A_792 = arith.cmpi slt, %select_n3A_112, %sign3A_791 : i32
      %sign3A_793 = arith.extui %sign3A_792 : i1 to i32
      %sign3A_794 = arith.subi %sign3A_790, %sign3A_793 : i32
      %sign3A_795 = arith.constant 0 : i32
      %sign3A_796 = arith.cmpi sgt, %jit3A_786, %sign3A_795 : i32
      %sign3A_797 = arith.extui %sign3A_796 : i1 to i32
      %sign3A_798 = arith.constant 0 : i32
      %sign3A_799 = arith.cmpi slt, %jit3A_786, %sign3A_798 : i32
      %sign3A_800 = arith.extui %sign3A_799 : i1 to i32
      %sign3A_801 = arith.subi %sign3A_797, %sign3A_800 : i32
      %ne3A_802 = arith.cmpi ne, %sign3A_794, %sign3A_801 : i32
      %rem3A_803 = arith.remsi %select_n3A_112, %jit3A_786 : i32
      %ne3A_804 = arith.constant 0 : i32
      %ne3A_805 = arith.cmpi ne, %rem3A_803, %ne3A_804 : i32
      %and3A_806 = arith.andi %ne3A_802, %ne3A_805 : i1
      %sub3A_807 = arith.constant 1 : i32
      %sub3A_808 = arith.subi %div3A_787, %sub3A_807 : i32
      %select_n3A_809 = arith.select %and3A_806, %sub3A_808, %div3A_787 : i32
      %while3A_810 = arith.constant 0 : i32
      %while3A_811 = arith.constant 0 : i32
      %while3A_812 = arith.subi %select_n3A_809, %while3A_810 : i32
      %while3A_813 = arith.addi %while3A_810, %while3A_812 : i32
      %while3A_814 = arith.constant 1 : i32
      %while3A_815 = arith.divsi %while3A_812, %while3A_814 : i32
      %while3A_816 = arith.muli %while3A_815, %while3A_814 : i32
      %while3A_817 = arith.addi %while3A_810, %while3A_816 : i32
      %while3A_818 = arith.constant 1 : i32
      %while3A_819 = scf.for %while3A_829 = %while3A_810 to %while3A_817 step %while3A_818 iter_args(%while3A_830 = %while3A_811) -> (i32)  : i32 {
        %mul3A_831 = arith.constant 2 : i32
        %mul3A_832 = arith.muli %while3A_829, %mul3A_831 : i32
        %add3A_833 = arith.constant 0 : i32
        %add3A_834 = arith.addi %mul3A_832, %add3A_833 : i32
        %mul3A_835 = arith.constant 16 : i32
        %mul3A_836 = arith.muli %add3A_834, %mul3A_835 : i32
        %get3A_837 = arith.index_cast %mul3A_836 : i32 to index
        %get3A_838 = tpu.vector_load %arg12[%get3A_837] {strides = array<i32>} : memref<4160xi32, #tpu.memory_space<vmem>>, vector<16xi32>,
        %mul3A_839 = arith.constant 2 : i32
        %mul3A_840 = arith.muli %while3A_829, %mul3A_839 : i32
        %add3A_841 = arith.constant 0 : i32
        %add3A_842 = arith.addi %mul3A_840, %add3A_841 : i32
        %mul3A_843 = arith.constant 16 : i32
        %mul3A_844 = arith.muli %add3A_842, %mul3A_843 : i32
        %get3A_845 = arith.index_cast %mul3A_844 : i32 to index
        %get3A_846 = tpu.vector_load %arg14[%get3A_845] {strides = array<i32>} : memref<4160xi32, #tpu.memory_space<vmem>>, vector<16xi32>,
        %shift_right_arithmetic3A = arith.constant 30 : i32
        %shift_right_arithmetic3A_847 = vector.broadcast %shift_right_arithmetic3A : i32 to vector<16xi32>
        %shift_right_arithmetic3A_848 = arith.shrsi %get3A_838, %shift_right_arithmetic3A_847 : vector<16xi32>
        %and3A_849 = arith.constant 31 : i32
        %and3A_850 = vector.broadcast %and3A_849 : i32 to vector<16xi32>
        %and3A_851 = arith.andi %shift_right_arithmetic3A_848, %and3A_850 : vector<16xi32>
        %sub3A_852 = arith.constant 31 : i32
        %sub3A_853 = vector.broadcast %sub3A_852 : i32 to vector<16xi32>
        %sub3A_854 = arith.subi %sub3A_853, %and3A_851 : vector<16xi32>
        %broadcast_in_dim3A_855 = arith.constant true
        %broadcast_in_dim3A_856 = vector.broadcast %broadcast_in_dim3A_855 : i1 to vector<16xi1>
        %unique3A, %unique3A_857 = tpu.scan_count mask(%broadcast_in_dim3A_856 : vector<16xi1>) value(%sub3A_854 : vector<16xi32>) : vector<16xi1>, vector<16xi32>
        %gather3A = tpu.vector_load_idx %arg18[%sub3A_854] : memref<32xi32, #tpu.memory_space<vmem>>[vector<16xi32>], vector<16xi32>,
        %add3A_858 = arith.addi %gather3A, %unique3A_857 : vector<16xi32>
        %sub3A_859 = arith.constant 1 : i32
        %sub3A_860 = vector.broadcast %sub3A_859 : i32 to vector<16xi32>
        %sub3A_861 = arith.subi %add3A_858, %sub3A_860 : vector<16xi32>
        tpu.vector_store_idx %arg13[%sub3A_861], %get3A_838 : memref<4160xi32, #tpu.memory_space<vmem>>[vector<16xi32>], vector<16xi32>,
        tpu.vector_store_idx %arg15[%sub3A_861], %get3A_846 : memref<4160xi32, #tpu.memory_space<vmem>>[vector<16xi32>], vector<16xi32>,
        tpu.vector_store_idx %arg18[%sub3A_854], %unique3A_857 masked %unique3A {add = true} : memref<32xi32, #tpu.memory_space<vmem>>[vector<16xi32>], vector<16xi32>, vector<16xi1>
        %mul3A_862 = arith.constant 2 : i32
        %mul3A_863 = arith.muli %while3A_829, %mul3A_862 : i32
        %add3A_864 = arith.constant 1 : i32
        %add3A_865 = arith.addi %mul3A_863, %add3A_864 : i32
        %mul3A_866 = arith.constant 16 : i32
        %mul3A_867 = arith.muli %add3A_865, %mul3A_866 : i32
        %get3A_868 = arith.index_cast %mul3A_867 : i32 to index
        %get3A_869 = tpu.vector_load %arg12[%get3A_868] {strides = array<i32>} : memref<4160xi32, #tpu.memory_space<vmem>>, vector<16xi32>,
        %mul3A_870 = arith.constant 2 : i32
        %mul3A_871 = arith.muli %while3A_829, %mul3A_870 : i32
        %add3A_872 = arith.constant 1 : i32
        %add3A_873 = arith.addi %mul3A_871, %add3A_872 : i32
        %mul3A_874 = arith.constant 16 : i32
        %mul3A_875 = arith.muli %add3A_873, %mul3A_874 : i32
        %get3A_876 = arith.index_cast %mul3A_875 : i32 to index
        %get3A_877 = tpu.vector_load %arg14[%get3A_876] {strides = array<i32>} : memref<4160xi32, #tpu.memory_space<vmem>>, vector<16xi32>,
        %shift_right_arithmetic3A_878 = arith.constant 30 : i32
        %shift_right_arithmetic3A_879 = vector.broadcast %shift_right_arithmetic3A_878 : i32 to vector<16xi32>
        %shift_right_arithmetic3A_880 = arith.shrsi %get3A_869, %shift_right_arithmetic3A_879 : vector<16xi32>
        %and3A_881 = arith.constant 31 : i32
        %and3A_882 = vector.broadcast %and3A_881 : i32 to vector<16xi32>
        %and3A_883 = arith.andi %shift_right_arithmetic3A_880, %and3A_882 : vector<16xi32>
        %sub3A_884 = arith.constant 31 : i32
        %sub3A_885 = vector.broadcast %sub3A_884 : i32 to vector<16xi32>
        %sub3A_886 = arith.subi %sub3A_885, %and3A_883 : vector<16xi32>
        %broadcast_in_dim3A_887 = arith.constant true
        %broadcast_in_dim3A_888 = vector.broadcast %broadcast_in_dim3A_887 : i1 to vector<16xi1>
        %unique3A_889, %unique3A_890 = tpu.scan_count mask(%broadcast_in_dim3A_888 : vector<16xi1>) value(%sub3A_886 : vector<16xi32>) : vector<16xi1>, vector<16xi32>
        %gather3A_891 = tpu.vector_load_idx %arg18[%sub3A_886] : memref<32xi32, #tpu.memory_space<vmem>>[vector<16xi32>], vector<16xi32>,
        %add3A_892 = arith.addi %gather3A_891, %unique3A_890 : vector<16xi32>
        %sub3A_893 = arith.constant 1 : i32
        %sub3A_894 = vector.broadcast %sub3A_893 : i32 to vector<16xi32>
        %sub3A_895 = arith.subi %add3A_892, %sub3A_894 : vector<16xi32>
        tpu.vector_store_idx %arg13[%sub3A_895], %get3A_869 : memref<4160xi32, #tpu.memory_space<vmem>>[vector<16xi32>], vector<16xi32>,
        tpu.vector_store_idx %arg15[%sub3A_895], %get3A_877 : memref<4160xi32, #tpu.memory_space<vmem>>[vector<16xi32>], vector<16xi32>,
        tpu.vector_store_idx %arg18[%sub3A_886], %unique3A_890 masked %unique3A_889 {add = true} : memref<32xi32, #tpu.memory_space<vmem>>[vector<16xi32>], vector<16xi32>, vector<16xi1>
        %while3A_896 = arith.constant 0 : i32
        scf.yield %while3A_896 : i32
      }
      %while3A_820 = arith.constant 1 : i32
      %while3A_821 = scf.for %while3A_829 = %while3A_817 to %while3A_813 step %while3A_820 iter_args(%while3A_830 = %while3A_819) -> (i32)  : i32 {
        %mul3A_831 = arith.constant 2 : i32
        %mul3A_832 = arith.muli %while3A_829, %mul3A_831 : i32
        %add3A_833 = arith.constant 0 : i32
        %add3A_834 = arith.addi %mul3A_832, %add3A_833 : i32
        %mul3A_835 = arith.constant 16 : i32
        %mul3A_836 = arith.muli %add3A_834, %mul3A_835 : i32
        %get3A_837 = arith.index_cast %mul3A_836 : i32 to index
        %get3A_838 = tpu.vector_load %arg12[%get3A_837] {strides = array<i32>} : memref<4160xi32, #tpu.memory_space<vmem>>, vector<16xi32>,
        %mul3A_839 = arith.constant 2 : i32
        %mul3A_840 = arith.muli %while3A_829, %mul3A_839 : i32
        %add3A_841 = arith.constant 0 : i32
        %add3A_842 = arith.addi %mul3A_840, %add3A_841 : i32
        %mul3A_843 = arith.constant 16 : i32
        %mul3A_844 = arith.muli %add3A_842, %mul3A_843 : i32
        %get3A_845 = arith.index_cast %mul3A_844 : i32 to index
        %get3A_846 = tpu.vector_load %arg14[%get3A_845] {strides = array<i32>} : memref<4160xi32, #tpu.memory_space<vmem>>, vector<16xi32>,
        %shift_right_arithmetic3A = arith.constant 30 : i32
        %shift_right_arithmetic3A_847 = vector.broadcast %shift_right_arithmetic3A : i32 to vector<16xi32>
        %shift_right_arithmetic3A_848 = arith.shrsi %get3A_838, %shift_right_arithmetic3A_847 : vector<16xi32>
        %and3A_849 = arith.constant 31 : i32
        %and3A_850 = vector.broadcast %and3A_849 : i32 to vector<16xi32>
        %and3A_851 = arith.andi %shift_right_arithmetic3A_848, %and3A_850 : vector<16xi32>
        %sub3A_852 = arith.constant 31 : i32
        %sub3A_853 = vector.broadcast %sub3A_852 : i32 to vector<16xi32>
        %sub3A_854 = arith.subi %sub3A_853, %and3A_851 : vector<16xi32>
        %broadcast_in_dim3A_855 = arith.constant true
        %broadcast_in_dim3A_856 = vector.broadcast %broadcast_in_dim3A_855 : i1 to vector<16xi1>
        %unique3A, %unique3A_857 = tpu.scan_count mask(%broadcast_in_dim3A_856 : vector<16xi1>) value(%sub3A_854 : vector<16xi32>) : vector<16xi1>, vector<16xi32>
        %gather3A = tpu.vector_load_idx %arg18[%sub3A_854] : memref<32xi32, #tpu.memory_space<vmem>>[vector<16xi32>], vector<16xi32>,
        %add3A_858 = arith.addi %gather3A, %unique3A_857 : vector<16xi32>
        %sub3A_859 = arith.constant 1 : i32
        %sub3A_860 = vector.broadcast %sub3A_859 : i32 to vector<16xi32>
        %sub3A_861 = arith.subi %add3A_858, %sub3A_860 : vector<16xi32>
        tpu.vector_store_idx %arg13[%sub3A_861], %get3A_838 : memref<4160xi32, #tpu.memory_space<vmem>>[vector<16xi32>], vector<16xi32>,
        tpu.vector_store_idx %arg15[%sub3A_861], %get3A_846 : memref<4160xi32, #tpu.memory_space<vmem>>[vector<16xi32>], vector<16xi32>,
        tpu.vector_store_idx %arg18[%sub3A_854], %unique3A_857 masked %unique3A {add = true} : memref<32xi32, #tpu.memory_space<vmem>>[vector<16xi32>], vector<16xi32>, vector<16xi1>
        %mul3A_862 = arith.constant 2 : i32
        %mul3A_863 = arith.muli %while3A_829, %mul3A_862 : i32
        %add3A_864 = arith.constant 1 : i32
        %add3A_865 = arith.addi %mul3A_863, %add3A_864 : i32
        %mul3A_866 = arith.constant 16 : i32
        %mul3A_867 = arith.muli %add3A_865, %mul3A_866 : i32
        %get3A_868 = arith.index_cast %mul3A_867 : i32 to index
        %get3A_869 = tpu.vector_load %arg12[%get3A_868] {strides = array<i32>} : memref<4160xi32, #tpu.memory_space<vmem>>, vector<16xi32>,
        %mul3A_870 = arith.constant 2 : i32
        %mul3A_871 = arith.muli %while3A_829, %mul3A_870 : i32
        %add3A_872 = arith.constant 1 : i32
        %add3A_873 = arith.addi %mul3A_871, %add3A_872 : i32
        %mul3A_874 = arith.constant 16 : i32
        %mul3A_875 = arith.muli %add3A_873, %mul3A_874 : i32
        %get3A_876 = arith.index_cast %mul3A_875 : i32 to index
        %get3A_877 = tpu.vector_load %arg14[%get3A_876] {strides = array<i32>} : memref<4160xi32, #tpu.memory_space<vmem>>, vector<16xi32>,
        %shift_right_arithmetic3A_878 = arith.constant 30 : i32
        %shift_right_arithmetic3A_879 = vector.broadcast %shift_right_arithmetic3A_878 : i32 to vector<16xi32>
        %shift_right_arithmetic3A_880 = arith.shrsi %get3A_869, %shift_right_arithmetic3A_879 : vector<16xi32>
        %and3A_881 = arith.constant 31 : i32
        %and3A_882 = vector.broadcast %and3A_881 : i32 to vector<16xi32>
        %and3A_883 = arith.andi %shift_right_arithmetic3A_880, %and3A_882 : vector<16xi32>
        %sub3A_884 = arith.constant 31 : i32
        %sub3A_885 = vector.broadcast %sub3A_884 : i32 to vector<16xi32>
        %sub3A_886 = arith.subi %sub3A_885, %and3A_883 : vector<16xi32>
        %broadcast_in_dim3A_887 = arith.constant true
        %broadcast_in_dim3A_888 = vector.broadcast %broadcast_in_dim3A_887 : i1 to vector<16xi1>
        %unique3A_889, %unique3A_890 = tpu.scan_count mask(%broadcast_in_dim3A_888 : vector<16xi1>) value(%sub3A_886 : vector<16xi32>) : vector<16xi1>, vector<16xi32>
        %gather3A_891 = tpu.vector_load_idx %arg18[%sub3A_886] : memref<32xi32, #tpu.memory_space<vmem>>[vector<16xi32>], vector<16xi32>,
        %add3A_892 = arith.addi %gather3A_891, %unique3A_890 : vector<16xi32>
        %sub3A_893 = arith.constant 1 : i32
        %sub3A_894 = vector.broadcast %sub3A_893 : i32 to vector<16xi32>
        %sub3A_895 = arith.subi %add3A_892, %sub3A_894 : vector<16xi32>
        tpu.vector_store_idx %arg13[%sub3A_895], %get3A_869 : memref<4160xi32, #tpu.memory_space<vmem>>[vector<16xi32>], vector<16xi32>,
        tpu.vector_store_idx %arg15[%sub3A_895], %get3A_877 : memref<4160xi32, #tpu.memory_space<vmem>>[vector<16xi32>], vector<16xi32>,
        tpu.vector_store_idx %arg18[%sub3A_886], %unique3A_890 masked %unique3A_889 {add = true} : memref<32xi32, #tpu.memory_space<vmem>>[vector<16xi32>], vector<16xi32>, vector<16xi1>
        %while3A_896 = arith.constant 0 : i32
        scf.yield %while3A_896 : i32
      }
      %scan3A_822 = arith.constant 0 : i32
      %scan3A_823 = arith.constant 0 : i32
      %scan3A_824 = arith.constant 32 : i32
      %scan3A_825 = arith.addi %scan3A_823, %scan3A_824 : i32
      %scan3A_826 = arith.constant 1 : i32
      %scan3A_827 = scf.for %scan3A_829 = %scan3A_823 to %scan3A_825 step %scan3A_826 iter_args(%scan3A_830 = %scan3A_822) -> (i32)  : i32 {
        %mul3A_831 = arith.constant 16 : i32
        %mul3A_832 = arith.muli %scan3A_829, %mul3A_831 : i32
        %get3A_833 = arith.index_cast %mul3A_832 : i32 to index
        %get3A_834 = tpu.vector_load %arg15[%get3A_833] {strides = array<i32>} : memref<4160xi32, #tpu.memory_space<vmem>>, vector<16xi32>,
        %mul3A_835 = arith.constant 4096 : i32
        %mul3A_836 = arith.muli %add3A, %mul3A_835 : i32
        %add3A_837 = vector.broadcast %mul3A_836 : i32 to vector<16xi32>
        %add3A_838 = arith.addi %get3A_834, %add3A_837 : vector<16xi32>
        %mul3A_839 = arith.constant 16 : i32
        %mul3A_840 = arith.muli %scan3A_829, %mul3A_839 : i32
        %swap3A_841 = arith.index_cast %mul3A_840 : i32 to index
        %swap3A_842 = tpu.vector_load %arg22[%swap3A_841] {strides = array<i32>} : memref<512xi32, #tpu.memory_space<vmem>>, vector<16xi32>,
        tpu.vector_store %arg22[%swap3A_841], %add3A_838 {strides = array<i32>} : memref<512xi32, #tpu.memory_space<vmem>>, vector<16xi32>,
        %scan3A_843 = arith.constant 0 : i32
        scf.yield %scan3A_843 : i32
      }
      %scan3A_828 = arith.constant 32 : i32
      "tpu.region"() ({
        %run_scoped3A = tpu.sem_alloc : memref<!tpu.dma_semaphore, #tpu.memory_space<semaphore_mem>>
        %dma_start3A = arith.constant 0 : i32
        %dma_start3A_829 = tpu.memref_slice %arg25[%arg1, %dma_start3A] : memref<8x512xi32, #tpu.memory_space<vmem_shared>> -> memref<1x512xi32, #tpu.memory_space<vmem_shared>>
        %dma_start3A_830 = tpu.memref_squeeze %dma_start3A_829 : memref<1x512xi32, #tpu.memory_space<vmem_shared>> -> memref<512xi32, #tpu.memory_space<vmem_shared>>
        %dma_start3A_831 = arith.constant 0 : i32
        %dma_start3A_832 = tpu.memref_slice %arg25[%arg1, %dma_start3A_831] : memref<8x512xi32, #tpu.memory_space<vmem_shared>> -> memref<1x512xi32, #tpu.memory_space<vmem_shared>>
        %dma_start3A_833 = tpu.memref_squeeze %dma_start3A_832 : memref<1x512xi32, #tpu.memory_space<vmem_shared>> -> memref<512xi32, #tpu.memory_space<vmem_shared>>
        tpu.enqueue_dma source(%arg22 : memref<512xi32, #tpu.memory_space<vmem>>) target(%dma_start3A_833 : memref<512xi32, #tpu.memory_space<vmem_shared>>) target_semaphore(%run_scoped3A : memref<!tpu.dma_semaphore, #tpu.memory_space<semaphore_mem>>)
        %dma_wait3A = arith.constant 0 : i32
        %dma_wait3A_834 = tpu.memref_slice %arg25[%arg1, %dma_wait3A] : memref<8x512xi32, #tpu.memory_space<vmem_shared>> -> memref<1x512xi32, #tpu.memory_space<vmem_shared>>
        %dma_wait3A_835 = tpu.memref_squeeze %dma_wait3A_834 : memref<1x512xi32, #tpu.memory_space<vmem_shared>> -> memref<512xi32, #tpu.memory_space<vmem_shared>>
        %dma_wait3A_836 = arith.constant 0 : i32
        %dma_wait3A_837 = tpu.memref_slice %arg25[%arg1, %dma_wait3A_836] : memref<8x512xi32, #tpu.memory_space<vmem_shared>> -> memref<1x512xi32, #tpu.memory_space<vmem_shared>>
        %dma_wait3A_838 = tpu.memref_squeeze %dma_wait3A_837 : memref<1x512xi32, #tpu.memory_space<vmem_shared>> -> memref<512xi32, #tpu.memory_space<vmem_shared>>
        tpu.wait_dma2 semaphore(%run_scoped3A : memref<!tpu.dma_semaphore, #tpu.memory_space<semaphore_mem>>) src(%arg22 : memref<512xi32, #tpu.memory_space<vmem>>) dst(%dma_wait3A_838 : memref<512xi32, #tpu.memory_space<vmem_shared>>)
        tpu.yield
      }) : () -> ()
    } else {
    }
    %barrier3A = arith.constant 0 : index
    tpu.barrier barrier_id(%barrier3A)
    %lt3A_3 = arith.constant 8 : i32
    %lt3A_4 = arith.cmpi slt, %arg1, %lt3A_3 : i32
    %convert_element_type3A_5 = arith.extui %lt3A_4 : i1 to i32
    %cond3A_6 = arith.constant 0 : i32
    %cond3A_7 = arith.cmpi ne, %convert_element_type3A_5, %cond3A_6 : i32
    scf.if %cond3A_7 {
      %mul3A = arith.constant 8 : i32
      %mul3A_12 = arith.muli %arg0, %mul3A : i32
      %add3A = arith.addi %mul3A_12, %arg1 : i32
      "tpu.region"() ({
        %run_scoped3A = tpu.sem_alloc : memref<!tpu.dma_semaphore, #tpu.memory_space<semaphore_mem>>
        %dma_start3A_49 = arith.constant 0 : i32
        %dma_start3A_50 = tpu.memref_slice %arg4[%add3A, %dma_start3A_49] : memref<16x8192xf32, #tpu.memory_space<hbm>> -> memref<1x8192xf32, #tpu.memory_space<hbm>>
        %dma_start3A_51 = tpu.memref_squeeze %dma_start3A_50 : memref<1x8192xf32, #tpu.memory_space<hbm>> -> memref<8192xf32, #tpu.memory_space<hbm>>
        %dma_start3A_52 = arith.constant 0 : i32
        %dma_start3A_53 = tpu.memref_slice %arg4[%add3A, %dma_start3A_52] : memref<16x8192xf32, #tpu.memory_space<hbm>> -> memref<1x8192xf32, #tpu.memory_space<hbm>>
        %dma_start3A_54 = tpu.memref_squeeze %dma_start3A_53 : memref<1x8192xf32, #tpu.memory_space<hbm>> -> memref<8192xf32, #tpu.memory_space<hbm>>
        tpu.enqueue_dma source(%dma_start3A_54 : memref<8192xf32, #tpu.memory_space<hbm>>) target(%arg19 : memref<8192xf32, #tpu.memory_space<vmem>>) target_semaphore(%run_scoped3A : memref<!tpu.dma_semaphore, #tpu.memory_space<semaphore_mem>>)
        %dma_wait3A_55 = arith.constant 0 : i32
        %dma_wait3A_56 = tpu.memref_slice %arg4[%add3A, %dma_wait3A_55] : memref<16x8192xf32, #tpu.memory_space<hbm>> -> memref<1x8192xf32, #tpu.memory_space<hbm>>
        %dma_wait3A_57 = tpu.memref_squeeze %dma_wait3A_56 : memref<1x8192xf32, #tpu.memory_space<hbm>> -> memref<8192xf32, #tpu.memory_space<hbm>>
        %dma_wait3A_58 = arith.constant 0 : i32
        %dma_wait3A_59 = tpu.memref_slice %arg4[%add3A, %dma_wait3A_58] : memref<16x8192xf32, #tpu.memory_space<hbm>> -> memref<1x8192xf32, #tpu.memory_space<hbm>>
        %dma_wait3A_60 = tpu.memref_squeeze %dma_wait3A_59 : memref<1x8192xf32, #tpu.memory_space<hbm>> -> memref<8192xf32, #tpu.memory_space<hbm>>
        tpu.wait_dma2 semaphore(%run_scoped3A : memref<!tpu.dma_semaphore, #tpu.memory_space<semaphore_mem>>) src(%dma_wait3A_60 : memref<8192xf32, #tpu.memory_space<hbm>>) dst(%arg19 : memref<8192xf32, #tpu.memory_space<vmem>>)
        tpu.yield
      }) : () -> ()
      %scan3A = arith.constant 0 : i32
      %scan3A_13 = arith.constant 0 : i32
      %scan3A_14 = arith.constant 16 : i32
      %scan3A_15 = arith.addi %scan3A_13, %scan3A_14 : i32
      %scan3A_16 = arith.constant 1 : i32
      %scan3A_17 = scf.for %scan3A_49 = %scan3A_13 to %scan3A_15 step %scan3A_16 iter_args(%scan3A_50 = %scan3A) -> (i32)  : i32 {
        %mul3A_51 = arith.constant 2 : i32
        %mul3A_52 = arith.muli %scan3A_49, %mul3A_51 : i32
        %add3A_53 = arith.constant 0 : i32
        %add3A_54 = arith.addi %mul3A_52, %add3A_53 : i32
        %mul3A_55 = arith.constant 16 : i32
        %mul3A_56 = arith.muli %add3A_54, %mul3A_55 : i32
        %get3A = arith.index_cast %mul3A_56 : i32 to index
        %get3A_57 = tpu.vector_load %arg13[%get3A] {strides = array<i32>} : memref<4160xi32, #tpu.memory_space<vmem>>, vector<16xi32>,
        %lt3A_58 = arith.constant 0 : i32
        %lt3A_59 = vector.broadcast %lt3A_58 : i32 to vector<16xi32>
        %lt3A_60 = arith.cmpi slt, %get3A_57, %lt3A_59 : vector<16xi32>
        %xor3A = arith.constant -2147483648 : i32
        %xor3A_61 = vector.broadcast %xor3A : i32 to vector<16xi32>
        %xor3A_62 = arith.xori %get3A_57, %xor3A_61 : vector<16xi32>
        %not3A = arith.constant dense<-1> : vector<16xi32>
        %not3A_63 = arith.xori %get3A_57, %not3A : vector<16xi32>
        %select_n3A = arith.select %lt3A_60, %xor3A_62, %not3A_63 : vector<16xi1>, vector<16xi32>
        %bitcast3A = vector.bitcast %select_n3A : vector<16xi32> to vector<16xf32>
        %neg3A = arith.constant 0.000000e+00 : f32
        %neg3A_64 = vector.broadcast %neg3A : f32 to vector<16xf32>
        %neg3A_65 = arith.subf %neg3A_64, %bitcast3A : vector<16xf32>
        %exp3A = math.exp %neg3A_65 : vector<16xf32>
        %add3A_66 = arith.constant 1.000000e+00 : f32
        %add3A_67 = vector.broadcast %add3A_66 : f32 to vector<16xf32>
        %add3A_68 = arith.addf %add3A_67, %exp3A : vector<16xf32>
        %div3A = arith.constant 1.000000e+00 : f32
        %div3A_69 = vector.broadcast %div3A : f32 to vector<16xf32>
        %div3A_70 = arith.divf %div3A_69, %add3A_68 : vector<16xf32>
        %mul3A_71 = arith.constant 16 : i32
        %mul3A_72 = arith.muli %add3A_54, %mul3A_71 : i32
        %swap3A = arith.index_cast %mul3A_72 : i32 to index
        %swap3A_73 = tpu.vector_load %arg21[%swap3A] {strides = array<i32>} : memref<512xf32, #tpu.memory_space<vmem>>, vector<16xf32>,
        tpu.vector_store %arg21[%swap3A], %div3A_70 {strides = array<i32>} : memref<512xf32, #tpu.memory_space<vmem>>, vector<16xf32>,
        %mul3A_74 = arith.constant 16 : i32
        %mul3A_75 = arith.muli %add3A_54, %mul3A_74 : i32
        %get3A_76 = arith.index_cast %mul3A_75 : i32 to index
        %get3A_77 = tpu.vector_load %arg15[%get3A_76] {strides = array<i32>} : memref<4160xi32, #tpu.memory_space<vmem>>, vector<16xi32>,
        %mul3A_78 = arith.constant 16 : i32
        %mul3A_79 = arith.muli %add3A_54, %mul3A_78 : i32
        %add3A_80 = vector.broadcast %mul3A_79 : i32 to vector<16xi32>
        %add3A_81 = arith.addi %add3A_80, %iota3A : vector<16xi32>
        %mul3A_82 = arith.constant 2 : i32
        %mul3A_83 = vector.broadcast %mul3A_82 : i32 to vector<16xi32>
        %mul3A_84 = arith.muli %mul3A_83, %add3A_81 : vector<16xi32>
        %mul3A_85 = arith.constant 2 : i32
        %mul3A_86 = vector.broadcast %mul3A_85 : i32 to vector<16xi32>
        %mul3A_87 = arith.muli %mul3A_86, %get3A_77 : vector<16xi32>
        %gather3A = tpu.vector_load_idx %arg19[%mul3A_87] : memref<8192xf32, #tpu.memory_space<vmem>>[vector<16xi32>], vector<16xf32>,
        tpu.vector_store_idx %arg20[%mul3A_84], %gather3A : memref<1024xf32, #tpu.memory_space<vmem>>[vector<16xi32>], vector<16xf32>,
        %add3A_88 = arith.constant 1 : i32
        %add3A_89 = vector.broadcast %add3A_88 : i32 to vector<16xi32>
        %add3A_90 = arith.addi %mul3A_84, %add3A_89 : vector<16xi32>
        %mul3A_91 = arith.constant 2 : i32
        %mul3A_92 = vector.broadcast %mul3A_91 : i32 to vector<16xi32>
        %mul3A_93 = arith.muli %mul3A_92, %get3A_77 : vector<16xi32>
        %add3A_94 = arith.constant 1 : i32
        %add3A_95 = vector.broadcast %add3A_94 : i32 to vector<16xi32>
        %add3A_96 = arith.addi %mul3A_93, %add3A_95 : vector<16xi32>
        %gather3A_97 = tpu.vector_load_idx %arg19[%add3A_96] : memref<8192xf32, #tpu.memory_space<vmem>>[vector<16xi32>], vector<16xf32>,
        tpu.vector_store_idx %arg20[%add3A_90], %gather3A_97 : memref<1024xf32, #tpu.memory_space<vmem>>[vector<16xi32>], vector<16xf32>,
        %mul3A_98 = arith.constant 2 : i32
        %mul3A_99 = arith.muli %scan3A_49, %mul3A_98 : i32
        %add3A_100 = arith.constant 1 : i32
        %add3A_101 = arith.addi %mul3A_99, %add3A_100 : i32
        %mul3A_102 = arith.constant 16 : i32
        %mul3A_103 = arith.muli %add3A_101, %mul3A_102 : i32
        %get3A_104 = arith.index_cast %mul3A_103 : i32 to index
        %get3A_105 = tpu.vector_load %arg13[%get3A_104] {strides = array<i32>} : memref<4160xi32, #tpu.memory_space<vmem>>, vector<16xi32>,
        %lt3A_106 = arith.constant 0 : i32
        %lt3A_107 = vector.broadcast %lt3A_106 : i32 to vector<16xi32>
        %lt3A_108 = arith.cmpi slt, %get3A_105, %lt3A_107 : vector<16xi32>
        %xor3A_109 = arith.constant -2147483648 : i32
        %xor3A_110 = vector.broadcast %xor3A_109 : i32 to vector<16xi32>
        %xor3A_111 = arith.xori %get3A_105, %xor3A_110 : vector<16xi32>
        %not3A_112 = arith.constant dense<-1> : vector<16xi32>
        %not3A_113 = arith.xori %get3A_105, %not3A_112 : vector<16xi32>
        %select_n3A_114 = arith.select %lt3A_108, %xor3A_111, %not3A_113 : vector<16xi1>, vector<16xi32>
        %bitcast3A_115 = vector.bitcast %select_n3A_114 : vector<16xi32> to vector<16xf32>
        %neg3A_116 = arith.constant 0.000000e+00 : f32
        %neg3A_117 = vector.broadcast %neg3A_116 : f32 to vector<16xf32>
        %neg3A_118 = arith.subf %neg3A_117, %bitcast3A_115 : vector<16xf32>
        %exp3A_119 = math.exp %neg3A_118 : vector<16xf32>
        %add3A_120 = arith.constant 1.000000e+00 : f32
        %add3A_121 = vector.broadcast %add3A_120 : f32 to vector<16xf32>
        %add3A_122 = arith.addf %add3A_121, %exp3A_119 : vector<16xf32>
        %div3A_123 = arith.constant 1.000000e+00 : f32
        %div3A_124 = vector.broadcast %div3A_123 : f32 to vector<16xf32>
        %div3A_125 = arith.divf %div3A_124, %add3A_122 : vector<16xf32>
        %mul3A_126 = arith.constant 16 : i32
        %mul3A_127 = arith.muli %add3A_101, %mul3A_126 : i32
        %swap3A_128 = arith.index_cast %mul3A_127 : i32 to index
        %swap3A_129 = tpu.vector_load %arg21[%swap3A_128] {strides = array<i32>} : memref<512xf32, #tpu.memory_space<vmem>>, vector<16xf32>,
        tpu.vector_store %arg21[%swap3A_128], %div3A_125 {strides = array<i32>} : memref<512xf32, #tpu.memory_space<vmem>>, vector<16xf32>,
        %mul3A_130 = arith.constant 16 : i32
        %mul3A_131 = arith.muli %add3A_101, %mul3A_130 : i32
        %get3A_132 = arith.index_cast %mul3A_131 : i32 to index
        %get3A_133 = tpu.vector_load %arg15[%get3A_132] {strides = array<i32>} : memref<4160xi32, #tpu.memory_space<vmem>>, vector<16xi32>,
        %mul3A_134 = arith.constant 16 : i32
        %mul3A_135 = arith.muli %add3A_101, %mul3A_134 : i32
        %add3A_136 = vector.broadcast %mul3A_135 : i32 to vector<16xi32>
        %add3A_137 = arith.addi %add3A_136, %iota3A : vector<16xi32>
        %mul3A_138 = arith.constant 2 : i32
        %mul3A_139 = vector.broadcast %mul3A_138 : i32 to vector<16xi32>
        %mul3A_140 = arith.muli %mul3A_139, %add3A_137 : vector<16xi32>
        %mul3A_141 = arith.constant 2 : i32
        %mul3A_142 = vector.broadcast %mul3A_141 : i32 to vector<16xi32>
        %mul3A_143 = arith.muli %mul3A_142, %get3A_133 : vector<16xi32>
        %gather3A_144 = tpu.vector_load_idx %arg19[%mul3A_143] : memref<8192xf32, #tpu.memory_space<vmem>>[vector<16xi32>], vector<16xf32>,
        tpu.vector_store_idx %arg20[%mul3A_140], %gather3A_144 : memref<1024xf32, #tpu.memory_space<vmem>>[vector<16xi32>], vector<16xf32>,
        %add3A_145 = arith.constant 1 : i32
        %add3A_146 = vector.broadcast %add3A_145 : i32 to vector<16xi32>
        %add3A_147 = arith.addi %mul3A_140, %add3A_146 : vector<16xi32>
        %mul3A_148 = arith.constant 2 : i32
        %mul3A_149 = vector.broadcast %mul3A_148 : i32 to vector<16xi32>
        %mul3A_150 = arith.muli %mul3A_149, %get3A_133 : vector<16xi32>
        %add3A_151 = arith.constant 1 : i32
        %add3A_152 = vector.broadcast %add3A_151 : i32 to vector<16xi32>
        %add3A_153 = arith.addi %mul3A_150, %add3A_152 : vector<16xi32>
        %gather3A_154 = tpu.vector_load_idx %arg19[%add3A_153] : memref<8192xf32, #tpu.memory_space<vmem>>[vector<16xi32>], vector<16xf32>,
        tpu.vector_store_idx %arg20[%add3A_147], %gather3A_154 : memref<1024xf32, #tpu.memory_space<vmem>>[vector<16xi32>], vector<16xf32>,
        %scan3A_155 = arith.constant 0 : i32
        scf.yield %scan3A_155 : i32
      }
      %scan3A_18 = arith.constant 16 : i32
      "tpu.region"() ({
        %run_scoped3A = tpu.sem_alloc : memref<!tpu.dma_semaphore, #tpu.memory_space<semaphore_mem>>
        %dma_start3A_49 = arith.constant 0 : i32
        %dma_start3A_50 = tpu.memref_slice %arg8[%add3A, %dma_start3A_49] : memref<16x512xf32, #tpu.memory_space<hbm>> -> memref<1x512xf32, #tpu.memory_space<hbm>>
        %dma_start3A_51 = tpu.memref_squeeze %dma_start3A_50 : memref<1x512xf32, #tpu.memory_space<hbm>> -> memref<512xf32, #tpu.memory_space<hbm>>
        %dma_start3A_52 = arith.constant 0 : i32
        %dma_start3A_53 = tpu.memref_slice %arg8[%add3A, %dma_start3A_52] : memref<16x512xf32, #tpu.memory_space<hbm>> -> memref<1x512xf32, #tpu.memory_space<hbm>>
        %dma_start3A_54 = tpu.memref_squeeze %dma_start3A_53 : memref<1x512xf32, #tpu.memory_space<hbm>> -> memref<512xf32, #tpu.memory_space<hbm>>
        tpu.enqueue_dma source(%arg21 : memref<512xf32, #tpu.memory_space<vmem>>) target(%dma_start3A_54 : memref<512xf32, #tpu.memory_space<hbm>>) target_semaphore(%run_scoped3A : memref<!tpu.dma_semaphore, #tpu.memory_space<semaphore_mem>>)
        %dma_wait3A_55 = arith.constant 0 : i32
        %dma_wait3A_56 = tpu.memref_slice %arg8[%add3A, %dma_wait3A_55] : memref<16x512xf32, #tpu.memory_space<hbm>> -> memref<1x512xf32, #tpu.memory_space<hbm>>
        %dma_wait3A_57 = tpu.memref_squeeze %dma_wait3A_56 : memref<1x512xf32, #tpu.memory_space<hbm>> -> memref<512xf32, #tpu.memory_space<hbm>>
        %dma_wait3A_58 = arith.constant 0 : i32
        %dma_wait3A_59 = tpu.memref_slice %arg8[%add3A, %dma_wait3A_58] : memref<16x512xf32, #tpu.memory_space<hbm>> -> memref<1x512xf32, #tpu.memory_space<hbm>>
        %dma_wait3A_60 = tpu.memref_squeeze %dma_wait3A_59 : memref<1x512xf32, #tpu.memory_space<hbm>> -> memref<512xf32, #tpu.memory_space<hbm>>
        tpu.wait_dma2 semaphore(%run_scoped3A : memref<!tpu.dma_semaphore, #tpu.memory_space<semaphore_mem>>) src(%arg21 : memref<512xf32, #tpu.memory_space<vmem>>) dst(%dma_wait3A_60 : memref<512xf32, #tpu.memory_space<hbm>>)
        tpu.yield
      }) : () -> ()
      "tpu.region"() ({
        %run_scoped3A = tpu.sem_alloc : memref<!tpu.dma_semaphore, #tpu.memory_space<semaphore_mem>>
        %dma_start3A_49 = arith.constant 0 : i32
        %dma_start3A_50 = tpu.memref_slice %arg7[%add3A, %dma_start3A_49] : memref<16x1024xf32, #tpu.memory_space<hbm>> -> memref<1x1024xf32, #tpu.memory_space<hbm>>
        %dma_start3A_51 = tpu.memref_squeeze %dma_start3A_50 : memref<1x1024xf32, #tpu.memory_space<hbm>> -> memref<1024xf32, #tpu.memory_space<hbm>>
        %dma_start3A_52 = arith.constant 0 : i32
        %dma_start3A_53 = tpu.memref_slice %arg7[%add3A, %dma_start3A_52] : memref<16x1024xf32, #tpu.memory_space<hbm>> -> memref<1x1024xf32, #tpu.memory_space<hbm>>
        %dma_start3A_54 = tpu.memref_squeeze %dma_start3A_53 : memref<1x1024xf32, #tpu.memory_space<hbm>> -> memref<1024xf32, #tpu.memory_space<hbm>>
        tpu.enqueue_dma source(%arg20 : memref<1024xf32, #tpu.memory_space<vmem>>) target(%dma_start3A_54 : memref<1024xf32, #tpu.memory_space<hbm>>) target_semaphore(%run_scoped3A : memref<!tpu.dma_semaphore, #tpu.memory_space<semaphore_mem>>)
        %dma_wait3A_55 = arith.constant 0 : i32
        %dma_wait3A_56 = tpu.memref_slice %arg7[%add3A, %dma_wait3A_55] : memref<16x1024xf32, #tpu.memory_space<hbm>> -> memref<1x1024xf32, #tpu.memory_space<hbm>>
        %dma_wait3A_57 = tpu.memref_squeeze %dma_wait3A_56 : memref<1x1024xf32, #tpu.memory_space<hbm>> -> memref<1024xf32, #tpu.memory_space<hbm>>
        %dma_wait3A_58 = arith.constant 0 : i32
        %dma_wait3A_59 = tpu.memref_slice %arg7[%add3A, %dma_wait3A_58] : memref<16x1024xf32, #tpu.memory_space<hbm>> -> memref<1x1024xf32, #tpu.memory_space<hbm>>
        %dma_wait3A_60 = tpu.memref_squeeze %dma_wait3A_59 : memref<1x1024xf32, #tpu.memory_space<hbm>> -> memref<1024xf32, #tpu.memory_space<hbm>>
        tpu.wait_dma2 semaphore(%run_scoped3A : memref<!tpu.dma_semaphore, #tpu.memory_space<semaphore_mem>>) src(%arg20 : memref<1024xf32, #tpu.memory_space<vmem>>) dst(%dma_wait3A_60 : memref<1024xf32, #tpu.memory_space<hbm>>)
        tpu.yield
      }) : () -> ()
      %dma_start3A = arith.constant 0 : i32
      %dma_start3A_19 = arith.constant 0 : i32
      %dma_start3A_20 = tpu.memref_slice %arg24[%dma_start3A, %dma_start3A_19] : memref<256x256xf32, #tpu.memory_space<vmem>> -> memref<128x256xf32, #tpu.memory_space<vmem>>
      %dma_start3A_21 = arith.constant 0 : i32
      %dma_start3A_22 = tpu.memref_slice %arg22[%dma_start3A_21] : memref<512xi32, #tpu.memory_space<vmem>> -> memref<128xi32, #tpu.memory_space<vmem>>
      %dma_start3A_23 = arith.constant 0 : i32
      %dma_start3A_24 = arith.constant 0 : i32
      %dma_start3A_25 = tpu.memref_slice %arg5[%dma_start3A_23, %dma_start3A_24] : memref<65536x256xf32, #tpu.memory_space<hbm>> -> memref<65536x256xf32, #tpu.memory_space<hbm>>
      tpu.enqueue_indirect_dma source(%dma_start3A_25 : memref<65536x256xf32, #tpu.memory_space<hbm>>) target(%dma_start3A_20 : memref<128x256xf32, #tpu.memory_space<vmem>>) offsets(%dma_start3A_22 : memref<128xi32, #tpu.memory_space<vmem>>) semaphore(%arg26 : memref<!tpu.dma_semaphore, #tpu.memory_space<semaphore_mem>>)
      %dma_wait3A = arith.constant 0 : i32
      %dma_wait3A_26 = arith.constant 0 : i32
      %dma_wait3A_27 = tpu.memref_slice %arg24[%dma_wait3A, %dma_wait3A_26] : memref<256x256xf32, #tpu.memory_space<vmem>> -> memref<128x256xf32, #tpu.memory_space<vmem>>
      %dma_wait3A_28 = arith.constant 0 : i32
      %dma_wait3A_29 = tpu.memref_slice %arg22[%dma_wait3A_28] : memref<512xi32, #tpu.memory_space<vmem>> -> memref<128xi32, #tpu.memory_space<vmem>>
      %dma_wait3A_30 = arith.constant 0 : i32
      %dma_wait3A_31 = arith.constant 0 : i32
      %dma_wait3A_32 = tpu.memref_slice %arg5[%dma_wait3A_30, %dma_wait3A_31] : memref<65536x256xf32, #tpu.memory_space<hbm>> -> memref<65536x256xf32, #tpu.memory_space<hbm>>
      tpu.wait_indirect_dma semaphore(%arg26 : memref<!tpu.dma_semaphore, #tpu.memory_space<semaphore_mem>>) src(%dma_wait3A_32 : memref<65536x256xf32, #tpu.memory_space<hbm>>) dst(%dma_wait3A_27 : memref<128x256xf32, #tpu.memory_space<vmem>>)
      %dma_start3A_33 = arith.constant 128 : i32
      %dma_start3A_34 = arith.constant 0 : i32
      %dma_start3A_35 = tpu.memref_slice %arg24[%dma_start3A_33, %dma_start3A_34] : memref<256x256xf32, #tpu.memory_space<vmem>> -> memref<128x256xf32, #tpu.memory_space<vmem>>
      %dma_start3A_36 = arith.constant 128 : i32
      %dma_start3A_37 = tpu.memref_slice %arg22[%dma_start3A_36] : memref<512xi32, #tpu.memory_space<vmem>> -> memref<128xi32, #tpu.memory_space<vmem>>
      %dma_start3A_38 = arith.constant 0 : i32
      %dma_start3A_39 = arith.constant 0 : i32
      %dma_start3A_40 = tpu.memref_slice %arg5[%dma_start3A_38, %dma_start3A_39] : memref<65536x256xf32, #tpu.memory_space<hbm>> -> memref<65536x256xf32, #tpu.memory_space<hbm>>
      tpu.enqueue_indirect_dma source(%dma_start3A_40 : memref<65536x256xf32, #tpu.memory_space<hbm>>) target(%dma_start3A_35 : memref<128x256xf32, #tpu.memory_space<vmem>>) offsets(%dma_start3A_37 : memref<128xi32, #tpu.memory_space<vmem>>) semaphore(%arg26 : memref<!tpu.dma_semaphore, #tpu.memory_space<semaphore_mem>>)
      %dma_wait3A_41 = arith.constant 128 : i32
      %dma_wait3A_42 = arith.constant 0 : i32
      %dma_wait3A_43 = tpu.memref_slice %arg24[%dma_wait3A_41, %dma_wait3A_42] : memref<256x256xf32, #tpu.memory_space<vmem>> -> memref<128x256xf32, #tpu.memory_space<vmem>>
      %dma_wait3A_44 = arith.constant 128 : i32
      %dma_wait3A_45 = tpu.memref_slice %arg22[%dma_wait3A_44] : memref<512xi32, #tpu.memory_space<vmem>> -> memref<128xi32, #tpu.memory_space<vmem>>
      %dma_wait3A_46 = arith.constant 0 : i32
      %dma_wait3A_47 = arith.constant 0 : i32
      %dma_wait3A_48 = tpu.memref_slice %arg5[%dma_wait3A_46, %dma_wait3A_47] : memref<65536x256xf32, #tpu.memory_space<hbm>> -> memref<65536x256xf32, #tpu.memory_space<hbm>>
      tpu.wait_indirect_dma semaphore(%arg26 : memref<!tpu.dma_semaphore, #tpu.memory_space<semaphore_mem>>) src(%dma_wait3A_48 : memref<65536x256xf32, #tpu.memory_space<hbm>>) dst(%dma_wait3A_43 : memref<128x256xf32, #tpu.memory_space<vmem>>)
      "tpu.region"() ({
        %run_scoped3A = tpu.sem_alloc : memref<!tpu.dma_semaphore, #tpu.memory_space<semaphore_mem>>
        %dma_start3A_49 = arith.constant 0 : i32
        %dma_start3A_50 = arith.constant 0 : i32
        %dma_start3A_51 = tpu.memref_slice %arg6[%add3A, %dma_start3A_49, %dma_start3A_50] : memref<16x504x256xf32, #tpu.memory_space<hbm>> -> memref<1x256x256xf32, #tpu.memory_space<hbm>>
        %dma_start3A_52 = tpu.memref_squeeze %dma_start3A_51 : memref<1x256x256xf32, #tpu.memory_space<hbm>> -> memref<256x256xf32, #tpu.memory_space<hbm>>
        %dma_start3A_53 = arith.constant 0 : i32
        %dma_start3A_54 = arith.constant 0 : i32
        %dma_start3A_55 = tpu.memref_slice %arg6[%add3A, %dma_start3A_53, %dma_start3A_54] : memref<16x504x256xf32, #tpu.memory_space<hbm>> -> memref<1x256x256xf32, #tpu.memory_space<hbm>>
        %dma_start3A_56 = tpu.memref_squeeze %dma_start3A_55 : memref<1x256x256xf32, #tpu.memory_space<hbm>> -> memref<256x256xf32, #tpu.memory_space<hbm>>
        tpu.enqueue_dma source(%arg24 : memref<256x256xf32, #tpu.memory_space<vmem>>) target(%dma_start3A_56 : memref<256x256xf32, #tpu.memory_space<hbm>>) target_semaphore(%run_scoped3A : memref<!tpu.dma_semaphore, #tpu.memory_space<semaphore_mem>>)
        %dma_wait3A_57 = arith.constant 0 : i32
        %dma_wait3A_58 = arith.constant 0 : i32
        %dma_wait3A_59 = tpu.memref_slice %arg6[%add3A, %dma_wait3A_57, %dma_wait3A_58] : memref<16x504x256xf32, #tpu.memory_space<hbm>> -> memref<1x256x256xf32, #tpu.memory_space<hbm>>
        %dma_wait3A_60 = tpu.memref_squeeze %dma_wait3A_59 : memref<1x256x256xf32, #tpu.memory_space<hbm>> -> memref<256x256xf32, #tpu.memory_space<hbm>>
        %dma_wait3A_61 = arith.constant 0 : i32
        %dma_wait3A_62 = arith.constant 0 : i32
        %dma_wait3A_63 = tpu.memref_slice %arg6[%add3A, %dma_wait3A_61, %dma_wait3A_62] : memref<16x504x256xf32, #tpu.memory_space<hbm>> -> memref<1x256x256xf32, #tpu.memory_space<hbm>>
        %dma_wait3A_64 = tpu.memref_squeeze %dma_wait3A_63 : memref<1x256x256xf32, #tpu.memory_space<hbm>> -> memref<256x256xf32, #tpu.memory_space<hbm>>
        tpu.wait_dma2 semaphore(%run_scoped3A : memref<!tpu.dma_semaphore, #tpu.memory_space<semaphore_mem>>) src(%arg24 : memref<256x256xf32, #tpu.memory_space<vmem>>) dst(%dma_wait3A_64 : memref<256x256xf32, #tpu.memory_space<hbm>>)
        tpu.yield
      }) : () -> ()
    } else {
    }
    %ge3A = arith.constant 8 : i32
    %ge3A_8 = arith.cmpi sge, %arg1, %ge3A : i32
    %convert_element_type3A_9 = arith.extui %ge3A_8 : i1 to i32
    %cond3A_10 = arith.constant 0 : i32
    %cond3A_11 = arith.cmpi ne, %convert_element_type3A_9, %cond3A_10 : i32
    scf.if %cond3A_11 {
      %mul3A = arith.constant 8 : i32
      %mul3A_12 = arith.muli %arg0, %mul3A : i32
      %sub3A = arith.constant 8 : i32
      %sub3A_13 = arith.subi %arg1, %sub3A : i32
      %add3A = arith.addi %mul3A_12, %sub3A_13 : i32
      %sub3A_14 = arith.constant 8 : i32
      %sub3A_15 = arith.subi %arg1, %sub3A_14 : i32
      "tpu.region"() ({
        %run_scoped3A = tpu.sem_alloc : memref<!tpu.dma_semaphore, #tpu.memory_space<semaphore_mem>>
        %dma_start3A_46 = arith.constant 0 : i32
        %dma_start3A_47 = tpu.memref_slice %arg25[%sub3A_15, %dma_start3A_46] : memref<8x512xi32, #tpu.memory_space<vmem_shared>> -> memref<1x512xi32, #tpu.memory_space<vmem_shared>>
        %dma_start3A_48 = tpu.memref_squeeze %dma_start3A_47 : memref<1x512xi32, #tpu.memory_space<vmem_shared>> -> memref<512xi32, #tpu.memory_space<vmem_shared>>
        %dma_start3A_49 = arith.constant 0 : i32
        %dma_start3A_50 = tpu.memref_slice %arg25[%sub3A_15, %dma_start3A_49] : memref<8x512xi32, #tpu.memory_space<vmem_shared>> -> memref<1x512xi32, #tpu.memory_space<vmem_shared>>
        %dma_start3A_51 = tpu.memref_squeeze %dma_start3A_50 : memref<1x512xi32, #tpu.memory_space<vmem_shared>> -> memref<512xi32, #tpu.memory_space<vmem_shared>>
        tpu.enqueue_dma source(%dma_start3A_51 : memref<512xi32, #tpu.memory_space<vmem_shared>>) target(%arg23 : memref<512xi32, #tpu.memory_space<vmem>>) target_semaphore(%run_scoped3A : memref<!tpu.dma_semaphore, #tpu.memory_space<semaphore_mem>>)
        %dma_wait3A_52 = arith.constant 0 : i32
        %dma_wait3A_53 = tpu.memref_slice %arg25[%sub3A_15, %dma_wait3A_52] : memref<8x512xi32, #tpu.memory_space<vmem_shared>> -> memref<1x512xi32, #tpu.memory_space<vmem_shared>>
        %dma_wait3A_54 = tpu.memref_squeeze %dma_wait3A_53 : memref<1x512xi32, #tpu.memory_space<vmem_shared>> -> memref<512xi32, #tpu.memory_space<vmem_shared>>
        %dma_wait3A_55 = arith.constant 0 : i32
        %dma_wait3A_56 = tpu.memref_slice %arg25[%sub3A_15, %dma_wait3A_55] : memref<8x512xi32, #tpu.memory_space<vmem_shared>> -> memref<1x512xi32, #tpu.memory_space<vmem_shared>>
        %dma_wait3A_57 = tpu.memref_squeeze %dma_wait3A_56 : memref<1x512xi32, #tpu.memory_space<vmem_shared>> -> memref<512xi32, #tpu.memory_space<vmem_shared>>
        tpu.wait_dma2 semaphore(%run_scoped3A : memref<!tpu.dma_semaphore, #tpu.memory_space<semaphore_mem>>) src(%dma_wait3A_57 : memref<512xi32, #tpu.memory_space<vmem_shared>>) dst(%arg23 : memref<512xi32, #tpu.memory_space<vmem>>)
        tpu.yield
      }) : () -> ()
      %dma_start3A = arith.constant 0 : i32
      %dma_start3A_16 = arith.constant 0 : i32
      %dma_start3A_17 = tpu.memref_slice %arg24[%dma_start3A, %dma_start3A_16] : memref<256x256xf32, #tpu.memory_space<vmem>> -> memref<128x256xf32, #tpu.memory_space<vmem>>
      %dma_start3A_18 = arith.constant 256 : i32
      %dma_start3A_19 = tpu.memref_slice %arg23[%dma_start3A_18] : memref<512xi32, #tpu.memory_space<vmem>> -> memref<128xi32, #tpu.memory_space<vmem>>
      %dma_start3A_20 = arith.constant 0 : i32
      %dma_start3A_21 = arith.constant 0 : i32
      %dma_start3A_22 = tpu.memref_slice %arg5[%dma_start3A_20, %dma_start3A_21] : memref<65536x256xf32, #tpu.memory_space<hbm>> -> memref<65536x256xf32, #tpu.memory_space<hbm>>
      tpu.enqueue_indirect_dma source(%dma_start3A_22 : memref<65536x256xf32, #tpu.memory_space<hbm>>) target(%dma_start3A_17 : memref<128x256xf32, #tpu.memory_space<vmem>>) offsets(%dma_start3A_19 : memref<128xi32, #tpu.memory_space<vmem>>) semaphore(%arg26 : memref<!tpu.dma_semaphore, #tpu.memory_space<semaphore_mem>>)
      %dma_wait3A = arith.constant 0 : i32
      %dma_wait3A_23 = arith.constant 0 : i32
      %dma_wait3A_24 = tpu.memref_slice %arg24[%dma_wait3A, %dma_wait3A_23] : memref<256x256xf32, #tpu.memory_space<vmem>> -> memref<128x256xf32, #tpu.memory_space<vmem>>
      %dma_wait3A_25 = arith.constant 256 : i32
      %dma_wait3A_26 = tpu.memref_slice %arg23[%dma_wait3A_25] : memref<512xi32, #tpu.memory_space<vmem>> -> memref<128xi32, #tpu.memory_space<vmem>>
      %dma_wait3A_27 = arith.constant 0 : i32
      %dma_wait3A_28 = arith.constant 0 : i32
      %dma_wait3A_29 = tpu.memref_slice %arg5[%dma_wait3A_27, %dma_wait3A_28] : memref<65536x256xf32, #tpu.memory_space<hbm>> -> memref<65536x256xf32, #tpu.memory_space<hbm>>
      tpu.wait_indirect_dma semaphore(%arg26 : memref<!tpu.dma_semaphore, #tpu.memory_space<semaphore_mem>>) src(%dma_wait3A_29 : memref<65536x256xf32, #tpu.memory_space<hbm>>) dst(%dma_wait3A_24 : memref<128x256xf32, #tpu.memory_space<vmem>>)
      %dma_start3A_30 = arith.constant 128 : i32
      %dma_start3A_31 = arith.constant 0 : i32
      %dma_start3A_32 = tpu.memref_slice %arg24[%dma_start3A_30, %dma_start3A_31] : memref<256x256xf32, #tpu.memory_space<vmem>> -> memref<128x256xf32, #tpu.memory_space<vmem>>
      %dma_start3A_33 = arith.constant 384 : i32
      %dma_start3A_34 = tpu.memref_slice %arg23[%dma_start3A_33] : memref<512xi32, #tpu.memory_space<vmem>> -> memref<128xi32, #tpu.memory_space<vmem>>
      %dma_start3A_35 = arith.constant 0 : i32
      %dma_start3A_36 = arith.constant 0 : i32
      %dma_start3A_37 = tpu.memref_slice %arg5[%dma_start3A_35, %dma_start3A_36] : memref<65536x256xf32, #tpu.memory_space<hbm>> -> memref<65536x256xf32, #tpu.memory_space<hbm>>
      tpu.enqueue_indirect_dma source(%dma_start3A_37 : memref<65536x256xf32, #tpu.memory_space<hbm>>) target(%dma_start3A_32 : memref<128x256xf32, #tpu.memory_space<vmem>>) offsets(%dma_start3A_34 : memref<128xi32, #tpu.memory_space<vmem>>) semaphore(%arg26 : memref<!tpu.dma_semaphore, #tpu.memory_space<semaphore_mem>>)
      %dma_wait3A_38 = arith.constant 128 : i32
      %dma_wait3A_39 = arith.constant 0 : i32
      %dma_wait3A_40 = tpu.memref_slice %arg24[%dma_wait3A_38, %dma_wait3A_39] : memref<256x256xf32, #tpu.memory_space<vmem>> -> memref<128x256xf32, #tpu.memory_space<vmem>>
      %dma_wait3A_41 = arith.constant 384 : i32
      %dma_wait3A_42 = tpu.memref_slice %arg23[%dma_wait3A_41] : memref<512xi32, #tpu.memory_space<vmem>> -> memref<128xi32, #tpu.memory_space<vmem>>
      %dma_wait3A_43 = arith.constant 0 : i32
      %dma_wait3A_44 = arith.constant 0 : i32
      %dma_wait3A_45 = tpu.memref_slice %arg5[%dma_wait3A_43, %dma_wait3A_44] : memref<65536x256xf32, #tpu.memory_space<hbm>> -> memref<65536x256xf32, #tpu.memory_space<hbm>>
      tpu.wait_indirect_dma semaphore(%arg26 : memref<!tpu.dma_semaphore, #tpu.memory_space<semaphore_mem>>) src(%dma_wait3A_45 : memref<65536x256xf32, #tpu.memory_space<hbm>>) dst(%dma_wait3A_40 : memref<128x256xf32, #tpu.memory_space<vmem>>)
      "tpu.region"() ({
        %run_scoped3A = tpu.sem_alloc : memref<!tpu.dma_semaphore, #tpu.memory_space<semaphore_mem>>
        %dma_start3A_46 = arith.constant 0 : i32
        %dma_start3A_47 = arith.constant 0 : i32
        %dma_start3A_48 = tpu.memref_slice %arg24[%dma_start3A_46, %dma_start3A_47] : memref<256x256xf32, #tpu.memory_space<vmem>> -> memref<248x256xf32, #tpu.memory_space<vmem>>
        %dma_start3A_49 = arith.constant 256 : i32
        %dma_start3A_50 = arith.constant 0 : i32
        %dma_start3A_51 = tpu.memref_slice %arg6[%add3A, %dma_start3A_49, %dma_start3A_50] : memref<16x504x256xf32, #tpu.memory_space<hbm>> -> memref<1x248x256xf32, #tpu.memory_space<hbm>>
        %dma_start3A_52 = tpu.memref_squeeze %dma_start3A_51 : memref<1x248x256xf32, #tpu.memory_space<hbm>> -> memref<248x256xf32, #tpu.memory_space<hbm>>
        %dma_start3A_53 = arith.constant 256 : i32
        %dma_start3A_54 = arith.constant 0 : i32
        %dma_start3A_55 = tpu.memref_slice %arg6[%add3A, %dma_start3A_53, %dma_start3A_54] : memref<16x504x256xf32, #tpu.memory_space<hbm>> -> memref<1x248x256xf32, #tpu.memory_space<hbm>>
        %dma_start3A_56 = tpu.memref_squeeze %dma_start3A_55 : memref<1x248x256xf32, #tpu.memory_space<hbm>> -> memref<248x256xf32, #tpu.memory_space<hbm>>
        %dma_start3A_57 = arith.constant 0 : i32
        %dma_start3A_58 = arith.constant 0 : i32
        %dma_start3A_59 = tpu.memref_slice %arg24[%dma_start3A_57, %dma_start3A_58] : memref<256x256xf32, #tpu.memory_space<vmem>> -> memref<248x256xf32, #tpu.memory_space<vmem>>
        tpu.enqueue_dma source(%dma_start3A_59 : memref<248x256xf32, #tpu.memory_space<vmem>>) target(%dma_start3A_56 : memref<248x256xf32, #tpu.memory_space<hbm>>) target_semaphore(%run_scoped3A : memref<!tpu.dma_semaphore, #tpu.memory_space<semaphore_mem>>)
        %dma_wait3A_60 = arith.constant 0 : i32
        %dma_wait3A_61 = arith.constant 0 : i32
        %dma_wait3A_62 = tpu.memref_slice %arg24[%dma_wait3A_60, %dma_wait3A_61] : memref<256x256xf32, #tpu.memory_space<vmem>> -> memref<248x256xf32, #tpu.memory_space<vmem>>
        %dma_wait3A_63 = arith.constant 256 : i32
        %dma_wait3A_64 = arith.constant 0 : i32
        %dma_wait3A_65 = tpu.memref_slice %arg6[%add3A, %dma_wait3A_63, %dma_wait3A_64] : memref<16x504x256xf32, #tpu.memory_space<hbm>> -> memref<1x248x256xf32, #tpu.memory_space<hbm>>
        %dma_wait3A_66 = tpu.memref_squeeze %dma_wait3A_65 : memref<1x248x256xf32, #tpu.memory_space<hbm>> -> memref<248x256xf32, #tpu.memory_space<hbm>>
        %dma_wait3A_67 = arith.constant 256 : i32
        %dma_wait3A_68 = arith.constant 0 : i32
        %dma_wait3A_69 = tpu.memref_slice %arg6[%add3A, %dma_wait3A_67, %dma_wait3A_68] : memref<16x504x256xf32, #tpu.memory_space<hbm>> -> memref<1x248x256xf32, #tpu.memory_space<hbm>>
        %dma_wait3A_70 = tpu.memref_squeeze %dma_wait3A_69 : memref<1x248x256xf32, #tpu.memory_space<hbm>> -> memref<248x256xf32, #tpu.memory_space<hbm>>
        %dma_wait3A_71 = arith.constant 0 : i32
        %dma_wait3A_72 = arith.constant 0 : i32
        %dma_wait3A_73 = tpu.memref_slice %arg24[%dma_wait3A_71, %dma_wait3A_72] : memref<256x256xf32, #tpu.memory_space<vmem>> -> memref<248x256xf32, #tpu.memory_space<vmem>>
        tpu.wait_dma2 semaphore(%run_scoped3A : memref<!tpu.dma_semaphore, #tpu.memory_space<semaphore_mem>>) src(%dma_wait3A_73 : memref<248x256xf32, #tpu.memory_space<vmem>>) dst(%dma_wait3A_70 : memref<248x256xf32, #tpu.memory_space<hbm>>)
        tpu.yield
      }) : () -> ()
    } else {
    }
    return
  }
}

</mosaic_0001>

<sc_bundles>
// kernel: kernel.3.cloned.1.call-start
scs
__scs_entry_jumppad:
0x0: {  	(pc) =	sbr.rel $0x88, $3  }
0x1: {  	(tag) =	ssettag $0x0;
	lr =	simm.s32 $0x1  }
0x2: {  	[smem:$0x3F9C] =	sst lr;
	_ =	strace $0xD0000000  }
0x3: {  	_ = 	snop  }
0x4: {  	_ = 	snop  }
0x5: {  	_ = 	snop  }
0x6: {  	_ = 	snop  }
0x7: {  	_ = 	snop  }
__scs_overlays_trampoline_lowered:
0x8: {  	[smem:$0x3FAB] =	sst s0  }
0x9: {  	[smem:$0x3FAC] =	sst s1  }
0xa: {  	[smem:$0x3FAD] =	sst s2  }
0xb: {  	[smem:$0x3FAE] =	sst s3  }
0xc: {  	[smem:$0x3FAF] =	sst s4  }
0xd: {  	[smem:$0x3FB0] =	sst s5  }
0xe: {  	[smem:$0x3FB1] =	sst s6  }
0xf: {  	[smem:$0x3FB2] =	sst s7  }
0x10: {  	[smem:$0x3FB3] =	sst s8  }
0x11: {  	[smem:$0x3FB4] =	sst s9;
	s0 =	simm.s32 @!p0 $0x0  }
0x12: {  	s1 =	sld [smem:$0x3F9A];
	s0 =	simm.s32 @p0 $0x1  }
0x13: {  	[smem:$0x3FB5] =	sst s0;
	s0 =	simm.s32 @!p1 $0x0  }
0x14: {  	s2 =	sld [smem:$0x3F99];
	s0 =	simm.s32 @p1 $0x1  }
0x15: {  	[smem:$0x3FB6] =	sst s0;
	s0 =	simm.s32 @!p2 $0x0  }
0x16: {  	s3 =	sld [smem:$0x3FDB];
	s0 =	simm.s32 @p2 $0x1  }
0x17: {  	s4 =	simm.s32 $0x1BF5;
	[smem:$0x3FB8] =	sst s0  }
0x18: {  	s0 =	sld [smem:$0x3F9B];
	_ =	swait.ge [sflag:s4], $0x0  }
0x19: {  	s7 =	sld [smem:$0x3F9C]  }
0x1a: {  	s8 =	sadd.s32 $0xFFFFE003, lr  }
0x1b: {  	s9 =	sadd.s32 $0xFFFFFEF7, lr;
	s5 =	simm.s32 $0xFFFFFFFF;
	p2 =	slt.u32 s8, $0xFFFFF086  }
0x1c: {  	p1 =	slt.u32 s9, $0xF7A;
	s5 =	simm.s32 @!p2 $0x0  }
0x1d: {  	s5 =	simm.s32 @p1 $0x1;
	p0 =	seq.s32 s7, s2  }
0x1e: {  	s7 =	smul.u32 @!p0 $0xF7A, s2;
	p2 =	seq.s32 @!p0 s5, $0x0  }
0x1f: {  	s9 =	smul.u32 $0xF7A, s1;
	s8 =	simm.s32 @!p0 $0x1BF5;
	p2 =	por !p2, p0  }
0x20: {  	[sflag:s8] =	ssyncset.s32 @!p0 $0xFFFFF086;
	s6 =	sadd.s32 @!p0 s3, s7;
	s7 =	simm.s32 @!p0 $0x108  }
0x21: {  	s3 =	sadd.s32 s3, s9;
	s6 =	sadd.s32 @!p0 $0x88, s6;
	s7 =	simm.s32 @p2 $0x1082  }
0x22: {  	[simem:s7], [sflag:s8] =	dma.local @!p0 [hbm:s6], $0xF7A  }
0x23: {  	s9 =	sor.u32 $0xD0000000, s2;
	s6 =	simm.s32 $0x108;
	_ =	swait.ge @!p0 [sflag:s8], $0x0  }
0x24: {  	s3 =	sadd.s32 $0x88, s3;
	s6 =	simm.s32 @!p1 $0x1082;
	[sflag:s4] =	ssyncset.s32 $0xFFFFF086  }
0x25: {  	[simem:s6], [sflag:s4] =	dma.local [hbm:s3], $0xF7A  }
0x26: {  	[smem:$0x3F9C] =	sst s1;
	(tag) =	ssettag s2;
	_ =	strace s9  }
0x27: {  	s1 =	sld [smem:$0x3FAC]  }
0x28: {  	s2 =	sld [smem:$0x3FAD]  }
0x29: {  	s4 =	sld [smem:$0x3FAF]  }
0x2a: {  	p0 =	seq.s32 s5, $0x0;
	s5 =	sld [smem:$0x3FB0]  }
0x2b: {  	s6 =	sld [smem:$0x3FB1]  }
0x2c: {  	s7 =	sld [smem:$0x3FB2]  }
0x2d: {  	s3 =	simm.s32 $0x108;
	s8 =	sld [smem:$0x3FB3]  }
0x2e: {  	s3 =	simm.s32 @!p0 $0x1082;
	s9 =	sld [smem:$0x3FB4]  }
0x2f: {  	lr =	sadd.s32 s0, s3;
	s0 =	sld [smem:$0x3FAB]  }
0x30: {  	s3 =	sld [smem:$0x3FAE]  }
0x31: {  	[smem:$0x3FB7] =	sst s10  }
0x32: {  	s10 =	sld [smem:$0x3FB5];
	_ =	sdelay $0x3  }
0x33: {  	p0 =	seq.s32 s10, $0x1;
	s10 =	sld [smem:$0x3FB7];
	_ =	sdelay $0x3  }
0x34: {  	[smem:$0x3FB7] =	sst s10  }
0x35: {  	s10 =	sld [smem:$0x3FB6];
	_ =	sdelay $0x3  }
0x36: {  	p1 =	seq.s32 s10, $0x1;
	s10 =	sld [smem:$0x3FB7];
	_ =	sdelay $0x3  }
0x37: {  	[smem:$0x3FB7] =	sst s10  }
0x38: {  	s10 =	sld [smem:$0x3FB8]  }
0x39: {  	_ = 	snop;
	(pc) =	sbr.ind lr, $3  }
0x3a: {  	_ = 	snop  }
0x3b: {  	_ = 	snop  }
0x3c: {  	p2 =	seq.s32 s10, $0x1;
	s10 =	sld [smem:$0x3FB7]  }
0x3d: {  	_ =	shalt  }
0x3e: {  	_ =	shalt  }
0x3f: {  	_ =	shalt  }
0x40: {  	_ =	shalt  }
0x41: {  	_ =	shalt  }
0x42: {  	_ =	shalt  }
0x43: {  	_ =	shalt  }
0x44: {  	_ =	shalt  }
0x45: {  	_ =	shalt  }
0x46: {  	_ =	shalt  }
0x47: {  	_ =	shalt  }
0x48: {  	_ =	shalt  }
0x49: {  	_ =	shalt  }
0x4a: {  	_ =	shalt  }
0x4b: {  	_ =	shalt  }
0x4c: {  	_ =	shalt  }
0x4d: {  	_ =	shalt  }
0x4e: {  	_ =	shalt  }
0x4f: {  	_ =	shalt  }
0x50: {  	_ =	shalt  }
0x51: {  	_ =	shalt  }
0x52: {  	_ =	shalt  }
0x53: {  	_ =	shalt  }
0x54: {  	_ =	shalt  }
0x55: {  	_ =	shalt  }
0x56: {  	_ =	shalt  }
0x57: {  	_ =	shalt  }
0x58: {  	_ =	shalt  }
0x59: {  	_ =	shalt  }
0x5a: {  	_ =	shalt  }
0x5b: {  	_ =	shalt  }
0x5c: {  	_ =	shalt  }
0x5d: {  	_ =	shalt  }
0x5e: {  	_ =	shalt  }
0x5f: {  	_ =	shalt  }
0x60: {  	_ =	shalt  }
0x61: {  	_ =	shalt  }
0x62: {  	_ =	shalt  }
0x63: {  	_ =	shalt  }
0x64: {  	_ =	shalt  }
0x65: {  	_ =	shalt  }
0x66: {  	_ =	shalt  }
0x67: {  	_ =	shalt  }
0x68: {  	_ =	shalt  }
0x69: {  	_ =	shalt  }
0x6a: {  	_ =	shalt  }
0x6b: {  	_ =	shalt  }
0x6c: {  	_ =	shalt  }
0x6d: {  	_ =	shalt  }
0x6e: {  	_ =	shalt  }
0x6f: {  	_ =	shalt  }
0x70: {  	_ =	shalt  }
0x71: {  	_ =	shalt  }
0x72: {  	_ =	shalt  }
0x73: {  	_ =	shalt  }
0x74: {  	_ =	shalt  }
0x75: {  	_ =	shalt  }
0x76: {  	_ =	shalt  }
0x77: {  	_ =	shalt  }
0x78: {  	_ =	shalt  }
0x79: {  	_ =	shalt  }
0x7a: {  	_ =	shalt  }
0x7b: {  	_ =	shalt  }
0x7c: {  	_ =	shalt  }
0x7d: {  	_ =	shalt  }
0x7e: {  	_ =	shalt  }
0x7f: {  	_ =	shalt  }
0x80: {  	_ =	shalt  }
0x81: {  	_ =	shalt  }
0x82: {  	_ =	shalt  }
0x83: {  	_ =	shalt  }
0x84: {  	_ =	shalt  }
0x85: {  	_ =	shalt  }
0x86: {  	_ =	shalt  }
0x87: {  	_ =	shalt  }
.Lfunc_end0:
.L_simem_size_0:
called_computation_lowered:
.L_overlay_start_0:
0x88: {  	s2 =	sld [smem:$0x3FD9]  }
0x89: {  	s3 =	sld [smem:$0x3FFE];
	_ =	sdelay $0x1  }
0x8a: {  	s1 =	srdreg.scid  }
0x8b: {  	s0 =	sand.u32 $0x1, s1  }
0x8c: {  	s14 =	sshll.u32 s0, $0xA;
	s2 =	sadd.s32 s3, s2  }
0x8d: {  	s2 =	sadd.s32 s2, s14  }
0x8e: {  	[smem:$0x3FC3] =	sst s2  }
0x8f: {  	_ = 	snop  }
0x90: {  	s2 =	sld [smem:$0x3FD0];
	_ =	sdelay $0x2  }
0x91: {  	s4 =	simm.s32 $0xA;
	s5 =	simm.s32 $0x10;
	s15 =	sld [smem:$0x3FC9]  }
0x92: {  	[smem:s5], [sflag:s4] =	dma.local [hbm:s2], $0x1  }
0x93: {  	_ =	swait.eq [sflag:s4], $0x1  }
0x94: {  	s16 =	sld [smem:$0x10];
	[sflag:s4] =	ssyncset.done $0x0  }
0x95: {  	s17 =	sld [smem:$0x11];
	[sflag:s4] =	ssyncadd.s32 $0xFFFFFFFF  }
0x96: {  	s18 =	sld [smem:$0x12];
	(tm) =	ssettm $0x1  }
0x97: {  	s6 =	sld [smem:$0x3FFB];
	_ =	sdelay $0x3  }
0x98: {  	_ =	strace s6  }
0x99: {  	s6 =	sld [smem:$0x3FFC];
	_ =	sdelay $0x3  }
0x9a: {  	_ =	strace s6  }
0x9b: {  	s6 =	sld [smem:$0x3FFD];
	_ =	sdelay $0x3  }
0x9c: {  	_ =	strace s6  }
0x9d: {  	_ =	strace $0x8FFFFFFF  }
0x9e: {  	s19 =	sld [smem:$0x3FDB];
	_ =	sdelay $0x1  }
0x9f: {  	s7 =	simm.s32 $_scs_section_size  }
0xa0: {  	s8 =	simm.s32 $_size__tile_overlayer_lowered;
	s9 =	simm.s32 $_tile_overlayer_lowered  }
0xa1: {  	s22 =	simm.s32 $0x1BFF;
	s21 =	sshll.u32 s9, $0x1;
	s6 =	sadd.s32 s7, s19  }
0xa2: {  	s10 =	simm.s32 $0x0;
	s20 =	sshll.u32 s8, $0x1;
	s8 =	sadd.s32 s21, s6  }
0xa3: {  	[timem:s10], [sflag:s22] =	dma.local [hbm:s8], s20  }
0xa4: {  	_ =	swait.ge [sflag:s22], s20  }
0xa5: {  	s7 =	ssub.s32 $0x0, s20;
	[sflag:s22] =	ssyncset.done $0x0  }
0xa6: {  	[sflag:s22] =	ssyncadd.s32 s7;
	_ =	sdelay $0x1  }
0xa7: {  	s23 =	simm.s32 $0x1B8B  }
0xa8: {  	_ =	swait.ge [sflag:s23], $0x1  }
0xa9: {  	[sflag:s23] =	ssyncset.done $0x0  }
0xaa: {  	s25 =	simm.s32 $0x1B8E;
	s24 =	sld [smem:$0x3FFE];
	[sflag:s23] =	ssyncadd.s32 $0xFFFFFFFF  }
0xab: {  	s26 =	simm.s32 $execute0_lowered;
	[smem:$0x3FD2] =	sst s25  }
0xac: {  	s8 =	sshll.u32 s26, $0x1;
	_ =	strace $0x80000046;
	[dreg:$0x1] =	wrdreg $0xFFFFFFFF  }
0xad: {  	s28 =	simm.s32 $_size_execute0_lowered;
	s6 =	sadd.s32 s6, s8;
	[dreg:$0x0] =	wrdreg $0x0  }
0xae: {  	s8 =	sshll.u32 s28, $0x1;
	[dreg:$0x2] =	wrdreg s6  }
0xaf: {  	[dreg:$0x3] =	wrdreg s8  }
0xb0: {  	[dreg:$0x4] =	wrdreg $0xC0  }
0xb1: {  	_ =	task [dreg:s10], $0x5FFFF  }
0xb2: {  	[dreg:$0x1] =	wrdreg $0xFFFFFFFF  }
0xb3: {  	[dreg:$0x0] =	wrdreg $0x60  }
0xb4: {  	[dreg:$0x2] =	wrdreg s24  }
0xb5: {  	[dreg:$0x3] =	wrdreg s17  }
0xb6: {  	[dreg:$0x4] =	wrdreg s15  }
0xb7: {  	[dreg:$0x5] =	wrdreg s16  }
0xb8: {  	[dreg:$0x6] =	wrdreg s18  }
0xb9: {  	[dreg:$0x7] =	wrdreg $0x19E000  }
0xba: {  	[dreg:$0x8] =	wrdreg $0x9  }
0xbb: {  	_ =	task.clear_ibuf [dreg:s10], $0x9FFFF;
	_ =	strace $0x90000046  }
0xbc: {  	s29 =	simm.s32 $0x9;
	_ =	strace $0x80000048  }
0xbd: {  	_ =	swait.ge [sflag:s29], $0x1  }
0xbe: {  	[sflag:s29] =	ssyncadd.s32 $0xFFFFFFFF  }
0xbf: {  	_ =	strace $0x90000048  }
0xc0: {  	_ =	sfence  }
0xc1: {  	s30 =	sld [smem:$0x0];
	_ =	sdelay $0x2  }
0xc2: {  	s31 =	sshll.u32 s1, $0xD;
	s1 =	sshrl.u32 s1, $0x2  }
0xc3: {  	s3 =	sand.u32 $0x4000, s31;
	s1 =	sadd.s32 s1, s30  }
0xc4: {  	s0 =	sor.u32 s3, s0;
	s1 =	sshll.u32 s1, $0x11  }
0xc5: {  	s0 =	sor.u32 s1, s0  }
0xc6: {  	s0 =	sadd.s32 $0x8F2B, s0  }
0xc7: {  	[sflag:s0] =	ssyncadd.remote.s32 $0x1  }
0xc8: {  	_ =	sfence.sel $0xFFFF  }
0xc9: {  	[dreg:$0x0] =	wrdreg $0xFFFFFFFF;
	(pc) =	sbr.abs _section_cstart, $3  }
0xca: {  	[dreg:$0x1] =	wrdreg $0xFFFFFFFF  }
0xcb: {  	_ =	task.clear_ibuf [dreg:s10], $0x2FFFF;
	_ =	strace $0x9FFFFFFF  }
0xcc: {  	(tm) =	ssettm $0x7FFFFFFF  }
0xcd: {  	_ =	shalt  }
tec
execute0_lowered:
.L_overlay_start_1:
0x0: {  	(tag) =	ssettag $0x1  }
0x1: {  	s0 =	rddreg [dreg:$0x0]  }
0x2: {  	s2 =	rddreg [dreg:$0x1]  }
0x3: {  	s1 =	rddreg [dreg:$0x2]  }
0x4: {  	s4 =	rddreg [dreg:$0x3]  }
0x5: {  	s5 =	rddreg [dreg:$0x4]  }
0x6: {  	s6 =	rddreg [dreg:$0x5]  }
0x7: {  	s3 =	srdreg.scid;
	s15 =	stileid.u32;
	s18 =	simm.s32 $0x7200  }
0x8: {  	s19 =	simm.s32 $0x3000;
	s20 =	simm.s32 $0x5100;
	s28 =	simm.s32 $0x7400  }
0x9: {  	s29 =	simm.s32 $0x9400;
	s31 =	simm.s32 $0x9E00;
	s30 =	simm.s32 $0xF600  }
0xa: {  	s7 =	sand.u32 $0x1, s3;
	s3 =	simm.s32 $0x0;
	s9 =	sshll.u32 s15, $0x7  }
0xb: {  	s13 =	sadd.s32 $0x4A00, s0;
	p0 =	sgt.u32 s15, $0x7;
	s8 =	sshll.u32 s7, $0x3  }
0xc: {  	s10 =	sshll.u32 s7, $0xF;
	[smem:$0x7FF] =	sst s3;
	s12 =	ssub.s32 $0x2, s7  }
0xd: {  	s26 =	sand.u32 $0x380, s9;
	s21 =	sshll.u32 s7, $0x10;
	s23 =	sshll.u32 s7, $0xC  }
0xe: {  	s7 =	sshll.u32 s7, $0xD;
	s8 =	sadd.s32 s15, s8;
	s10 =	sor.u32 s9, s10  }
0xf: {  	_ =	strace $0x80000047;
	s25 =	sshrl.u32 s12, $0x1;
	s22 =	sor.u32 s9, s21  }
0x10: {  	s7 =	sor.u32 s9, s7;
	s15 =	simm.s32 $0x400;
	s21 =	simm.s32 $0x1  }
0x11: {  	s11 =	smul.u32 $0x1F800, s8;
	s10 =	sshrl.u32 s10, $0x3;
	s14 =	ssub.s32 s12, s25  }
0x12: {  	s17 =	sshll.u32 s8, $0xC;
	s8 =	smul.u32 $0x3F00, s8;
	s25 =	sshrl.u32 s7, $0x3  }
0x13: {  	s7 =	simm.s32 $0xBE00;
	s10 =	sadd.s32 s10, s0;
	s0 =	sadd.s32 s26, s6  }
0x14: {  	s6 =	sadd.s32 s9, s6;
	v1 =	vmov s17;
	s17 =	simm.s32 $0x0;
	s11 =	sadd.s32 $0xFFF04000, s11  }
0x15: {  	[dreg:$0x7] =	wrdreg s0;
	s12 =	sadd.s32 $0x2A00, s10;
	s16 =	sadd.s32 $0xA00, s10  }
0x16: {  	[dreg:$0xb] =	wrdreg s6;
	s6 =	sshrl.u32 s22, $0x3;
	s10 =	sor.u32 s9, s23  }
0x17: {  	s26 =	sadd.s32 s13, s8;
	s22 =	simm.s32 $0x7300;
	s23 =	simm.s32 $0x7380  }
0x18: {  	s8 =	simm.s32 $0xC600;
	s9 =	simm.s32 $0xCE00;
	[dreg:$0x9] =	wrdreg s12  }
0x19: {  	s11 =	sshrl.u32 s11, $0x3;
	[dreg:$0xa] =	wrdreg s16;
	s10 =	sshrl.u32 s10, $0x3  }
0x1a: {  	s2 =	sadd.s32 s2, s6;
	[dreg:$0xf] =	wrdreg s26;
	s16 =	simm.s32 $0x2  }
0x1b: {  	s6 =	simm.s32 $0xB600;
	s12 =	simm.s32 $0xE600;
	s26 =	simm.s32 $0xEE00  }
0x1c: {  	s11 =	sadd.s32 s13, s11;
	[dreg:$0xc] =	wrdreg s2;
	s24 =	sadd.s32 s5, s10  }
.Ltmp0:
0x1d: {  	s2 =	sadd.s32 s4, s25;
	s13 =	smax.u32 s14, $0x1;
	(pc) =	sbr.rel .LBB2_1-.Ltmp0, $4  }
0x1e: {  	v0 =	vlaneseq.u32;
	s14 =	simm.s32 $0x80;
	s25 =	simm.s32 $0x6180;
	s4 =	simm.s32 $0xA600  }
0x1f: {  	v3 =	vmul.u32 $0xFFFFFFFF, v0;
	s5 =	simm.s32 $0xAE00;
	s10 =	simm.s32 $0xD600;
	[dreg:$0xd] =	wrdreg s24  }
0x20: {  	s11 =	sadd.s32 $0x2000, s11;
	[dreg:$0xe] =	wrdreg s2;
	s24 =	simm.s32 $0x4080  }
0x21: {  	v2 =	vimm.s32 $0x0;
	v4 =	vimm.s32 $0x80000000;
	v3 =	vadd.s32 $0xF, v3;
	s2 =	simm.s32 $0x19600;
	[dreg:$0x8] =	wrdreg s11;
	s11 =	simm.s32 $0xDE00  }
.LBB2_50:
0x22: {  	[bflag:$0x0] =	sbarrier.arrive $0xFFFF  }
0x23: {  	s2 =	simm.s32 $0x9C00;
	s0 =	rddreg [dreg:$0x7]  }
0x24: {  	[tilespmem:s2], [sflag:$0x2] =	stream.strided.gather [spmem:s0], $0x200, s15, s14, $0x38;
	[tilespmem:$0x19F00] =	vst v63  }
0x25: {  	_ =	swait.ge [sflag:s16], $0x200  }
0x26: {  	[sflag:s16] =	ssyncset.done $0x0  }
0x27: {  	[sflag:s16] =	ssyncadd.s32 $0xFFFFFE00  }
0x28: {  	v5 =	vld [tilespmem:$0x9D00];
	_ =	sdelay $0x4  }
0x29: {  	v6 =	vshll.u32 v5, $0x1  }
0x2a: {  	v5 =	vand.u32 $0x7, v5;
	v6 =	vand.u32 $0xFFFFFFF0, v6  }
0x2b: {  	v8 =	vor.u32 v5, v6;
	v5 =	vand.u32 $0x7, v0;
	v6 =	vshrl.u32 v0, $0x3  }
0x2c: {  	v9 =	vperm.xlane v8, v5;
	v6 =	vmul.u32 $0x8, v6  }
0x2d: {  	v7 =	vor.u32 $0x8, v0  }
0x2e: {  	v8 =	vperm.xlane v8, v7;
	v9 =	vadd.s32 v6, v9;
	_ =	sdelay $0x1  }
0x2f: {  	v8 =	vadd.s32 v6, v8;
	_ =	sdelay $0x1  }
0x30: {  	vm0 =	vmmov $0xffff  }
0x31: {  	[tilespmem:s31], [sflag:$0x1] =	stream.indirect_vreg.gather [hbm4b:s1+s3], $0x80, v9, vm0, $0xb8;
	[tilespmem:$0x19F00] =	vst v63  }
0x32: {  	_ = 	snop  }
0x33: {  	[tilespmem:s4], [sflag:$0x1] =	stream.indirect_vreg.gather [hbm4b:s1+s3], $0x80, v8, vm0, $0xb8;
	[tilespmem:$0x19F00] =	vst v63  }
0x34: {  	v8 =	vld [tilespmem:$0x9D10];
	_ =	sdelay $0x4  }
0x35: {  	v48 =	vshll.u32 v8, $0x1  }
0x36: {  	v8 =	vand.u32 $0x7, v8;
	v9 =	vand.u32 $0xFFFFFFF0, v48  }
0x37: {  	v8 =	vor.u32 v8, v9  }
0x38: {  	v9 =	vperm.xlane v8, v5;
	_ =	sdelay $0x1  }
0x39: {  	v8 =	vperm.xlane v8, v7;
	v9 =	vadd.s32 v6, v9;
	_ =	sdelay $0x1  }
0x3a: {  	v8 =	vadd.s32 v6, v8;
	_ =	sdelay $0x2  }
0x3b: {  	[tilespmem:s5], [sflag:$0x1] =	stream.indirect_vreg.gather [hbm4b:s1+s3], $0x80, v9, vm0, $0xb8;
	[tilespmem:$0x19F00] =	vst v63  }
0x3c: {  	_ = 	snop  }
0x3d: {  	[tilespmem:s6], [sflag:$0x1] =	stream.indirect_vreg.gather [hbm4b:s1+s3], $0x80, v8, vm0, $0xb8;
	[tilespmem:$0x19F00] =	vst v63  }
0x3e: {  	v8 =	vld [tilespmem:$0x9D20];
	_ =	sdelay $0x4  }
0x3f: {  	v49 =	vshll.u32 v8, $0x1  }
0x40: {  	v8 =	vand.u32 $0x7, v8;
	v9 =	vand.u32 $0xFFFFFFF0, v49  }
0x41: {  	v8 =	vor.u32 v8, v9  }
0x42: {  	v9 =	vperm.xlane v8, v5;
	_ =	sdelay $0x1  }
0x43: {  	v8 =	vperm.xlane v8, v7;
	v9 =	vadd.s32 v6, v9;
	_ =	sdelay $0x1  }
0x44: {  	v8 =	vadd.s32 v6, v8;
	_ =	sdelay $0x2  }
0x45: {  	[tilespmem:s7], [sflag:$0x1] =	stream.indirect_vreg.gather [hbm4b:s1+s3], $0x80, v9, vm0, $0xb8;
	[tilespmem:$0x19F00] =	vst v63  }
0x46: {  	_ = 	snop  }
0x47: {  	[tilespmem:s8], [sflag:$0x1] =	stream.indirect_vreg.gather [hbm4b:s1+s3], $0x80, v8, vm0, $0xb8;
	[tilespmem:$0x19F00] =	vst v63  }
0x48: {  	v8 =	vld [tilespmem:$0x9D30];
	_ =	sdelay $0x4  }
0x49: {  	v50 =	vshll.u32 v8, $0x1  }
0x4a: {  	v8 =	vand.u32 $0x7, v8;
	v9 =	vand.u32 $0xFFFFFFF0, v50  }
0x4b: {  	v8 =	vor.u32 v8, v9  }
0x4c: {  	v9 =	vperm.xlane v8, v5;
	_ =	sdelay $0x1  }
0x4d: {  	v8 =	vperm.xlane v8, v7;
	v9 =	vadd.s32 v6, v9;
	_ =	sdelay $0x1  }
0x4e: {  	v8 =	vadd.s32 v6, v8;
	_ =	sdelay $0x2  }
0x4f: {  	[tilespmem:s9], [sflag:$0x1] =	stream.indirect_vreg.gather [hbm4b:s1+s3], $0x80, v9, vm0, $0xb8;
	[tilespmem:$0x19F00] =	vst v63  }
0x50: {  	_ = 	snop  }
0x51: {  	[tilespmem:s10], [sflag:$0x1] =	stream.indirect_vreg.gather [hbm4b:s1+s3], $0x80, v8, vm0, $0xb8;
	[tilespmem:$0x19F00] =	vst v63  }
0x52: {  	v8 =	vld [tilespmem:$0x9D40];
	_ =	sdelay $0x4  }
0x53: {  	v51 =	vshll.u32 v8, $0x1  }
0x54: {  	v8 =	vand.u32 $0x7, v8;
	v9 =	vand.u32 $0xFFFFFFF0, v51  }
0x55: {  	v8 =	vor.u32 v8, v9  }
0x56: {  	v9 =	vperm.xlane v8, v5;
	_ =	sdelay $0x1  }
0x57: {  	v8 =	vperm.xlane v8, v7;
	v9 =	vadd.s32 v6, v9;
	_ =	sdelay $0x1  }
0x58: {  	v8 =	vadd.s32 v6, v8;
	_ =	sdelay $0x2  }
0x59: {  	[tilespmem:s11], [sflag:$0x1] =	stream.indirect_vreg.gather [hbm4b:s1+s3], $0x80, v9, vm0, $0xb8;
	[tilespmem:$0x19F00] =	vst v63  }
0x5a: {  	_ = 	snop  }
0x5b: {  	[tilespmem:s12], [sflag:$0x1] =	stream.indirect_vreg.gather [hbm4b:s1+s3], $0x80, v8, vm0, $0xb8;
	[tilespmem:$0x19F00] =	vst v63  }
0x5c: {  	v8 =	vld [tilespmem:$0x9D50];
	_ =	sdelay $0x4  }
0x5d: {  	v52 =	vshll.u32 v8, $0x1  }
0x5e: {  	v8 =	vand.u32 $0x7, v8;
	v9 =	vand.u32 $0xFFFFFFF0, v52  }
0x5f: {  	v8 =	vor.u32 v8, v9  }
0x60: {  	v9 =	vperm.xlane v8, v5;
	_ =	sdelay $0x1  }
0x61: {  	v8 =	vperm.xlane v8, v7;
	v9 =	vadd.s32 v6, v9;
	_ =	sdelay $0x1  }
0x62: {  	v8 =	vadd.s32 v6, v8;
	_ =	sdelay $0x2  }
0x63: {  	[tilespmem:s26], [sflag:$0x1] =	stream.indirect_vreg.gather [hbm4b:s1+s3], $0x80, v9, vm0, $0xb8;
	[tilespmem:$0x19F00] =	vst v63  }
0x64: {  	_ = 	snop  }
0x65: {  	[tilespmem:s30], [sflag:$0x1] =	stream.indirect_vreg.gather [hbm4b:s1+s3], $0x80, v8, vm0, $0xb8;
	[tilespmem:$0x19F00] =	vst v63  }
0x66: {  	v8 =	vld [tilespmem:$0x9D60];
	_ =	sdelay $0x4  }
0x67: {  	v53 =	vshll.u32 v8, $0x1  }
0x68: {  	v8 =	vand.u32 $0x7, v8;
	v9 =	vand.u32 $0xFFFFFFF0, v53  }
0x69: {  	v8 =	vor.u32 v8, v9  }
0x6a: {  	v9 =	vperm.xlane v8, v5;
	_ =	sdelay $0x1  }
0x6b: {  	v8 =	vperm.xlane v8, v7;
	v9 =	vadd.s32 v6, v9;
	_ =	sdelay $0x1  }
0x6c: {  	v8 =	vadd.s32 v6, v8;
	_ =	sdelay $0x1  }
0x6d: {  	s0 =	simm.s32 $0xFE00  }
0x6e: {  	[tilespmem:s0], [sflag:$0x1] =	stream.indirect_vreg.gather [hbm4b:s1+s3], $0x80, v9, vm0, $0xb8;
	[tilespmem:$0x19F00] =	vst v63  }
0x6f: {  	s0 =	simm.s32 $0x10600  }
0x70: {  	[tilespmem:s0], [sflag:$0x1] =	stream.indirect_vreg.gather [hbm4b:s1+s3], $0x80, v8, vm0, $0xb8;
	[tilespmem:$0x19F00] =	vst v63  }
0x71: {  	v8 =	vld [tilespmem:$0x9D70];
	_ =	sdelay $0x4  }
0x72: {  	v54 =	vshll.u32 v8, $0x1  }
0x73: {  	v8 =	vand.u32 $0x7, v8;
	v9 =	vand.u32 $0xFFFFFFF0, v54  }
0x74: {  	v8 =	vor.u32 v8, v9  }
0x75: {  	v9 =	vperm.xlane v8, v5;
	_ =	sdelay $0x1  }
0x76: {  	v8 =	vperm.xlane v8, v7;
	v9 =	vadd.s32 v6, v9;
	_ =	sdelay $0x1  }
0x77: {  	v8 =	vadd.s32 v6, v8;
	_ =	sdelay $0x1  }
0x78: {  	s0 =	simm.s32 $0x10E00  }
0x79: {  	[tilespmem:s0], [sflag:$0x1] =	stream.indirect_vreg.gather [hbm4b:s1+s3], $0x80, v9, vm0, $0xb8;
	[tilespmem:$0x19F00] =	vst v63  }
0x7a: {  	s0 =	simm.s32 $0x11600  }
0x7b: {  	[tilespmem:s0], [sflag:$0x1] =	stream.indirect_vreg.gather [hbm4b:s1+s3], $0x80, v8, vm0, $0xb8;
	[tilespmem:$0x19F00] =	vst v63  }
0x7c: {  	_ =	swait.ge [sflag:s21], $0x8000  }
0x7d: {  	[sflag:s21] =	ssyncset.done $0x0  }
0x7e: {  	[sflag:s21] =	ssyncadd.s32 $0xFFFF8000  }
0x7f: {  	v55 =	vld [tilespmem:$0x9D80];
	_ =	sdelay $0x4  }
0x80: {  	v56 =	vshll.u32 v55, $0x1  }
0x81: {  	v8 =	vand.u32 $0x7, v55;
	v9 =	vand.u32 $0xFFFFFFF0, v56  }
0x82: {  	v8 =	vor.u32 v8, v9  }
0x83: {  	v9 =	vperm.xlane v8, v5;
	_ =	sdelay $0x1  }
0x84: {  	v8 =	vperm.xlane v8, v7;
	v9 =	vadd.s32 v6, v9;
	_ =	sdelay $0x1  }
0x85: {  	v8 =	vadd.s32 v6, v8;
	_ =	sdelay $0x1  }
0x86: {  	s0 =	simm.s32 $0x11E00  }
0x87: {  	[tilespmem:s0], [sflag:$0x1] =	stream.indirect_vreg.gather [hbm4b:s1+s3], $0x80, v9, vm0, $0xb8;
	[tilespmem:$0x19F00] =	vst v63  }
0x88: {  	s0 =	simm.s32 $0x12600  }
0x89: {  	[tilespmem:s0], [sflag:$0x1] =	stream.indirect_vreg.gather [hbm4b:s1+s3], $0x80, v8, vm0, $0xb8;
	[tilespmem:$0x19F00] =	vst v63  }
0x8a: {  	v8 =	vld [tilespmem:$0x9D90];
	_ =	sdelay $0x4  }
0x8b: {  	v57 =	vshll.u32 v8, $0x1  }
0x8c: {  	v8 =	vand.u32 $0x7, v8;
	v9 =	vand.u32 $0xFFFFFFF0, v57  }
0x8d: {  	v8 =	vor.u32 v8, v9  }
0x8e: {  	v9 =	vperm.xlane v8, v5;
	_ =	sdelay $0x1  }
0x8f: {  	v8 =	vperm.xlane v8, v7;
	v9 =	vadd.s32 v6, v9;
	_ =	sdelay $0x1  }
0x90: {  	v8 =	vadd.s32 v6, v8;
	_ =	sdelay $0x1  }
0x91: {  	s0 =	simm.s32 $0x12E00  }
0x92: {  	[tilespmem:s0], [sflag:$0x1] =	stream.indirect_vreg.gather [hbm4b:s1+s3], $0x80, v9, vm0, $0xb8;
	[tilespmem:$0x19F00] =	vst v63  }
0x93: {  	s0 =	simm.s32 $0x13600  }
0x94: {  	[tilespmem:s0], [sflag:$0x1] =	stream.indirect_vreg.gather [hbm4b:s1+s3], $0x80, v8, vm0, $0xb8;
	[tilespmem:$0x19F00] =	vst v63  }
0x95: {  	v8 =	vld [tilespmem:$0x9DA0];
	_ =	sdelay $0x4  }
0x96: {  	v58 =	vshll.u32 v8, $0x1  }
0x97: {  	v8 =	vand.u32 $0x7, v8;
	v9 =	vand.u32 $0xFFFFFFF0, v58  }
0x98: {  	v8 =	vor.u32 v8, v9  }
0x99: {  	v9 =	vperm.xlane v8, v5;
	_ =	sdelay $0x1  }
0x9a: {  	v8 =	vperm.xlane v8, v7;
	v9 =	vadd.s32 v6, v9;
	_ =	sdelay $0x1  }
0x9b: {  	v8 =	vadd.s32 v6, v8;
	_ =	sdelay $0x1  }
0x9c: {  	s0 =	simm.s32 $0x13E00  }
0x9d: {  	[tilespmem:s0], [sflag:$0x1] =	stream.indirect_vreg.gather [hbm4b:s1+s3], $0x80, v9, vm0, $0xb8;
	[tilespmem:$0x19F00] =	vst v63  }
0x9e: {  	s0 =	simm.s32 $0x14600  }
0x9f: {  	[tilespmem:s0], [sflag:$0x1] =	stream.indirect_vreg.gather [hbm4b:s1+s3], $0x80, v8, vm0, $0xb8;
	[tilespmem:$0x19F00] =	vst v63  }
0xa0: {  	v8 =	vld [tilespmem:$0x9DB0];
	_ =	sdelay $0x4  }
0xa1: {  	v59 =	vshll.u32 v8, $0x1  }
0xa2: {  	v8 =	vand.u32 $0x7, v8;
	v9 =	vand.u32 $0xFFFFFFF0, v59  }
0xa3: {  	v8 =	vor.u32 v8, v9  }
0xa4: {  	v9 =	vperm.xlane v8, v5;
	_ =	sdelay $0x1  }
0xa5: {  	v8 =	vperm.xlane v8, v7;
	v9 =	vadd.s32 v6, v9;
	_ =	sdelay $0x1  }
0xa6: {  	v8 =	vadd.s32 v6, v8;
	_ =	sdelay $0x1  }
0xa7: {  	s0 =	simm.s32 $0x14E00  }
0xa8: {  	[tilespmem:s0], [sflag:$0x1] =	stream.indirect_vreg.gather [hbm4b:s1+s3], $0x80, v9, vm0, $0xb8;
	[tilespmem:$0x19F00] =	vst v63  }
0xa9: {  	s0 =	simm.s32 $0x15600  }
0xaa: {  	[tilespmem:s0], [sflag:$0x1] =	stream.indirect_vreg.gather [hbm4b:s1+s3], $0x80, v8, vm0, $0xb8;
	[tilespmem:$0x19F00] =	vst v63  }
0xab: {  	v8 =	vld [tilespmem:$0x9DC0];
	_ =	sdelay $0x4  }
0xac: {  	v60 =	vshll.u32 v8, $0x1  }
0xad: {  	v8 =	vand.u32 $0x7, v8;
	v9 =	vand.u32 $0xFFFFFFF0, v60  }
0xae: {  	v8 =	vor.u32 v8, v9  }
0xaf: {  	v9 =	vperm.xlane v8, v5;
	_ =	sdelay $0x1  }
0xb0: {  	v8 =	vperm.xlane v8, v7;
	v9 =	vadd.s32 v6, v9;
	_ =	sdelay $0x1  }
0xb1: {  	v8 =	vadd.s32 v6, v8;
	_ =	sdelay $0x1  }
0xb2: {  	s0 =	simm.s32 $0x15E00  }
0xb3: {  	[tilespmem:s0], [sflag:$0x1] =	stream.indirect_vreg.gather [hbm4b:s1+s3], $0x80, v9, vm0, $0xb8;
	[tilespmem:$0x19F00] =	vst v63  }
0xb4: {  	s0 =	simm.s32 $0x16600  }
0xb5: {  	[tilespmem:s0], [sflag:$0x1] =	stream.indirect_vreg.gather [hbm4b:s1+s3], $0x80, v8, vm0, $0xb8;
	[tilespmem:$0x19F00] =	vst v63  }
0xb6: {  	v8 =	vld [tilespmem:$0x9DD0];
	_ =	sdelay $0x4  }
0xb7: {  	v61 =	vshll.u32 v8, $0x1  }
0xb8: {  	v8 =	vand.u32 $0x7, v8;
	v9 =	vand.u32 $0xFFFFFFF0, v61  }
0xb9: {  	v8 =	vor.u32 v8, v9  }
0xba: {  	v9 =	vperm.xlane v8, v5;
	_ =	sdelay $0x1  }
0xbb: {  	v8 =	vperm.xlane v8, v7;
	v9 =	vadd.s32 v6, v9;
	_ =	sdelay $0x1  }
0xbc: {  	v8 =	vadd.s32 v6, v8;
	_ =	sdelay $0x1  }
0xbd: {  	s0 =	simm.s32 $0x16E00  }
0xbe: {  	[tilespmem:s0], [sflag:$0x1] =	stream.indirect_vreg.gather [hbm4b:s1+s3], $0x80, v9, vm0, $0xb8;
	[tilespmem:$0x19F00] =	vst v63  }
0xbf: {  	s0 =	simm.s32 $0x17600  }
0xc0: {  	[tilespmem:s0], [sflag:$0x1] =	stream.indirect_vreg.gather [hbm4b:s1+s3], $0x80, v8, vm0, $0xb8;
	[tilespmem:$0x19F00] =	vst v63  }
0xc1: {  	v8 =	vld [tilespmem:$0x9DE0];
	_ =	sdelay $0x4  }
0xc2: {  	v62 =	vshll.u32 v8, $0x1  }
0xc3: {  	v8 =	vand.u32 $0x7, v8;
	v9 =	vand.u32 $0xFFFFFFF0, v62  }
0xc4: {  	v8 =	vor.u32 v8, v9  }
0xc5: {  	v9 =	vperm.xlane v8, v5;
	_ =	sdelay $0x1  }
0xc6: {  	v8 =	vperm.xlane v8, v7;
	v9 =	vadd.s32 v6, v9;
	_ =	sdelay $0x1  }
0xc7: {  	v8 =	vadd.s32 v6, v8;
	_ =	sdelay $0x1  }
0xc8: {  	s0 =	simm.s32 $0x17E00  }
0xc9: {  	[tilespmem:s0], [sflag:$0x1] =	stream.indirect_vreg.gather [hbm4b:s1+s3], $0x80, v9, vm0, $0xb8;
	[tilespmem:$0x19F00] =	vst v63  }
0xca: {  	s0 =	simm.s32 $0x18600  }
0xcb: {  	[tilespmem:s0], [sflag:$0x1] =	stream.indirect_vreg.gather [hbm4b:s1+s3], $0x80, v8, vm0, $0xb8;
	[tilespmem:$0x19F00] =	vst v63  }
0xcc: {  	v8 =	vld [tilespmem:$0x9DF0];
	_ =	sdelay $0x4  }
0xcd: {  	v63 =	vshll.u32 v8, $0x1  }
0xce: {  	v8 =	vand.u32 $0x7, v8;
	v9 =	vand.u32 $0xFFFFFFF0, v63  }
0xcf: {  	v8 =	vor.u32 v8, v9  }
0xd0: {  	v5 =	vperm.xlane v8, v5;
	_ =	sdelay $0x1  }
0xd1: {  	v7 =	vperm.xlane v8, v7;
	v5 =	vadd.s32 v6, v5;
	_ =	sdelay $0x1  }
0xd2: {  	v6 =	vadd.s32 v6, v7;
	_ =	sdelay $0x1  }
0xd3: {  	s0 =	simm.s32 $0x18E00  }
0xd4: {  	[tilespmem:s0], [sflag:$0x1] =	stream.indirect_vreg.gather [hbm4b:s1+s3], $0x80, v5, vm0, $0xb8;
	[tilespmem:$0x19F00] =	vst v63  }
0xd5: {  	s2 =	simm.s32 $0x19600  }
0xd6: {  	[tilespmem:s2], [sflag:$0x1] =	stream.indirect_vreg.gather [hbm4b:s1+s3], $0x80, v6, vm0, $0xb8;
	[tilespmem:$0x19F00] =	vst v63  }
0xd7: {  	_ =	swait.ge [sflag:s21], $0x8000  }
0xd8: {  	[sflag:s21] =	ssyncset.done $0x0  }
0xd9: {  	s0 =	rddreg [dreg:$0x8];
	[sflag:s21] =	ssyncadd.s32 $0xFFFF8000  }
0xda: {  	[hbm4b:s0+s3] =	stream.linear.scatter [tilespmem:s31], [sflag:$0x2], $0xF800, $0x38;
	[tilespmem:$0x19F00] =	vst v63  }
0xdb: {  	_ =	swait.ge [sflag:s16], $0xF800  }
0xdc: {  	[sflag:s16] =	ssyncset.done $0x0  }
0xdd: {  	[sflag:s16] =	ssyncadd.s32 $0xFFFF0800  }
.LBB2_48:
0xde: {  	s17 =	sadd.s32 $0x1, s17  }
0xdf: {  	p1 =	sne.s32 s17, s13  }
.Ltmp1:
0xe0: {  	_ = 	snop;
	(pc) =	sbr.rel @!p1 .LBB2_49-.Ltmp1, $1  }
0xe1: {  	_ =	sdelay $0x3  }
.LBB2_1:
.Ltmp2:
0xe2: {  	(pc) =	sbr.rel @p0 .LBB2_50-.Ltmp2, $1  }
0xe3: {  	_ =	sdelay $0x3  }
0xe4: {  	s7 =	simm.s32 $0x0;
	s0 =	rddreg [dreg:$0x9]  }
0xe5: {  	[tilespmem:s7], [sflag:$0x2] =	stream.strided.gather [hbm4b:s0+s14], $0x1000, s15, s14, $0x38;
	[tilespmem:$0x19F00] =	vst v63  }
0xe6: {  	_ =	swait.ge [sflag:s16], $0x1000  }
0xe7: {  	[sflag:s16] =	ssyncset.done $0x0  }
0xe8: {  	s4 =	simm.s32 $0x1000;
	s30 =	rddreg [dreg:$0xa];
	[sflag:s16] =	ssyncadd.s32 $0xFFFFF000  }
0xe9: {  	[tilespmem:s4], [sflag:$0x2] =	stream.strided.gather [hbm4b:s30+s14], $0x1000, s15, s14, $0x38;
	[tilespmem:$0x19F00] =	vst v63  }
0xea: {  	_ =	swait.ge [sflag:s16], $0x1000  }
0xeb: {  	[sflag:s16] =	ssyncset.done $0x0  }
0xec: {  	[sflag:s16] =	ssyncadd.s32 $0xFFFFF000  }
0xed: {  	[tilespmem:$0x7200] =	vst v2  }
0xee: {  	[tilespmem:$0x7210] =	vst v2  }
0xef: {  	[tilespmem:$0x7220] =	vst v2  }
0xf0: {  	[tilespmem:$0x7230] =	vst v2  }
0xf1: {  	[tilespmem:$0x7240] =	vst v2  }
0xf2: {  	[tilespmem:$0x7250] =	vst v2  }
0xf3: {  	[tilespmem:$0x7260] =	vst v2  }
0xf4: {  	[tilespmem:$0x7270] =	vst v2  }
0xf5: {  	[tilespmem:$0x7280] =	vst v2  }
0xf6: {  	[tilespmem:$0x7290] =	vst v2  }
0xf7: {  	[tilespmem:$0x72A0] =	vst v2  }
0xf8: {  	[tilespmem:$0x72B0] =	vst v2  }
0xf9: {  	[tilespmem:$0x72C0] =	vst v2  }
0xfa: {  	[tilespmem:$0x72D0] =	vst v2  }
0xfb: {  	[tilespmem:$0x72E0] =	vst v2  }
0xfc: {  	s0 =	simm.s32 $0x0;
	[tilespmem:$0x72F0] =	vst v2  }
.LBB2_3:
0xfd: {  	s4 =	sshra.s32 s0, $0x2  }
0xfe: {  	v5 =	vld [tilespmem:s4+$0x1000]  }
0xff: {  	v6 =	vld [tilespmem:s4+$0x0];
	_ =	sdelay $0x3  }
0x100: {  	vm0 =	veq.s32 v5, $0x0  }
0x101: {  	v5 =	vsel vm0, $0xFF800000, v6  }
0x102: {  	vm0 =	vlt.s32 v5, $0x0;
	v6 =	vxor.u32 $0xFFFFFFFF, v5;
	v5 =	vor.u32 $0x80000000, v5  }
0x103: {  	v5 =	vsel vm0, v6, v5  }
0x104: {  	v6 =	vshrl.u32 v5, $0x18  }
0x105: {  	(xrf1) =	vunique.msk.u32 $0xffff, v6;
	_ =	sdelay $0xd  }
0x106: {  	_, v7, vm9 =	vpop (xrf1);
	_ =	sdelay $0x4  }
0x107: {  	[tilespmem:s4+$0x2000] =	vst v5  }
0x108: {  	[tilespmem:v6+s18+$0x0] =	vst.idx.add.s32.msk vm9, v7  }
0x109: {  	v5 =	vld [tilespmem:s4+$0x1010]  }
0x10a: {  	v6 =	vld [tilespmem:s4+$0x10];
	_ =	sdelay $0x3  }
0x10b: {  	vm10 =	veq.s32 v5, $0x0  }
0x10c: {  	v5 =	vsel vm10, $0xFF800000, v6  }
0x10d: {  	vm0 =	vlt.s32 v5, $0x0;
	v6 =	vxor.u32 $0xFFFFFFFF, v5;
	v5 =	vor.u32 $0x80000000, v5  }
0x10e: {  	v5 =	vsel vm0, v6, v5  }
0x10f: {  	v6 =	vshrl.u32 v5, $0x18  }
0x110: {  	(xrf1) =	vunique.msk.u32 $0xffff, v6;
	_ =	sdelay $0xd  }
0x111: {  	_, v7, vm11 =	vpop (xrf1);
	_ =	sdelay $0x4  }
0x112: {  	[tilespmem:s4+$0x2010] =	vst v5  }
0x113: {  	[tilespmem:v6+s18+$0x0] =	vst.idx.add.s32.msk vm11, v7  }
0x114: {  	v5 =	vld [tilespmem:s4+$0x1020]  }
0x115: {  	v6 =	vld [tilespmem:s4+$0x20];
	_ =	sdelay $0x3  }
0x116: {  	vm12 =	veq.s32 v5, $0x0  }
0x117: {  	v5 =	vsel vm12, $0xFF800000, v6  }
0x118: {  	vm0 =	vlt.s32 v5, $0x0;
	v6 =	vxor.u32 $0xFFFFFFFF, v5;
	v5 =	vor.u32 $0x80000000, v5  }
0x119: {  	v5 =	vsel vm0, v6, v5  }
0x11a: {  	v6 =	vshrl.u32 v5, $0x18  }
0x11b: {  	(xrf1) =	vunique.msk.u32 $0xffff, v6;
	_ =	sdelay $0xd  }
0x11c: {  	_, v7, vm13 =	vpop (xrf1);
	_ =	sdelay $0x4  }
0x11d: {  	[tilespmem:s4+$0x2020] =	vst v5  }
0x11e: {  	[tilespmem:v6+s18+$0x0] =	vst.idx.add.s32.msk vm13, v7  }
0x11f: {  	v5 =	vld [tilespmem:s4+$0x1030]  }
0x120: {  	v6 =	vld [tilespmem:s4+$0x30];
	_ =	sdelay $0x3  }
0x121: {  	vm14 =	veq.s32 v5, $0x0  }
0x122: {  	v5 =	vsel vm14, $0xFF800000, v6  }
0x123: {  	vm0 =	vlt.s32 v5, $0x0;
	v6 =	vxor.u32 $0xFFFFFFFF, v5;
	v5 =	vor.u32 $0x80000000, v5  }
0x124: {  	v5 =	vsel vm0, v6, v5  }
0x125: {  	v6 =	vshrl.u32 v5, $0x18  }
0x126: {  	(xrf1) =	vunique.msk.u32 $0xffff, v6;
	_ =	sdelay $0xd  }
0x127: {  	_, v7, vm15 =	vpop (xrf1)  }
0x128: {  	p1 =	sne.s32 s0, $0x3F00  }
.Ltmp3:
0x129: {  	_ = 	snop;
	(pc) =	sbr.rel @p1 .LBB2_3-.Ltmp3, $3  }
0x12a: {  	_ =	sdelay $0x1  }
0x12b: {  	[tilespmem:s4+$0x2030] =	vst v5  }
0x12c: {  	s0 =	sadd.s32 $0x100, s0;
	[tilespmem:v6+s18+$0x0] =	vst.idx.add.s32.msk vm15, v7  }
0x12d: {  	s0 =	simm.s32 $0x72F0  }
0x12e: {  	v5 =	vld [tilespmem:s0+$0x0];
	_ =	sdelay $0x4  }
0x12f: {  	v5 =	vperm.xlane v5, v3;
	_ =	sdelay $0x1  }
0x130: {  	(xrf0) =	vadd.scan.msk.s32 $0xffff, v5  }
0x131: {  	s8 =	simm.s32 $0x72E0  }
0x132: {  	v5 =	vld [tilespmem:s8+$0x0];
	_ =	sdelay $0x3  }
0x133: {  	v6, _, _ =	vpop (xrf0)  }
0x134: {  	v5 =	vperm.xlane v5, v3;
	v7 =	vxor.u32 $0x80000000, v6  }
0x135: {  	(xrf0) =	vmax.scan.msk.u32 $0xffff, v7  }
0x136: {  	(xrf0) =	vadd.scan.msk.s32 $0xffff, v5;
	_ =	sdelay $0x2  }
0x137: {  	s9 =	simm.s32 $0x72D0  }
0x138: {  	v5 =	vld [tilespmem:s9+$0x0]  }
0x139: {  	v7, _, _ =	vpop (xrf0)  }
0x13a: {  	v8, _, _ =	vpop (xrf0)  }
0x13b: {  	(v2sf) =	vpush v7, $0xF;
	v7 =	vxor.u32 $0x80000000, v8  }
0x13c: {  	v6 =	vadd.s32 s7, v6;
	(xrf0) =	vmax.scan.msk.u32 $0xffff, v7  }
0x13d: {  	vm0 =	vgt.s32 v6, $0x1F3;
	v5 =	vperm.xlane v5, v3  }
0x13e: {  	v6 =	vsel vm0, $0x1, v2  }
0x13f: {  	(xrf0) =	vadd.scan.msk.s32 $0xffff, v5;
	v5 =	vor.u32 $0x80000000, v6;
	_ =	sdelay $0x2  }
0x140: {  	v7 =	vmctz.xlane vm0;
	(xrf0) =	vmax.scan.msk.u32 $0xffff, v5;
	v5, _, _ =	vpop (xrf0)  }
0x141: {  	(v2sf) =	vpush v5, $0xF  }
0x142: {  	v6 =	vxor.u32 $0x80000000, v7  }
0x143: {  	(xrf0) =	vmax.scan.msk.u32 $0xffff, v6  }
0x144: {  	s10 =	simm.s32 $0x72C0  }
0x145: {  	v5 =	vld [tilespmem:s10+$0x0];
	_ =	sdelay $0x1  }
0x146: {  	v6, _, _ =	vpop (xrf0)  }
0x147: {  	v7, _, _ =	vpop (xrf0)  }
0x148: {  	(v2sf) =	vpush v7, $0xF;
	v7, _, _ =	vpop (xrf0);
	s11 =	spop (v2sf)  }
0x149: {  	(v2sf) =	vpush v7, $0xF;
	v7 =	vxor.u32 $0x80000000, v6;
	v5 =	vperm.xlane v5, v3;
	s0 =	sadd.s32 $0x0, s11  }
0x14a: {  	(xrf0) =	vmax.scan.msk.u32 $0xffff, v7;
	s4 =	sadd.s32 $0x80000000, s0  }
0x14b: {  	(xrf0) =	vadd.scan.msk.s32 $0xffff, v5;
	v5 =	vadd.s32 s4, v8  }
0x14c: {  	vm14 =	vgt.s32 v5, $0x1F3  }
0x14d: {  	v5 =	vsel vm14, $0x1, v2;
	v7 =	vmctz.xlane vm14  }
0x14e: {  	s0 =	simm.s32 $0x72B0;
	v5 =	vor.u32 $0x80000000, v5  }
0x14f: {  	v9 =	vld [tilespmem:s0+$0x0];
	v7 =	vxor.u32 $0x80000000, v7;
	(xrf0) =	vmax.scan.msk.u32 $0xffff, v5;
	s5 =	spop (v2sf)  }
0x150: {  	v61, _, _ =	vpop (xrf0);
	(xrf0) =	vmax.scan.msk.u32 $0xffff, v7;
	s4 =	sadd.s32 s5, s4  }
0x151: {  	(v2sf) =	vpush v61, $0xF;
	v5, _, _ =	vpop (xrf0);
	s9 =	sadd.s32 $0x80000000, s4  }
0x152: {  	v7 =	vxor.u32 $0x80000000, v5;
	v6 =	vadd.s32 s9, v6  }
0x153: {  	(xrf0) =	vmax.scan.msk.u32 $0xffff, v7  }
0x154: {  	v7 =	vperm.xlane v9, v3;
	vm15 =	vgt.s32 v6, $0x1F3  }
0x155: {  	v62 =	vsel vm15, $0x1, v2;
	v6, _, _ =	vpop (xrf0)  }
0x156: {  	(v2sf) =	vpush v6, $0xF;
	v6, _, _ =	vpop (xrf0);
	(xrf0) =	vadd.scan.msk.s32 $0xffff, v7;
	v7 =	vor.u32 $0x80000000, v62  }
0x157: {  	s12 =	spop (v2sf);
	(v2sf) =	vpush v6, $0xF  }
0x158: {  	s6 =	simm.s32 $0xF0;
	s30 =	simm.s32 $0xE0  }
0x159: {  	p1 =	por $0x1, $0x1;
	s8 =	simm.s32 $0xD0;
	s26 =	spop (v2sf);
	v63 =	vmctz.xlane vm15;
	(xrf0) =	vmax.scan.msk.u32 $0xffff, v7;
	v7, _, _ =	vpop (xrf0)  }
0x15a: {  	s4 =	simm.s32 $0x0;
	p2 =	seq.s32 s12, $0x80000001;
	s5 =	sxor.u32 $0x7FFFFFFF, s26;
	(v2sf) =	vpush v7, $0xF  }
0x15b: {  	s26 =	simm.s32 $0x0;
	s10 =	sadd.s32 $0x100, s5;
	s5 =	simm.s32 $0xC0;
	v6 =	vxor.u32 $0x80000000, v63  }
0x15c: {  	s26 =	simm.s32 @p2 $0x1;
	s4 =	smov.u32 @p2 s10;
	s10 =	simm.s32 $0xB0;
	(xrf0) =	vmax.scan.msk.u32 $0xffff, v6  }
.LBB2_5:
0x15d: {  	p2 =	sne.s32 s10, $0x10;
	s0 =	sadd.s32 $0xFFFFFFF0, s0;
	s7 =	smov.u32 @p1 s4  }
0x15e: {  	s4 =	smov.u32 s30;
	s30 =	smov.u32 s8;
	s8 =	smov.u32 s5  }
0x15f: {  	s5 =	smov.u32 s10;
	s10 =	sadd.s32 $0xFFFFFFF0, s10;
	v6 =	vld [tilespmem:s0+$0x0]  }
0x160: {  	v7, _, _ =	vpop (xrf0);
	s11 =	spop (v2sf)  }
0x161: {  	v10 =	vxor.u32 $0x80000000, v7;
	s9 =	sadd.s32 s11, s9;
	v9, _, _ =	vpop (xrf0)  }
0x162: {  	(xrf0) =	vmax.scan.msk.u32 $0xffff, v10;
	s9 =	sadd.s32 $0x80000000, s9;
	(v2sf) =	vpush v9, $0xF;
	v8, _, _ =	vpop (xrf0)  }
0x163: {  	v9 =	vadd.s32 s9, v5;
	(v2sf) =	vpush v8, $0xF;
	v5 =	vmov v7  }
0x164: {  	v6 =	vperm.xlane v6, v3;
	vm0 =	vgt.s32 v9, $0x1F3  }
.Ltmp4:
0x165: {  	v7 =	vsel vm0, $0x1, v2;
	v8 =	vmctz.xlane vm0;
	s11 =	spop (v2sf);
	(pc) =	sbr.rel @p2 .LBB2_5-.Ltmp4, $4  }
0x166: {  	(xrf0) =	vadd.scan.msk.s32 $0xffff, v6;
	v9 =	vor.u32 $0x80000000, v7;
	s12 =	spop (v2sf)  }
0x167: {  	p3 =	seq.s32 s11, $0x80000001;
	v7 =	vxor.u32 $0x80000000, v8;
	(xrf0) =	vmax.scan.msk.u32 $0xffff, v9;
	s12 =	sxor.u32 $0x7FFFFFFF, s12  }
0x168: {  	v6, _, _ =	vpop (xrf0);
	(xrf0) =	vmax.scan.msk.u32 $0xffff, v7;
	s12 =	sadd.s32 s12, s6;
	s6 =	smov.u32 s4;
	s4 =	smov.u32 s7  }
0x169: {  	p1 =	seq.s32 s26, $0x0;
	s26 =	simm.s32 @p3 $0x1;
	(v2sf) =	vpush v6, $0xF;
	s4 =	smov.u32 @p3 s12  }
0x16a: {  	_ =	sdelay $0x9  }
0x16b: {  	s0 =	spop (v2sf)  }
0x16c: {  	s0 =	sadd.s32 s0, s9  }
0x16d: {  	s0 =	sadd.s32 $0x80000000, s0;
	s9 =	spop (v2sf)  }
0x16e: {  	v5 =	vadd.s32 s0, v5;
	s10 =	spop (v2sf)  }
0x16f: {  	vm0 =	vgt.s32 v5, $0x1F3;
	s11 =	spop (v2sf)  }
0x170: {  	v6, _, _ =	vpop (xrf0);
	v8 =	vmctz.xlane vm0;
	s0 =	sadd.s32 s11, s0  }
0x171: {  	v5 =	vxor.u32 $0x80000000, v6;
	v7 =	vsel vm0, $0x1, v2;
	s0 =	sadd.s32 $0x80000000, s0  }
0x172: {  	(xrf0) =	vmax.scan.msk.u32 $0xffff, v5;
	v5 =	vor.u32 $0x80000000, v7;
	v7 =	vxor.u32 $0x80000000, v8;
	v6 =	vadd.s32 s0, v6  }
0x173: {  	(xrf0) =	vmax.scan.msk.u32 $0xffff, v5;
	vm0 =	vgt.s32 v6, $0x1F3  }
0x174: {  	(xrf0) =	vmax.scan.msk.u32 $0xffff, v7;
	v5 =	vsel vm0, $0x1, v2;
	v6 =	vmctz.xlane vm0  }
0x175: {  	v7, _, _ =	vpop (xrf0);
	v5 =	vor.u32 $0x80000000, v5  }
0x176: {  	(v2sf) =	vpush v7, $0xF;
	v7, _, _ =	vpop (xrf0);
	v6 =	vxor.u32 $0x80000000, v6;
	(xrf0) =	vmax.scan.msk.u32 $0xffff, v5  }
0x177: {  	(v2sf) =	vpush v7, $0xF;
	(xrf0) =	vmax.scan.msk.u32 $0xffff, v6  }
0x178: {  	v5, _, _ =	vpop (xrf0)  }
0x179: {  	v6, _, _ =	vpop (xrf0);
	(v2sf) =	vpush v5, $0xF  }
0x17a: {  	(v2sf) =	vpush v6, $0xF;
	v5, _, _ =	vpop (xrf0)  }
0x17b: {  	(v2sf) =	vpush v5, $0xF  }
0x17c: {  	v5, _, _ =	vpop (xrf0)  }
0x17d: {  	(v2sf) =	vpush v5, $0xF;
	v5, _, _ =	vpop (xrf0)  }
0x17e: {  	(v2sf) =	vpush v5, $0xF;
	_ =	sdelay $0x4  }
0x17f: {  	s7 =	smov.u32 @p1 s4;
	s10 =	sxor.u32 $0x7FFFFFFF, s10  }
0x180: {  	p1 =	seq.s32 s9, $0x80000001;
	s9 =	smov.u32 s7;
	s0 =	sadd.s32 s10, s6  }
0x181: {  	p2 =	seq.s32 s26, $0x0;
	s9 =	smov.u32 @p1 s0;
	s11 =	spop (v2sf)  }
0x182: {  	s7 =	smov.u32 @p2 s9;
	s12 =	spop (v2sf)  }
0x183: {  	s26 =	simm.s32 @p1 $0x1;
	s4 =	smov.u32 s7;
	s6 =	sxor.u32 $0x7FFFFFFF, s12  }
0x184: {  	p1 =	seq.s32 s11, $0x80000001;
	s0 =	sadd.s32 s6, s30;
	s9 =	spop (v2sf)  }
0x185: {  	p2 =	seq.s32 s26, $0x0;
	s4 =	smov.u32 @p1 s0;
	s6 =	spop (v2sf)  }
0x186: {  	s26 =	simm.s32 @p1 $0x1;
	s7 =	smov.u32 @p2 s4;
	s10 =	spop (v2sf)  }
0x187: {  	s30 =	simm.s32 $0x2020;
	s4 =	smov.u32 s7;
	s0 =	sxor.u32 $0x7FFFFFFF, s10  }
0x188: {  	p1 =	seq.s32 s6, $0x80000001;
	s0 =	sadd.s32 s0, s8;
	s11 =	spop (v2sf)  }
0x189: {  	p2 =	seq.s32 s26, $0x0;
	s4 =	smov.u32 @p1 s0;
	s12 =	spop (v2sf)  }
0x18a: {  	s26 =	simm.s32 @p1 $0x1;
	s7 =	smov.u32 @p2 s4;
	s0 =	sxor.u32 $0x7FFFFFFF, s12  }
0x18b: {  	v6 =	vld [tilespmem:s30+$0xFFFFFFE0];
	p1 =	seq.s32 s11, $0x80000001;
	s0 =	sadd.s32 s0, s5;
	s5 =	smov.u32 s7  }
0x18c: {  	p2 =	seq.s32 s26, $0x0;
	s5 =	smov.u32 @p1 s0  }
0x18d: {  	s7 =	smov.u32 @p2 s5  }
0x18e: {  	s7 =	sshll.u32 s7, $0x18  }
0x18f: {  	s0 =	sxor.u32 $0x80000000, s7  }
0x190: {  	v7 =	vxor.u32 $0x80000000, v6;
	v5 =	vmov s0  }
0x191: {  	vm0 =	vge.s32 v7, v5  }
0x192: {  	v7 =	vsel vm0, $0x1, v2  }
0x193: {  	(xrf0) =	vadd.scan.msk.s32 $0xffff, v7;
	_ =	sdelay $0x1  }
0x194: {  	s8 =	simm.s32 $0x0  }
0x195: {  	v7 =	vmov s8  }
0x196: {  	v7 =	vadd.s32 $0xFFFFFFFF, v7  }
0x197: {  	v7 =	vbroadcast v7, $0x0  }
0x198: {  	v8, _, _ =	vpop (xrf0)  }
0x199: {  	v7 =	vadd.s32 v8, v7  }
0x19a: {  	(v2sf) =	vpush v8, $0xF;
	_ =	sdelay $0x3  }
0x19b: {  	[tilespmem:v7+s19+$0x0] =	vst.idx.msk vm0, v6;
	v6 =	vor.u32 s8, v0  }
0x19c: {  	[tilespmem:v7+s20+$0x0] =	vst.idx.msk vm0, v6  }
0x19d: {  	v6 =	vld [tilespmem:s30+$0xFFFFFFF0];
	_ =	sdelay $0x4  }
0x19e: {  	v7 =	vxor.u32 $0x80000000, v6  }
0x19f: {  	vm0 =	vge.s32 v7, v5  }
0x1a0: {  	v7 =	vsel vm0, $0x1, v2  }
0x1a1: {  	(xrf0) =	vadd.scan.msk.s32 $0xffff, v7  }
0x1a2: {  	s9 =	spop (v2sf)  }
0x1a3: {  	s0 =	sadd.s32 $0x0, s9  }
0x1a4: {  	v7 =	vmov s0  }
0x1a5: {  	v7 =	vadd.s32 $0xFFFFFFFF, v7  }
0x1a6: {  	v7 =	vbroadcast v7, $0x0  }
0x1a7: {  	v8, _, _ =	vpop (xrf0)  }
0x1a8: {  	v7 =	vadd.s32 v8, v7  }
0x1a9: {  	(v2sf) =	vpush v8, $0xF;
	_ =	sdelay $0x2  }
0x1aa: {  	s10 =	simm.s32 $0x10  }
0x1ab: {  	[tilespmem:v7+s19+$0x0] =	vst.idx.msk vm0, v6;
	v6 =	vor.u32 s10, v0  }
0x1ac: {  	[tilespmem:v7+s20+$0x0] =	vst.idx.msk vm0, v6  }
0x1ad: {  	v6 =	vld [tilespmem:s30+$0x0];
	_ =	sdelay $0x4  }
0x1ae: {  	v7 =	vxor.u32 $0x80000000, v6  }
0x1af: {  	vm0 =	vge.s32 v7, v5  }
0x1b0: {  	v7 =	vsel vm0, $0x1, v2  }
0x1b1: {  	(xrf0) =	vadd.scan.msk.s32 $0xffff, v7  }
0x1b2: {  	s11 =	spop (v2sf)  }
0x1b3: {  	s0 =	sadd.s32 s0, s11  }
0x1b4: {  	v7 =	vmov s0  }
0x1b5: {  	v7 =	vadd.s32 $0xFFFFFFFF, v7  }
0x1b6: {  	v7 =	vbroadcast v7, $0x0  }
0x1b7: {  	v8, _, _ =	vpop (xrf0)  }
0x1b8: {  	v7 =	vadd.s32 v8, v7  }
0x1b9: {  	(v2sf) =	vpush v8, $0xF;
	_ =	sdelay $0x2  }
0x1ba: {  	s12 =	simm.s32 $0x20  }
0x1bb: {  	[tilespmem:v7+s19+$0x0] =	vst.idx.msk vm0, v6;
	v6 =	vor.u32 s12, v0  }
0x1bc: {  	[tilespmem:v7+s20+$0x0] =	vst.idx.msk vm0, v6  }
0x1bd: {  	v6 =	vld [tilespmem:s30+$0x10];
	_ =	sdelay $0x4  }
0x1be: {  	v7 =	vxor.u32 $0x80000000, v6  }
0x1bf: {  	vm0 =	vge.s32 v7, v5  }
0x1c0: {  	v7 =	vsel vm0, $0x1, v2  }
0x1c1: {  	(xrf0) =	vadd.scan.msk.s32 $0xffff, v7  }
0x1c2: {  	s26 =	spop (v2sf)  }
0x1c3: {  	s0 =	sadd.s32 s0, s26  }
0x1c4: {  	v7 =	vmov s0  }
0x1c5: {  	v7 =	vadd.s32 $0xFFFFFFFF, v7  }
0x1c6: {  	v7 =	vbroadcast v7, $0x0  }
0x1c7: {  	v8, _, _ =	vpop (xrf0)  }
0x1c8: {  	v7 =	vadd.s32 v8, v7;
	(v2sf) =	vpush v8, $0xF;
	_ =	sdelay $0x3  }
0x1c9: {  	s30 =	simm.s32 $0x30  }
0x1ca: {  	[tilespmem:v7+s19+$0x0] =	vst.idx.msk vm0, v6;
	v6 =	vor.u32 s30, v0  }
0x1cb: {  	s8 =	simm.s32 $0x2060;
	[tilespmem:v7+s20+$0x0] =	vst.idx.msk vm0, v6  }
0x1cc: {  	v6 =	vld [tilespmem:s8+$0xFFFFFFE0];
	_ =	sdelay $0x4  }
0x1cd: {  	v7 =	vxor.u32 $0x80000000, v6  }
0x1ce: {  	vm0 =	vge.s32 v7, v5  }
0x1cf: {  	v7 =	vsel vm0, $0x1, v2  }
0x1d0: {  	s4 =	simm.s32 $0x40;
	s26 =	simm.s32 $0x80;
	(xrf0) =	vadd.scan.msk.s32 $0xffff, v7;
	s5 =	spop (v2sf)  }
.LBB2_7:
0x1d1: {  	p1 =	sne.s32 s26, $0xFC0  }
0x1d2: {  	s0 =	sadd.s32 s0, s5;
	s5 =	smov.u32 s26;
	s26 =	sadd.s32 $0x40, s26  }
0x1d3: {  	v7 =	vmov s0  }
0x1d4: {  	v7 =	vadd.s32 $0xFFFFFFFF, v7;
	_ =	sdelay $0x1  }
0x1d5: {  	v7 =	vbroadcast v7, $0x0  }
0x1d6: {  	v8, _, _ =	vpop (xrf0)  }
0x1d7: {  	v7 =	vadd.s32 v8, v7;
	(v2sf) =	vpush v8, $0xF;
	_ =	sdelay $0x4  }
0x1d8: {  	[tilespmem:v7+s19+$0x0] =	vst.idx.msk vm0, v6;
	v6 =	vor.u32 s4, v0  }
0x1d9: {  	[tilespmem:v7+s20+$0x0] =	vst.idx.msk vm0, v6  }
0x1da: {  	v6 =	vld [tilespmem:s8+$0xFFFFFFF0];
	_ =	sdelay $0x4  }
0x1db: {  	v7 =	vxor.u32 $0x80000000, v6  }
0x1dc: {  	vm0 =	vge.s32 v7, v5  }
0x1dd: {  	v7 =	vsel vm0, $0x1, v2  }
0x1de: {  	s6 =	spop (v2sf);
	(xrf0) =	vadd.scan.msk.s32 $0xffff, v7  }
0x1df: {  	s0 =	sadd.s32 s0, s6  }
0x1e0: {  	v7 =	vmov s0  }
0x1e1: {  	v7 =	vadd.s32 $0xFFFFFFFF, v7;
	_ =	sdelay $0x1  }
0x1e2: {  	v7 =	vbroadcast v7, $0x0  }
0x1e3: {  	v8, _, _ =	vpop (xrf0)  }
0x1e4: {  	v7 =	vadd.s32 v8, v7;
	(v2sf) =	vpush v8, $0xF;
	_ =	sdelay $0x3  }
0x1e5: {  	s6 =	sadd.s32 $0x10, s4  }
0x1e6: {  	[tilespmem:v7+s19+$0x0] =	vst.idx.msk vm0, v6;
	v6 =	vor.u32 s6, v0  }
0x1e7: {  	[tilespmem:v7+s20+$0x0] =	vst.idx.msk vm0, v6  }
0x1e8: {  	v6 =	vld [tilespmem:s8+$0x0];
	_ =	sdelay $0x4  }
0x1e9: {  	v7 =	vxor.u32 $0x80000000, v6  }
0x1ea: {  	vm0 =	vge.s32 v7, v5  }
0x1eb: {  	v7 =	vsel vm0, $0x1, v2  }
0x1ec: {  	s6 =	spop (v2sf);
	(xrf0) =	vadd.scan.msk.s32 $0xffff, v7  }
0x1ed: {  	s0 =	sadd.s32 s0, s6  }
0x1ee: {  	v7 =	vmov s0  }
0x1ef: {  	v7 =	vadd.s32 $0xFFFFFFFF, v7;
	_ =	sdelay $0x1  }
0x1f0: {  	v7 =	vbroadcast v7, $0x0  }
0x1f1: {  	v8, _, _ =	vpop (xrf0)  }
0x1f2: {  	v7 =	vadd.s32 v8, v7;
	(v2sf) =	vpush v8, $0xF;
	_ =	sdelay $0x3  }
0x1f3: {  	s6 =	sadd.s32 $0x20, s4  }
0x1f4: {  	[tilespmem:v7+s19+$0x0] =	vst.idx.msk vm0, v6;
	v6 =	vor.u32 s6, v0  }
0x1f5: {  	[tilespmem:v7+s20+$0x0] =	vst.idx.msk vm0, v6  }
0x1f6: {  	v6 =	vld [tilespmem:s8+$0x10];
	_ =	sdelay $0x4  }
0x1f7: {  	v7 =	vxor.u32 $0x80000000, v6  }
0x1f8: {  	vm0 =	vge.s32 v7, v5  }
0x1f9: {  	v7 =	vsel vm0, $0x1, v2  }
0x1fa: {  	s6 =	spop (v2sf);
	(xrf0) =	vadd.scan.msk.s32 $0xffff, v7  }
0x1fb: {  	s0 =	sadd.s32 s0, s6  }
0x1fc: {  	v7 =	vmov s0  }
0x1fd: {  	v7 =	vadd.s32 $0xFFFFFFFF, v7;
	_ =	sdelay $0x1  }
0x1fe: {  	v7 =	vbroadcast v7, $0x0  }
0x1ff: {  	v8, _, _ =	vpop (xrf0)  }
0x200: {  	v7 =	vadd.s32 v8, v7;
	(v2sf) =	vpush v8, $0xF;
	_ =	sdelay $0x3  }
0x201: {  	s6 =	sadd.s32 $0x30, s4;
	s4 =	smov.u32 s5  }
0x202: {  	[tilespmem:v7+s19+$0x0] =	vst.idx.msk vm0, v6;
	v6 =	vor.u32 s6, v0  }
0x203: {  	s8 =	sadd.s32 $0x40, s8;
	[tilespmem:v7+s20+$0x0] =	vst.idx.msk vm0, v6  }
0x204: {  	v6 =	vld [tilespmem:s8+$0xFFFFFFE0];
	_ =	sdelay $0x3  }
.Ltmp5:
0x205: {  	(pc) =	sbr.rel @p1 .LBB2_7-.Ltmp5, $4  }
0x206: {  	v7 =	vxor.u32 $0x80000000, v6  }
0x207: {  	vm0 =	vge.s32 v7, v5  }
0x208: {  	v7 =	vsel vm0, $0x1, v2  }
0x209: {  	(xrf0) =	vadd.scan.msk.s32 $0xffff, v7;
	s5 =	spop (v2sf)  }
0x20a: {  	_ = 	snop  }
0x20b: {  	s0 =	sadd.s32 s0, s5  }
0x20c: {  	v7 =	vmov s0  }
0x20d: {  	v7 =	vadd.s32 $0xFFFFFFFF, v7  }
0x20e: {  	v7 =	vbroadcast v7, $0x0  }
0x20f: {  	v8, _, _ =	vpop (xrf0)  }
0x210: {  	v7 =	vadd.s32 v8, v7  }
0x211: {  	(v2sf) =	vpush v8, $0xF;
	_ =	sdelay $0x3  }
0x212: {  	[tilespmem:v7+s19+$0x0] =	vst.idx.msk vm0, v6;
	v6 =	vor.u32 s4, v0  }
0x213: {  	[tilespmem:v7+s20+$0x0] =	vst.idx.msk vm0, v6  }
0x214: {  	v6 =	vld [tilespmem:s8+$0xFFFFFFF0];
	_ =	sdelay $0x4  }
0x215: {  	v7 =	vxor.u32 $0x80000000, v6  }
0x216: {  	vm12 =	vge.s32 v7, v5  }
0x217: {  	v7 =	vsel vm12, $0x1, v2  }
0x218: {  	(xrf0) =	vadd.scan.msk.s32 $0xffff, v7  }
0x219: {  	s10 =	spop (v2sf)  }
0x21a: {  	s0 =	sadd.s32 s0, s10  }
0x21b: {  	v7 =	vmov s0  }
0x21c: {  	v7 =	vadd.s32 $0xFFFFFFFF, v7  }
0x21d: {  	v7 =	vbroadcast v7, $0x0  }
0x21e: {  	v61, _, _ =	vpop (xrf0)  }
0x21f: {  	v7 =	vadd.s32 v61, v7  }
0x220: {  	(v2sf) =	vpush v61, $0xF;
	_ =	sdelay $0x2  }
0x221: {  	s11 =	sadd.s32 $0x10, s4  }
0x222: {  	[tilespmem:v7+s19+$0x0] =	vst.idx.msk vm12, v6;
	v6 =	vor.u32 s11, v0  }
0x223: {  	[tilespmem:v7+s20+$0x0] =	vst.idx.msk vm12, v6  }
0x224: {  	v6 =	vld [tilespmem:s8+$0x0];
	_ =	sdelay $0x4  }
0x225: {  	v7 =	vxor.u32 $0x80000000, v6  }
0x226: {  	vm13 =	vge.s32 v7, v5  }
0x227: {  	v7 =	vsel vm13, $0x1, v2  }
0x228: {  	(xrf0) =	vadd.scan.msk.s32 $0xffff, v7  }
0x229: {  	s12 =	spop (v2sf)  }
0x22a: {  	s0 =	sadd.s32 s0, s12  }
0x22b: {  	v7 =	vmov s0  }
0x22c: {  	v7 =	vadd.s32 $0xFFFFFFFF, v7  }
0x22d: {  	v7 =	vbroadcast v7, $0x0  }
0x22e: {  	v62, _, _ =	vpop (xrf0)  }
0x22f: {  	v7 =	vadd.s32 v62, v7;
	_ =	sdelay $0x3  }
0x230: {  	s26 =	sadd.s32 $0x20, s4  }
0x231: {  	[tilespmem:v7+s19+$0x0] =	vst.idx.msk vm13, v6;
	v6 =	vor.u32 s26, v0  }
0x232: {  	[tilespmem:v7+s20+$0x0] =	vst.idx.msk vm13, v6  }
0x233: {  	v6 =	vld [tilespmem:s8+$0x10];
	_ =	sdelay $0x4  }
0x234: {  	v7 =	vxor.u32 $0x80000000, v6  }
0x235: {  	vm14 =	vge.s32 v7, v5  }
0x236: {  	v5 =	vsel vm14, $0x1, v2  }
0x237: {  	(xrf0) =	vadd.scan.msk.s32 $0xffff, v5;
	_ =	sdelay $0x5  }
0x238: {  	(v2sf) =	vpush v62, $0xF;
	v5, _, _ =	vpop (xrf0)  }
0x239: {  	(v2sf) =	vpush v5, $0xF;
	_ =	sdelay $0xd  }
0x23a: {  	s6 =	spop (v2sf)  }
0x23b: {  	s0 =	sadd.s32 s0, s6;
	s7 =	spop (v2sf)  }
0x23c: {  	s5 =	sadd.s32 s0, s7  }
0x23d: {  	s6 =	sadd.s32 $0x3F, s5  }
0x23e: {  	s7 =	sand.u32 $0x3F, s6  }
0x23f: {  	s8 =	sshra.s32 s6, $0x1F;
	p2 =	slt.s32 s6, $0x1;
	p1 =	sne.s32 s7, $0x0  }
0x240: {  	v7 =	vmov s0;
	s9 =	sshrl.u32 s8, $0x1A;
	p1 =	por !p2, !p1  }
0x241: {  	v7 =	vadd.s32 $0xFFFFFFFF, v7;
	s0 =	sadd.s32 s9, s6;
	s6 =	simm.s32 $0x1;
	p1 =	por !p1, !p1  }
0x242: {  	v7 =	vbroadcast v7, $0x0;
	s0 =	sshrl.u32 s0, $0x6;
	s6 =	simm.s32 @!p1 $0x0  }
0x243: {  	s0 =	ssub.s32 s0, s6  }
0x244: {  	v5 =	vadd.s32 v5, v7;
	v7 =	vadd.s32 s5, v0;
	s0 =	sshll.u32 s0, $0x6  }
0x245: {  	s10 =	sadd.s32 $0x10, s5;
	vm1 =	vlt.s32 v7, s0  }
0x246: {  	v63 =	vadd.s32 s10, v0  }
0x247: {  	s11 =	sadd.s32 $0x20, s5;
	vm2 =	vlt.s32 v63, s0  }
0x248: {  	s12 =	sadd.s32 $0x30, s4;
	v9 =	vadd.s32 s11, v0  }
0x249: {  	[tilespmem:v5+s19+$0x0] =	vst.idx.msk vm14, v6;
	v6 =	vor.u32 s12, v0;
	s26 =	sadd.s32 $0x30, s5;
	vm3 =	vlt.s32 v9, s0  }
0x24a: {  	[tilespmem:v5+s20+$0x0] =	vst.idx.msk vm14, v6;
	v5 =	vadd.s32 s26, v0  }
0x24b: {  	vm15 =	vlt.s32 v5, s0;
	[tilespmem:v7+s19+$0x0] =	vst.idx.msk vm1, v2  }
0x24c: {  	[tilespmem:v7+s20+$0x0] =	vst.idx.msk vm1, v2  }
0x24d: {  	[tilespmem:v63+s19+$0x0] =	vst.idx.msk vm2, v2  }
0x24e: {  	s4 =	sshra.s32 s0, $0x6;
	[tilespmem:v63+s20+$0x0] =	vst.idx.msk vm2, v2  }
0x24f: {  	p1 =	slt.s32 s4, $0x1;
	[tilespmem:v9+s19+$0x0] =	vst.idx.msk vm3, v2  }
.Ltmp6:
0x250: {  	[tilespmem:v9+s20+$0x0] =	vst.idx.msk vm3, v2;
	(pc) =	sbr.rel @p1 .LBB2_10-.Ltmp6, $4  }
0x251: {  	[tilespmem:v5+s19+$0x0] =	vst.idx.msk vm15, v2  }
0x252: {  	[tilespmem:v5+s20+$0x0] =	vst.idx.msk vm15, v2  }
0x253: {  	s30 =	simm.s32 $0xF600;
	s5 =	simm.s32 $0x3020;
	[tilespmem:$0x7300] =	vst v2  }
0x254: {  	s10 =	simm.s32 $0xD600;
	s9 =	simm.s32 $0xCE00;
	s6 =	smov.u32 s4;
	[tilespmem:$0x7310] =	vst v2  }
.LBB2_9:
0x255: {  	v5 =	vld [tilespmem:s5+$0xFFFFFFE0];
	_ =	sdelay $0x4  }
0x256: {  	v5 =	vandn.u32 $0x1F, v5  }
0x257: {  	(xrf1) =	vunique.msk.u32 $0xffff, v5;
	_ =	sdelay $0xd  }
0x258: {  	_, v6, vm0 =	vpop (xrf1);
	_ =	sdelay $0x5  }
0x259: {  	[tilespmem:v5+s22+$0x0] =	vst.idx.add.s32.msk vm0, v6  }
0x25a: {  	v5 =	vld [tilespmem:s5+$0xFFFFFFF0];
	_ =	sdelay $0x4  }
0x25b: {  	v5 =	vandn.u32 $0x1F, v5  }
0x25c: {  	(xrf1) =	vunique.msk.u32 $0xffff, v5;
	_ =	sdelay $0xd  }
0x25d: {  	_, v6, vm0 =	vpop (xrf1);
	_ =	sdelay $0x5  }
0x25e: {  	[tilespmem:v5+s22+$0x0] =	vst.idx.add.s32.msk vm0, v6  }
0x25f: {  	v5 =	vld [tilespmem:s5+$0x0];
	_ =	sdelay $0x4  }
0x260: {  	v5 =	vandn.u32 $0x1F, v5  }
0x261: {  	(xrf1) =	vunique.msk.u32 $0xffff, v5;
	_ =	sdelay $0xd  }
0x262: {  	_, v6, vm0 =	vpop (xrf1);
	_ =	sdelay $0x5  }
0x263: {  	[tilespmem:v5+s22+$0x0] =	vst.idx.add.s32.msk vm0, v6  }
0x264: {  	v5 =	vld [tilespmem:s5+$0x10];
	_ =	sdelay $0x4  }
0x265: {  	v5 =	vandn.u32 $0x1F, v5  }
0x266: {  	(xrf1) =	vunique.msk.u32 $0xffff, v5;
	_ =	sdelay $0xd  }
0x267: {  	_, v6, vm0 =	vpop (xrf1)  }
0x268: {  	p2 =	sne.s32 s6, $0x1  }
.Ltmp7:
0x269: {  	_ = 	snop;
	(pc) =	sbr.rel @p2 .LBB2_9-.Ltmp7, $2  }
0x26a: {  	_ =	sdelay $0x2  }
0x26b: {  	s6 =	sadd.s32 $0xFFFFFFFF, s6;
	s5 =	sadd.s32 $0x40, s5;
	[tilespmem:v5+s22+$0x0] =	vst.idx.add.s32.msk vm0, v6  }
.LBB2_10:
0x26c: {  	v5 =	vld [tilespmem:$0x7300];
	_ =	sdelay $0x4  }
0x26d: {  	(xrf0) =	vadd.scan.msk.s32 $0xffff, v5;
	_ =	sdelay $0x1  }
0x26e: {  	v6 =	vld [tilespmem:$0x7310];
	_ =	sdelay $0x3  }
0x26f: {  	v7, _, _ =	vpop (xrf0)  }
0x270: {  	(xrf0) =	vadd.scan.msk.s32 $0xffff, v6;
	v8 =	vxor.u32 $0x80000000, v7  }
0x271: {  	(xrf0) =	vmax.scan.msk.u32 $0xffff, v8;
	_ =	sdelay $0x4  }
0x272: {  	v63, _, _ =	vpop (xrf0)  }
0x273: {  	v9, _, _ =	vpop (xrf0)  }
0x274: {  	(v2sf) =	vpush v9, $0xF;
	_ =	sdelay $0xb  }
0x275: {  	s8 =	sshra.s32 s0, $0x5  }
0x276: {  	p2 =	slt.s32 s8, $0x1  }
.Ltmp8:
0x277: {  	_ = 	snop;
	(pc) =	sbr.rel @p2 .LBB2_13-.Ltmp8, $4  }
0x278: {  	s5 =	spop (v2sf)  }
0x279: {  	v5 =	vsub.s32 v7, v5;
	v6 =	vsub.s32 v63, v6;
	s5 =	sxor.u32 $0x80000000, s5  }
0x27a: {  	[tilespmem:$0x7380] =	vst v5;
	v5 =	vadd.s32 s5, v6  }
0x27b: {  	s11 =	simm.s32 $0xDE00;
	s26 =	simm.s32 $0xEE00;
	[tilespmem:$0x7390] =	vst v5  }
0x27c: {  	s0 =	simm.s32 $0x5110;
	s5 =	simm.s32 $0x3010;
	s6 =	smov.u32 s8  }
.LBB2_12:
0x27d: {  	v5 =	vld [tilespmem:s5+$0xFFFFFFF0];
	_ =	sdelay $0x4  }
0x27e: {  	v6 =	vandn.u32 $0x1F, v5  }
0x27f: {  	(xrf1) =	vunique.msk.u32 $0xffff, v6;
	_ =	sdelay $0x9  }
0x280: {  	v7 =	vld.idx.msk [tilespmem:v6+s23+$0x0], $0xffff;
	_ =	sdelay $0x3  }
0x281: {  	_, v8, vm0 =	vpop (xrf1)  }
0x282: {  	v7 =	vadd.s32 v8, v7  }
0x283: {  	v7 =	vadd.s32 $0xFFFFFFFF, v7  }
0x284: {  	v9 =	vld [tilespmem:s0+$0xFFFFFFF0];
	_ =	sdelay $0x3  }
0x285: {  	[tilespmem:v7+s24+$0x0] =	vst.idx.msk $0xffff, v5  }
0x286: {  	[tilespmem:v7+s25+$0x0] =	vst.idx.msk $0xffff, v9  }
0x287: {  	[tilespmem:v6+s23+$0x0] =	vst.idx.add.s32.msk vm0, v8  }
0x288: {  	v5 =	vld [tilespmem:s5+$0x0];
	_ =	sdelay $0x4  }
0x289: {  	v6 =	vandn.u32 $0x1F, v5  }
0x28a: {  	(xrf1) =	vunique.msk.u32 $0xffff, v6;
	_ =	sdelay $0x9  }
0x28b: {  	v7 =	vld.idx.msk [tilespmem:v6+s23+$0x0], $0xffff;
	_ =	sdelay $0x3  }
0x28c: {  	_, v8, vm0 =	vpop (xrf1)  }
0x28d: {  	v7 =	vadd.s32 v8, v7  }
0x28e: {  	v7 =	vadd.s32 $0xFFFFFFFF, v7  }
0x28f: {  	v9 =	vld [tilespmem:s0+$0x0]  }
0x290: {  	p3 =	sne.s32 s6, $0x1  }
.Ltmp9:
0x291: {  	_ = 	snop;
	(pc) =	sbr.rel @p3 .LBB2_12-.Ltmp9, $4  }
0x292: {  	_ = 	snop  }
0x293: {  	[tilespmem:v7+s24+$0x0] =	vst.idx.msk $0xffff, v5  }
0x294: {  	[tilespmem:v7+s25+$0x0] =	vst.idx.msk $0xffff, v9  }
0x295: {  	s6 =	sadd.s32 $0xFFFFFFFF, s6;
	s0 =	sadd.s32 $0x20, s0;
	s5 =	sadd.s32 $0x20, s5;
	[tilespmem:v6+s23+$0x0] =	vst.idx.add.s32.msk vm0, v8  }
.LBB2_13:
.Ltmp10:
0x296: {  	(pc) =	sbr.rel @p1 .LBB2_15-.Ltmp10, $3  }
0x297: {  	_ =	sdelay $0x1  }
0x298: {  	[tilespmem:$0x7300] =	vst v2  }
0x299: {  	[tilespmem:$0x7310] =	vst v2;
	s0 =	simm.s32 $0x40A0;
	s5 =	smov.u32 s4;
	s12 =	simm.s32 $0xE600  }
.LBB2_14:
0x29a: {  	v5 =	vld [tilespmem:s0+$0xFFFFFFE0];
	_ =	sdelay $0x4  }
0x29b: {  	v5 =	vxor.u32 $0xFFFFFFFF, v5  }
0x29c: {  	v5 =	vshrl.u32 v5, $0x5  }
0x29d: {  	v5 =	vand.u32 $0x1F, v5  }
0x29e: {  	(xrf1) =	vunique.msk.u32 $0xffff, v5;
	_ =	sdelay $0xd  }
0x29f: {  	_, v6, vm0 =	vpop (xrf1);
	_ =	sdelay $0x5  }
0x2a0: {  	[tilespmem:v5+s22+$0x0] =	vst.idx.add.s32.msk vm0, v6  }
0x2a1: {  	v5 =	vld [tilespmem:s0+$0xFFFFFFF0];
	_ =	sdelay $0x4  }
0x2a2: {  	v5 =	vxor.u32 $0xFFFFFFFF, v5  }
0x2a3: {  	v5 =	vshrl.u32 v5, $0x5  }
0x2a4: {  	v5 =	vand.u32 $0x1F, v5  }
0x2a5: {  	(xrf1) =	vunique.msk.u32 $0xffff, v5;
	_ =	sdelay $0xd  }
0x2a6: {  	_, v6, vm0 =	vpop (xrf1);
	_ =	sdelay $0x5  }
0x2a7: {  	[tilespmem:v5+s22+$0x0] =	vst.idx.add.s32.msk vm0, v6  }
0x2a8: {  	v5 =	vld [tilespmem:s0+$0x0];
	_ =	sdelay $0x4  }
0x2a9: {  	v5 =	vxor.u32 $0xFFFFFFFF, v5  }
0x2aa: {  	v5 =	vshrl.u32 v5, $0x5  }
0x2ab: {  	v5 =	vand.u32 $0x1F, v5  }
0x2ac: {  	(xrf1) =	vunique.msk.u32 $0xffff, v5;
	_ =	sdelay $0xd  }
0x2ad: {  	_, v6, vm0 =	vpop (xrf1);
	_ =	sdelay $0x5  }
0x2ae: {  	[tilespmem:v5+s22+$0x0] =	vst.idx.add.s32.msk vm0, v6  }
0x2af: {  	v5 =	vld [tilespmem:s0+$0x10];
	_ =	sdelay $0x4  }
0x2b0: {  	v5 =	vxor.u32 $0xFFFFFFFF, v5  }
0x2b1: {  	v5 =	vshrl.u32 v5, $0x5  }
0x2b2: {  	v5 =	vand.u32 $0x1F, v5  }
0x2b3: {  	(xrf1) =	vunique.msk.u32 $0xffff, v5;
	_ =	sdelay $0xd  }
0x2b4: {  	_, v6, vm0 =	vpop (xrf1)  }
0x2b5: {  	p3 =	sne.s32 s5, $0x1  }
.Ltmp11:
0x2b6: {  	_ = 	snop;
	(pc) =	sbr.rel @p3 .LBB2_14-.Ltmp11, $2  }
0x2b7: {  	_ =	sdelay $0x2  }
0x2b8: {  	s5 =	sadd.s32 $0xFFFFFFFF, s5;
	s0 =	sadd.s32 $0x40, s0;
	[tilespmem:v5+s22+$0x0] =	vst.idx.add.s32.msk vm0, v6  }
.LBB2_15:
0x2b9: {  	v5 =	vld [tilespmem:$0x7300];
	_ =	sdelay $0x4  }
0x2ba: {  	(xrf0) =	vadd.scan.msk.s32 $0xffff, v5;
	_ =	sdelay $0x1  }
0x2bb: {  	v6 =	vld [tilespmem:$0x7310];
	_ =	sdelay $0x3  }
0x2bc: {  	v7, _, _ =	vpop (xrf0)  }
0x2bd: {  	(xrf0) =	vadd.scan.msk.s32 $0xffff, v6;
	v8 =	vxor.u32 $0x80000000, v7  }
0x2be: {  	(xrf0) =	vmax.scan.msk.u32 $0xffff, v8;
	_ =	sdelay $0x4  }
0x2bf: {  	v63, _, _ =	vpop (xrf0)  }
0x2c0: {  	v9, _, _ =	vpop (xrf0)  }
0x2c1: {  	(v2sf) =	vpush v9, $0xF;
	_ =	sdelay $0xd  }
.Ltmp12:
0x2c2: {  	_ = 	snop;
	(pc) =	sbr.rel @p2 .LBB2_18-.Ltmp12, $4  }
0x2c3: {  	s0 =	spop (v2sf)  }
0x2c4: {  	v5 =	vsub.s32 v7, v5;
	v6 =	vsub.s32 v63, v6;
	s0 =	sxor.u32 $0x80000000, s0  }
0x2c5: {  	[tilespmem:$0x7380] =	vst v5;
	v5 =	vadd.s32 s0, v6  }
0x2c6: {  	[tilespmem:$0x7390] =	vst v5  }
0x2c7: {  	s0 =	simm.s32 $0x6190;
	s5 =	simm.s32 $0x4090;
	s6 =	smov.u32 s8  }
.LBB2_17:
0x2c8: {  	v5 =	vld [tilespmem:s5+$0xFFFFFFF0];
	_ =	sdelay $0x4  }
0x2c9: {  	v6 =	vxor.u32 $0xFFFFFFFF, v5  }
0x2ca: {  	v6 =	vshrl.u32 v6, $0x5  }
0x2cb: {  	v6 =	vand.u32 $0x1F, v6  }
0x2cc: {  	(xrf1) =	vunique.msk.u32 $0xffff, v6;
	_ =	sdelay $0x9  }
0x2cd: {  	v7 =	vld.idx.msk [tilespmem:v6+s23+$0x0], $0xffff;
	_ =	sdelay $0x3  }
0x2ce: {  	_, v8, vm0 =	vpop (xrf1)  }
0x2cf: {  	v7 =	vadd.s32 v8, v7  }
0x2d0: {  	v7 =	vadd.s32 $0xFFFFFFFF, v7  }
0x2d1: {  	v9 =	vld [tilespmem:s0+$0xFFFFFFF0];
	_ =	sdelay $0x3  }
0x2d2: {  	[tilespmem:v7+s19+$0x0] =	vst.idx.msk $0xffff, v5  }
0x2d3: {  	[tilespmem:v7+s20+$0x0] =	vst.idx.msk $0xffff, v9  }
0x2d4: {  	[tilespmem:v6+s23+$0x0] =	vst.idx.add.s32.msk vm0, v8  }
0x2d5: {  	v5 =	vld [tilespmem:s5+$0x0];
	_ =	sdelay $0x4  }
0x2d6: {  	v6 =	vxor.u32 $0xFFFFFFFF, v5  }
0x2d7: {  	v6 =	vshrl.u32 v6, $0x5  }
0x2d8: {  	v6 =	vand.u32 $0x1F, v6  }
0x2d9: {  	(xrf1) =	vunique.msk.u32 $0xffff, v6;
	_ =	sdelay $0x9  }
0x2da: {  	v7 =	vld.idx.msk [tilespmem:v6+s23+$0x0], $0xffff;
	_ =	sdelay $0x3  }
0x2db: {  	_, v8, vm0 =	vpop (xrf1)  }
0x2dc: {  	v7 =	vadd.s32 v8, v7  }
0x2dd: {  	v7 =	vadd.s32 $0xFFFFFFFF, v7  }
0x2de: {  	v9 =	vld [tilespmem:s0+$0x0]  }
0x2df: {  	p3 =	sne.s32 s6, $0x1  }
.Ltmp13:
0x2e0: {  	_ = 	snop;
	(pc) =	sbr.rel @p3 .LBB2_17-.Ltmp13, $4  }
0x2e1: {  	_ = 	snop  }
0x2e2: {  	[tilespmem:v7+s19+$0x0] =	vst.idx.msk $0xffff, v5  }
0x2e3: {  	[tilespmem:v7+s20+$0x0] =	vst.idx.msk $0xffff, v9  }
0x2e4: {  	s6 =	sadd.s32 $0xFFFFFFFF, s6;
	s0 =	sadd.s32 $0x20, s0;
	s5 =	sadd.s32 $0x20, s5;
	[tilespmem:v6+s23+$0x0] =	vst.idx.add.s32.msk vm0, v8  }
.LBB2_18:
.Ltmp14:
0x2e5: {  	(pc) =	sbr.rel @p1 .LBB2_20-.Ltmp14, $3  }
0x2e6: {  	_ =	sdelay $0x1  }
0x2e7: {  	[tilespmem:$0x7300] =	vst v2  }
0x2e8: {  	[tilespmem:$0x7310] =	vst v2;
	s0 =	simm.s32 $0x3020;
	s5 =	smov.u32 s4  }
.LBB2_19:
0x2e9: {  	v5 =	vld [tilespmem:s0+$0xFFFFFFE0];
	_ =	sdelay $0x4  }
0x2ea: {  	v5 =	vxor.u32 $0xFFFFFFFF, v5  }
0x2eb: {  	v5 =	vshrl.u32 v5, $0xA  }
0x2ec: {  	v5 =	vand.u32 $0x1F, v5  }
0x2ed: {  	(xrf1) =	vunique.msk.u32 $0xffff, v5;
	_ =	sdelay $0xd  }
0x2ee: {  	_, v6, vm0 =	vpop (xrf1);
	_ =	sdelay $0x5  }
0x2ef: {  	[tilespmem:v5+s22+$0x0] =	vst.idx.add.s32.msk vm0, v6  }
0x2f0: {  	v5 =	vld [tilespmem:s0+$0xFFFFFFF0];
	_ =	sdelay $0x4  }
0x2f1: {  	v5 =	vxor.u32 $0xFFFFFFFF, v5  }
0x2f2: {  	v5 =	vshrl.u32 v5, $0xA  }
0x2f3: {  	v5 =	vand.u32 $0x1F, v5  }
0x2f4: {  	(xrf1) =	vunique.msk.u32 $0xffff, v5;
	_ =	sdelay $0xd  }
0x2f5: {  	_, v6, vm0 =	vpop (xrf1);
	_ =	sdelay $0x5  }
0x2f6: {  	[tilespmem:v5+s22+$0x0] =	vst.idx.add.s32.msk vm0, v6  }
0x2f7: {  	v5 =	vld [tilespmem:s0+$0x0];
	_ =	sdelay $0x4  }
0x2f8: {  	v5 =	vxor.u32 $0xFFFFFFFF, v5  }
0x2f9: {  	v5 =	vshrl.u32 v5, $0xA  }
0x2fa: {  	v5 =	vand.u32 $0x1F, v5  }
0x2fb: {  	(xrf1) =	vunique.msk.u32 $0xffff, v5;
	_ =	sdelay $0xd  }
0x2fc: {  	_, v6, vm0 =	vpop (xrf1);
	_ =	sdelay $0x5  }
0x2fd: {  	[tilespmem:v5+s22+$0x0] =	vst.idx.add.s32.msk vm0, v6  }
0x2fe: {  	v5 =	vld [tilespmem:s0+$0x10];
	_ =	sdelay $0x4  }
0x2ff: {  	v5 =	vxor.u32 $0xFFFFFFFF, v5  }
0x300: {  	v5 =	vshrl.u32 v5, $0xA  }
0x301: {  	v5 =	vand.u32 $0x1F, v5  }
0x302: {  	(xrf1) =	vunique.msk.u32 $0xffff, v5;
	_ =	sdelay $0xd  }
0x303: {  	_, v6, vm0 =	vpop (xrf1)  }
0x304: {  	p3 =	sne.s32 s5, $0x1  }
.Ltmp15:
0x305: {  	_ = 	snop;
	(pc) =	sbr.rel @p3 .LBB2_19-.Ltmp15, $2  }
0x306: {  	_ =	sdelay $0x2  }
0x307: {  	s5 =	sadd.s32 $0xFFFFFFFF, s5;
	s0 =	sadd.s32 $0x40, s0;
	[tilespmem:v5+s22+$0x0] =	vst.idx.add.s32.msk vm0, v6  }
.LBB2_20:
0x308: {  	v5 =	vld [tilespmem:$0x7300];
	_ =	sdelay $0x4  }
0x309: {  	(xrf0) =	vadd.scan.msk.s32 $0xffff, v5;
	_ =	sdelay $0x1  }
0x30a: {  	v6 =	vld [tilespmem:$0x7310];
	_ =	sdelay $0x3  }
0x30b: {  	v7, _, _ =	vpop (xrf0)  }
0x30c: {  	(xrf0) =	vadd.scan.msk.s32 $0xffff, v6;
	v8 =	vxor.u32 $0x80000000, v7  }
0x30d: {  	(xrf0) =	vmax.scan.msk.u32 $0xffff, v8;
	_ =	sdelay $0x4  }
0x30e: {  	v63, _, _ =	vpop (xrf0)  }
0x30f: {  	v9, _, _ =	vpop (xrf0)  }
0x310: {  	(v2sf) =	vpush v9, $0xF;
	_ =	sdelay $0xd  }
.Ltmp16:
0x311: {  	_ = 	snop;
	(pc) =	sbr.rel @p2 .LBB2_23-.Ltmp16, $4  }
0x312: {  	s0 =	spop (v2sf)  }
0x313: {  	v5 =	vsub.s32 v7, v5;
	v6 =	vsub.s32 v63, v6;
	s0 =	sxor.u32 $0x80000000, s0  }
0x314: {  	[tilespmem:$0x7380] =	vst v5;
	v5 =	vadd.s32 s0, v6  }
0x315: {  	[tilespmem:$0x7390] =	vst v5  }
0x316: {  	s0 =	simm.s32 $0x5110;
	s5 =	simm.s32 $0x3010;
	s6 =	smov.u32 s8  }
.LBB2_22:
0x317: {  	v5 =	vld [tilespmem:s5+$0xFFFFFFF0];
	_ =	sdelay $0x4  }
0x318: {  	v6 =	vxor.u32 $0xFFFFFFFF, v5  }
0x319: {  	v6 =	vshrl.u32 v6, $0xA  }
0x31a: {  	v6 =	vand.u32 $0x1F, v6  }
0x31b: {  	(xrf1) =	vunique.msk.u32 $0xffff, v6;
	_ =	sdelay $0x9  }
0x31c: {  	v7 =	vld.idx.msk [tilespmem:v6+s23+$0x0], $0xffff;
	_ =	sdelay $0x3  }
0x31d: {  	_, v8, vm0 =	vpop (xrf1)  }
0x31e: {  	v7 =	vadd.s32 v8, v7  }
0x31f: {  	v7 =	vadd.s32 $0xFFFFFFFF, v7  }
0x320: {  	v9 =	vld [tilespmem:s0+$0xFFFFFFF0];
	_ =	sdelay $0x3  }
0x321: {  	[tilespmem:v7+s24+$0x0] =	vst.idx.msk $0xffff, v5  }
0x322: {  	[tilespmem:v7+s25+$0x0] =	vst.idx.msk $0xffff, v9  }
0x323: {  	[tilespmem:v6+s23+$0x0] =	vst.idx.add.s32.msk vm0, v8  }
0x324: {  	v5 =	vld [tilespmem:s5+$0x0];
	_ =	sdelay $0x4  }
0x325: {  	v6 =	vxor.u32 $0xFFFFFFFF, v5  }
0x326: {  	v6 =	vshrl.u32 v6, $0xA  }
0x327: {  	v6 =	vand.u32 $0x1F, v6  }
0x328: {  	(xrf1) =	vunique.msk.u32 $0xffff, v6;
	_ =	sdelay $0x9  }
0x329: {  	v7 =	vld.idx.msk [tilespmem:v6+s23+$0x0], $0xffff;
	_ =	sdelay $0x3  }
0x32a: {  	_, v8, vm0 =	vpop (xrf1)  }
0x32b: {  	v7 =	vadd.s32 v8, v7  }
0x32c: {  	v7 =	vadd.s32 $0xFFFFFFFF, v7  }
0x32d: {  	v9 =	vld [tilespmem:s0+$0x0]  }
0x32e: {  	p3 =	sne.s32 s6, $0x1  }
.Ltmp17:
0x32f: {  	_ = 	snop;
	(pc) =	sbr.rel @p3 .LBB2_22-.Ltmp17, $4  }
0x330: {  	_ = 	snop  }
0x331: {  	[tilespmem:v7+s24+$0x0] =	vst.idx.msk $0xffff, v5  }
0x332: {  	[tilespmem:v7+s25+$0x0] =	vst.idx.msk $0xffff, v9  }
0x333: {  	s6 =	sadd.s32 $0xFFFFFFFF, s6;
	s0 =	sadd.s32 $0x20, s0;
	s5 =	sadd.s32 $0x20, s5;
	[tilespmem:v6+s23+$0x0] =	vst.idx.add.s32.msk vm0, v8  }
.LBB2_23:
.Ltmp18:
0x334: {  	(pc) =	sbr.rel @p1 .LBB2_25-.Ltmp18, $3  }
0x335: {  	_ =	sdelay $0x1  }
0x336: {  	[tilespmem:$0x7300] =	vst v2  }
0x337: {  	[tilespmem:$0x7310] =	vst v2;
	s0 =	simm.s32 $0x40A0;
	s5 =	smov.u32 s4  }
.LBB2_24:
0x338: {  	v5 =	vld [tilespmem:s0+$0xFFFFFFE0];
	_ =	sdelay $0x4  }
0x339: {  	v5 =	vxor.u32 $0xFFFFFFFF, v5  }
0x33a: {  	v5 =	vshrl.u32 v5, $0xF  }
0x33b: {  	v5 =	vand.u32 $0x1F, v5  }
0x33c: {  	(xrf1) =	vunique.msk.u32 $0xffff, v5;
	_ =	sdelay $0xd  }
0x33d: {  	_, v6, vm0 =	vpop (xrf1);
	_ =	sdelay $0x5  }
0x33e: {  	[tilespmem:v5+s22+$0x0] =	vst.idx.add.s32.msk vm0, v6  }
0x33f: {  	v5 =	vld [tilespmem:s0+$0xFFFFFFF0];
	_ =	sdelay $0x4  }
0x340: {  	v5 =	vxor.u32 $0xFFFFFFFF, v5  }
0x341: {  	v5 =	vshrl.u32 v5, $0xF  }
0x342: {  	v5 =	vand.u32 $0x1F, v5  }
0x343: {  	(xrf1) =	vunique.msk.u32 $0xffff, v5;
	_ =	sdelay $0xd  }
0x344: {  	_, v6, vm0 =	vpop (xrf1);
	_ =	sdelay $0x5  }
0x345: {  	[tilespmem:v5+s22+$0x0] =	vst.idx.add.s32.msk vm0, v6  }
0x346: {  	v5 =	vld [tilespmem:s0+$0x0];
	_ =	sdelay $0x4  }
0x347: {  	v5 =	vxor.u32 $0xFFFFFFFF, v5  }
0x348: {  	v5 =	vshrl.u32 v5, $0xF  }
0x349: {  	v5 =	vand.u32 $0x1F, v5  }
0x34a: {  	(xrf1) =	vunique.msk.u32 $0xffff, v5;
	_ =	sdelay $0xd  }
0x34b: {  	_, v6, vm0 =	vpop (xrf1);
	_ =	sdelay $0x5  }
0x34c: {  	[tilespmem:v5+s22+$0x0] =	vst.idx.add.s32.msk vm0, v6  }
0x34d: {  	v5 =	vld [tilespmem:s0+$0x10];
	_ =	sdelay $0x4  }
0x34e: {  	v5 =	vxor.u32 $0xFFFFFFFF, v5  }
0x34f: {  	v5 =	vshrl.u32 v5, $0xF  }
0x350: {  	v5 =	vand.u32 $0x1F, v5  }
0x351: {  	(xrf1) =	vunique.msk.u32 $0xffff, v5;
	_ =	sdelay $0xd  }
0x352: {  	_, v6, vm0 =	vpop (xrf1)  }
0x353: {  	p3 =	sne.s32 s5, $0x1  }
.Ltmp19:
0x354: {  	_ = 	snop;
	(pc) =	sbr.rel @p3 .LBB2_24-.Ltmp19, $2  }
0x355: {  	_ =	sdelay $0x2  }
0x356: {  	s5 =	sadd.s32 $0xFFFFFFFF, s5;
	s0 =	sadd.s32 $0x40, s0;
	[tilespmem:v5+s22+$0x0] =	vst.idx.add.s32.msk vm0, v6  }
.LBB2_25:
0x357: {  	v5 =	vld [tilespmem:$0x7300];
	_ =	sdelay $0x4  }
0x358: {  	(xrf0) =	vadd.scan.msk.s32 $0xffff, v5;
	_ =	sdelay $0x1  }
0x359: {  	v6 =	vld [tilespmem:$0x7310];
	_ =	sdelay $0x3  }
0x35a: {  	v7, _, _ =	vpop (xrf0)  }
0x35b: {  	(xrf0) =	vadd.scan.msk.s32 $0xffff, v6;
	v8 =	vxor.u32 $0x80000000, v7  }
0x35c: {  	(xrf0) =	vmax.scan.msk.u32 $0xffff, v8;
	_ =	sdelay $0x4  }
0x35d: {  	v63, _, _ =	vpop (xrf0)  }
0x35e: {  	v9, _, _ =	vpop (xrf0)  }
0x35f: {  	(v2sf) =	vpush v9, $0xF;
	_ =	sdelay $0xd  }
.Ltmp20:
0x360: {  	_ = 	snop;
	(pc) =	sbr.rel @p2 .LBB2_28-.Ltmp20, $4  }
0x361: {  	s0 =	spop (v2sf)  }
0x362: {  	v5 =	vsub.s32 v7, v5;
	v6 =	vsub.s32 v63, v6;
	s0 =	sxor.u32 $0x80000000, s0  }
0x363: {  	[tilespmem:$0x7380] =	vst v5;
	v5 =	vadd.s32 s0, v6  }
0x364: {  	[tilespmem:$0x7390] =	vst v5  }
0x365: {  	s0 =	simm.s32 $0x6190;
	s5 =	simm.s32 $0x4090;
	s6 =	smov.u32 s8  }
.LBB2_27:
0x366: {  	v5 =	vld [tilespmem:s5+$0xFFFFFFF0];
	_ =	sdelay $0x4  }
0x367: {  	v6 =	vxor.u32 $0xFFFFFFFF, v5  }
0x368: {  	v6 =	vshrl.u32 v6, $0xF  }
0x369: {  	v6 =	vand.u32 $0x1F, v6  }
0x36a: {  	(xrf1) =	vunique.msk.u32 $0xffff, v6;
	_ =	sdelay $0x9  }
0x36b: {  	v7 =	vld.idx.msk [tilespmem:v6+s23+$0x0], $0xffff;
	_ =	sdelay $0x3  }
0x36c: {  	_, v8, vm0 =	vpop (xrf1)  }
0x36d: {  	v7 =	vadd.s32 v8, v7  }
0x36e: {  	v7 =	vadd.s32 $0xFFFFFFFF, v7  }
0x36f: {  	v9 =	vld [tilespmem:s0+$0xFFFFFFF0];
	_ =	sdelay $0x3  }
0x370: {  	[tilespmem:v7+s19+$0x0] =	vst.idx.msk $0xffff, v5  }
0x371: {  	[tilespmem:v7+s20+$0x0] =	vst.idx.msk $0xffff, v9  }
0x372: {  	[tilespmem:v6+s23+$0x0] =	vst.idx.add.s32.msk vm0, v8  }
0x373: {  	v5 =	vld [tilespmem:s5+$0x0];
	_ =	sdelay $0x4  }
0x374: {  	v6 =	vxor.u32 $0xFFFFFFFF, v5  }
0x375: {  	v6 =	vshrl.u32 v6, $0xF  }
0x376: {  	v6 =	vand.u32 $0x1F, v6  }
0x377: {  	(xrf1) =	vunique.msk.u32 $0xffff, v6;
	_ =	sdelay $0x9  }
0x378: {  	v7 =	vld.idx.msk [tilespmem:v6+s23+$0x0], $0xffff;
	_ =	sdelay $0x3  }
0x379: {  	_, v8, vm0 =	vpop (xrf1)  }
0x37a: {  	v7 =	vadd.s32 v8, v7  }
0x37b: {  	v7 =	vadd.s32 $0xFFFFFFFF, v7  }
0x37c: {  	v9 =	vld [tilespmem:s0+$0x0]  }
0x37d: {  	p3 =	sne.s32 s6, $0x1  }
.Ltmp21:
0x37e: {  	_ = 	snop;
	(pc) =	sbr.rel @p3 .LBB2_27-.Ltmp21, $4  }
0x37f: {  	_ = 	snop  }
0x380: {  	[tilespmem:v7+s19+$0x0] =	vst.idx.msk $0xffff, v5  }
0x381: {  	[tilespmem:v7+s20+$0x0] =	vst.idx.msk $0xffff, v9  }
0x382: {  	s6 =	sadd.s32 $0xFFFFFFFF, s6;
	s0 =	sadd.s32 $0x20, s0;
	s5 =	sadd.s32 $0x20, s5;
	[tilespmem:v6+s23+$0x0] =	vst.idx.add.s32.msk vm0, v8  }
.LBB2_28:
.Ltmp22:
0x383: {  	(pc) =	sbr.rel @p1 .LBB2_30-.Ltmp22, $3  }
0x384: {  	_ =	sdelay $0x1  }
0x385: {  	[tilespmem:$0x7300] =	vst v2  }
0x386: {  	[tilespmem:$0x7310] =	vst v2;
	s0 =	simm.s32 $0x3020;
	s5 =	smov.u32 s4  }
.LBB2_29:
0x387: {  	v5 =	vld [tilespmem:s0+$0xFFFFFFE0];
	_ =	sdelay $0x4  }
0x388: {  	v5 =	vxor.u32 $0xFFFFFFFF, v5  }
0x389: {  	v5 =	vshrl.u32 v5, $0x14  }
0x38a: {  	v5 =	vand.u32 $0x1F, v5  }
0x38b: {  	(xrf1) =	vunique.msk.u32 $0xffff, v5;
	_ =	sdelay $0xd  }
0x38c: {  	_, v6, vm0 =	vpop (xrf1);
	_ =	sdelay $0x5  }
0x38d: {  	[tilespmem:v5+s22+$0x0] =	vst.idx.add.s32.msk vm0, v6  }
0x38e: {  	v5 =	vld [tilespmem:s0+$0xFFFFFFF0];
	_ =	sdelay $0x4  }
0x38f: {  	v5 =	vxor.u32 $0xFFFFFFFF, v5  }
0x390: {  	v5 =	vshrl.u32 v5, $0x14  }
0x391: {  	v5 =	vand.u32 $0x1F, v5  }
0x392: {  	(xrf1) =	vunique.msk.u32 $0xffff, v5;
	_ =	sdelay $0xd  }
0x393: {  	_, v6, vm0 =	vpop (xrf1);
	_ =	sdelay $0x5  }
0x394: {  	[tilespmem:v5+s22+$0x0] =	vst.idx.add.s32.msk vm0, v6  }
0x395: {  	v5 =	vld [tilespmem:s0+$0x0];
	_ =	sdelay $0x4  }
0x396: {  	v5 =	vxor.u32 $0xFFFFFFFF, v5  }
0x397: {  	v5 =	vshrl.u32 v5, $0x14  }
0x398: {  	v5 =	vand.u32 $0x1F, v5  }
0x399: {  	(xrf1) =	vunique.msk.u32 $0xffff, v5;
	_ =	sdelay $0xd  }
0x39a: {  	_, v6, vm0 =	vpop (xrf1);
	_ =	sdelay $0x5  }
0x39b: {  	[tilespmem:v5+s22+$0x0] =	vst.idx.add.s32.msk vm0, v6  }
0x39c: {  	v5 =	vld [tilespmem:s0+$0x10];
	_ =	sdelay $0x4  }
0x39d: {  	v5 =	vxor.u32 $0xFFFFFFFF, v5  }
0x39e: {  	v5 =	vshrl.u32 v5, $0x14  }
0x39f: {  	v5 =	vand.u32 $0x1F, v5  }
0x3a0: {  	(xrf1) =	vunique.msk.u32 $0xffff, v5;
	_ =	sdelay $0xd  }
0x3a1: {  	_, v6, vm0 =	vpop (xrf1)  }
0x3a2: {  	p3 =	sne.s32 s5, $0x1  }
.Ltmp23:
0x3a3: {  	_ = 	snop;
	(pc) =	sbr.rel @p3 .LBB2_29-.Ltmp23, $2  }
0x3a4: {  	_ =	sdelay $0x2  }
0x3a5: {  	s5 =	sadd.s32 $0xFFFFFFFF, s5;
	s0 =	sadd.s32 $0x40, s0;
	[tilespmem:v5+s22+$0x0] =	vst.idx.add.s32.msk vm0, v6  }
.LBB2_30:
0x3a6: {  	v5 =	vld [tilespmem:$0x7300];
	_ =	sdelay $0x4  }
0x3a7: {  	(xrf0) =	vadd.scan.msk.s32 $0xffff, v5;
	_ =	sdelay $0x1  }
0x3a8: {  	v6 =	vld [tilespmem:$0x7310];
	_ =	sdelay $0x3  }
0x3a9: {  	v7, _, _ =	vpop (xrf0)  }
0x3aa: {  	(xrf0) =	vadd.scan.msk.s32 $0xffff, v6;
	v8 =	vxor.u32 $0x80000000, v7  }
0x3ab: {  	(xrf0) =	vmax.scan.msk.u32 $0xffff, v8;
	_ =	sdelay $0x4  }
0x3ac: {  	v63, _, _ =	vpop (xrf0)  }
0x3ad: {  	v9, _, _ =	vpop (xrf0)  }
0x3ae: {  	(v2sf) =	vpush v9, $0xF;
	_ =	sdelay $0xd  }
.Ltmp24:
0x3af: {  	_ = 	snop;
	(pc) =	sbr.rel @p2 .LBB2_33-.Ltmp24, $4  }
0x3b0: {  	s0 =	spop (v2sf)  }
0x3b1: {  	v5 =	vsub.s32 v7, v5;
	v6 =	vsub.s32 v63, v6;
	s0 =	sxor.u32 $0x80000000, s0  }
0x3b2: {  	[tilespmem:$0x7380] =	vst v5;
	v5 =	vadd.s32 s0, v6  }
0x3b3: {  	[tilespmem:$0x7390] =	vst v5  }
0x3b4: {  	s0 =	simm.s32 $0x5110;
	s5 =	simm.s32 $0x3010;
	s6 =	smov.u32 s8  }
.LBB2_32:
0x3b5: {  	v5 =	vld [tilespmem:s5+$0xFFFFFFF0];
	_ =	sdelay $0x4  }
0x3b6: {  	v6 =	vxor.u32 $0xFFFFFFFF, v5  }
0x3b7: {  	v6 =	vshrl.u32 v6, $0x14  }
0x3b8: {  	v6 =	vand.u32 $0x1F, v6  }
0x3b9: {  	(xrf1) =	vunique.msk.u32 $0xffff, v6;
	_ =	sdelay $0x9  }
0x3ba: {  	v7 =	vld.idx.msk [tilespmem:v6+s23+$0x0], $0xffff;
	_ =	sdelay $0x3  }
0x3bb: {  	_, v8, vm0 =	vpop (xrf1)  }
0x3bc: {  	v7 =	vadd.s32 v8, v7  }
0x3bd: {  	v7 =	vadd.s32 $0xFFFFFFFF, v7  }
0x3be: {  	v9 =	vld [tilespmem:s0+$0xFFFFFFF0];
	_ =	sdelay $0x3  }
0x3bf: {  	[tilespmem:v7+s24+$0x0] =	vst.idx.msk $0xffff, v5  }
0x3c0: {  	[tilespmem:v7+s25+$0x0] =	vst.idx.msk $0xffff, v9  }
0x3c1: {  	[tilespmem:v6+s23+$0x0] =	vst.idx.add.s32.msk vm0, v8  }
0x3c2: {  	v5 =	vld [tilespmem:s5+$0x0];
	_ =	sdelay $0x4  }
0x3c3: {  	v6 =	vxor.u32 $0xFFFFFFFF, v5  }
0x3c4: {  	v6 =	vshrl.u32 v6, $0x14  }
0x3c5: {  	v6 =	vand.u32 $0x1F, v6  }
0x3c6: {  	(xrf1) =	vunique.msk.u32 $0xffff, v6;
	_ =	sdelay $0x9  }
0x3c7: {  	v7 =	vld.idx.msk [tilespmem:v6+s23+$0x0], $0xffff;
	_ =	sdelay $0x3  }
0x3c8: {  	_, v8, vm0 =	vpop (xrf1)  }
0x3c9: {  	v7 =	vadd.s32 v8, v7  }
0x3ca: {  	v7 =	vadd.s32 $0xFFFFFFFF, v7  }
0x3cb: {  	v9 =	vld [tilespmem:s0+$0x0]  }
0x3cc: {  	p3 =	sne.s32 s6, $0x1  }
.Ltmp25:
0x3cd: {  	_ = 	snop;
	(pc) =	sbr.rel @p3 .LBB2_32-.Ltmp25, $4  }
0x3ce: {  	_ = 	snop  }
0x3cf: {  	[tilespmem:v7+s24+$0x0] =	vst.idx.msk $0xffff, v5  }
0x3d0: {  	[tilespmem:v7+s25+$0x0] =	vst.idx.msk $0xffff, v9  }
0x3d1: {  	s6 =	sadd.s32 $0xFFFFFFFF, s6;
	s0 =	sadd.s32 $0x20, s0;
	s5 =	sadd.s32 $0x20, s5;
	[tilespmem:v6+s23+$0x0] =	vst.idx.add.s32.msk vm0, v8  }
.LBB2_33:
.Ltmp26:
0x3d2: {  	(pc) =	sbr.rel @p1 .LBB2_35-.Ltmp26, $3  }
0x3d3: {  	_ =	sdelay $0x1  }
0x3d4: {  	[tilespmem:$0x7300] =	vst v2  }
0x3d5: {  	[tilespmem:$0x7310] =	vst v2;
	s0 =	simm.s32 $0x40A0;
	s5 =	smov.u32 s4  }
.LBB2_34:
0x3d6: {  	v5 =	vld [tilespmem:s0+$0xFFFFFFE0];
	_ =	sdelay $0x4  }
0x3d7: {  	v5 =	vxor.u32 $0xFFFFFFFF, v5  }
0x3d8: {  	v5 =	vshrl.u32 v5, $0x19  }
0x3d9: {  	v5 =	vand.u32 $0x1F, v5  }
0x3da: {  	(xrf1) =	vunique.msk.u32 $0xffff, v5;
	_ =	sdelay $0xd  }
0x3db: {  	_, v6, vm0 =	vpop (xrf1);
	_ =	sdelay $0x5  }
0x3dc: {  	[tilespmem:v5+s22+$0x0] =	vst.idx.add.s32.msk vm0, v6  }
0x3dd: {  	v5 =	vld [tilespmem:s0+$0xFFFFFFF0];
	_ =	sdelay $0x4  }
0x3de: {  	v5 =	vxor.u32 $0xFFFFFFFF, v5  }
0x3df: {  	v5 =	vshrl.u32 v5, $0x19  }
0x3e0: {  	v5 =	vand.u32 $0x1F, v5  }
0x3e1: {  	(xrf1) =	vunique.msk.u32 $0xffff, v5;
	_ =	sdelay $0xd  }
0x3e2: {  	_, v6, vm0 =	vpop (xrf1);
	_ =	sdelay $0x5  }
0x3e3: {  	[tilespmem:v5+s22+$0x0] =	vst.idx.add.s32.msk vm0, v6  }
0x3e4: {  	v5 =	vld [tilespmem:s0+$0x0];
	_ =	sdelay $0x4  }
0x3e5: {  	v5 =	vxor.u32 $0xFFFFFFFF, v5  }
0x3e6: {  	v5 =	vshrl.u32 v5, $0x19  }
0x3e7: {  	v5 =	vand.u32 $0x1F, v5  }
0x3e8: {  	(xrf1) =	vunique.msk.u32 $0xffff, v5;
	_ =	sdelay $0xd  }
0x3e9: {  	_, v6, vm0 =	vpop (xrf1);
	_ =	sdelay $0x5  }
0x3ea: {  	[tilespmem:v5+s22+$0x0] =	vst.idx.add.s32.msk vm0, v6  }
0x3eb: {  	v5 =	vld [tilespmem:s0+$0x10];
	_ =	sdelay $0x4  }
0x3ec: {  	v5 =	vxor.u32 $0xFFFFFFFF, v5  }
0x3ed: {  	v5 =	vshrl.u32 v5, $0x19  }
0x3ee: {  	v5 =	vand.u32 $0x1F, v5  }
0x3ef: {  	(xrf1) =	vunique.msk.u32 $0xffff, v5;
	_ =	sdelay $0xd  }
0x3f0: {  	_, v6, vm0 =	vpop (xrf1)  }
0x3f1: {  	p3 =	sne.s32 s5, $0x1  }
.Ltmp27:
0x3f2: {  	_ = 	snop;
	(pc) =	sbr.rel @p3 .LBB2_34-.Ltmp27, $2  }
0x3f3: {  	_ =	sdelay $0x2  }
0x3f4: {  	s5 =	sadd.s32 $0xFFFFFFFF, s5;
	s0 =	sadd.s32 $0x40, s0;
	[tilespmem:v5+s22+$0x0] =	vst.idx.add.s32.msk vm0, v6  }
.LBB2_35:
0x3f5: {  	v5 =	vld [tilespmem:$0x7300];
	_ =	sdelay $0x4  }
0x3f6: {  	(xrf0) =	vadd.scan.msk.s32 $0xffff, v5;
	_ =	sdelay $0x1  }
0x3f7: {  	v6 =	vld [tilespmem:$0x7310];
	_ =	sdelay $0x3  }
0x3f8: {  	v7, _, _ =	vpop (xrf0)  }
0x3f9: {  	(xrf0) =	vadd.scan.msk.s32 $0xffff, v6;
	v8 =	vxor.u32 $0x80000000, v7  }
0x3fa: {  	(xrf0) =	vmax.scan.msk.u32 $0xffff, v8;
	_ =	sdelay $0x4  }
0x3fb: {  	v63, _, _ =	vpop (xrf0)  }
0x3fc: {  	v9, _, _ =	vpop (xrf0)  }
0x3fd: {  	(v2sf) =	vpush v9, $0xF;
	_ =	sdelay $0xd  }
.Ltmp28:
0x3fe: {  	_ = 	snop;
	(pc) =	sbr.rel @p2 .LBB2_38-.Ltmp28, $4  }
0x3ff: {  	s0 =	spop (v2sf)  }
0x400: {  	v5 =	vsub.s32 v7, v5;
	v6 =	vsub.s32 v63, v6;
	s0 =	sxor.u32 $0x80000000, s0  }
0x401: {  	[tilespmem:$0x7380] =	vst v5;
	v5 =	vadd.s32 s0, v6  }
0x402: {  	[tilespmem:$0x7390] =	vst v5  }
0x403: {  	s0 =	simm.s32 $0x6190;
	s5 =	simm.s32 $0x4090;
	s6 =	smov.u32 s8  }
.LBB2_37:
0x404: {  	v5 =	vld [tilespmem:s5+$0xFFFFFFF0];
	_ =	sdelay $0x4  }
0x405: {  	v6 =	vxor.u32 $0xFFFFFFFF, v5  }
0x406: {  	v6 =	vshrl.u32 v6, $0x19  }
0x407: {  	v6 =	vand.u32 $0x1F, v6  }
0x408: {  	(xrf1) =	vunique.msk.u32 $0xffff, v6;
	_ =	sdelay $0x9  }
0x409: {  	v7 =	vld.idx.msk [tilespmem:v6+s23+$0x0], $0xffff;
	_ =	sdelay $0x3  }
0x40a: {  	_, v8, vm0 =	vpop (xrf1)  }
0x40b: {  	v7 =	vadd.s32 v8, v7  }
0x40c: {  	v7 =	vadd.s32 $0xFFFFFFFF, v7  }
0x40d: {  	v9 =	vld [tilespmem:s0+$0xFFFFFFF0];
	_ =	sdelay $0x3  }
0x40e: {  	[tilespmem:v7+s19+$0x0] =	vst.idx.msk $0xffff, v5  }
0x40f: {  	[tilespmem:v7+s20+$0x0] =	vst.idx.msk $0xffff, v9  }
0x410: {  	[tilespmem:v6+s23+$0x0] =	vst.idx.add.s32.msk vm0, v8  }
0x411: {  	v5 =	vld [tilespmem:s5+$0x0];
	_ =	sdelay $0x4  }
0x412: {  	v6 =	vxor.u32 $0xFFFFFFFF, v5  }
0x413: {  	v6 =	vshrl.u32 v6, $0x19  }
0x414: {  	v6 =	vand.u32 $0x1F, v6  }
0x415: {  	(xrf1) =	vunique.msk.u32 $0xffff, v6;
	_ =	sdelay $0x9  }
0x416: {  	v7 =	vld.idx.msk [tilespmem:v6+s23+$0x0], $0xffff;
	_ =	sdelay $0x3  }
0x417: {  	_, v8, vm0 =	vpop (xrf1)  }
0x418: {  	v7 =	vadd.s32 v8, v7  }
0x419: {  	v7 =	vadd.s32 $0xFFFFFFFF, v7  }
0x41a: {  	v9 =	vld [tilespmem:s0+$0x0]  }
0x41b: {  	p3 =	sne.s32 s6, $0x1  }
.Ltmp29:
0x41c: {  	_ = 	snop;
	(pc) =	sbr.rel @p3 .LBB2_37-.Ltmp29, $4  }
0x41d: {  	_ = 	snop  }
0x41e: {  	[tilespmem:v7+s19+$0x0] =	vst.idx.msk $0xffff, v5  }
0x41f: {  	[tilespmem:v7+s20+$0x0] =	vst.idx.msk $0xffff, v9  }
0x420: {  	s6 =	sadd.s32 $0xFFFFFFFF, s6;
	s0 =	sadd.s32 $0x20, s0;
	s5 =	sadd.s32 $0x20, s5;
	[tilespmem:v6+s23+$0x0] =	vst.idx.add.s32.msk vm0, v8  }
.LBB2_38:
.Ltmp30:
0x421: {  	(pc) =	sbr.rel @p1 .LBB2_40-.Ltmp30, $3  }
0x422: {  	_ =	sdelay $0x1  }
0x423: {  	[tilespmem:$0x7300] =	vst v2  }
0x424: {  	[tilespmem:$0x7310] =	vst v2;
	s0 =	simm.s32 $0x3020  }
.LBB2_39:
0x425: {  	v5 =	vld [tilespmem:s0+$0xFFFFFFE0];
	_ =	sdelay $0x4  }
0x426: {  	v5 =	vshra.s32 v5, $0x1E  }
0x427: {  	v5 =	vandn.u32 $0x1F, v5  }
0x428: {  	(xrf1) =	vunique.msk.u32 $0xffff, v5;
	_ =	sdelay $0xd  }
0x429: {  	_, v6, vm0 =	vpop (xrf1);
	_ =	sdelay $0x5  }
0x42a: {  	[tilespmem:v5+s22+$0x0] =	vst.idx.add.s32.msk vm0, v6  }
0x42b: {  	v5 =	vld [tilespmem:s0+$0xFFFFFFF0];
	_ =	sdelay $0x4  }
0x42c: {  	v5 =	vshra.s32 v5, $0x1E  }
0x42d: {  	v5 =	vandn.u32 $0x1F, v5  }
0x42e: {  	(xrf1) =	vunique.msk.u32 $0xffff, v5;
	_ =	sdelay $0xd  }
0x42f: {  	_, v6, vm0 =	vpop (xrf1);
	_ =	sdelay $0x5  }
0x430: {  	[tilespmem:v5+s22+$0x0] =	vst.idx.add.s32.msk vm0, v6  }
0x431: {  	v5 =	vld [tilespmem:s0+$0x0];
	_ =	sdelay $0x4  }
0x432: {  	v5 =	vshra.s32 v5, $0x1E  }
0x433: {  	v5 =	vandn.u32 $0x1F, v5  }
0x434: {  	(xrf1) =	vunique.msk.u32 $0xffff, v5;
	_ =	sdelay $0xd  }
0x435: {  	_, v6, vm0 =	vpop (xrf1);
	_ =	sdelay $0x5  }
0x436: {  	[tilespmem:v5+s22+$0x0] =	vst.idx.add.s32.msk vm0, v6  }
0x437: {  	v5 =	vld [tilespmem:s0+$0x10];
	_ =	sdelay $0x4  }
0x438: {  	v5 =	vshra.s32 v5, $0x1E  }
0x439: {  	v5 =	vandn.u32 $0x1F, v5  }
0x43a: {  	(xrf1) =	vunique.msk.u32 $0xffff, v5;
	_ =	sdelay $0xd  }
0x43b: {  	_, v6, vm0 =	vpop (xrf1)  }
0x43c: {  	p1 =	sne.s32 s4, $0x1  }
.Ltmp31:
0x43d: {  	_ = 	snop;
	(pc) =	sbr.rel @p1 .LBB2_39-.Ltmp31, $2  }
0x43e: {  	_ =	sdelay $0x2  }
0x43f: {  	s4 =	sadd.s32 $0xFFFFFFFF, s4;
	s0 =	sadd.s32 $0x40, s0;
	[tilespmem:v5+s22+$0x0] =	vst.idx.add.s32.msk vm0, v6  }
.LBB2_40:
0x440: {  	v5 =	vld [tilespmem:$0x7300];
	_ =	sdelay $0x4  }
0x441: {  	(xrf0) =	vadd.scan.msk.s32 $0xffff, v5;
	_ =	sdelay $0x1  }
0x442: {  	v6 =	vld [tilespmem:$0x7310];
	_ =	sdelay $0x3  }
0x443: {  	v7, _, _ =	vpop (xrf0)  }
0x444: {  	(xrf0) =	vadd.scan.msk.s32 $0xffff, v6;
	v8 =	vxor.u32 $0x80000000, v7  }
0x445: {  	(xrf0) =	vmax.scan.msk.u32 $0xffff, v8;
	_ =	sdelay $0x4  }
0x446: {  	v63, _, _ =	vpop (xrf0)  }
0x447: {  	v9, _, _ =	vpop (xrf0)  }
0x448: {  	(v2sf) =	vpush v9, $0xF;
	_ =	sdelay $0xd  }
.Ltmp32:
0x449: {  	_ = 	snop;
	(pc) =	sbr.rel @p2 .LBB2_43-.Ltmp32, $4  }
0x44a: {  	s0 =	spop (v2sf)  }
0x44b: {  	v5 =	vsub.s32 v7, v5;
	v6 =	vsub.s32 v63, v6;
	s0 =	sxor.u32 $0x80000000, s0  }
0x44c: {  	[tilespmem:$0x7380] =	vst v5;
	v5 =	vadd.s32 s0, v6  }
0x44d: {  	[tilespmem:$0x7390] =	vst v5  }
0x44e: {  	s0 =	simm.s32 $0x5110;
	s4 =	simm.s32 $0x3010  }
.LBB2_42:
0x44f: {  	v5 =	vld [tilespmem:s4+$0xFFFFFFF0];
	_ =	sdelay $0x4  }
0x450: {  	v6 =	vshra.s32 v5, $0x1E  }
0x451: {  	v6 =	vandn.u32 $0x1F, v6  }
0x452: {  	(xrf1) =	vunique.msk.u32 $0xffff, v6;
	_ =	sdelay $0x9  }
0x453: {  	v7 =	vld.idx.msk [tilespmem:v6+s23+$0x0], $0xffff;
	_ =	sdelay $0x3  }
0x454: {  	_, v8, vm0 =	vpop (xrf1)  }
0x455: {  	v7 =	vadd.s32 v8, v7  }
0x456: {  	v7 =	vadd.s32 $0xFFFFFFFF, v7  }
0x457: {  	v9 =	vld [tilespmem:s0+$0xFFFFFFF0];
	_ =	sdelay $0x3  }
0x458: {  	[tilespmem:v7+s24+$0x0] =	vst.idx.msk $0xffff, v5  }
0x459: {  	[tilespmem:v7+s25+$0x0] =	vst.idx.msk $0xffff, v9  }
0x45a: {  	[tilespmem:v6+s23+$0x0] =	vst.idx.add.s32.msk vm0, v8  }
0x45b: {  	v5 =	vld [tilespmem:s4+$0x0];
	_ =	sdelay $0x4  }
0x45c: {  	v6 =	vshra.s32 v5, $0x1E  }
0x45d: {  	v6 =	vandn.u32 $0x1F, v6  }
0x45e: {  	(xrf1) =	vunique.msk.u32 $0xffff, v6;
	_ =	sdelay $0x9  }
0x45f: {  	v7 =	vld.idx.msk [tilespmem:v6+s23+$0x0], $0xffff;
	_ =	sdelay $0x3  }
0x460: {  	_, v8, vm0 =	vpop (xrf1)  }
0x461: {  	v7 =	vadd.s32 v8, v7  }
0x462: {  	v7 =	vadd.s32 $0xFFFFFFFF, v7  }
0x463: {  	v9 =	vld [tilespmem:s0+$0x0]  }
0x464: {  	p1 =	sne.s32 s8, $0x1  }
.Ltmp33:
0x465: {  	_ = 	snop;
	(pc) =	sbr.rel @p1 .LBB2_42-.Ltmp33, $4  }
0x466: {  	_ = 	snop  }
0x467: {  	[tilespmem:v7+s24+$0x0] =	vst.idx.msk $0xffff, v5  }
0x468: {  	[tilespmem:v7+s25+$0x0] =	vst.idx.msk $0xffff, v9  }
0x469: {  	s8 =	sadd.s32 $0xFFFFFFFF, s8;
	s0 =	sadd.s32 $0x20, s0;
	s4 =	sadd.s32 $0x20, s4;
	[tilespmem:v6+s23+$0x0] =	vst.idx.add.s32.msk vm0, v8  }
.LBB2_43:
0x46a: {  	s0 =	simm.s32 $0x0  }
0x46b: {  	s4 =	simm.s32 $0x40;
	v5 =	vld [tilespmem:s0+$0x6180]  }
.LBB2_44:
0x46c: {  	p1 =	sne.s32 s4, $0x7C0  }
.Ltmp34:
0x46d: {  	_ = 	snop;
	(pc) =	sbr.rel @p1 .LBB2_44-.Ltmp34, $3  }
0x46e: {  	_ =	sdelay $0x1  }
0x46f: {  	s5 =	sshra.s32 s4, $0x2;
	s4 =	sadd.s32 $0x40, s4;
	v6 =	vadd.s32 v1, v5  }
0x470: {  	v5 =	vld [tilespmem:s5+$0x6180];
	[tilespmem:s0+$0x9A00] =	vst v6;
	s0 =	smov.u32 s5  }
0x471: {  	_ =	sdelay $0x3  }
0x472: {  	v5 =	vadd.s32 v1, v5  }
0x473: {  	s7 =	rddreg [dreg:$0xb];
	s4 =	simm.s32 $0x9A00;
	[tilespmem:s0+$0x9A00] =	vst v5  }
0x474: {  	[spmem:s7] =	stream.strided.scatter [tilespmem:s4], [sflag:$0x2], $0x200, s15, s14, $0x38;
	[tilespmem:$0x19F00] =	vst v63  }
0x475: {  	_ =	swait.ge [sflag:s16], $0x200  }
0x476: {  	[sflag:s16] =	ssyncset.done $0x0  }
0x477: {  	[sflag:s16] =	ssyncadd.s32 $0xFFFFFE00  }
0x478: {  	[bflag:$0x0] =	sbarrier.arrive $0xFFFF  }
0x479: {  	s8 =	rddreg [dreg:$0xc]  }
0x47a: {  	[tilespmem:s28], [sflag:$0x2] =	stream.strided.gather [hbm4b:s8+s14], $0x2000, s15, s14, $0x38;
	[tilespmem:$0x19F00] =	vst v63  }
0x47b: {  	s5 =	simm.s32 $0x6190;
	_ =	swait.ge [sflag:s16], $0x2000  }
0x47c: {  	s6 =	simm.s32 $0x4090;
	s0 =	simm.s32 $0x0;
	[sflag:s16] =	ssyncset.done $0x0  }
0x47d: {  	s4 =	simm.s32 $0x9810;
	s8 =	simm.s32 $0xC600;
	[sflag:s16] =	ssyncadd.s32 $0xFFFFE000  }
.LBB2_46:
0x47e: {  	v5 =	vld [tilespmem:s6+$0xFFFFFFF0];
	_ =	sdelay $0x4  }
0x47f: {  	vm0 =	vgt.s32 v5, $0xFFFFFFFF  }
0x480: {  	v6 =	vsel vm0, $0xFFFFFFFF, v4  }
0x481: {  	v5 =	vxor.u32 v5, v6  }
0x482: {  	v5 =	vsub.f32 $0.0e+00, v5;
	_ =	sdelay $0x1  }
0x483: {  	v5 =	vmul.f32 $1.442695020e+00, v5;
	_ =	sdelay $0x1  }
0x484: {  	(erf) = vpow2.f32 v5;
	_ =	sdelay $0x8  }
0x485: {  	v5 =	vpop (erf)  }
0x486: {  	v5 =	vadd.f32 $1.000000000e+00, v5;
	_ =	sdelay $0x1  }
0x487: {  	(erf) = vrcp.f32 v5;
	_ =	sdelay $0x8  }
0x488: {  	v5 =	vpop (erf)  }
0x489: {  	[tilespmem:s4+$0xFFFFFFF0] =	vst v5  }
0x48a: {  	v5 =	vld [tilespmem:s5+$0xFFFFFFF0];
	_ =	sdelay $0x4  }
0x48b: {  	v5 =	vshll.u32 v5, $0x1;
	_ =	sdelay $0x2  }
0x48c: {  	v7 =	vmul.u32 $0x2, v0;
	v6 =	vmov s0  }
0x48d: {  	v6 =	vshll.u32 v6, $0x1  }
0x48e: {  	v6 =	vor.u32 v7, v6;
	v8 =	vld.idx.msk [tilespmem:v5+s28+$0x0], $0xffff  }
0x48f: {  	v5 =	vor.u32 $0x1, v5;
	_ =	sdelay $0x3  }
0x490: {  	[tilespmem:v6+s29+$0x0] =	vst.idx.msk $0xffff, v8  }
0x491: {  	v6 =	vor.u32 $0x1, v6;
	v5 =	vld.idx.msk [tilespmem:v5+s28+$0x0], $0xffff;
	_ =	sdelay $0x4  }
0x492: {  	[tilespmem:v6+s29+$0x0] =	vst.idx.msk $0xffff, v5  }
0x493: {  	v5 =	vld [tilespmem:s6+$0x0];
	_ =	sdelay $0x4  }
0x494: {  	vm15 =	vgt.s32 v5, $0xFFFFFFFF  }
0x495: {  	v6 =	vsel vm15, $0xFFFFFFFF, v4  }
0x496: {  	v5 =	vxor.u32 v5, v6  }
0x497: {  	v5 =	vsub.f32 $0.0e+00, v5;
	_ =	sdelay $0x1  }
0x498: {  	v5 =	vmul.f32 $1.442695020e+00, v5;
	_ =	sdelay $0x1  }
0x499: {  	(erf) = vpow2.f32 v5;
	_ =	sdelay $0x8  }
0x49a: {  	v5 =	vpop (erf)  }
0x49b: {  	v5 =	vadd.f32 $1.000000000e+00, v5;
	_ =	sdelay $0x1  }
0x49c: {  	(erf) = vrcp.f32 v5;
	_ =	sdelay $0x8  }
0x49d: {  	v5 =	vpop (erf)  }
0x49e: {  	[tilespmem:s4+$0x0] =	vst v5  }
0x49f: {  	v5 =	vld [tilespmem:s5+$0x0];
	_ =	sdelay $0x4  }
0x4a0: {  	v5 =	vshll.u32 v5, $0x1;
	_ =	sdelay $0x1  }
0x4a1: {  	s7 =	sadd.s32 $0x10, s0  }
0x4a2: {  	v6 =	vmov s7  }
0x4a3: {  	v6 =	vshll.u32 v6, $0x1  }
0x4a4: {  	v6 =	vor.u32 v7, v6;
	v7 =	vld.idx.msk [tilespmem:v5+s28+$0x0], $0xffff  }
0x4a5: {  	v5 =	vor.u32 $0x1, v5;
	_ =	sdelay $0x3  }
0x4a6: {  	[tilespmem:v6+s29+$0x0] =	vst.idx.msk $0xffff, v7  }
0x4a7: {  	p1 =	seq.s32 s0, $0x1E0;
	v6 =	vor.u32 $0x1, v6;
	v5 =	vld.idx.msk [tilespmem:v5+s28+$0x0], $0xffff  }
.Ltmp35:
0x4a8: {  	_ = 	snop;
	(pc) =	sbr.rel @!p1 .LBB2_46-.Ltmp35, $3  }
0x4a9: {  	_ =	sdelay $0x1  }
0x4aa: {  	s0 =	sadd.s32 $0x20, s0  }
0x4ab: {  	s6 =	sadd.s32 $0x20, s6;
	s4 =	sadd.s32 $0x20, s4;
	s5 =	sadd.s32 $0x20, s5;
	[tilespmem:v6+s29+$0x0] =	vst.idx.msk $0xffff, v5  }
0x4ac: {  	s0 =	rddreg [dreg:$0xd];
	s4 =	simm.s32 $0x9800  }
0x4ad: {  	[hbm4b:s0+s14] =	stream.strided.scatter [tilespmem:s4], [sflag:$0x2], $0x200, s15, s14, $0x38;
	[tilespmem:$0x19F00] =	vst v63  }
0x4ae: {  	_ =	swait.ge [sflag:s16], $0x200  }
0x4af: {  	[sflag:s16] =	ssyncset.done $0x0  }
0x4b0: {  	s7 =	rddreg [dreg:$0xe];
	[sflag:s16] =	ssyncadd.s32 $0xFFFFFE00  }
0x4b1: {  	[hbm4b:s7+s14] =	stream.strided.scatter [tilespmem:s29], [sflag:$0x2], $0x400, s15, s14, $0x38;
	[tilespmem:$0x19F00] =	vst v63  }
0x4b2: {  	_ =	swait.ge [sflag:s16], $0x400  }
0x4b3: {  	[sflag:s16] =	ssyncset.done $0x0  }
0x4b4: {  	[sflag:s16] =	ssyncadd.s32 $0xFFFFFC00  }
0x4b5: {  	v5 =	vld [tilespmem:$0x9A00];
	_ =	sdelay $0x4  }
0x4b6: {  	v6 =	vshll.u32 v5, $0x1  }
0x4b7: {  	v5 =	vand.u32 $0x7, v5;
	v6 =	vand.u32 $0xFFFFFFF0, v6  }
0x4b8: {  	v8 =	vor.u32 v5, v6;
	v5 =	vand.u32 $0x7, v0;
	v6 =	vshrl.u32 v0, $0x3  }
0x4b9: {  	v9 =	vperm.xlane v8, v5;
	v6 =	vmul.u32 $0x8, v6  }
0x4ba: {  	v7 =	vor.u32 $0x8, v0  }
0x4bb: {  	v8 =	vperm.xlane v8, v7;
	v9 =	vadd.s32 v6, v9;
	_ =	sdelay $0x1  }
0x4bc: {  	v8 =	vadd.s32 v6, v8;
	_ =	sdelay $0x1  }
0x4bd: {  	vm0 =	vmmov $0xffff  }
0x4be: {  	[tilespmem:s31], [sflag:$0x1] =	stream.indirect_vreg.gather [hbm4b:s1+s3], $0x80, v9, vm0, $0xb8;
	[tilespmem:$0x19F00] =	vst v63  }
0x4bf: {  	s4 =	simm.s32 $0xA600  }
0x4c0: {  	[tilespmem:s4], [sflag:$0x1] =	stream.indirect_vreg.gather [hbm4b:s1+s3], $0x80, v8, vm0, $0xb8;
	[tilespmem:$0x19F00] =	vst v63  }
0x4c1: {  	v8 =	vld [tilespmem:$0x9A10];
	_ =	sdelay $0x4  }
0x4c2: {  	v48 =	vshll.u32 v8, $0x1  }
0x4c3: {  	v8 =	vand.u32 $0x7, v8;
	v9 =	vand.u32 $0xFFFFFFF0, v48  }
0x4c4: {  	v8 =	vor.u32 v8, v9  }
0x4c5: {  	v9 =	vperm.xlane v8, v5;
	_ =	sdelay $0x1  }
0x4c6: {  	v8 =	vperm.xlane v8, v7;
	v9 =	vadd.s32 v6, v9;
	_ =	sdelay $0x1  }
0x4c7: {  	v8 =	vadd.s32 v6, v8;
	_ =	sdelay $0x1  }
0x4c8: {  	s5 =	simm.s32 $0xAE00  }
0x4c9: {  	[tilespmem:s5], [sflag:$0x1] =	stream.indirect_vreg.gather [hbm4b:s1+s3], $0x80, v9, vm0, $0xb8;
	[tilespmem:$0x19F00] =	vst v63  }
0x4ca: {  	s6 =	simm.s32 $0xB600  }
0x4cb: {  	[tilespmem:s6], [sflag:$0x1] =	stream.indirect_vreg.gather [hbm4b:s1+s3], $0x80, v8, vm0, $0xb8;
	[tilespmem:$0x19F00] =	vst v63  }
0x4cc: {  	v8 =	vld [tilespmem:$0x9A20];
	_ =	sdelay $0x4  }
0x4cd: {  	v49 =	vshll.u32 v8, $0x1  }
0x4ce: {  	v8 =	vand.u32 $0x7, v8;
	v9 =	vand.u32 $0xFFFFFFF0, v49  }
0x4cf: {  	v8 =	vor.u32 v8, v9  }
0x4d0: {  	v9 =	vperm.xlane v8, v5;
	_ =	sdelay $0x1  }
0x4d1: {  	v8 =	vperm.xlane v8, v7;
	v9 =	vadd.s32 v6, v9;
	_ =	sdelay $0x1  }
0x4d2: {  	v8 =	vadd.s32 v6, v8;
	_ =	sdelay $0x1  }
0x4d3: {  	s7 =	simm.s32 $0xBE00  }
0x4d4: {  	[tilespmem:s7], [sflag:$0x1] =	stream.indirect_vreg.gather [hbm4b:s1+s3], $0x80, v9, vm0, $0xb8;
	[tilespmem:$0x19F00] =	vst v63  }
0x4d5: {  	_ = 	snop  }
0x4d6: {  	[tilespmem:s8], [sflag:$0x1] =	stream.indirect_vreg.gather [hbm4b:s1+s3], $0x80, v8, vm0, $0xb8;
	[tilespmem:$0x19F00] =	vst v63  }
0x4d7: {  	v8 =	vld [tilespmem:$0x9A30];
	_ =	sdelay $0x4  }
0x4d8: {  	v50 =	vshll.u32 v8, $0x1  }
0x4d9: {  	v8 =	vand.u32 $0x7, v8;
	v9 =	vand.u32 $0xFFFFFFF0, v50  }
0x4da: {  	v8 =	vor.u32 v8, v9  }
0x4db: {  	v9 =	vperm.xlane v8, v5;
	_ =	sdelay $0x1  }
0x4dc: {  	v8 =	vperm.xlane v8, v7;
	v9 =	vadd.s32 v6, v9;
	_ =	sdelay $0x1  }
0x4dd: {  	v8 =	vadd.s32 v6, v8;
	_ =	sdelay $0x2  }
0x4de: {  	[tilespmem:s9], [sflag:$0x1] =	stream.indirect_vreg.gather [hbm4b:s1+s3], $0x80, v9, vm0, $0xb8;
	[tilespmem:$0x19F00] =	vst v63  }
0x4df: {  	_ = 	snop  }
0x4e0: {  	[tilespmem:s10], [sflag:$0x1] =	stream.indirect_vreg.gather [hbm4b:s1+s3], $0x80, v8, vm0, $0xb8;
	[tilespmem:$0x19F00] =	vst v63  }
0x4e1: {  	v8 =	vld [tilespmem:$0x9A40];
	_ =	sdelay $0x4  }
0x4e2: {  	v51 =	vshll.u32 v8, $0x1  }
0x4e3: {  	v8 =	vand.u32 $0x7, v8;
	v9 =	vand.u32 $0xFFFFFFF0, v51  }
0x4e4: {  	v8 =	vor.u32 v8, v9  }
0x4e5: {  	v9 =	vperm.xlane v8, v5;
	_ =	sdelay $0x1  }
0x4e6: {  	v8 =	vperm.xlane v8, v7;
	v9 =	vadd.s32 v6, v9;
	_ =	sdelay $0x1  }
0x4e7: {  	v8 =	vadd.s32 v6, v8;
	_ =	sdelay $0x2  }
0x4e8: {  	[tilespmem:s11], [sflag:$0x1] =	stream.indirect_vreg.gather [hbm4b:s1+s3], $0x80, v9, vm0, $0xb8;
	[tilespmem:$0x19F00] =	vst v63  }
0x4e9: {  	_ = 	snop  }
0x4ea: {  	[tilespmem:s12], [sflag:$0x1] =	stream.indirect_vreg.gather [hbm4b:s1+s3], $0x80, v8, vm0, $0xb8;
	[tilespmem:$0x19F00] =	vst v63  }
0x4eb: {  	v8 =	vld [tilespmem:$0x9A50];
	_ =	sdelay $0x4  }
0x4ec: {  	v52 =	vshll.u32 v8, $0x1  }
0x4ed: {  	v8 =	vand.u32 $0x7, v8;
	v9 =	vand.u32 $0xFFFFFFF0, v52  }
0x4ee: {  	v8 =	vor.u32 v8, v9  }
0x4ef: {  	v9 =	vperm.xlane v8, v5;
	_ =	sdelay $0x1  }
0x4f0: {  	v8 =	vperm.xlane v8, v7;
	v9 =	vadd.s32 v6, v9;
	_ =	sdelay $0x1  }
0x4f1: {  	v8 =	vadd.s32 v6, v8;
	_ =	sdelay $0x2  }
0x4f2: {  	[tilespmem:s26], [sflag:$0x1] =	stream.indirect_vreg.gather [hbm4b:s1+s3], $0x80, v9, vm0, $0xb8;
	[tilespmem:$0x19F00] =	vst v63  }
0x4f3: {  	_ = 	snop  }
0x4f4: {  	[tilespmem:s30], [sflag:$0x1] =	stream.indirect_vreg.gather [hbm4b:s1+s3], $0x80, v8, vm0, $0xb8;
	[tilespmem:$0x19F00] =	vst v63  }
0x4f5: {  	v8 =	vld [tilespmem:$0x9A60];
	_ =	sdelay $0x4  }
0x4f6: {  	v53 =	vshll.u32 v8, $0x1  }
0x4f7: {  	v8 =	vand.u32 $0x7, v8;
	v9 =	vand.u32 $0xFFFFFFF0, v53  }
0x4f8: {  	v8 =	vor.u32 v8, v9  }
0x4f9: {  	v9 =	vperm.xlane v8, v5;
	_ =	sdelay $0x1  }
0x4fa: {  	v8 =	vperm.xlane v8, v7;
	v9 =	vadd.s32 v6, v9;
	_ =	sdelay $0x1  }
0x4fb: {  	v8 =	vadd.s32 v6, v8;
	_ =	sdelay $0x1  }
0x4fc: {  	s0 =	simm.s32 $0xFE00  }
0x4fd: {  	[tilespmem:s0], [sflag:$0x1] =	stream.indirect_vreg.gather [hbm4b:s1+s3], $0x80, v9, vm0, $0xb8;
	[tilespmem:$0x19F00] =	vst v63  }
0x4fe: {  	s0 =	simm.s32 $0x10600  }
0x4ff: {  	[tilespmem:s0], [sflag:$0x1] =	stream.indirect_vreg.gather [hbm4b:s1+s3], $0x80, v8, vm0, $0xb8;
	[tilespmem:$0x19F00] =	vst v63  }
0x500: {  	v8 =	vld [tilespmem:$0x9A70];
	_ =	sdelay $0x4  }
0x501: {  	v54 =	vshll.u32 v8, $0x1  }
0x502: {  	v8 =	vand.u32 $0x7, v8;
	v9 =	vand.u32 $0xFFFFFFF0, v54  }
0x503: {  	v8 =	vor.u32 v8, v9  }
0x504: {  	v9 =	vperm.xlane v8, v5;
	_ =	sdelay $0x1  }
0x505: {  	v8 =	vperm.xlane v8, v7;
	v9 =	vadd.s32 v6, v9;
	_ =	sdelay $0x1  }
0x506: {  	v8 =	vadd.s32 v6, v8;
	_ =	sdelay $0x1  }
0x507: {  	s0 =	simm.s32 $0x10E00  }
0x508: {  	[tilespmem:s0], [sflag:$0x1] =	stream.indirect_vreg.gather [hbm4b:s1+s3], $0x80, v9, vm0, $0xb8;
	[tilespmem:$0x19F00] =	vst v63  }
0x509: {  	s0 =	simm.s32 $0x11600  }
0x50a: {  	[tilespmem:s0], [sflag:$0x1] =	stream.indirect_vreg.gather [hbm4b:s1+s3], $0x80, v8, vm0, $0xb8;
	[tilespmem:$0x19F00] =	vst v63  }
0x50b: {  	_ =	swait.ge [sflag:s21], $0x8000  }
0x50c: {  	[sflag:s21] =	ssyncset.done $0x0  }
0x50d: {  	[sflag:s21] =	ssyncadd.s32 $0xFFFF8000  }
0x50e: {  	v55 =	vld [tilespmem:$0x9A80];
	_ =	sdelay $0x4  }
0x50f: {  	v56 =	vshll.u32 v55, $0x1  }
0x510: {  	v8 =	vand.u32 $0x7, v55;
	v9 =	vand.u32 $0xFFFFFFF0, v56  }
0x511: {  	v8 =	vor.u32 v8, v9  }
0x512: {  	v9 =	vperm.xlane v8, v5;
	_ =	sdelay $0x1  }
0x513: {  	v8 =	vperm.xlane v8, v7;
	v9 =	vadd.s32 v6, v9;
	_ =	sdelay $0x1  }
0x514: {  	v8 =	vadd.s32 v6, v8;
	_ =	sdelay $0x1  }
0x515: {  	s0 =	simm.s32 $0x11E00  }
0x516: {  	[tilespmem:s0], [sflag:$0x1] =	stream.indirect_vreg.gather [hbm4b:s1+s3], $0x80, v9, vm0, $0xb8;
	[tilespmem:$0x19F00] =	vst v63  }
0x517: {  	s0 =	simm.s32 $0x12600  }
0x518: {  	[tilespmem:s0], [sflag:$0x1] =	stream.indirect_vreg.gather [hbm4b:s1+s3], $0x80, v8, vm0, $0xb8;
	[tilespmem:$0x19F00] =	vst v63  }
0x519: {  	v8 =	vld [tilespmem:$0x9A90];
	_ =	sdelay $0x4  }
0x51a: {  	v57 =	vshll.u32 v8, $0x1  }
0x51b: {  	v8 =	vand.u32 $0x7, v8;
	v9 =	vand.u32 $0xFFFFFFF0, v57  }
0x51c: {  	v8 =	vor.u32 v8, v9  }
0x51d: {  	v9 =	vperm.xlane v8, v5;
	_ =	sdelay $0x1  }
0x51e: {  	v8 =	vperm.xlane v8, v7;
	v9 =	vadd.s32 v6, v9;
	_ =	sdelay $0x1  }
0x51f: {  	v8 =	vadd.s32 v6, v8;
	_ =	sdelay $0x1  }
0x520: {  	s0 =	simm.s32 $0x12E00  }
0x521: {  	[tilespmem:s0], [sflag:$0x1] =	stream.indirect_vreg.gather [hbm4b:s1+s3], $0x80, v9, vm0, $0xb8;
	[tilespmem:$0x19F00] =	vst v63  }
0x522: {  	s0 =	simm.s32 $0x13600  }
0x523: {  	[tilespmem:s0], [sflag:$0x1] =	stream.indirect_vreg.gather [hbm4b:s1+s3], $0x80, v8, vm0, $0xb8;
	[tilespmem:$0x19F00] =	vst v63  }
0x524: {  	v8 =	vld [tilespmem:$0x9AA0];
	_ =	sdelay $0x4  }
0x525: {  	v58 =	vshll.u32 v8, $0x1  }
0x526: {  	v8 =	vand.u32 $0x7, v8;
	v9 =	vand.u32 $0xFFFFFFF0, v58  }
0x527: {  	v8 =	vor.u32 v8, v9  }
0x528: {  	v9 =	vperm.xlane v8, v5;
	_ =	sdelay $0x1  }
0x529: {  	v8 =	vperm.xlane v8, v7;
	v9 =	vadd.s32 v6, v9;
	_ =	sdelay $0x1  }
0x52a: {  	v8 =	vadd.s32 v6, v8;
	_ =	sdelay $0x1  }
0x52b: {  	s0 =	simm.s32 $0x13E00  }
0x52c: {  	[tilespmem:s0], [sflag:$0x1] =	stream.indirect_vreg.gather [hbm4b:s1+s3], $0x80, v9, vm0, $0xb8;
	[tilespmem:$0x19F00] =	vst v63  }
0x52d: {  	s0 =	simm.s32 $0x14600  }
0x52e: {  	[tilespmem:s0], [sflag:$0x1] =	stream.indirect_vreg.gather [hbm4b:s1+s3], $0x80, v8, vm0, $0xb8;
	[tilespmem:$0x19F00] =	vst v63  }
0x52f: {  	v8 =	vld [tilespmem:$0x9AB0];
	_ =	sdelay $0x4  }
0x530: {  	v59 =	vshll.u32 v8, $0x1  }
0x531: {  	v8 =	vand.u32 $0x7, v8;
	v9 =	vand.u32 $0xFFFFFFF0, v59  }
0x532: {  	v8 =	vor.u32 v8, v9  }
0x533: {  	v9 =	vperm.xlane v8, v5;
	_ =	sdelay $0x1  }
0x534: {  	v8 =	vperm.xlane v8, v7;
	v9 =	vadd.s32 v6, v9;
	_ =	sdelay $0x1  }
0x535: {  	v8 =	vadd.s32 v6, v8;
	_ =	sdelay $0x1  }
0x536: {  	s0 =	simm.s32 $0x14E00  }
0x537: {  	[tilespmem:s0], [sflag:$0x1] =	stream.indirect_vreg.gather [hbm4b:s1+s3], $0x80, v9, vm0, $0xb8;
	[tilespmem:$0x19F00] =	vst v63  }
0x538: {  	s0 =	simm.s32 $0x15600  }
0x539: {  	[tilespmem:s0], [sflag:$0x1] =	stream.indirect_vreg.gather [hbm4b:s1+s3], $0x80, v8, vm0, $0xb8;
	[tilespmem:$0x19F00] =	vst v63  }
0x53a: {  	v8 =	vld [tilespmem:$0x9AC0];
	_ =	sdelay $0x4  }
0x53b: {  	v60 =	vshll.u32 v8, $0x1  }
0x53c: {  	v8 =	vand.u32 $0x7, v8;
	v9 =	vand.u32 $0xFFFFFFF0, v60  }
0x53d: {  	v8 =	vor.u32 v8, v9  }
0x53e: {  	v9 =	vperm.xlane v8, v5;
	_ =	sdelay $0x1  }
0x53f: {  	v8 =	vperm.xlane v8, v7;
	v9 =	vadd.s32 v6, v9;
	_ =	sdelay $0x1  }
0x540: {  	v8 =	vadd.s32 v6, v8;
	_ =	sdelay $0x1  }
0x541: {  	s0 =	simm.s32 $0x15E00  }
0x542: {  	[tilespmem:s0], [sflag:$0x1] =	stream.indirect_vreg.gather [hbm4b:s1+s3], $0x80, v9, vm0, $0xb8;
	[tilespmem:$0x19F00] =	vst v63  }
0x543: {  	s0 =	simm.s32 $0x16600  }
0x544: {  	[tilespmem:s0], [sflag:$0x1] =	stream.indirect_vreg.gather [hbm4b:s1+s3], $0x80, v8, vm0, $0xb8;
	[tilespmem:$0x19F00] =	vst v63  }
0x545: {  	v8 =	vld [tilespmem:$0x9AD0];
	_ =	sdelay $0x4  }
0x546: {  	v61 =	vshll.u32 v8, $0x1  }
0x547: {  	v8 =	vand.u32 $0x7, v8;
	v9 =	vand.u32 $0xFFFFFFF0, v61  }
0x548: {  	v8 =	vor.u32 v8, v9  }
0x549: {  	v9 =	vperm.xlane v8, v5;
	_ =	sdelay $0x1  }
0x54a: {  	v8 =	vperm.xlane v8, v7;
	v9 =	vadd.s32 v6, v9;
	_ =	sdelay $0x1  }
0x54b: {  	v8 =	vadd.s32 v6, v8;
	_ =	sdelay $0x1  }
0x54c: {  	s0 =	simm.s32 $0x16E00  }
0x54d: {  	[tilespmem:s0], [sflag:$0x1] =	stream.indirect_vreg.gather [hbm4b:s1+s3], $0x80, v9, vm0, $0xb8;
	[tilespmem:$0x19F00] =	vst v63  }
0x54e: {  	s0 =	simm.s32 $0x17600  }
0x54f: {  	[tilespmem:s0], [sflag:$0x1] =	stream.indirect_vreg.gather [hbm4b:s1+s3], $0x80, v8, vm0, $0xb8;
	[tilespmem:$0x19F00] =	vst v63  }
0x550: {  	v8 =	vld [tilespmem:$0x9AE0];
	_ =	sdelay $0x4  }
0x551: {  	v62 =	vshll.u32 v8, $0x1  }
0x552: {  	v8 =	vand.u32 $0x7, v8;
	v9 =	vand.u32 $0xFFFFFFF0, v62  }
0x553: {  	v8 =	vor.u32 v8, v9  }
0x554: {  	v9 =	vperm.xlane v8, v5;
	_ =	sdelay $0x1  }
0x555: {  	v8 =	vperm.xlane v8, v7;
	v9 =	vadd.s32 v6, v9;
	_ =	sdelay $0x1  }
0x556: {  	v8 =	vadd.s32 v6, v8;
	_ =	sdelay $0x1  }
0x557: {  	s0 =	simm.s32 $0x17E00  }
0x558: {  	[tilespmem:s0], [sflag:$0x1] =	stream.indirect_vreg.gather [hbm4b:s1+s3], $0x80, v9, vm0, $0xb8;
	[tilespmem:$0x19F00] =	vst v63  }
0x559: {  	s0 =	simm.s32 $0x18600  }
0x55a: {  	[tilespmem:s0], [sflag:$0x1] =	stream.indirect_vreg.gather [hbm4b:s1+s3], $0x80, v8, vm0, $0xb8;
	[tilespmem:$0x19F00] =	vst v63  }
0x55b: {  	v8 =	vld [tilespmem:$0x9AF0];
	_ =	sdelay $0x4  }
0x55c: {  	v63 =	vshll.u32 v8, $0x1  }
0x55d: {  	v8 =	vand.u32 $0x7, v8;
	v9 =	vand.u32 $0xFFFFFFF0, v63  }
0x55e: {  	v8 =	vor.u32 v8, v9  }
0x55f: {  	v5 =	vperm.xlane v8, v5;
	_ =	sdelay $0x1  }
0x560: {  	v7 =	vperm.xlane v8, v7;
	v5 =	vadd.s32 v6, v5;
	_ =	sdelay $0x1  }
0x561: {  	v6 =	vadd.s32 v6, v7;
	_ =	sdelay $0x1  }
0x562: {  	s0 =	simm.s32 $0x18E00  }
0x563: {  	[tilespmem:s0], [sflag:$0x1] =	stream.indirect_vreg.gather [hbm4b:s1+s3], $0x80, v5, vm0, $0xb8;
	[tilespmem:$0x19F00] =	vst v63  }
0x564: {  	_ = 	snop  }
0x565: {  	[tilespmem:s2], [sflag:$0x1] =	stream.indirect_vreg.gather [hbm4b:s1+s3], $0x80, v6, vm0, $0xb8;
	[tilespmem:$0x19F00] =	vst v63  }
0x566: {  	_ =	swait.ge [sflag:s21], $0x8000  }
0x567: {  	[sflag:s21] =	ssyncset.done $0x0  }
.Ltmp36:
0x568: {  	s0 =	rddreg [dreg:$0xf];
	[sflag:s21] =	ssyncadd.s32 $0xFFFF8000;
	(pc) =	sbr.rel .LBB2_48-.Ltmp36, $4  }
0x569: {  	[hbm4b:s0+s3] =	stream.linear.scatter [tilespmem:s31], [sflag:$0x2], $0x10000, $0x38;
	[tilespmem:$0x19F00] =	vst v63  }
0x56a: {  	_ =	swait.ge [sflag:s16], $0x10000  }
0x56b: {  	[sflag:s16] =	ssyncset.done $0x0  }
0x56c: {  	[sflag:s16] =	ssyncadd.s32 $0xFFFF0000  }
.LBB2_49:
0x56d: {  	_ =	sfence.sel $0x180000  }
0x56e: {  	[bflag:$0x0] =	sbarrier.arrive $0xFFFF  }
0x56f: {  	_ =	strace $0x90000047  }
0x570: {  	s0 =	stileid.u32;
	[bflag:$0x2] =	sbarrier.arrive $0xFFFF  }
0x571: {  	p0 =	sne.s32 s0, $0x0;
	s0 =	rddreg [dreg:$0x6]  }
0x572: {  	s0 =	sadd.s32 @!p0 $0x100000, s0  }
0x573: {  	[sflag:s0] =	ssyncadd.tile.s32 @!p0 $0x1;
	_ =	shalt  }
.Lfunc_end2:
_tile_overlayer_lowered:
.L_overlay_start_2:
0x574: {  	(tag) =	ssettag $0x2  }
0x575: {  	s0 =	rddreg [dreg:$0x0];
	s2 =	stileid.u32  }
0x576: {  	s1 =	rddreg [dreg:$0x1];
	p0 =	sne.s32 s2, $0x0  }
0x577: {  	s3 =	rddreg [dreg:$0x2];
	[bflag:$0x3] =	sbarrier.arrive $0xFFFF;
	s2 =	simm.s32 @!p0 $0x1C02  }
0x578: {  	[timem:s3], [sflag:s2] =	dma.local @!p0 [hbm:s0], s1  }
0x579: {  	s0 =	simm.s32 @!p0 $0x2  }
0x57a: {  	_ =	swait.ge @!p0 [sflag:s0], s1  }
0x57b: {  	s1 =	ssub.s32 @!p0 $0x0, s1;
	[sflag:s0] =	ssyncset.done @!p0 $0x0  }
0x57c: {  	[sflag:s0] =	ssyncadd.s32 @!p0 s1  }
0x57d: {  	[bflag:$0x3] =	sbarrier.arrive $0xFFFF  }
0x57e: {  	_ =	shalt  }

</sc_bundles>
